<compile_context>
chip_gen: v7x
topology: tpu7x:2x2x1
jax: 0.10.2.dev20260603
libtpu: 0.0.44.dev20260713+nightly
codegen_flags: <defaults>
</compile_context>

<pallas_src>
import functools

import jax
import jax.numpy as jnp
import numpy as np
from jax import lax
from jax.experimental import pallas as pl
from jax.experimental.pallas import tpu as pltpu
from jax.experimental.pallas import tpu_sc as plsc

N_NODES = 10000
N_PAD = 10240
DIM = 128
E = 320000
NT = 32
TPB = N_PAD // NT
CH = 1280
NCH = E // CH
GB = 80
NS = 2
PB = 384
ACC_W = TPB * DIM


def _proj_body(tf_ref, gf_ref, wt_ref, bt_ref, wg_ref, bg_ref, wv_ref, bv_ref,
               t_ref, gv_ref):
    x_t = tf_ref[...]
    x_g = gf_ref[...]
    scale = np.float32(1.0 / np.sqrt(np.float32(DIM)))
    t = jnp.dot(x_t, wt_ref[...], preferred_element_type=jnp.float32) + bt_ref[...]
    t_ref[...] = t * scale
    g = jnp.dot(x_g, wg_ref[...], preferred_element_type=jnp.float32) + bg_ref[...]
    v = jnp.dot(x_t, wv_ref[...], preferred_element_type=jnp.float32) + bv_ref[...]
    gv_ref[...] = jnp.concatenate([g, v], axis=-1)


def _projections(text_feat, graph_feat, WtT, bt, WgT, bg, WvT, bv):
    n = text_feat.shape[0]
    blk = 1024
    full = lambda shape: pl.BlockSpec(shape, lambda i: (0, 0))
    return pl.pallas_call(
        _proj_body,
        grid=(n // blk,),
        in_specs=[
            pl.BlockSpec((blk, DIM), lambda i: (i, 0)),
            pl.BlockSpec((blk, DIM), lambda i: (i, 0)),
            full((DIM, DIM)), full((1, DIM)),
            full((DIM, DIM)), full((1, DIM)),
            full((DIM, DIM)), full((1, DIM)),
        ],
        out_specs=[
            pl.BlockSpec((blk, DIM), lambda i: (i, 0)),
            pl.BlockSpec((blk, 2 * DIM), lambda i: (i, 0)),
        ],
        out_shape=[
            jax.ShapeDtypeStruct((n, DIM), jnp.float32),
            jax.ShapeDtypeStruct((n, 2 * DIM), jnp.float32),
        ],
    )(text_feat, graph_feat, WtT, bt.reshape(1, -1), WgT, bg.reshape(1, -1),
      WvT, bv.reshape(1, -1))


def _fin_body(acc_ref, den_ref, tf_ref, out_ref):
    den = jnp.maximum(den_ref[...], 1e-30)
    out_ref[...] = acc_ref[...] / den + tf_ref[...]


def _finalize(acc, denom2, text_pad):
    blk = 1024
    return pl.pallas_call(
        _fin_body,
        grid=(N_PAD // blk,),
        in_specs=[
            pl.BlockSpec((blk, DIM), lambda i: (i, 0)),
            pl.BlockSpec((blk, 1), lambda i: (i, 0)),
            pl.BlockSpec((blk, DIM), lambda i: (i, 0)),
        ],
        out_specs=pl.BlockSpec((blk, DIM), lambda i: (i, 0)),
        out_shape=jax.ShapeDtypeStruct((N_PAD, DIM), jnp.float32),
    )(acc, denom2, text_pad)


def _iota16():
    return lax.broadcasted_iota(jnp.int32, (16,), 0)


def _sc_edge_kernel(t_info, gv, row, col):
    mesh = plsc.VectorSubcoreMesh(core_axis_name="c", subcore_axis_name="s")

    @functools.partial(
        pl.kernel,
        out_type=[
            jax.ShapeDtypeStruct((NT * ACC_W,), jnp.float32),
            jax.ShapeDtypeStruct((N_PAD,), jnp.float32),
        ],
        mesh=mesh,
        compiler_params=pltpu.CompilerParams(needs_layout_passes=False),
        scratch_types=[
            pltpu.VMEM((ACC_W,), jnp.float32),
            pltpu.VMEM((ACC_W,), jnp.float32),
            pltpu.VMEM((NS * GB, 2 * DIM), jnp.float32),
            pltpu.VMEM((2, CH), jnp.int32),
            pltpu.VMEM((2, CH), jnp.int32),
            pltpu.VMEM((PB + 16,), jnp.int32),
            pltpu.VMEM((PB + 16,), jnp.int32),
            pltpu.VMEM((NS, GB), jnp.int32),
            pltpu.VMEM((NS, GB), jnp.int32),
            pltpu.VMEM((TPB,), jnp.float32),
            pltpu.SemaphoreType.DMA((2,)),
            pltpu.SemaphoreType.DMA((2,)),
            pltpu.SemaphoreType.DMA((NS,)),
        ],
    )
    def k(t_hbm, gv_hbm, row_hbm, col_hbm, acc_hbm, den_hbm,
          tloc, acc, gvbuf, rowbuf, colbuf, pend_row, pend_col,
          gb_row, gb_col, denom, semr, semc, semg):
        wid = lax.axis_index("s") * 2 + lax.axis_index("c")
        lo = wid * TPB
        iota = _iota16()
        zed = jnp.zeros((16,), jnp.float32)
        zedi = jnp.zeros((16,), jnp.int32)

        def zinit(i, _):
            acc[pl.ds(i * 16, 16)] = zed
            return 0
        lax.fori_loop(0, ACC_W // 16, zinit, 0)
        def zinit2(i, _):
            denom[pl.ds(i * 16, 16)] = zed
            return 0
        lax.fori_loop(0, TPB // 16, zinit2, 0)
        for i in range(PB // 16 + 1):
            pend_row[pl.ds(i * 16, 16)] = zedi
            pend_col[pl.ds(i * 16, 16)] = zedi

        pltpu.sync_copy(t_hbm.at[pl.ds(lo * DIM, ACC_W)], tloc)

        def chunk_copy(i, b):
            return (
                pltpu.make_async_copy(row_hbm.at[pl.ds(i * CH, CH)],
                                      rowbuf.at[b], semr.at[b]),
                pltpu.make_async_copy(col_hbm.at[pl.ds(i * CH, CH)],
                                      colbuf.at[b], semc.at[b]),
            )

        def batch_fire(off, s):
            for kk in range(GB // 16):
                gb_row[s, pl.ds(kk * 16, 16)] = pend_row[pl.ds(off + kk * 16,
                                                               16)]
                gb_col[s, pl.ds(kk * 16, 16)] = pend_col[pl.ds(off + kk * 16,
                                                               16)]
            pltpu.make_async_copy(gv_hbm.at[gb_col.at[s]],
                                  gvbuf.at[pl.ds(s * GB, GB), :],
                                  semg.at[s]).start()

        def batch_wait(s):
            pltpu.make_async_copy(gv_hbm.at[gb_col.at[s]],
                                  gvbuf.at[pl.ds(s * GB, GB), :],
                                  semg.at[s]).wait()

        kvecs = [iota + (k * 16) for k in range(DIM // 16)]

        def _bcast(vec, e):
            idx = jnp.full((16,), e, jnp.int32)
            return vec.at[idx].get(mode="promise_in_bounds")

        def process_batch(s, n_valid):

            def group(jj, _):
                lr16 = gb_row[s, pl.ds(jj * 16, 16)]
                lr16 = jnp.clip(lr16, 0, TPB - 1)
                lridx = lr16 * DIM

                def astep(ee, svec):
                    out = svec
                    for half in range(2):
                        e = 2 * ee + half
                        ib = _bcast(lridx, e)
                        pacc0 = zed
                        pacc1 = zed
                        for k in range(DIM // 16):
                            tv = plsc.load_gather(tloc, [ib + kvecs[k]])
                            gg = gvbuf[s * GB + jj * 16 + e,
                                       pl.ds(k * 16, 16)]
                            if k % 2 == 0:
                                pacc0 = pacc0 + tv * gg
                            else:
                                pacc1 = pacc1 + tv * gg
                        s_e = jnp.sum(pacc0 + pacc1)
                        out = jnp.where(iota == e, s_e, out)
                    return out
                svec = lax.fori_loop(0, 8, astep, zed)
                probs = jnp.exp(svec)
                valid = (iota + jj * 16) < n_valid
                probs = jnp.where(valid, probs, 0.0)
                for kk in range(16):
                    plsc.addupdate_scatter(denom, [lr16], probs,
                                           mask=iota == kk)

                def bstep(ee, _):
                    vals, idxs = [], []
                    for half in range(2):
                        e = 2 * ee + half
                        pv = _bcast(probs, e)
                        ib = _bcast(lridx, e)
                        for k in range(DIM // 16):
                            vv = gvbuf[s * GB + jj * 16 + e,
                                       pl.ds(DIM + k * 16, 16)]
                            vals.append(pv * vv)
                            idxs.append(ib + kvecs[k])
                    for ix, vl in zip(idxs, vals):
                        plsc.addupdate_scatter(acc, [ix], vl)
                    return 0
                lax.fori_loop(0, 8, bstep, 0)
                return 0

            lax.fori_loop(0, GB // 16, group, 0)

        def memmove():
            for i in range((PB - GB) // 16):
                pend_row[pl.ds(i * 16, 16)] = pend_row[pl.ds(GB + i * 16, 16)]
                pend_col[pl.ds(i * 16, 16)] = pend_col[pl.ds(GB + i * 16, 16)]

        r0, c0 = chunk_copy(0, 0)
        r0.start()
        c0.start()

        def chunk_step(i, carry):
            pcv, inflight, rs, ws = carry
            b = lax.rem(i, 2)
            rw, cw = chunk_copy(i, b)
            rw.wait()
            cw.wait()

            @pl.when(i + 1 < NCH)
            def _():
                rn, cn = chunk_copy(i + 1, lax.rem(i + 1, 2))
                rn.start()
                cn.start()

            def scan_group(g, pcv):
                UN = 4
                lrs, ms, incls, cs = [], [], [], []
                for u in range(UN):
                    gg = g * UN + u
                    r16 = rowbuf[b, pl.ds(gg * 16, 16)]
                    cs.append(colbuf[b, pl.ds(gg * 16, 16)])
                    lr = r16 - lo
                    m = (lr >= 0) & (lr < TPB)
                    lrs.append(lr)
                    ms.append(m)
                    incls.append(plsc.cumsum(m.astype(jnp.int32)))
                dests = []
                for u in range(UN):
                    dests.append(pcv + (incls[u] - ms[u].astype(jnp.int32)))
                    pcv = pcv + _bcast(incls[u], 15)
                for u in range(UN):
                    plsc.store_scatter(pend_row, [dests[u]], lrs[u],
                                       mask=ms[u])
                    plsc.store_scatter(pend_col, [dests[u]], cs[u],
                                       mask=ms[u])
                return pcv

            pcv = lax.fori_loop(0, CH // 64, scan_group, pcv)
            pcnt = jnp.max(pcv)

            def drain(args):
                inflight, rs = args
                batch_wait(rs)
                process_batch(rs, jnp.int32(GB))
                return inflight - 1, lax.rem(rs + 1, NS)
            inflight, rs = lax.cond(inflight == NS, drain,
                                    lambda a: a, (inflight, rs))

            def fire(args):
                pcv, inflight, ws = args
                batch_fire(0, ws)
                memmove()
                return pcv - GB, inflight + 1, lax.rem(ws + 1, NS)
            pcv, inflight, ws = lax.cond(
                (pcnt >= GB) & (inflight < NS), fire,
                lambda a: a, (pcv, inflight, ws))
            return pcv, inflight, rs, ws

        pcv, inflight, rs, ws = lax.fori_loop(
            0, NCH, chunk_step,
            (jnp.zeros((16,), jnp.int32), jnp.int32(0), jnp.int32(0),
             jnp.int32(0)))

        for _ in range(NS):
            def tail_drain(args):
                inflight, rs = args
                batch_wait(rs)
                process_batch(rs, jnp.int32(GB))
                return inflight - 1, lax.rem(rs + 1, NS)
            inflight, rs = lax.cond(inflight > 0, tail_drain,
                                    lambda a: a, (inflight, rs))

        pcnt = jnp.max(pcv)

        def flush(kb, _):
            @pl.when(kb * GB < pcnt)
            def _():
                batch_fire(kb * GB, jnp.int32(0))
                batch_wait(jnp.int32(0))
                process_batch(jnp.int32(0), pcnt - kb * GB)
            return 0
        lax.fori_loop(0, PB // GB + 1, flush, 0)

        pltpu.sync_copy(acc, acc_hbm.at[pl.ds(wid * ACC_W, ACC_W)])
        pltpu.sync_copy(denom, den_hbm.at[pl.ds(lo, TPB)])

    return k(t_info, gv, row, col)


def kernel(text_feat, graph_feat, W_t, b_t, W_g, b_g, W_v, b_v, edge_index):
    pad = N_PAD - N_NODES
    text_pad = jnp.pad(text_feat, ((0, pad), (0, 0)))
    graph_pad = jnp.pad(graph_feat, ((0, pad), (0, 0)))
    t_info, gv = _projections(text_pad, graph_pad, W_t.T, b_t,
                              W_g.T, b_g, W_v.T, b_v)
    row = edge_index[0].astype(jnp.int32)
    col = edge_index[1].astype(jnp.int32)
    acc_flat, denom = _sc_edge_kernel(t_info.reshape(-1), gv, row, col)
    acc = acc_flat.reshape(N_PAD, DIM)
    out = _finalize(acc, denom.reshape(N_PAD, 1), text_pad)
    return out[:N_NODES]

# --- scband reference (transcript-rebuilt; emitter-appended) ---
"""Pipeline reference for scband-cross-fusion-77962246357279 (READ-ONLY COPY).

The authoritative reference and input builder live on the scoring server;
editing this copy changes nothing except your own understanding.
"""

import jax, jax.numpy as jnp
import numpy as np

N_NODES = 10000
N_EDGES = 320000
T_DIM = 128
G_DIM = 128
DIM = 128


def setup_inputs(seed: int = 0) -> dict:
    key = jax.random.key(seed)
    k1, k2, k3, k4, k5, k6 = jax.random.split(key, 6)
    text_feat = jax.random.normal(k1, (N_NODES, T_DIM), dtype=jnp.float32)
    graph_feat = jax.random.normal(k2, (N_NODES, G_DIM), dtype=jnp.float32)
    edge_index = jax.random.randint(k3, (2, N_EDGES), 0, N_NODES, dtype=jnp.int64)
    # Learned parameters (nn.Linear style: y = x @ W.T + b)
    W_t = jax.random.normal(k4, (DIM, T_DIM), dtype=jnp.float32) * (1.0 / np.sqrt(T_DIM))
    b_t = jnp.zeros((DIM,), dtype=jnp.float32)
    W_g = jax.random.normal(k5, (DIM, G_DIM), dtype=jnp.float32) * (1.0 / np.sqrt(G_DIM))
    b_g = jnp.zeros((DIM,), dtype=jnp.float32)
    W_v = jax.random.normal(k6, (DIM, T_DIM), dtype=jnp.float32) * (1.0 / np.sqrt(T_DIM))
    b_v = jnp.zeros((DIM,), dtype=jnp.float32)
    return {
        "text_feat": text_feat,
        "graph_feat": graph_feat,
        "W_t": W_t, "b_t": b_t,
        "W_g": W_g, "b_g": b_g,
        "W_v": W_v, "b_v": b_v,
        "edge_index": edge_index,
    }


def reference(text_feat, graph_feat, W_t, b_t, W_g, b_g, W_v, b_v, edge_index):
    t_info = text_feat @ W_t.T + b_t
    g_info = graph_feat @ W_g.T + b_g
    v = text_feat @ W_v.T + b_v
    row = edge_index[0]
    col = edge_index[1]
    t_row = jnp.take(t_info, row, axis=0)
    g_col = jnp.take(g_info, col, axis=0)
    scores = (t_row * g_col).sum(axis=-1) / jnp.sqrt(jnp.float32(t_info.shape[-1]))
    # scatter_softmax over edges grouped by target node (row)
    seg_max = jax.ops.segment_max(scores, row, num_segments=N_NODES)
    shifted = scores - jnp.take(seg_max, row, axis=0)
    exp_s = jnp.exp(shifted)
    denom = jax.ops.segment_sum(exp_s, row, num_segments=N_NODES)
    attn = exp_s / jnp.take(denom, row, axis=0)
    v_col = jnp.take(v, col, axis=0)
    out = jax.ops.segment_sum(attn[:, None] * v_col, row, num_segments=N_NODES)
    out = out + text_feat
    return out

if __name__ == "__main__":
    import jax
    _d = setup_inputs()
    print(jax.jit(kernel)(*tuple(_d.values())))

</pallas_src>

<mosaic_0001>
#map = affine_map<(d0, d1) -> (0)>
#map1 = affine_map<(d0, d1) -> (0, 0)>
module attributes {stable_mosaic.version = 14 : i64} {
  func.func @k(%arg0: i32, %arg1: i32, %arg2: memref<1310720xf32, #tpu.memory_space<hbm>>, %arg3: memref<10240x256xf32, #tpu.memory_space<hbm>>, %arg4: memref<320000xi32, #tpu.memory_space<hbm>>, %arg5: memref<320000xi32, #tpu.memory_space<hbm>>, %arg6: memref<1310720xf32, #tpu.memory_space<hbm>>, %arg7: memref<10240xf32, #tpu.memory_space<hbm>>, %arg8: memref<40960xf32, #tpu.memory_space<vmem>>, %arg9: memref<40960xf32, #tpu.memory_space<vmem>>, %arg10: memref<160x256xf32, #tpu.memory_space<vmem>>, %arg11: memref<2x1280xi32, #tpu.memory_space<vmem>>, %arg12: memref<2x1280xi32, #tpu.memory_space<vmem>>, %arg13: memref<400xi32, #tpu.memory_space<vmem>>, %arg14: memref<400xi32, #tpu.memory_space<vmem>>, %arg15: memref<2x80xi32, #tpu.memory_space<vmem>>, %arg16: memref<2x80xi32, #tpu.memory_space<vmem>>, %arg17: memref<320xf32, #tpu.memory_space<vmem>>, %arg18: memref<2x!tpu.dma_semaphore, #tpu.memory_space<semaphore_mem>>, %arg19: memref<2x!tpu.dma_semaphore, #tpu.memory_space<semaphore_mem>>, %arg20: memref<2x!tpu.dma_semaphore, #tpu.memory_space<semaphore_mem>>) attributes {dimension_semantics = [#tpu.dimension_semantics<core_parallel>, #tpu.dimension_semantics<subcore_parallel>], iteration_bounds = array<i64: 2, 16>, scalar_prefetch = 0 : i64, scratch_operands = 13 : i64, tpu.core_type = #tpu.core_type<sc_vector_subcore>, window_params = [{transform_indices = #map}, {transform_indices = #map1}, {transform_indices = #map}, {transform_indices = #map}, {transform_indices = #map}, {transform_indices = #map}]} {
    %mul3A = arith.constant 2 : i32
    %mul3A_0 = arith.muli %arg1, %mul3A : i32
    %add3A = arith.addi %mul3A_0, %arg0 : i32
    %mul3A_1 = arith.constant 320 : i32
    %mul3A_2 = arith.muli %add3A, %mul3A_1 : i32
    %iota3A = tpu.iota {dimensions = array<i32: 0>} : vector<16xi32>
    %broadcast_in_dim3A = arith.constant 0.000000e+00 : f32
    %broadcast_in_dim3A_3 = vector.broadcast %broadcast_in_dim3A : f32 to vector<16xf32>
    %broadcast_in_dim3A_4 = arith.constant 0 : i32
    %broadcast_in_dim3A_5 = vector.broadcast %broadcast_in_dim3A_4 : i32 to vector<16xi32>
    %scan3A = arith.constant 0 : i32
    %scan3A_6 = arith.constant 0 : i32
    %scan3A_7 = arith.constant 2560 : i32
    %scan3A_8 = arith.addi %scan3A_6, %scan3A_7 : i32
    %scan3A_9 = arith.constant 1 : i32
    %scan3A_10 = scf.for %scan3A_207 = %scan3A_6 to %scan3A_8 step %scan3A_9 iter_args(%scan3A_208 = %scan3A) -> (i32)  : i32 {
      %mul3A_209 = arith.constant 16 : i32
      %mul3A_210 = arith.muli %scan3A_207, %mul3A_209 : i32
      %swap3A_211 = arith.index_cast %mul3A_210 : i32 to index
      %swap3A_212 = tpu.vector_load %arg9[%swap3A_211] {strides = array<i32>} : memref<40960xf32, #tpu.memory_space<vmem>>, vector<16xf32>,
      tpu.vector_store %arg9[%swap3A_211], %broadcast_in_dim3A_3 {strides = array<i32>} : memref<40960xf32, #tpu.memory_space<vmem>>, vector<16xf32>,
      %scan3A_213 = arith.constant 0 : i32
      scf.yield %scan3A_213 : i32
    }
    %scan3A_11 = arith.constant 2560 : i32
    %scan3A_12 = arith.constant 0 : i32
    %scan3A_13 = arith.constant 0 : i32
    %scan3A_14 = arith.constant 20 : i32
    %scan3A_15 = arith.addi %scan3A_13, %scan3A_14 : i32
    %scan3A_16 = arith.constant 1 : i32
    %scan3A_17 = scf.for %scan3A_207 = %scan3A_13 to %scan3A_15 step %scan3A_16 iter_args(%scan3A_208 = %scan3A_12) -> (i32)  : i32 {
      %mul3A_209 = arith.constant 16 : i32
      %mul3A_210 = arith.muli %scan3A_207, %mul3A_209 : i32
      %swap3A_211 = arith.index_cast %mul3A_210 : i32 to index
      %swap3A_212 = tpu.vector_load %arg17[%swap3A_211] {strides = array<i32>} : memref<320xf32, #tpu.memory_space<vmem>>, vector<16xf32>,
      tpu.vector_store %arg17[%swap3A_211], %broadcast_in_dim3A_3 {strides = array<i32>} : memref<320xf32, #tpu.memory_space<vmem>>, vector<16xf32>,
      %scan3A_213 = arith.constant 0 : i32
      scf.yield %scan3A_213 : i32
    }
    %scan3A_18 = arith.constant 20 : i32
    %swap3A = arith.constant 0 : index
    %swap3A_19 = tpu.vector_load %arg13[%swap3A] {strides = array<i32>} : memref<400xi32, #tpu.memory_space<vmem>>, vector<16xi32>,
    tpu.vector_store %arg13[%swap3A], %broadcast_in_dim3A_5 {strides = array<i32>} : memref<400xi32, #tpu.memory_space<vmem>>, vector<16xi32>,
    %swap3A_20 = arith.constant 0 : index
    %swap3A_21 = tpu.vector_load %arg14[%swap3A_20] {strides = array<i32>} : memref<400xi32, #tpu.memory_space<vmem>>, vector<16xi32>,
    tpu.vector_store %arg14[%swap3A_20], %broadcast_in_dim3A_5 {strides = array<i32>} : memref<400xi32, #tpu.memory_space<vmem>>, vector<16xi32>,
    %swap3A_22 = arith.constant 16 : index
    %swap3A_23 = tpu.vector_load %arg13[%swap3A_22] {strides = array<i32>} : memref<400xi32, #tpu.memory_space<vmem>>, vector<16xi32>,
    tpu.vector_store %arg13[%swap3A_22], %broadcast_in_dim3A_5 {strides = array<i32>} : memref<400xi32, #tpu.memory_space<vmem>>, vector<16xi32>,
    %swap3A_24 = arith.constant 16 : index
    %swap3A_25 = tpu.vector_load %arg14[%swap3A_24] {strides = array<i32>} : memref<400xi32, #tpu.memory_space<vmem>>, vector<16xi32>,
    tpu.vector_store %arg14[%swap3A_24], %broadcast_in_dim3A_5 {strides = array<i32>} : memref<400xi32, #tpu.memory_space<vmem>>, vector<16xi32>,
    %swap3A_26 = arith.constant 32 : index
    %swap3A_27 = tpu.vector_load %arg13[%swap3A_26] {strides = array<i32>} : memref<400xi32, #tpu.memory_space<vmem>>, vector<16xi32>,
    tpu.vector_store %arg13[%swap3A_26], %broadcast_in_dim3A_5 {strides = array<i32>} : memref<400xi32, #tpu.memory_space<vmem>>, vector<16xi32>,
    %swap3A_28 = arith.constant 32 : index
    %swap3A_29 = tpu.vector_load %arg14[%swap3A_28] {strides = array<i32>} : memref<400xi32, #tpu.memory_space<vmem>>, vector<16xi32>,
    tpu.vector_store %arg14[%swap3A_28], %broadcast_in_dim3A_5 {strides = array<i32>} : memref<400xi32, #tpu.memory_space<vmem>>, vector<16xi32>,
    %swap3A_30 = arith.constant 48 : index
    %swap3A_31 = tpu.vector_load %arg13[%swap3A_30] {strides = array<i32>} : memref<400xi32, #tpu.memory_space<vmem>>, vector<16xi32>,
    tpu.vector_store %arg13[%swap3A_30], %broadcast_in_dim3A_5 {strides = array<i32>} : memref<400xi32, #tpu.memory_space<vmem>>, vector<16xi32>,
    %swap3A_32 = arith.constant 48 : index
    %swap3A_33 = tpu.vector_load %arg14[%swap3A_32] {strides = array<i32>} : memref<400xi32, #tpu.memory_space<vmem>>, vector<16xi32>,
    tpu.vector_store %arg14[%swap3A_32], %broadcast_in_dim3A_5 {strides = array<i32>} : memref<400xi32, #tpu.memory_space<vmem>>, vector<16xi32>,
    %swap3A_34 = arith.constant 64 : index
    %swap3A_35 = tpu.vector_load %arg13[%swap3A_34] {strides = array<i32>} : memref<400xi32, #tpu.memory_space<vmem>>, vector<16xi32>,
    tpu.vector_store %arg13[%swap3A_34], %broadcast_in_dim3A_5 {strides = array<i32>} : memref<400xi32, #tpu.memory_space<vmem>>, vector<16xi32>,
    %swap3A_36 = arith.constant 64 : index
    %swap3A_37 = tpu.vector_load %arg14[%swap3A_36] {strides = array<i32>} : memref<400xi32, #tpu.memory_space<vmem>>, vector<16xi32>,
    tpu.vector_store %arg14[%swap3A_36], %broadcast_in_dim3A_5 {strides = array<i32>} : memref<400xi32, #tpu.memory_space<vmem>>, vector<16xi32>,
    %swap3A_38 = arith.constant 80 : index
    %swap3A_39 = tpu.vector_load %arg13[%swap3A_38] {strides = array<i32>} : memref<400xi32, #tpu.memory_space<vmem>>, vector<16xi32>,
    tpu.vector_store %arg13[%swap3A_38], %broadcast_in_dim3A_5 {strides = array<i32>} : memref<400xi32, #tpu.memory_space<vmem>>, vector<16xi32>,
    %swap3A_40 = arith.constant 80 : index
    %swap3A_41 = tpu.vector_load %arg14[%swap3A_40] {strides = array<i32>} : memref<400xi32, #tpu.memory_space<vmem>>, vector<16xi32>,
    tpu.vector_store %arg14[%swap3A_40], %broadcast_in_dim3A_5 {strides = array<i32>} : memref<400xi32, #tpu.memory_space<vmem>>, vector<16xi32>,
    %swap3A_42 = arith.constant 96 : index
    %swap3A_43 = tpu.vector_load %arg13[%swap3A_42] {strides = array<i32>} : memref<400xi32, #tpu.memory_space<vmem>>, vector<16xi32>,
    tpu.vector_store %arg13[%swap3A_42], %broadcast_in_dim3A_5 {strides = array<i32>} : memref<400xi32, #tpu.memory_space<vmem>>, vector<16xi32>,
    %swap3A_44 = arith.constant 96 : index
    %swap3A_45 = tpu.vector_load %arg14[%swap3A_44] {strides = array<i32>} : memref<400xi32, #tpu.memory_space<vmem>>, vector<16xi32>,
    tpu.vector_store %arg14[%swap3A_44], %broadcast_in_dim3A_5 {strides = array<i32>} : memref<400xi32, #tpu.memory_space<vmem>>, vector<16xi32>,
    %swap3A_46 = arith.constant 112 : index
    %swap3A_47 = tpu.vector_load %arg13[%swap3A_46] {strides = array<i32>} : memref<400xi32, #tpu.memory_space<vmem>>, vector<16xi32>,
    tpu.vector_store %arg13[%swap3A_46], %broadcast_in_dim3A_5 {strides = array<i32>} : memref<400xi32, #tpu.memory_space<vmem>>, vector<16xi32>,
    %swap3A_48 = arith.constant 112 : index
    %swap3A_49 = tpu.vector_load %arg14[%swap3A_48] {strides = array<i32>} : memref<400xi32, #tpu.memory_space<vmem>>, vector<16xi32>,
    tpu.vector_store %arg14[%swap3A_48], %broadcast_in_dim3A_5 {strides = array<i32>} : memref<400xi32, #tpu.memory_space<vmem>>, vector<16xi32>,
    %swap3A_50 = arith.constant 128 : index
    %swap3A_51 = tpu.vector_load %arg13[%swap3A_50] {strides = array<i32>} : memref<400xi32, #tpu.memory_space<vmem>>, vector<16xi32>,
    tpu.vector_store %arg13[%swap3A_50], %broadcast_in_dim3A_5 {strides = array<i32>} : memref<400xi32, #tpu.memory_space<vmem>>, vector<16xi32>,
    %swap3A_52 = arith.constant 128 : index
    %swap3A_53 = tpu.vector_load %arg14[%swap3A_52] {strides = array<i32>} : memref<400xi32, #tpu.memory_space<vmem>>, vector<16xi32>,
    tpu.vector_store %arg14[%swap3A_52], %broadcast_in_dim3A_5 {strides = array<i32>} : memref<400xi32, #tpu.memory_space<vmem>>, vector<16xi32>,
    %swap3A_54 = arith.constant 144 : index
    %swap3A_55 = tpu.vector_load %arg13[%swap3A_54] {strides = array<i32>} : memref<400xi32, #tpu.memory_space<vmem>>, vector<16xi32>,
    tpu.vector_store %arg13[%swap3A_54], %broadcast_in_dim3A_5 {strides = array<i32>} : memref<400xi32, #tpu.memory_space<vmem>>, vector<16xi32>,
    %swap3A_56 = arith.constant 144 : index
    %swap3A_57 = tpu.vector_load %arg14[%swap3A_56] {strides = array<i32>} : memref<400xi32, #tpu.memory_space<vmem>>, vector<16xi32>,
    tpu.vector_store %arg14[%swap3A_56], %broadcast_in_dim3A_5 {strides = array<i32>} : memref<400xi32, #tpu.memory_space<vmem>>, vector<16xi32>,
    %swap3A_58 = arith.constant 160 : index
    %swap3A_59 = tpu.vector_load %arg13[%swap3A_58] {strides = array<i32>} : memref<400xi32, #tpu.memory_space<vmem>>, vector<16xi32>,
    tpu.vector_store %arg13[%swap3A_58], %broadcast_in_dim3A_5 {strides = array<i32>} : memref<400xi32, #tpu.memory_space<vmem>>, vector<16xi32>,
    %swap3A_60 = arith.constant 160 : index
    %swap3A_61 = tpu.vector_load %arg14[%swap3A_60] {strides = array<i32>} : memref<400xi32, #tpu.memory_space<vmem>>, vector<16xi32>,
    tpu.vector_store %arg14[%swap3A_60], %broadcast_in_dim3A_5 {strides = array<i32>} : memref<400xi32, #tpu.memory_space<vmem>>, vector<16xi32>,
    %swap3A_62 = arith.constant 176 : index
    %swap3A_63 = tpu.vector_load %arg13[%swap3A_62] {strides = array<i32>} : memref<400xi32, #tpu.memory_space<vmem>>, vector<16xi32>,
    tpu.vector_store %arg13[%swap3A_62], %broadcast_in_dim3A_5 {strides = array<i32>} : memref<400xi32, #tpu.memory_space<vmem>>, vector<16xi32>,
    %swap3A_64 = arith.constant 176 : index
    %swap3A_65 = tpu.vector_load %arg14[%swap3A_64] {strides = array<i32>} : memref<400xi32, #tpu.memory_space<vmem>>, vector<16xi32>,
    tpu.vector_store %arg14[%swap3A_64], %broadcast_in_dim3A_5 {strides = array<i32>} : memref<400xi32, #tpu.memory_space<vmem>>, vector<16xi32>,
    %swap3A_66 = arith.constant 192 : index
    %swap3A_67 = tpu.vector_load %arg13[%swap3A_66] {strides = array<i32>} : memref<400xi32, #tpu.memory_space<vmem>>, vector<16xi32>,
    tpu.vector_store %arg13[%swap3A_66], %broadcast_in_dim3A_5 {strides = array<i32>} : memref<400xi32, #tpu.memory_space<vmem>>, vector<16xi32>,
    %swap3A_68 = arith.constant 192 : index
    %swap3A_69 = tpu.vector_load %arg14[%swap3A_68] {strides = array<i32>} : memref<400xi32, #tpu.memory_space<vmem>>, vector<16xi32>,
    tpu.vector_store %arg14[%swap3A_68], %broadcast_in_dim3A_5 {strides = array<i32>} : memref<400xi32, #tpu.memory_space<vmem>>, vector<16xi32>,
    %swap3A_70 = arith.constant 208 : index
    %swap3A_71 = tpu.vector_load %arg13[%swap3A_70] {strides = array<i32>} : memref<400xi32, #tpu.memory_space<vmem>>, vector<16xi32>,
    tpu.vector_store %arg13[%swap3A_70], %broadcast_in_dim3A_5 {strides = array<i32>} : memref<400xi32, #tpu.memory_space<vmem>>, vector<16xi32>,
    %swap3A_72 = arith.constant 208 : index
    %swap3A_73 = tpu.vector_load %arg14[%swap3A_72] {strides = array<i32>} : memref<400xi32, #tpu.memory_space<vmem>>, vector<16xi32>,
    tpu.vector_store %arg14[%swap3A_72], %broadcast_in_dim3A_5 {strides = array<i32>} : memref<400xi32, #tpu.memory_space<vmem>>, vector<16xi32>,
    %swap3A_74 = arith.constant 224 : index
    %swap3A_75 = tpu.vector_load %arg13[%swap3A_74] {strides = array<i32>} : memref<400xi32, #tpu.memory_space<vmem>>, vector<16xi32>,
    tpu.vector_store %arg13[%swap3A_74], %broadcast_in_dim3A_5 {strides = array<i32>} : memref<400xi32, #tpu.memory_space<vmem>>, vector<16xi32>,
    %swap3A_76 = arith.constant 224 : index
    %swap3A_77 = tpu.vector_load %arg14[%swap3A_76] {strides = array<i32>} : memref<400xi32, #tpu.memory_space<vmem>>, vector<16xi32>,
    tpu.vector_store %arg14[%swap3A_76], %broadcast_in_dim3A_5 {strides = array<i32>} : memref<400xi32, #tpu.memory_space<vmem>>, vector<16xi32>,
    %swap3A_78 = arith.constant 240 : index
    %swap3A_79 = tpu.vector_load %arg13[%swap3A_78] {strides = array<i32>} : memref<400xi32, #tpu.memory_space<vmem>>, vector<16xi32>,
    tpu.vector_store %arg13[%swap3A_78], %broadcast_in_dim3A_5 {strides = array<i32>} : memref<400xi32, #tpu.memory_space<vmem>>, vector<16xi32>,
    %swap3A_80 = arith.constant 240 : index
    %swap3A_81 = tpu.vector_load %arg14[%swap3A_80] {strides = array<i32>} : memref<400xi32, #tpu.memory_space<vmem>>, vector<16xi32>,
    tpu.vector_store %arg14[%swap3A_80], %broadcast_in_dim3A_5 {strides = array<i32>} : memref<400xi32, #tpu.memory_space<vmem>>, vector<16xi32>,
    %swap3A_82 = arith.constant 256 : index
    %swap3A_83 = tpu.vector_load %arg13[%swap3A_82] {strides = array<i32>} : memref<400xi32, #tpu.memory_space<vmem>>, vector<16xi32>,
    tpu.vector_store %arg13[%swap3A_82], %broadcast_in_dim3A_5 {strides = array<i32>} : memref<400xi32, #tpu.memory_space<vmem>>, vector<16xi32>,
    %swap3A_84 = arith.constant 256 : index
    %swap3A_85 = tpu.vector_load %arg14[%swap3A_84] {strides = array<i32>} : memref<400xi32, #tpu.memory_space<vmem>>, vector<16xi32>,
    tpu.vector_store %arg14[%swap3A_84], %broadcast_in_dim3A_5 {strides = array<i32>} : memref<400xi32, #tpu.memory_space<vmem>>, vector<16xi32>,
    %swap3A_86 = arith.constant 272 : index
    %swap3A_87 = tpu.vector_load %arg13[%swap3A_86] {strides = array<i32>} : memref<400xi32, #tpu.memory_space<vmem>>, vector<16xi32>,
    tpu.vector_store %arg13[%swap3A_86], %broadcast_in_dim3A_5 {strides = array<i32>} : memref<400xi32, #tpu.memory_space<vmem>>, vector<16xi32>,
    %swap3A_88 = arith.constant 272 : index
    %swap3A_89 = tpu.vector_load %arg14[%swap3A_88] {strides = array<i32>} : memref<400xi32, #tpu.memory_space<vmem>>, vector<16xi32>,
    tpu.vector_store %arg14[%swap3A_88], %broadcast_in_dim3A_5 {strides = array<i32>} : memref<400xi32, #tpu.memory_space<vmem>>, vector<16xi32>,
    %swap3A_90 = arith.constant 288 : index
    %swap3A_91 = tpu.vector_load %arg13[%swap3A_90] {strides = array<i32>} : memref<400xi32, #tpu.memory_space<vmem>>, vector<16xi32>,
    tpu.vector_store %arg13[%swap3A_90], %broadcast_in_dim3A_5 {strides = array<i32>} : memref<400xi32, #tpu.memory_space<vmem>>, vector<16xi32>,
    %swap3A_92 = arith.constant 288 : index
    %swap3A_93 = tpu.vector_load %arg14[%swap3A_92] {strides = array<i32>} : memref<400xi32, #tpu.memory_space<vmem>>, vector<16xi32>,
    tpu.vector_store %arg14[%swap3A_92], %broadcast_in_dim3A_5 {strides = array<i32>} : memref<400xi32, #tpu.memory_space<vmem>>, vector<16xi32>,
    %swap3A_94 = arith.constant 304 : index
    %swap3A_95 = tpu.vector_load %arg13[%swap3A_94] {strides = array<i32>} : memref<400xi32, #tpu.memory_space<vmem>>, vector<16xi32>,
    tpu.vector_store %arg13[%swap3A_94], %broadcast_in_dim3A_5 {strides = array<i32>} : memref<400xi32, #tpu.memory_space<vmem>>, vector<16xi32>,
    %swap3A_96 = arith.constant 304 : index
    %swap3A_97 = tpu.vector_load %arg14[%swap3A_96] {strides = array<i32>} : memref<400xi32, #tpu.memory_space<vmem>>, vector<16xi32>,
    tpu.vector_store %arg14[%swap3A_96], %broadcast_in_dim3A_5 {strides = array<i32>} : memref<400xi32, #tpu.memory_space<vmem>>, vector<16xi32>,
    %swap3A_98 = arith.constant 320 : index
    %swap3A_99 = tpu.vector_load %arg13[%swap3A_98] {strides = array<i32>} : memref<400xi32, #tpu.memory_space<vmem>>, vector<16xi32>,
    tpu.vector_store %arg13[%swap3A_98], %broadcast_in_dim3A_5 {strides = array<i32>} : memref<400xi32, #tpu.memory_space<vmem>>, vector<16xi32>,
    %swap3A_100 = arith.constant 320 : index
    %swap3A_101 = tpu.vector_load %arg14[%swap3A_100] {strides = array<i32>} : memref<400xi32, #tpu.memory_space<vmem>>, vector<16xi32>,
    tpu.vector_store %arg14[%swap3A_100], %broadcast_in_dim3A_5 {strides = array<i32>} : memref<400xi32, #tpu.memory_space<vmem>>, vector<16xi32>,
    %swap3A_102 = arith.constant 336 : index
    %swap3A_103 = tpu.vector_load %arg13[%swap3A_102] {strides = array<i32>} : memref<400xi32, #tpu.memory_space<vmem>>, vector<16xi32>,
    tpu.vector_store %arg13[%swap3A_102], %broadcast_in_dim3A_5 {strides = array<i32>} : memref<400xi32, #tpu.memory_space<vmem>>, vector<16xi32>,
    %swap3A_104 = arith.constant 336 : index
    %swap3A_105 = tpu.vector_load %arg14[%swap3A_104] {strides = array<i32>} : memref<400xi32, #tpu.memory_space<vmem>>, vector<16xi32>,
    tpu.vector_store %arg14[%swap3A_104], %broadcast_in_dim3A_5 {strides = array<i32>} : memref<400xi32, #tpu.memory_space<vmem>>, vector<16xi32>,
    %swap3A_106 = arith.constant 352 : index
    %swap3A_107 = tpu.vector_load %arg13[%swap3A_106] {strides = array<i32>} : memref<400xi32, #tpu.memory_space<vmem>>, vector<16xi32>,
    tpu.vector_store %arg13[%swap3A_106], %broadcast_in_dim3A_5 {strides = array<i32>} : memref<400xi32, #tpu.memory_space<vmem>>, vector<16xi32>,
    %swap3A_108 = arith.constant 352 : index
    %swap3A_109 = tpu.vector_load %arg14[%swap3A_108] {strides = array<i32>} : memref<400xi32, #tpu.memory_space<vmem>>, vector<16xi32>,
    tpu.vector_store %arg14[%swap3A_108], %broadcast_in_dim3A_5 {strides = array<i32>} : memref<400xi32, #tpu.memory_space<vmem>>, vector<16xi32>,
    %swap3A_110 = arith.constant 368 : index
    %swap3A_111 = tpu.vector_load %arg13[%swap3A_110] {strides = array<i32>} : memref<400xi32, #tpu.memory_space<vmem>>, vector<16xi32>,
    tpu.vector_store %arg13[%swap3A_110], %broadcast_in_dim3A_5 {strides = array<i32>} : memref<400xi32, #tpu.memory_space<vmem>>, vector<16xi32>,
    %swap3A_112 = arith.constant 368 : index
    %swap3A_113 = tpu.vector_load %arg14[%swap3A_112] {strides = array<i32>} : memref<400xi32, #tpu.memory_space<vmem>>, vector<16xi32>,
    tpu.vector_store %arg14[%swap3A_112], %broadcast_in_dim3A_5 {strides = array<i32>} : memref<400xi32, #tpu.memory_space<vmem>>, vector<16xi32>,
    %swap3A_114 = arith.constant 384 : index
    %swap3A_115 = tpu.vector_load %arg13[%swap3A_114] {strides = array<i32>} : memref<400xi32, #tpu.memory_space<vmem>>, vector<16xi32>,
    tpu.vector_store %arg13[%swap3A_114], %broadcast_in_dim3A_5 {strides = array<i32>} : memref<400xi32, #tpu.memory_space<vmem>>, vector<16xi32>,
    %swap3A_116 = arith.constant 384 : index
    %swap3A_117 = tpu.vector_load %arg14[%swap3A_116] {strides = array<i32>} : memref<400xi32, #tpu.memory_space<vmem>>, vector<16xi32>,
    tpu.vector_store %arg14[%swap3A_116], %broadcast_in_dim3A_5 {strides = array<i32>} : memref<400xi32, #tpu.memory_space<vmem>>, vector<16xi32>,
    %mul3A_118 = arith.constant 128 : i32
    %mul3A_119 = arith.muli %mul3A_2, %mul3A_118 : i32
    "tpu.region"() ({
      %run_scoped3A = tpu.sem_alloc : memref<!tpu.dma_semaphore, #tpu.memory_space<semaphore_mem>>
      %dma_start3A_207 = tpu.memref_slice %arg2[%mul3A_119] : memref<1310720xf32, #tpu.memory_space<hbm>> -> memref<40960xf32, #tpu.memory_space<hbm>>
      %dma_start3A_208 = tpu.memref_slice %arg2[%mul3A_119] : memref<1310720xf32, #tpu.memory_space<hbm>> -> memref<40960xf32, #tpu.memory_space<hbm>>
      tpu.enqueue_dma source(%dma_start3A_208 : memref<40960xf32, #tpu.memory_space<hbm>>) target(%arg8 : memref<40960xf32, #tpu.memory_space<vmem>>) target_semaphore(%run_scoped3A : memref<!tpu.dma_semaphore, #tpu.memory_space<semaphore_mem>>)
      %dma_wait3A = tpu.memref_slice %arg2[%mul3A_119] : memref<1310720xf32, #tpu.memory_space<hbm>> -> memref<40960xf32, #tpu.memory_space<hbm>>
      %dma_wait3A_209 = tpu.memref_slice %arg2[%mul3A_119] : memref<1310720xf32, #tpu.memory_space<hbm>> -> memref<40960xf32, #tpu.memory_space<hbm>>
      tpu.wait_dma2 semaphore(%run_scoped3A : memref<!tpu.dma_semaphore, #tpu.memory_space<semaphore_mem>>) src(%dma_wait3A_209 : memref<40960xf32, #tpu.memory_space<hbm>>) dst(%arg8 : memref<40960xf32, #tpu.memory_space<vmem>>)
      tpu.yield
    }) : () -> ()
    %add3A_120 = arith.constant 0 : i32
    %add3A_121 = vector.broadcast %add3A_120 : i32 to vector<16xi32>
    %add3A_122 = arith.addi %iota3A, %add3A_121 : vector<16xi32>
    %add3A_123 = arith.constant 16 : i32
    %add3A_124 = vector.broadcast %add3A_123 : i32 to vector<16xi32>
    %add3A_125 = arith.addi %iota3A, %add3A_124 : vector<16xi32>
    %add3A_126 = arith.constant 32 : i32
    %add3A_127 = vector.broadcast %add3A_126 : i32 to vector<16xi32>
    %add3A_128 = arith.addi %iota3A, %add3A_127 : vector<16xi32>
    %add3A_129 = arith.constant 48 : i32
    %add3A_130 = vector.broadcast %add3A_129 : i32 to vector<16xi32>
    %add3A_131 = arith.addi %iota3A, %add3A_130 : vector<16xi32>
    %add3A_132 = arith.constant 64 : i32
    %add3A_133 = vector.broadcast %add3A_132 : i32 to vector<16xi32>
    %add3A_134 = arith.addi %iota3A, %add3A_133 : vector<16xi32>
    %add3A_135 = arith.constant 80 : i32
    %add3A_136 = vector.broadcast %add3A_135 : i32 to vector<16xi32>
    %add3A_137 = arith.addi %iota3A, %add3A_136 : vector<16xi32>
    %add3A_138 = arith.constant 96 : i32
    %add3A_139 = vector.broadcast %add3A_138 : i32 to vector<16xi32>
    %add3A_140 = arith.addi %iota3A, %add3A_139 : vector<16xi32>
    %add3A_141 = arith.constant 112 : i32
    %add3A_142 = vector.broadcast %add3A_141 : i32 to vector<16xi32>
    %add3A_143 = arith.addi %iota3A, %add3A_142 : vector<16xi32>
    %dma_start3A = arith.constant 0 : i32
    %dma_start3A_144 = arith.constant 0 : i32
    %dma_start3A_145 = arith.constant 0 : i32
    %dma_start3A_146 = tpu.memref_slice %arg11[%dma_start3A, %dma_start3A_145] : memref<2x1280xi32, #tpu.memory_space<vmem>> -> memref<1x1280xi32, #tpu.memory_space<vmem>>
    %dma_start3A_147 = tpu.memref_squeeze %dma_start3A_146 : memref<1x1280xi32, #tpu.memory_space<vmem>> -> memref<1280xi32, #tpu.memory_space<vmem>>
    %dma_start3A_148 = arith.constant 0 : i32
    %dma_start3A_149 = tpu.memref_slice %arg4[%dma_start3A_148] : memref<320000xi32, #tpu.memory_space<hbm>> -> memref<1280xi32, #tpu.memory_space<hbm>>
    %dma_start3A_150 = tpu.memref_slice %arg18[%dma_start3A_144] : memref<2x!tpu.dma_semaphore, #tpu.memory_space<semaphore_mem>> -> memref<1x!tpu.dma_semaphore, #tpu.memory_space<semaphore_mem>>
    %dma_start3A_151 = tpu.memref_squeeze %dma_start3A_150 : memref<1x!tpu.dma_semaphore, #tpu.memory_space<semaphore_mem>> -> memref<!tpu.dma_semaphore, #tpu.memory_space<semaphore_mem>>
    %dma_start3A_152 = arith.constant 0 : i32
    %dma_start3A_153 = tpu.memref_slice %arg11[%dma_start3A, %dma_start3A_152] : memref<2x1280xi32, #tpu.memory_space<vmem>> -> memref<1x1280xi32, #tpu.memory_space<vmem>>
    %dma_start3A_154 = tpu.memref_squeeze %dma_start3A_153 : memref<1x1280xi32, #tpu.memory_space<vmem>> -> memref<1280xi32, #tpu.memory_space<vmem>>
    %dma_start3A_155 = arith.constant 0 : i32
    %dma_start3A_156 = tpu.memref_slice %arg4[%dma_start3A_155] : memref<320000xi32, #tpu.memory_space<hbm>> -> memref<1280xi32, #tpu.memory_space<hbm>>
    tpu.enqueue_dma source(%dma_start3A_156 : memref<1280xi32, #tpu.memory_space<hbm>>) target(%dma_start3A_154 : memref<1280xi32, #tpu.memory_space<vmem>>) target_semaphore(%dma_start3A_151 : memref<!tpu.dma_semaphore, #tpu.memory_space<semaphore_mem>>)
    %dma_start3A_157 = arith.constant 0 : i32
    %dma_start3A_158 = arith.constant 0 : i32
    %dma_start3A_159 = arith.constant 0 : i32
    %dma_start3A_160 = tpu.memref_slice %arg12[%dma_start3A_157, %dma_start3A_159] : memref<2x1280xi32, #tpu.memory_space<vmem>> -> memref<1x1280xi32, #tpu.memory_space<vmem>>
    %dma_start3A_161 = tpu.memref_squeeze %dma_start3A_160 : memref<1x1280xi32, #tpu.memory_space<vmem>> -> memref<1280xi32, #tpu.memory_space<vmem>>
    %dma_start3A_162 = arith.constant 0 : i32
    %dma_start3A_163 = tpu.memref_slice %arg5[%dma_start3A_162] : memref<320000xi32, #tpu.memory_space<hbm>> -> memref<1280xi32, #tpu.memory_space<hbm>>
    %dma_start3A_164 = tpu.memref_slice %arg19[%dma_start3A_158] : memref<2x!tpu.dma_semaphore, #tpu.memory_space<semaphore_mem>> -> memref<1x!tpu.dma_semaphore, #tpu.memory_space<semaphore_mem>>
    %dma_start3A_165 = tpu.memref_squeeze %dma_start3A_164 : memref<1x!tpu.dma_semaphore, #tpu.memory_space<semaphore_mem>> -> memref<!tpu.dma_semaphore, #tpu.memory_space<semaphore_mem>>
    %dma_start3A_166 = arith.constant 0 : i32
    %dma_start3A_167 = tpu.memref_slice %arg12[%dma_start3A_157, %dma_start3A_166] : memref<2x1280xi32, #tpu.memory_space<vmem>> -> memref<1x1280xi32, #tpu.memory_space<vmem>>
    %dma_start3A_168 = tpu.memref_squeeze %dma_start3A_167 : memref<1x1280xi32, #tpu.memory_space<vmem>> -> memref<1280xi32, #tpu.memory_space<vmem>>
    %dma_start3A_169 = arith.constant 0 : i32
    %dma_start3A_170 = tpu.memref_slice %arg5[%dma_start3A_169] : memref<320000xi32, #tpu.memory_space<hbm>> -> memref<1280xi32, #tpu.memory_space<hbm>>
    tpu.enqueue_dma source(%dma_start3A_170 : memref<1280xi32, #tpu.memory_space<hbm>>) target(%dma_start3A_168 : memref<1280xi32, #tpu.memory_space<vmem>>) target_semaphore(%dma_start3A_165 : memref<!tpu.dma_semaphore, #tpu.memory_space<semaphore_mem>>)
    %broadcast_in_dim3A_171 = arith.constant 0 : i32
    %broadcast_in_dim3A_172 = vector.broadcast %broadcast_in_dim3A_171 : i32 to vector<16xi32>
    %scan3A_173 = arith.constant 0 : i32
    %scan3A_174 = arith.constant 0 : i32
    %scan3A_175 = arith.constant 0 : i32
    %scan3A_176 = arith.constant 0 : i32
    %scan3A_177 = arith.constant 250 : i32
    %scan3A_178 = arith.addi %scan3A_176, %scan3A_177 : i32
    %scan3A_179 = arith.constant 1 : i32
    %scan3A_180:4 = scf.for %scan3A_207 = %scan3A_176 to %scan3A_178 step %scan3A_179 iter_args(%scan3A_208 = %broadcast_in_dim3A_172, %scan3A_209 = %scan3A_173, %scan3A_210 = %scan3A_174, %scan3A_211 = %scan3A_175) -> (vector<16xi32>, i32, i32, i32)  : i32 {
      %rem3A = arith.constant 2 : i32
      %rem3A_212 = arith.remsi %scan3A_207, %rem3A : i32
      %mul3A_213 = arith.constant 1280 : i32
      %mul3A_214 = arith.muli %scan3A_207, %mul3A_213 : i32
      %mul3A_215 = arith.constant 1280 : i32
      %mul3A_216 = arith.muli %scan3A_207, %mul3A_215 : i32
      %dma_wait3A = arith.constant 0 : i32
      %dma_wait3A_217 = tpu.memref_slice %arg11[%rem3A_212, %dma_wait3A] : memref<2x1280xi32, #tpu.memory_space<vmem>> -> memref<1x1280xi32, #tpu.memory_space<vmem>>
      %dma_wait3A_218 = tpu.memref_squeeze %dma_wait3A_217 : memref<1x1280xi32, #tpu.memory_space<vmem>> -> memref<1280xi32, #tpu.memory_space<vmem>>
      %dma_wait3A_219 = tpu.memref_slice %arg4[%mul3A_214] : memref<320000xi32, #tpu.memory_space<hbm>> -> memref<1280xi32, #tpu.memory_space<hbm>>
      %dma_wait3A_220 = tpu.memref_slice %arg18[%rem3A_212] : memref<2x!tpu.dma_semaphore, #tpu.memory_space<semaphore_mem>> -> memref<1x!tpu.dma_semaphore, #tpu.memory_space<semaphore_mem>>
      %dma_wait3A_221 = tpu.memref_squeeze %dma_wait3A_220 : memref<1x!tpu.dma_semaphore, #tpu.memory_space<semaphore_mem>> -> memref<!tpu.dma_semaphore, #tpu.memory_space<semaphore_mem>>
      %dma_wait3A_222 = arith.constant 0 : i32
      %dma_wait3A_223 = tpu.memref_slice %arg11[%rem3A_212, %dma_wait3A_222] : memref<2x1280xi32, #tpu.memory_space<vmem>> -> memref<1x1280xi32, #tpu.memory_space<vmem>>
      %dma_wait3A_224 = tpu.memref_squeeze %dma_wait3A_223 : memref<1x1280xi32, #tpu.memory_space<vmem>> -> memref<1280xi32, #tpu.memory_space<vmem>>
      %dma_wait3A_225 = tpu.memref_slice %arg4[%mul3A_214] : memref<320000xi32, #tpu.memory_space<hbm>> -> memref<1280xi32, #tpu.memory_space<hbm>>
      tpu.wait_dma2 semaphore(%dma_wait3A_221 : memref<!tpu.dma_semaphore, #tpu.memory_space<semaphore_mem>>) src(%dma_wait3A_225 : memref<1280xi32, #tpu.memory_space<hbm>>) dst(%dma_wait3A_224 : memref<1280xi32, #tpu.memory_space<vmem>>)
      %dma_wait3A_226 = arith.constant 0 : i32
      %dma_wait3A_227 = tpu.memref_slice %arg12[%rem3A_212, %dma_wait3A_226] : memref<2x1280xi32, #tpu.memory_space<vmem>> -> memref<1x1280xi32, #tpu.memory_space<vmem>>
      %dma_wait3A_228 = tpu.memref_squeeze %dma_wait3A_227 : memref<1x1280xi32, #tpu.memory_space<vmem>> -> memref<1280xi32, #tpu.memory_space<vmem>>
      %dma_wait3A_229 = tpu.memref_slice %arg5[%mul3A_216] : memref<320000xi32, #tpu.memory_space<hbm>> -> memref<1280xi32, #tpu.memory_space<hbm>>
      %dma_wait3A_230 = tpu.memref_slice %arg19[%rem3A_212] : memref<2x!tpu.dma_semaphore, #tpu.memory_space<semaphore_mem>> -> memref<1x!tpu.dma_semaphore, #tpu.memory_space<semaphore_mem>>
      %dma_wait3A_231 = tpu.memref_squeeze %dma_wait3A_230 : memref<1x!tpu.dma_semaphore, #tpu.memory_space<semaphore_mem>> -> memref<!tpu.dma_semaphore, #tpu.memory_space<semaphore_mem>>
      %dma_wait3A_232 = arith.constant 0 : i32
      %dma_wait3A_233 = tpu.memref_slice %arg12[%rem3A_212, %dma_wait3A_232] : memref<2x1280xi32, #tpu.memory_space<vmem>> -> memref<1x1280xi32, #tpu.memory_space<vmem>>
      %dma_wait3A_234 = tpu.memref_squeeze %dma_wait3A_233 : memref<1x1280xi32, #tpu.memory_space<vmem>> -> memref<1280xi32, #tpu.memory_space<vmem>>
      %dma_wait3A_235 = tpu.memref_slice %arg5[%mul3A_216] : memref<320000xi32, #tpu.memory_space<hbm>> -> memref<1280xi32, #tpu.memory_space<hbm>>
      tpu.wait_dma2 semaphore(%dma_wait3A_231 : memref<!tpu.dma_semaphore, #tpu.memory_space<semaphore_mem>>) src(%dma_wait3A_235 : memref<1280xi32, #tpu.memory_space<hbm>>) dst(%dma_wait3A_234 : memref<1280xi32, #tpu.memory_space<vmem>>)
      %add3A_236 = arith.constant 1 : i32
      %add3A_237 = arith.addi %scan3A_207, %add3A_236 : i32
      %lt3A = arith.constant 250 : i32
      %lt3A_238 = arith.cmpi slt, %add3A_237, %lt3A : i32
      %convert_element_type3A_239 = arith.extui %lt3A_238 : i1 to i32
      %cond3A_240 = arith.constant 0 : i32
      %cond3A_241 = arith.cmpi ne, %convert_element_type3A_239, %cond3A_240 : i32
      scf.if %cond3A_241 {
        %add3A_268 = arith.constant 1 : i32
        %add3A_269 = arith.addi %scan3A_207, %add3A_268 : i32
        %add3A_270 = arith.constant 1 : i32
        %add3A_271 = arith.addi %scan3A_207, %add3A_270 : i32
        %rem3A_272 = arith.constant 2 : i32
        %rem3A_273 = arith.remsi %add3A_271, %rem3A_272 : i32
        %mul3A_274 = arith.constant 1280 : i32
        %mul3A_275 = arith.muli %add3A_269, %mul3A_274 : i32
        %mul3A_276 = arith.constant 1280 : i32
        %mul3A_277 = arith.muli %add3A_269, %mul3A_276 : i32
        %dma_start3A_278 = arith.constant 0 : i32
        %dma_start3A_279 = tpu.memref_slice %arg11[%rem3A_273, %dma_start3A_278] : memref<2x1280xi32, #tpu.memory_space<vmem>> -> memref<1x1280xi32, #tpu.memory_space<vmem>>
        %dma_start3A_280 = tpu.memref_squeeze %dma_start3A_279 : memref<1x1280xi32, #tpu.memory_space<vmem>> -> memref<1280xi32, #tpu.memory_space<vmem>>
        %dma_start3A_281 = tpu.memref_slice %arg4[%mul3A_275] : memref<320000xi32, #tpu.memory_space<hbm>> -> memref<1280xi32, #tpu.memory_space<hbm>>
        %dma_start3A_282 = tpu.memref_slice %arg18[%rem3A_273] : memref<2x!tpu.dma_semaphore, #tpu.memory_space<semaphore_mem>> -> memref<1x!tpu.dma_semaphore, #tpu.memory_space<semaphore_mem>>
        %dma_start3A_283 = tpu.memref_squeeze %dma_start3A_282 : memref<1x!tpu.dma_semaphore, #tpu.memory_space<semaphore_mem>> -> memref<!tpu.dma_semaphore, #tpu.memory_space<semaphore_mem>>
        %dma_start3A_284 = arith.constant 0 : i32
        %dma_start3A_285 = tpu.memref_slice %arg11[%rem3A_273, %dma_start3A_284] : memref<2x1280xi32, #tpu.memory_space<vmem>> -> memref<1x1280xi32, #tpu.memory_space<vmem>>
        %dma_start3A_286 = tpu.memref_squeeze %dma_start3A_285 : memref<1x1280xi32, #tpu.memory_space<vmem>> -> memref<1280xi32, #tpu.memory_space<vmem>>
        %dma_start3A_287 = tpu.memref_slice %arg4[%mul3A_275] : memref<320000xi32, #tpu.memory_space<hbm>> -> memref<1280xi32, #tpu.memory_space<hbm>>
        tpu.enqueue_dma source(%dma_start3A_287 : memref<1280xi32, #tpu.memory_space<hbm>>) target(%dma_start3A_286 : memref<1280xi32, #tpu.memory_space<vmem>>) target_semaphore(%dma_start3A_283 : memref<!tpu.dma_semaphore, #tpu.memory_space<semaphore_mem>>)
        %dma_start3A_288 = arith.constant 0 : i32
        %dma_start3A_289 = tpu.memref_slice %arg12[%rem3A_273, %dma_start3A_288] : memref<2x1280xi32, #tpu.memory_space<vmem>> -> memref<1x1280xi32, #tpu.memory_space<vmem>>
        %dma_start3A_290 = tpu.memref_squeeze %dma_start3A_289 : memref<1x1280xi32, #tpu.memory_space<vmem>> -> memref<1280xi32, #tpu.memory_space<vmem>>
        %dma_start3A_291 = tpu.memref_slice %arg5[%mul3A_277] : memref<320000xi32, #tpu.memory_space<hbm>> -> memref<1280xi32, #tpu.memory_space<hbm>>
        %dma_start3A_292 = tpu.memref_slice %arg19[%rem3A_273] : memref<2x!tpu.dma_semaphore, #tpu.memory_space<semaphore_mem>> -> memref<1x!tpu.dma_semaphore, #tpu.memory_space<semaphore_mem>>
        %dma_start3A_293 = tpu.memref_squeeze %dma_start3A_292 : memref<1x!tpu.dma_semaphore, #tpu.memory_space<semaphore_mem>> -> memref<!tpu.dma_semaphore, #tpu.memory_space<semaphore_mem>>
        %dma_start3A_294 = arith.constant 0 : i32
        %dma_start3A_295 = tpu.memref_slice %arg12[%rem3A_273, %dma_start3A_294] : memref<2x1280xi32, #tpu.memory_space<vmem>> -> memref<1x1280xi32, #tpu.memory_space<vmem>>
        %dma_start3A_296 = tpu.memref_squeeze %dma_start3A_295 : memref<1x1280xi32, #tpu.memory_space<vmem>> -> memref<1280xi32, #tpu.memory_space<vmem>>
        %dma_start3A_297 = tpu.memref_slice %arg5[%mul3A_277] : memref<320000xi32, #tpu.memory_space<hbm>> -> memref<1280xi32, #tpu.memory_space<hbm>>
        tpu.enqueue_dma source(%dma_start3A_297 : memref<1280xi32, #tpu.memory_space<hbm>>) target(%dma_start3A_296 : memref<1280xi32, #tpu.memory_space<vmem>>) target_semaphore(%dma_start3A_293 : memref<!tpu.dma_semaphore, #tpu.memory_space<semaphore_mem>>)
      } else {
      }
      %scan3A_242 = arith.constant 0 : i32
      %scan3A_243 = arith.constant 20 : i32
      %scan3A_244 = arith.addi %scan3A_242, %scan3A_243 : i32
      %scan3A_245 = arith.constant 1 : i32
      %scan3A_246 = scf.for %scan3A_268 = %scan3A_242 to %scan3A_244 step %scan3A_245 iter_args(%scan3A_269 = %scan3A_208) -> (vector<16xi32>)  : i32 {
        %mul3A_270 = arith.constant 4 : i32
        %mul3A_271 = arith.muli %scan3A_268, %mul3A_270 : i32
        %add3A_272 = arith.constant 0 : i32
        %add3A_273 = arith.addi %mul3A_271, %add3A_272 : i32
        %mul3A_274 = arith.constant 16 : i32
        %mul3A_275 = arith.muli %add3A_273, %mul3A_274 : i32
        %get3A = arith.index_cast %rem3A_212 : i32 to index
        %get3A_276 = arith.index_cast %mul3A_275 : i32 to index
        %get3A_277 = tpu.vector_load %arg11[%get3A, %get3A_276] {strides = array<i32>} : memref<2x1280xi32, #tpu.memory_space<vmem>>, vector<16xi32>,
        %mul3A_278 = arith.constant 16 : i32
        %mul3A_279 = arith.muli %add3A_273, %mul3A_278 : i32
        %get3A_280 = arith.index_cast %rem3A_212 : i32 to index
        %get3A_281 = arith.index_cast %mul3A_279 : i32 to index
        %get3A_282 = tpu.vector_load %arg12[%get3A_280, %get3A_281] {strides = array<i32>} : memref<2x1280xi32, #tpu.memory_space<vmem>>, vector<16xi32>,
        %sub3A = vector.broadcast %mul3A_2 : i32 to vector<16xi32>
        %sub3A_283 = arith.subi %get3A_277, %sub3A : vector<16xi32>
        %ge3A_284 = arith.constant 0 : i32
        %ge3A_285 = vector.broadcast %ge3A_284 : i32 to vector<16xi32>
        %ge3A_286 = arith.cmpi sge, %sub3A_283, %ge3A_285 : vector<16xi32>
        %lt3A_287 = arith.constant 320 : i32
        %lt3A_288 = vector.broadcast %lt3A_287 : i32 to vector<16xi32>
        %lt3A_289 = arith.cmpi slt, %sub3A_283, %lt3A_288 : vector<16xi32>
        %and3A_290 = arith.andi %ge3A_286, %lt3A_289 : vector<16xi1>
        %convert_element_type3A_291 = arith.extui %and3A_290 : vector<16xi1> to vector<16xi32>
        %broadcast_in_dim3A_292 = arith.constant true
        %broadcast_in_dim3A_293 = vector.broadcast %broadcast_in_dim3A_292 : i1 to vector<16xi1>
        %masked_cumsum3A = tpu.scan <sum>, %convert_element_type3A_291 masked %broadcast_in_dim3A_293 : vector<16xi32>, vector<16xi1> -> vector<16xi32>
        %mul3A_294 = arith.constant 4 : i32
        %mul3A_295 = arith.muli %scan3A_268, %mul3A_294 : i32
        %add3A_296 = arith.constant 1 : i32
        %add3A_297 = arith.addi %mul3A_295, %add3A_296 : i32
        %mul3A_298 = arith.constant 16 : i32
        %mul3A_299 = arith.muli %add3A_297, %mul3A_298 : i32
        %get3A_300 = arith.index_cast %rem3A_212 : i32 to index
        %get3A_301 = arith.index_cast %mul3A_299 : i32 to index
        %get3A_302 = tpu.vector_load %arg11[%get3A_300, %get3A_301] {strides = array<i32>} : memref<2x1280xi32, #tpu.memory_space<vmem>>, vector<16xi32>,
        %mul3A_303 = arith.constant 16 : i32
        %mul3A_304 = arith.muli %add3A_297, %mul3A_303 : i32
        %get3A_305 = arith.index_cast %rem3A_212 : i32 to index
        %get3A_306 = arith.index_cast %mul3A_304 : i32 to index
        %get3A_307 = tpu.vector_load %arg12[%get3A_305, %get3A_306] {strides = array<i32>} : memref<2x1280xi32, #tpu.memory_space<vmem>>, vector<16xi32>,
        %sub3A_308 = vector.broadcast %mul3A_2 : i32 to vector<16xi32>
        %sub3A_309 = arith.subi %get3A_302, %sub3A_308 : vector<16xi32>
        %ge3A_310 = arith.constant 0 : i32
        %ge3A_311 = vector.broadcast %ge3A_310 : i32 to vector<16xi32>
        %ge3A_312 = arith.cmpi sge, %sub3A_309, %ge3A_311 : vector<16xi32>
        %lt3A_313 = arith.constant 320 : i32
        %lt3A_314 = vector.broadcast %lt3A_313 : i32 to vector<16xi32>
        %lt3A_315 = arith.cmpi slt, %sub3A_309, %lt3A_314 : vector<16xi32>
        %and3A_316 = arith.andi %ge3A_312, %lt3A_315 : vector<16xi1>
        %convert_element_type3A_317 = arith.extui %and3A_316 : vector<16xi1> to vector<16xi32>
        %broadcast_in_dim3A_318 = arith.constant true
        %broadcast_in_dim3A_319 = vector.broadcast %broadcast_in_dim3A_318 : i1 to vector<16xi1>
        %masked_cumsum3A_320 = tpu.scan <sum>, %convert_element_type3A_317 masked %broadcast_in_dim3A_319 : vector<16xi32>, vector<16xi1> -> vector<16xi32>
        %mul3A_321 = arith.constant 4 : i32
        %mul3A_322 = arith.muli %scan3A_268, %mul3A_321 : i32
        %add3A_323 = arith.constant 2 : i32
        %add3A_324 = arith.addi %mul3A_322, %add3A_323 : i32
        %mul3A_325 = arith.constant 16 : i32
        %mul3A_326 = arith.muli %add3A_324, %mul3A_325 : i32
        %get3A_327 = arith.index_cast %rem3A_212 : i32 to index
        %get3A_328 = arith.index_cast %mul3A_326 : i32 to index
        %get3A_329 = tpu.vector_load %arg11[%get3A_327, %get3A_328] {strides = array<i32>} : memref<2x1280xi32, #tpu.memory_space<vmem>>, vector<16xi32>,
        %mul3A_330 = arith.constant 16 : i32
        %mul3A_331 = arith.muli %add3A_324, %mul3A_330 : i32
        %get3A_332 = arith.index_cast %rem3A_212 : i32 to index
        %get3A_333 = arith.index_cast %mul3A_331 : i32 to index
        %get3A_334 = tpu.vector_load %arg12[%get3A_332, %get3A_333] {strides = array<i32>} : memref<2x1280xi32, #tpu.memory_space<vmem>>, vector<16xi32>,
        %sub3A_335 = vector.broadcast %mul3A_2 : i32 to vector<16xi32>
        %sub3A_336 = arith.subi %get3A_329, %sub3A_335 : vector<16xi32>
        %ge3A_337 = arith.constant 0 : i32
        %ge3A_338 = vector.broadcast %ge3A_337 : i32 to vector<16xi32>
        %ge3A_339 = arith.cmpi sge, %sub3A_336, %ge3A_338 : vector<16xi32>
        %lt3A_340 = arith.constant 320 : i32
        %lt3A_341 = vector.broadcast %lt3A_340 : i32 to vector<16xi32>
        %lt3A_342 = arith.cmpi slt, %sub3A_336, %lt3A_341 : vector<16xi32>
        %and3A_343 = arith.andi %ge3A_339, %lt3A_342 : vector<16xi1>
        %convert_element_type3A_344 = arith.extui %and3A_343 : vector<16xi1> to vector<16xi32>
        %broadcast_in_dim3A_345 = arith.constant true
        %broadcast_in_dim3A_346 = vector.broadcast %broadcast_in_dim3A_345 : i1 to vector<16xi1>
        %masked_cumsum3A_347 = tpu.scan <sum>, %convert_element_type3A_344 masked %broadcast_in_dim3A_346 : vector<16xi32>, vector<16xi1> -> vector<16xi32>
        %mul3A_348 = arith.constant 4 : i32
        %mul3A_349 = arith.muli %scan3A_268, %mul3A_348 : i32
        %add3A_350 = arith.constant 3 : i32
        %add3A_351 = arith.addi %mul3A_349, %add3A_350 : i32
        %mul3A_352 = arith.constant 16 : i32
        %mul3A_353 = arith.muli %add3A_351, %mul3A_352 : i32
        %get3A_354 = arith.index_cast %rem3A_212 : i32 to index
        %get3A_355 = arith.index_cast %mul3A_353 : i32 to index
        %get3A_356 = tpu.vector_load %arg11[%get3A_354, %get3A_355] {strides = array<i32>} : memref<2x1280xi32, #tpu.memory_space<vmem>>, vector<16xi32>,
        %mul3A_357 = arith.constant 16 : i32
        %mul3A_358 = arith.muli %add3A_351, %mul3A_357 : i32
        %get3A_359 = arith.index_cast %rem3A_212 : i32 to index
        %get3A_360 = arith.index_cast %mul3A_358 : i32 to index
        %get3A_361 = tpu.vector_load %arg12[%get3A_359, %get3A_360] {strides = array<i32>} : memref<2x1280xi32, #tpu.memory_space<vmem>>, vector<16xi32>,
        %sub3A_362 = vector.broadcast %mul3A_2 : i32 to vector<16xi32>
        %sub3A_363 = arith.subi %get3A_356, %sub3A_362 : vector<16xi32>
        %ge3A_364 = arith.constant 0 : i32
        %ge3A_365 = vector.broadcast %ge3A_364 : i32 to vector<16xi32>
        %ge3A_366 = arith.cmpi sge, %sub3A_363, %ge3A_365 : vector<16xi32>
        %lt3A_367 = arith.constant 320 : i32
        %lt3A_368 = vector.broadcast %lt3A_367 : i32 to vector<16xi32>
        %lt3A_369 = arith.cmpi slt, %sub3A_363, %lt3A_368 : vector<16xi32>
        %and3A_370 = arith.andi %ge3A_366, %lt3A_369 : vector<16xi1>
        %convert_element_type3A_371 = arith.extui %and3A_370 : vector<16xi1> to vector<16xi32>
        %broadcast_in_dim3A_372 = arith.constant true
        %broadcast_in_dim3A_373 = vector.broadcast %broadcast_in_dim3A_372 : i1 to vector<16xi1>
        %masked_cumsum3A_374 = tpu.scan <sum>, %convert_element_type3A_371 masked %broadcast_in_dim3A_373 : vector<16xi32>, vector<16xi1> -> vector<16xi32>
        %convert_element_type3A_375 = arith.extui %and3A_290 : vector<16xi1> to vector<16xi32>
        %sub3A_376 = arith.subi %masked_cumsum3A, %convert_element_type3A_375 : vector<16xi32>
        %add3A_377 = arith.addi %scan3A_269, %sub3A_376 : vector<16xi32>
        %broadcast_in_dim3A_378 = arith.constant 15 : i32
        %broadcast_in_dim3A_379 = vector.broadcast %broadcast_in_dim3A_378 : i32 to vector<16xi32>
        %lt3A_380 = arith.constant 0 : i32
        %lt3A_381 = vector.broadcast %lt3A_380 : i32 to vector<16xi32>
        %lt3A_382 = arith.cmpi slt, %broadcast_in_dim3A_379, %lt3A_381 : vector<16xi32>
        %add3A_383 = arith.constant 16 : i32
        %add3A_384 = vector.broadcast %add3A_383 : i32 to vector<16xi32>
        %add3A_385 = arith.addi %broadcast_in_dim3A_379, %add3A_384 : vector<16xi32>
        %select_n3A = arith.select %lt3A_382, %add3A_385, %broadcast_in_dim3A_379 : vector<16xi1>, vector<16xi32>
        %broadcast_in_dim3A_386 = vector.shape_cast %select_n3A : vector<16xi32> to vector<16x1xi32>
        %gather3A = vector.shape_cast %broadcast_in_dim3A_386 : vector<16x1xi32> to vector<16xi32>
        %gather3A_387 = tpu.dynamic_gather %masked_cumsum3A[%gather3A] in [0] : vector<16xi32>, vector<16xi32> -> vector<16xi32>
        %add3A_388 = arith.addi %scan3A_269, %gather3A_387 : vector<16xi32>
        %convert_element_type3A_389 = arith.extui %and3A_316 : vector<16xi1> to vector<16xi32>
        %sub3A_390 = arith.subi %masked_cumsum3A_320, %convert_element_type3A_389 : vector<16xi32>
        %add3A_391 = arith.addi %add3A_388, %sub3A_390 : vector<16xi32>
        %broadcast_in_dim3A_392 = arith.constant 15 : i32
        %broadcast_in_dim3A_393 = vector.broadcast %broadcast_in_dim3A_392 : i32 to vector<16xi32>
        %lt3A_394 = arith.constant 0 : i32
        %lt3A_395 = vector.broadcast %lt3A_394 : i32 to vector<16xi32>
        %lt3A_396 = arith.cmpi slt, %broadcast_in_dim3A_393, %lt3A_395 : vector<16xi32>
        %add3A_397 = arith.constant 16 : i32
        %add3A_398 = vector.broadcast %add3A_397 : i32 to vector<16xi32>
        %add3A_399 = arith.addi %broadcast_in_dim3A_393, %add3A_398 : vector<16xi32>
        %select_n3A_400 = arith.select %lt3A_396, %add3A_399, %broadcast_in_dim3A_393 : vector<16xi1>, vector<16xi32>
        %broadcast_in_dim3A_401 = vector.shape_cast %select_n3A_400 : vector<16xi32> to vector<16x1xi32>
        %gather3A_402 = vector.shape_cast %broadcast_in_dim3A_401 : vector<16x1xi32> to vector<16xi32>
        %gather3A_403 = tpu.dynamic_gather %masked_cumsum3A_320[%gather3A_402] in [0] : vector<16xi32>, vector<16xi32> -> vector<16xi32>
        %add3A_404 = arith.addi %add3A_388, %gather3A_403 : vector<16xi32>
        %convert_element_type3A_405 = arith.extui %and3A_343 : vector<16xi1> to vector<16xi32>
        %sub3A_406 = arith.subi %masked_cumsum3A_347, %convert_element_type3A_405 : vector<16xi32>
        %add3A_407 = arith.addi %add3A_404, %sub3A_406 : vector<16xi32>
        %broadcast_in_dim3A_408 = arith.constant 15 : i32
        %broadcast_in_dim3A_409 = vector.broadcast %broadcast_in_dim3A_408 : i32 to vector<16xi32>
        %lt3A_410 = arith.constant 0 : i32
        %lt3A_411 = vector.broadcast %lt3A_410 : i32 to vector<16xi32>
        %lt3A_412 = arith.cmpi slt, %broadcast_in_dim3A_409, %lt3A_411 : vector<16xi32>
        %add3A_413 = arith.constant 16 : i32
        %add3A_414 = vector.broadcast %add3A_413 : i32 to vector<16xi32>
        %add3A_415 = arith.addi %broadcast_in_dim3A_409, %add3A_414 : vector<16xi32>
        %select_n3A_416 = arith.select %lt3A_412, %add3A_415, %broadcast_in_dim3A_409 : vector<16xi1>, vector<16xi32>
        %broadcast_in_dim3A_417 = vector.shape_cast %select_n3A_416 : vector<16xi32> to vector<16x1xi32>
        %gather3A_418 = vector.shape_cast %broadcast_in_dim3A_417 : vector<16x1xi32> to vector<16xi32>
        %gather3A_419 = tpu.dynamic_gather %masked_cumsum3A_347[%gather3A_418] in [0] : vector<16xi32>, vector<16xi32> -> vector<16xi32>
        %add3A_420 = arith.addi %add3A_404, %gather3A_419 : vector<16xi32>
        %convert_element_type3A_421 = arith.extui %and3A_370 : vector<16xi1> to vector<16xi32>
        %sub3A_422 = arith.subi %masked_cumsum3A_374, %convert_element_type3A_421 : vector<16xi32>
        %add3A_423 = arith.addi %add3A_420, %sub3A_422 : vector<16xi32>
        %broadcast_in_dim3A_424 = arith.constant 15 : i32
        %broadcast_in_dim3A_425 = vector.broadcast %broadcast_in_dim3A_424 : i32 to vector<16xi32>
        %lt3A_426 = arith.constant 0 : i32
        %lt3A_427 = vector.broadcast %lt3A_426 : i32 to vector<16xi32>
        %lt3A_428 = arith.cmpi slt, %broadcast_in_dim3A_425, %lt3A_427 : vector<16xi32>
        %add3A_429 = arith.constant 16 : i32
        %add3A_430 = vector.broadcast %add3A_429 : i32 to vector<16xi32>
        %add3A_431 = arith.addi %broadcast_in_dim3A_425, %add3A_430 : vector<16xi32>
        %select_n3A_432 = arith.select %lt3A_428, %add3A_431, %broadcast_in_dim3A_425 : vector<16xi1>, vector<16xi32>
        %broadcast_in_dim3A_433 = vector.shape_cast %select_n3A_432 : vector<16xi32> to vector<16x1xi32>
        %gather3A_434 = vector.shape_cast %broadcast_in_dim3A_433 : vector<16x1xi32> to vector<16xi32>
        %gather3A_435 = tpu.dynamic_gather %masked_cumsum3A_374[%gather3A_434] in [0] : vector<16xi32>, vector<16xi32> -> vector<16xi32>
        %add3A_436 = arith.addi %add3A_420, %gather3A_435 : vector<16xi32>
        tpu.vector_store_idx %arg13[%add3A_377], %sub3A_283 masked %and3A_290 : memref<400xi32, #tpu.memory_space<vmem>>[vector<16xi32>], vector<16xi32>, vector<16xi1>
        tpu.vector_store_idx %arg14[%add3A_377], %get3A_282 masked %and3A_290 : memref<400xi32, #tpu.memory_space<vmem>>[vector<16xi32>], vector<16xi32>, vector<16xi1>
        tpu.vector_store_idx %arg13[%add3A_391], %sub3A_309 masked %and3A_316 : memref<400xi32, #tpu.memory_space<vmem>>[vector<16xi32>], vector<16xi32>, vector<16xi1>
        tpu.vector_store_idx %arg14[%add3A_391], %get3A_307 masked %and3A_316 : memref<400xi32, #tpu.memory_space<vmem>>[vector<16xi32>], vector<16xi32>, vector<16xi1>
        tpu.vector_store_idx %arg13[%add3A_407], %sub3A_336 masked %and3A_343 : memref<400xi32, #tpu.memory_space<vmem>>[vector<16xi32>], vector<16xi32>, vector<16xi1>
        tpu.vector_store_idx %arg14[%add3A_407], %get3A_334 masked %and3A_343 : memref<400xi32, #tpu.memory_space<vmem>>[vector<16xi32>], vector<16xi32>, vector<16xi1>
        tpu.vector_store_idx %arg13[%add3A_423], %sub3A_363 masked %and3A_370 : memref<400xi32, #tpu.memory_space<vmem>>[vector<16xi32>], vector<16xi32>, vector<16xi1>
        tpu.vector_store_idx %arg14[%add3A_423], %get3A_361 masked %and3A_370 : memref<400xi32, #tpu.memory_space<vmem>>[vector<16xi32>], vector<16xi32>, vector<16xi1>
        scf.yield %add3A_436 : vector<16xi32>
      }
      %scan3A_247 = arith.constant 20 : i32
      %reduce_max3A_248 = arith.constant true
      %reduce_max3A_249 = vector.broadcast %reduce_max3A_248 : i1 to vector<16xi1>
      %reduce_max3A_250 = arith.constant -2147483648 : i32
      %reduce_max3A_251 = vector.broadcast %reduce_max3A_250 : i32 to vector<16xi32>
      %reduce_max3A_252 = arith.xori %scan3A_246, %reduce_max3A_251 : vector<16xi32>
      %reduce_max3A_253 = tpu.scan <max>, %reduce_max3A_252 masked %reduce_max3A_249 : vector<16xi32>, vector<16xi1> -> vector<16xi32>
      %reduce_max3A_254 = arith.xori %reduce_max3A_253, %reduce_max3A_251 : vector<16xi32>
      %reduce_max3A_255 = vector.extract %reduce_max3A_254[15] : i32 from vector<16xi32>
      %eq3A = arith.constant 2 : i32
      %eq3A_256 = arith.cmpi eq, %scan3A_209, %eq3A : i32
      %convert_element_type3A_257 = arith.extui %eq3A_256 : i1 to i32
      %cond3A_258 = arith.constant 0 : i32
      %cond3A_259 = arith.cmpi ne, %convert_element_type3A_257, %cond3A_258 : i32
      %cond3A_260:2 = scf.if %cond3A_259 -> (i32, i32) {
        %mul3A_268 = arith.constant 80 : i32
        %mul3A_269 = arith.muli %scan3A_210, %mul3A_268 : i32
        %dma_wait3A_270 = arith.constant 0 : i32
        %dma_wait3A_271 = tpu.memref_slice %arg10[%mul3A_269, %dma_wait3A_270] : memref<160x256xf32, #tpu.memory_space<vmem>> -> memref<80x256xf32, #tpu.memory_space<vmem>>
        %dma_wait3A_272 = arith.constant 0 : i32
        %dma_wait3A_273 = tpu.memref_slice %arg16[%scan3A_210, %dma_wait3A_272] : memref<2x80xi32, #tpu.memory_space<vmem>> -> memref<1x80xi32, #tpu.memory_space<vmem>>
        %dma_wait3A_274 = tpu.memref_squeeze %dma_wait3A_273 : memref<1x80xi32, #tpu.memory_space<vmem>> -> memref<80xi32, #tpu.memory_space<vmem>>
        %dma_wait3A_275 = arith.constant 0 : i32
        %dma_wait3A_276 = arith.constant 0 : i32
        %dma_wait3A_277 = tpu.memref_slice %arg3[%dma_wait3A_275, %dma_wait3A_276] : memref<10240x256xf32, #tpu.memory_space<hbm>> -> memref<10240x256xf32, #tpu.memory_space<hbm>>
        %dma_wait3A_278 = tpu.memref_slice %arg20[%scan3A_210] : memref<2x!tpu.dma_semaphore, #tpu.memory_space<semaphore_mem>> -> memref<1x!tpu.dma_semaphore, #tpu.memory_space<semaphore_mem>>
        %dma_wait3A_279 = tpu.memref_squeeze %dma_wait3A_278 : memref<1x!tpu.dma_semaphore, #tpu.memory_space<semaphore_mem>> -> memref<!tpu.dma_semaphore, #tpu.memory_space<semaphore_mem>>
        tpu.wait_indirect_dma semaphore(%dma_wait3A_279 : memref<!tpu.dma_semaphore, #tpu.memory_space<semaphore_mem>>) src(%dma_wait3A_277 : memref<10240x256xf32, #tpu.memory_space<hbm>>) dst(%dma_wait3A_271 : memref<80x256xf32, #tpu.memory_space<vmem>>)
        %scan3A_280 = arith.constant 80 : i32
        %scan3A_281 = arith.constant 0 : i32
        %scan3A_282 = arith.constant 0 : i32
        %scan3A_283 = arith.constant 5 : i32
        %scan3A_284 = arith.addi %scan3A_282, %scan3A_283 : i32
        %scan3A_285 = arith.constant 1 : i32
        %scan3A_286 = scf.for %scan3A_293 = %scan3A_282 to %scan3A_284 step %scan3A_285 iter_args(%scan3A_294 = %scan3A_281) -> (i32)  : i32 {
          %mul3A_295 = arith.constant 16 : i32
          %mul3A_296 = arith.muli %scan3A_293, %mul3A_295 : i32
          %get3A = arith.index_cast %scan3A_210 : i32 to index
          %get3A_297 = arith.index_cast %mul3A_296 : i32 to index
          %get3A_298 = tpu.vector_load %arg15[%get3A, %get3A_297] {strides = array<i32>} : memref<2x80xi32, #tpu.memory_space<vmem>>, vector<16xi32>,
          %jit3A = arith.constant 0 : i32
          %jit3A_299 = arith.constant 319 : i32
          %max3A = vector.broadcast %jit3A : i32 to vector<16xi32>
          %max3A_300 = arith.maxsi %max3A, %get3A_298 : vector<16xi32>
          %min3A = vector.broadcast %jit3A_299 : i32 to vector<16xi32>
          %min3A_301 = arith.minsi %min3A, %max3A_300 : vector<16xi32>
          %mul3A_302 = arith.constant 128 : i32
          %mul3A_303 = vector.broadcast %mul3A_302 : i32 to vector<16xi32>
          %mul3A_304 = arith.muli %min3A_301, %mul3A_303 : vector<16xi32>
          %scan3A_305 = arith.constant 0 : i32
          %scan3A_306 = arith.constant 8 : i32
          %scan3A_307 = arith.addi %scan3A_305, %scan3A_306 : i32
          %scan3A_308 = arith.constant 1 : i32
          %scan3A_309 = scf.for %scan3A_375 = %scan3A_305 to %scan3A_307 step %scan3A_308 iter_args(%scan3A_376 = %broadcast_in_dim3A_3) -> (vector<16xf32>)  : i32 {
            %mul3A_377 = arith.constant 2 : i32
            %mul3A_378 = arith.muli %mul3A_377, %scan3A_375 : i32
            %add3A_379 = arith.constant 0 : i32
            %add3A_380 = arith.addi %mul3A_378, %add3A_379 : i32
            %broadcast_in_dim3A_381 = vector.broadcast %add3A_380 : i32 to vector<16xi32>
            %lt3A_382 = arith.constant 0 : i32
            %lt3A_383 = vector.broadcast %lt3A_382 : i32 to vector<16xi32>
            %lt3A_384 = arith.cmpi slt, %broadcast_in_dim3A_381, %lt3A_383 : vector<16xi32>
            %add3A_385 = arith.constant 16 : i32
            %add3A_386 = vector.broadcast %add3A_385 : i32 to vector<16xi32>
            %add3A_387 = arith.addi %broadcast_in_dim3A_381, %add3A_386 : vector<16xi32>
            %select_n3A_388 = arith.select %lt3A_384, %add3A_387, %broadcast_in_dim3A_381 : vector<16xi1>, vector<16xi32>
            %broadcast_in_dim3A_389 = vector.shape_cast %select_n3A_388 : vector<16xi32> to vector<16x1xi32>
            %gather3A = vector.shape_cast %broadcast_in_dim3A_389 : vector<16x1xi32> to vector<16xi32>
            %gather3A_390 = tpu.dynamic_gather %mul3A_304[%gather3A] in [0] : vector<16xi32>, vector<16xi32> -> vector<16xi32>
            %add3A_391 = arith.addi %gather3A_390, %add3A_122 : vector<16xi32>
            %gather3A_392 = tpu.vector_load_idx %arg8[%add3A_391] : memref<40960xf32, #tpu.memory_space<vmem>>[vector<16xi32>], vector<16xf32>,
            %mul3A_393 = arith.constant 80 : i32
            %mul3A_394 = arith.muli %scan3A_210, %mul3A_393 : i32
            %mul3A_395 = arith.constant 16 : i32
            %mul3A_396 = arith.muli %scan3A_293, %mul3A_395 : i32
            %add3A_397 = arith.addi %mul3A_394, %mul3A_396 : i32
            %add3A_398 = arith.addi %add3A_397, %add3A_380 : i32
            %get3A_399 = arith.index_cast %add3A_398 : i32 to index
            %get3A_400 = arith.constant 0 : index
            %get3A_401 = tpu.vector_load %arg10[%get3A_399, %get3A_400] {strides = array<i32>} : memref<160x256xf32, #tpu.memory_space<vmem>>, vector<16xf32>,
            %mul3A_402 = arith.mulf %gather3A_392, %get3A_401 : vector<16xf32>
            %add3A_403 = arith.addf %broadcast_in_dim3A_3, %mul3A_402 : vector<16xf32>
            %add3A_404 = arith.addi %gather3A_390, %add3A_125 : vector<16xi32>
            %gather3A_405 = tpu.vector_load_idx %arg8[%add3A_404] : memref<40960xf32, #tpu.memory_space<vmem>>[vector<16xi32>], vector<16xf32>,
            %mul3A_406 = arith.constant 80 : i32
            %mul3A_407 = arith.muli %scan3A_210, %mul3A_406 : i32
            %mul3A_408 = arith.constant 16 : i32
            %mul3A_409 = arith.muli %scan3A_293, %mul3A_408 : i32
            %add3A_410 = arith.addi %mul3A_407, %mul3A_409 : i32
            %add3A_411 = arith.addi %add3A_410, %add3A_380 : i32
            %get3A_412 = arith.index_cast %add3A_411 : i32 to index
            %get3A_413 = arith.constant 16 : index
            %get3A_414 = tpu.vector_load %arg10[%get3A_412, %get3A_413] {strides = array<i32>} : memref<160x256xf32, #tpu.memory_space<vmem>>, vector<16xf32>,
            %mul3A_415 = arith.mulf %gather3A_405, %get3A_414 : vector<16xf32>
            %add3A_416 = arith.addf %broadcast_in_dim3A_3, %mul3A_415 : vector<16xf32>
            %add3A_417 = arith.addi %gather3A_390, %add3A_128 : vector<16xi32>
            %gather3A_418 = tpu.vector_load_idx %arg8[%add3A_417] : memref<40960xf32, #tpu.memory_space<vmem>>[vector<16xi32>], vector<16xf32>,
            %mul3A_419 = arith.constant 80 : i32
            %mul3A_420 = arith.muli %scan3A_210, %mul3A_419 : i32
            %mul3A_421 = arith.constant 16 : i32
            %mul3A_422 = arith.muli %scan3A_293, %mul3A_421 : i32
            %add3A_423 = arith.addi %mul3A_420, %mul3A_422 : i32
            %add3A_424 = arith.addi %add3A_423, %add3A_380 : i32
            %get3A_425 = arith.index_cast %add3A_424 : i32 to index
            %get3A_426 = arith.constant 32 : index
            %get3A_427 = tpu.vector_load %arg10[%get3A_425, %get3A_426] {strides = array<i32>} : memref<160x256xf32, #tpu.memory_space<vmem>>, vector<16xf32>,
            %mul3A_428 = arith.mulf %gather3A_418, %get3A_427 : vector<16xf32>
            %add3A_429 = arith.addf %add3A_403, %mul3A_428 : vector<16xf32>
            %add3A_430 = arith.addi %gather3A_390, %add3A_131 : vector<16xi32>
            %gather3A_431 = tpu.vector_load_idx %arg8[%add3A_430] : memref<40960xf32, #tpu.memory_space<vmem>>[vector<16xi32>], vector<16xf32>,
            %mul3A_432 = arith.constant 80 : i32
            %mul3A_433 = arith.muli %scan3A_210, %mul3A_432 : i32
            %mul3A_434 = arith.constant 16 : i32
            %mul3A_435 = arith.muli %scan3A_293, %mul3A_434 : i32
            %add3A_436 = arith.addi %mul3A_433, %mul3A_435 : i32
            %add3A_437 = arith.addi %add3A_436, %add3A_380 : i32
            %get3A_438 = arith.index_cast %add3A_437 : i32 to index
            %get3A_439 = arith.constant 48 : index
            %get3A_440 = tpu.vector_load %arg10[%get3A_438, %get3A_439] {strides = array<i32>} : memref<160x256xf32, #tpu.memory_space<vmem>>, vector<16xf32>,
            %mul3A_441 = arith.mulf %gather3A_431, %get3A_440 : vector<16xf32>
            %add3A_442 = arith.addf %add3A_416, %mul3A_441 : vector<16xf32>
            %add3A_443 = arith.addi %gather3A_390, %add3A_134 : vector<16xi32>
            %gather3A_444 = tpu.vector_load_idx %arg8[%add3A_443] : memref<40960xf32, #tpu.memory_space<vmem>>[vector<16xi32>], vector<16xf32>,
            %mul3A_445 = arith.constant 80 : i32
            %mul3A_446 = arith.muli %scan3A_210, %mul3A_445 : i32
            %mul3A_447 = arith.constant 16 : i32
            %mul3A_448 = arith.muli %scan3A_293, %mul3A_447 : i32
            %add3A_449 = arith.addi %mul3A_446, %mul3A_448 : i32
            %add3A_450 = arith.addi %add3A_449, %add3A_380 : i32
            %get3A_451 = arith.index_cast %add3A_450 : i32 to index
            %get3A_452 = arith.constant 64 : index
            %get3A_453 = tpu.vector_load %arg10[%get3A_451, %get3A_452] {strides = array<i32>} : memref<160x256xf32, #tpu.memory_space<vmem>>, vector<16xf32>,
            %mul3A_454 = arith.mulf %gather3A_444, %get3A_453 : vector<16xf32>
            %add3A_455 = arith.addf %add3A_429, %mul3A_454 : vector<16xf32>
            %add3A_456 = arith.addi %gather3A_390, %add3A_137 : vector<16xi32>
            %gather3A_457 = tpu.vector_load_idx %arg8[%add3A_456] : memref<40960xf32, #tpu.memory_space<vmem>>[vector<16xi32>], vector<16xf32>,
            %mul3A_458 = arith.constant 80 : i32
            %mul3A_459 = arith.muli %scan3A_210, %mul3A_458 : i32
            %mul3A_460 = arith.constant 16 : i32
            %mul3A_461 = arith.muli %scan3A_293, %mul3A_460 : i32
            %add3A_462 = arith.addi %mul3A_459, %mul3A_461 : i32
            %add3A_463 = arith.addi %add3A_462, %add3A_380 : i32
            %get3A_464 = arith.index_cast %add3A_463 : i32 to index
            %get3A_465 = arith.constant 80 : index
            %get3A_466 = tpu.vector_load %arg10[%get3A_464, %get3A_465] {strides = array<i32>} : memref<160x256xf32, #tpu.memory_space<vmem>>, vector<16xf32>,
            %mul3A_467 = arith.mulf %gather3A_457, %get3A_466 : vector<16xf32>
            %add3A_468 = arith.addf %add3A_442, %mul3A_467 : vector<16xf32>
            %add3A_469 = arith.addi %gather3A_390, %add3A_140 : vector<16xi32>
            %gather3A_470 = tpu.vector_load_idx %arg8[%add3A_469] : memref<40960xf32, #tpu.memory_space<vmem>>[vector<16xi32>], vector<16xf32>,
            %mul3A_471 = arith.constant 80 : i32
            %mul3A_472 = arith.muli %scan3A_210, %mul3A_471 : i32
            %mul3A_473 = arith.constant 16 : i32
            %mul3A_474 = arith.muli %scan3A_293, %mul3A_473 : i32
            %add3A_475 = arith.addi %mul3A_472, %mul3A_474 : i32
            %add3A_476 = arith.addi %add3A_475, %add3A_380 : i32
            %get3A_477 = arith.index_cast %add3A_476 : i32 to index
            %get3A_478 = arith.constant 96 : index
            %get3A_479 = tpu.vector_load %arg10[%get3A_477, %get3A_478] {strides = array<i32>} : memref<160x256xf32, #tpu.memory_space<vmem>>, vector<16xf32>,
            %mul3A_480 = arith.mulf %gather3A_470, %get3A_479 : vector<16xf32>
            %add3A_481 = arith.addf %add3A_455, %mul3A_480 : vector<16xf32>
            %add3A_482 = arith.addi %gather3A_390, %add3A_143 : vector<16xi32>
            %gather3A_483 = tpu.vector_load_idx %arg8[%add3A_482] : memref<40960xf32, #tpu.memory_space<vmem>>[vector<16xi32>], vector<16xf32>,
            %mul3A_484 = arith.constant 80 : i32
            %mul3A_485 = arith.muli %scan3A_210, %mul3A_484 : i32
            %mul3A_486 = arith.constant 16 : i32
            %mul3A_487 = arith.muli %scan3A_293, %mul3A_486 : i32
            %add3A_488 = arith.addi %mul3A_485, %mul3A_487 : i32
            %add3A_489 = arith.addi %add3A_488, %add3A_380 : i32
            %get3A_490 = arith.index_cast %add3A_489 : i32 to index
            %get3A_491 = arith.constant 112 : index
            %get3A_492 = tpu.vector_load %arg10[%get3A_490, %get3A_491] {strides = array<i32>} : memref<160x256xf32, #tpu.memory_space<vmem>>, vector<16xf32>,
            %mul3A_493 = arith.mulf %gather3A_483, %get3A_492 : vector<16xf32>
            %add3A_494 = arith.addf %add3A_468, %mul3A_493 : vector<16xf32>
            %add3A_495 = arith.addf %add3A_481, %add3A_494 : vector<16xf32>
            %reduce_sum3A = arith.constant true
            %reduce_sum3A_496 = vector.broadcast %reduce_sum3A : i1 to vector<16xi1>
            %reduce_sum3A_497 = tpu.scan <sum>, %add3A_495 masked %reduce_sum3A_496 : vector<16xf32>, vector<16xi1> -> vector<16xf32>
            %reduce_sum3A_498 = vector.extract %reduce_sum3A_497[15] : f32 from vector<16xf32>
            %eq3A_499 = vector.broadcast %add3A_380 : i32 to vector<16xi32>
            %eq3A_500 = arith.cmpi eq, %iota3A, %eq3A_499 : vector<16xi32>
            %broadcast_in_dim3A_501 = vector.broadcast %reduce_sum3A_498 : f32 to vector<16xf32>
            %select_n3A_502 = arith.select %eq3A_500, %broadcast_in_dim3A_501, %scan3A_376 : vector<16xi1>, vector<16xf32>
            %mul3A_503 = arith.constant 2 : i32
            %mul3A_504 = arith.muli %mul3A_503, %scan3A_375 : i32
            %add3A_505 = arith.constant 1 : i32
            %add3A_506 = arith.addi %mul3A_504, %add3A_505 : i32
            %broadcast_in_dim3A_507 = vector.broadcast %add3A_506 : i32 to vector<16xi32>
            %lt3A_508 = arith.constant 0 : i32
            %lt3A_509 = vector.broadcast %lt3A_508 : i32 to vector<16xi32>
            %lt3A_510 = arith.cmpi slt, %broadcast_in_dim3A_507, %lt3A_509 : vector<16xi32>
            %add3A_511 = arith.constant 16 : i32
            %add3A_512 = vector.broadcast %add3A_511 : i32 to vector<16xi32>
            %add3A_513 = arith.addi %broadcast_in_dim3A_507, %add3A_512 : vector<16xi32>
            %select_n3A_514 = arith.select %lt3A_510, %add3A_513, %broadcast_in_dim3A_507 : vector<16xi1>, vector<16xi32>
            %broadcast_in_dim3A_515 = vector.shape_cast %select_n3A_514 : vector<16xi32> to vector<16x1xi32>
            %gather3A_516 = vector.shape_cast %broadcast_in_dim3A_515 : vector<16x1xi32> to vector<16xi32>
            %gather3A_517 = tpu.dynamic_gather %mul3A_304[%gather3A_516] in [0] : vector<16xi32>, vector<16xi32> -> vector<16xi32>
            %add3A_518 = arith.addi %gather3A_517, %add3A_122 : vector<16xi32>
            %gather3A_519 = tpu.vector_load_idx %arg8[%add3A_518] : memref<40960xf32, #tpu.memory_space<vmem>>[vector<16xi32>], vector<16xf32>,
            %mul3A_520 = arith.constant 80 : i32
            %mul3A_521 = arith.muli %scan3A_210, %mul3A_520 : i32
            %mul3A_522 = arith.constant 16 : i32
            %mul3A_523 = arith.muli %scan3A_293, %mul3A_522 : i32
            %add3A_524 = arith.addi %mul3A_521, %mul3A_523 : i32
            %add3A_525 = arith.addi %add3A_524, %add3A_506 : i32
            %get3A_526 = arith.index_cast %add3A_525 : i32 to index
            %get3A_527 = arith.constant 0 : index
            %get3A_528 = tpu.vector_load %arg10[%get3A_526, %get3A_527] {strides = array<i32>} : memref<160x256xf32, #tpu.memory_space<vmem>>, vector<16xf32>,
            %mul3A_529 = arith.mulf %gather3A_519, %get3A_528 : vector<16xf32>
            %add3A_530 = arith.addf %broadcast_in_dim3A_3, %mul3A_529 : vector<16xf32>
            %add3A_531 = arith.addi %gather3A_517, %add3A_125 : vector<16xi32>
            %gather3A_532 = tpu.vector_load_idx %arg8[%add3A_531] : memref<40960xf32, #tpu.memory_space<vmem>>[vector<16xi32>], vector<16xf32>,
            %mul3A_533 = arith.constant 80 : i32
            %mul3A_534 = arith.muli %scan3A_210, %mul3A_533 : i32
            %mul3A_535 = arith.constant 16 : i32
            %mul3A_536 = arith.muli %scan3A_293, %mul3A_535 : i32
            %add3A_537 = arith.addi %mul3A_534, %mul3A_536 : i32
            %add3A_538 = arith.addi %add3A_537, %add3A_506 : i32
            %get3A_539 = arith.index_cast %add3A_538 : i32 to index
            %get3A_540 = arith.constant 16 : index
            %get3A_541 = tpu.vector_load %arg10[%get3A_539, %get3A_540] {strides = array<i32>} : memref<160x256xf32, #tpu.memory_space<vmem>>, vector<16xf32>,
            %mul3A_542 = arith.mulf %gather3A_532, %get3A_541 : vector<16xf32>
            %add3A_543 = arith.addf %broadcast_in_dim3A_3, %mul3A_542 : vector<16xf32>
            %add3A_544 = arith.addi %gather3A_517, %add3A_128 : vector<16xi32>
            %gather3A_545 = tpu.vector_load_idx %arg8[%add3A_544] : memref<40960xf32, #tpu.memory_space<vmem>>[vector<16xi32>], vector<16xf32>,
            %mul3A_546 = arith.constant 80 : i32
            %mul3A_547 = arith.muli %scan3A_210, %mul3A_546 : i32
            %mul3A_548 = arith.constant 16 : i32
            %mul3A_549 = arith.muli %scan3A_293, %mul3A_548 : i32
            %add3A_550 = arith.addi %mul3A_547, %mul3A_549 : i32
            %add3A_551 = arith.addi %add3A_550, %add3A_506 : i32
            %get3A_552 = arith.index_cast %add3A_551 : i32 to index
            %get3A_553 = arith.constant 32 : index
            %get3A_554 = tpu.vector_load %arg10[%get3A_552, %get3A_553] {strides = array<i32>} : memref<160x256xf32, #tpu.memory_space<vmem>>, vector<16xf32>,
            %mul3A_555 = arith.mulf %gather3A_545, %get3A_554 : vector<16xf32>
            %add3A_556 = arith.addf %add3A_530, %mul3A_555 : vector<16xf32>
            %add3A_557 = arith.addi %gather3A_517, %add3A_131 : vector<16xi32>
            %gather3A_558 = tpu.vector_load_idx %arg8[%add3A_557] : memref<40960xf32, #tpu.memory_space<vmem>>[vector<16xi32>], vector<16xf32>,
            %mul3A_559 = arith.constant 80 : i32
            %mul3A_560 = arith.muli %scan3A_210, %mul3A_559 : i32
            %mul3A_561 = arith.constant 16 : i32
            %mul3A_562 = arith.muli %scan3A_293, %mul3A_561 : i32
            %add3A_563 = arith.addi %mul3A_560, %mul3A_562 : i32
            %add3A_564 = arith.addi %add3A_563, %add3A_506 : i32
            %get3A_565 = arith.index_cast %add3A_564 : i32 to index
            %get3A_566 = arith.constant 48 : index
            %get3A_567 = tpu.vector_load %arg10[%get3A_565, %get3A_566] {strides = array<i32>} : memref<160x256xf32, #tpu.memory_space<vmem>>, vector<16xf32>,
            %mul3A_568 = arith.mulf %gather3A_558, %get3A_567 : vector<16xf32>
            %add3A_569 = arith.addf %add3A_543, %mul3A_568 : vector<16xf32>
            %add3A_570 = arith.addi %gather3A_517, %add3A_134 : vector<16xi32>
            %gather3A_571 = tpu.vector_load_idx %arg8[%add3A_570] : memref<40960xf32, #tpu.memory_space<vmem>>[vector<16xi32>], vector<16xf32>,
            %mul3A_572 = arith.constant 80 : i32
            %mul3A_573 = arith.muli %scan3A_210, %mul3A_572 : i32
            %mul3A_574 = arith.constant 16 : i32
            %mul3A_575 = arith.muli %scan3A_293, %mul3A_574 : i32
            %add3A_576 = arith.addi %mul3A_573, %mul3A_575 : i32
            %add3A_577 = arith.addi %add3A_576, %add3A_506 : i32
            %get3A_578 = arith.index_cast %add3A_577 : i32 to index
            %get3A_579 = arith.constant 64 : index
            %get3A_580 = tpu.vector_load %arg10[%get3A_578, %get3A_579] {strides = array<i32>} : memref<160x256xf32, #tpu.memory_space<vmem>>, vector<16xf32>,
            %mul3A_581 = arith.mulf %gather3A_571, %get3A_580 : vector<16xf32>
            %add3A_582 = arith.addf %add3A_556, %mul3A_581 : vector<16xf32>
            %add3A_583 = arith.addi %gather3A_517, %add3A_137 : vector<16xi32>
            %gather3A_584 = tpu.vector_load_idx %arg8[%add3A_583] : memref<40960xf32, #tpu.memory_space<vmem>>[vector<16xi32>], vector<16xf32>,
            %mul3A_585 = arith.constant 80 : i32
            %mul3A_586 = arith.muli %scan3A_210, %mul3A_585 : i32
            %mul3A_587 = arith.constant 16 : i32
            %mul3A_588 = arith.muli %scan3A_293, %mul3A_587 : i32
            %add3A_589 = arith.addi %mul3A_586, %mul3A_588 : i32
            %add3A_590 = arith.addi %add3A_589, %add3A_506 : i32
            %get3A_591 = arith.index_cast %add3A_590 : i32 to index
            %get3A_592 = arith.constant 80 : index
            %get3A_593 = tpu.vector_load %arg10[%get3A_591, %get3A_592] {strides = array<i32>} : memref<160x256xf32, #tpu.memory_space<vmem>>, vector<16xf32>,
            %mul3A_594 = arith.mulf %gather3A_584, %get3A_593 : vector<16xf32>
            %add3A_595 = arith.addf %add3A_569, %mul3A_594 : vector<16xf32>
            %add3A_596 = arith.addi %gather3A_517, %add3A_140 : vector<16xi32>
            %gather3A_597 = tpu.vector_load_idx %arg8[%add3A_596] : memref<40960xf32, #tpu.memory_space<vmem>>[vector<16xi32>], vector<16xf32>,
            %mul3A_598 = arith.constant 80 : i32
            %mul3A_599 = arith.muli %scan3A_210, %mul3A_598 : i32
            %mul3A_600 = arith.constant 16 : i32
            %mul3A_601 = arith.muli %scan3A_293, %mul3A_600 : i32
            %add3A_602 = arith.addi %mul3A_599, %mul3A_601 : i32
            %add3A_603 = arith.addi %add3A_602, %add3A_506 : i32
            %get3A_604 = arith.index_cast %add3A_603 : i32 to index
            %get3A_605 = arith.constant 96 : index
            %get3A_606 = tpu.vector_load %arg10[%get3A_604, %get3A_605] {strides = array<i32>} : memref<160x256xf32, #tpu.memory_space<vmem>>, vector<16xf32>,
            %mul3A_607 = arith.mulf %gather3A_597, %get3A_606 : vector<16xf32>
            %add3A_608 = arith.addf %add3A_582, %mul3A_607 : vector<16xf32>
            %add3A_609 = arith.addi %gather3A_517, %add3A_143 : vector<16xi32>
            %gather3A_610 = tpu.vector_load_idx %arg8[%add3A_609] : memref<40960xf32, #tpu.memory_space<vmem>>[vector<16xi32>], vector<16xf32>,
            %mul3A_611 = arith.constant 80 : i32
            %mul3A_612 = arith.muli %scan3A_210, %mul3A_611 : i32
            %mul3A_613 = arith.constant 16 : i32
            %mul3A_614 = arith.muli %scan3A_293, %mul3A_613 : i32
            %add3A_615 = arith.addi %mul3A_612, %mul3A_614 : i32
            %add3A_616 = arith.addi %add3A_615, %add3A_506 : i32
            %get3A_617 = arith.index_cast %add3A_616 : i32 to index
            %get3A_618 = arith.constant 112 : index
            %get3A_619 = tpu.vector_load %arg10[%get3A_617, %get3A_618] {strides = array<i32>} : memref<160x256xf32, #tpu.memory_space<vmem>>, vector<16xf32>,
            %mul3A_620 = arith.mulf %gather3A_610, %get3A_619 : vector<16xf32>
            %add3A_621 = arith.addf %add3A_595, %mul3A_620 : vector<16xf32>
            %add3A_622 = arith.addf %add3A_608, %add3A_621 : vector<16xf32>
            %reduce_sum3A_623 = arith.constant true
            %reduce_sum3A_624 = vector.broadcast %reduce_sum3A_623 : i1 to vector<16xi1>
            %reduce_sum3A_625 = tpu.scan <sum>, %add3A_622 masked %reduce_sum3A_624 : vector<16xf32>, vector<16xi1> -> vector<16xf32>
            %reduce_sum3A_626 = vector.extract %reduce_sum3A_625[15] : f32 from vector<16xf32>
            %eq3A_627 = vector.broadcast %add3A_506 : i32 to vector<16xi32>
            %eq3A_628 = arith.cmpi eq, %iota3A, %eq3A_627 : vector<16xi32>
            %broadcast_in_dim3A_629 = vector.broadcast %reduce_sum3A_626 : f32 to vector<16xf32>
            %select_n3A_630 = arith.select %eq3A_628, %broadcast_in_dim3A_629, %select_n3A_502 : vector<16xi1>, vector<16xf32>
            scf.yield %select_n3A_630 : vector<16xf32>
          }
          %scan3A_310 = arith.constant 8 : i32
          %exp3A = math.exp %scan3A_309 : vector<16xf32>
          %mul3A_311 = arith.constant 16 : i32
          %mul3A_312 = arith.muli %scan3A_293, %mul3A_311 : i32
          %add3A_313 = vector.broadcast %mul3A_312 : i32 to vector<16xi32>
          %add3A_314 = arith.addi %iota3A, %add3A_313 : vector<16xi32>
          %lt3A_315 = vector.broadcast %scan3A_280 : i32 to vector<16xi32>
          %lt3A_316 = arith.cmpi slt, %add3A_314, %lt3A_315 : vector<16xi32>
          %jit3A_317 = arith.constant 0.000000e+00 : f32
          %broadcast_in_dim3A_318 = vector.broadcast %jit3A_317 : f32 to vector<16xf32>
          %select_n3A = arith.select %lt3A_316, %exp3A, %broadcast_in_dim3A_318 : vector<16xi1>, vector<16xf32>
          %eq3A_319 = arith.constant 0 : i32
          %eq3A_320 = vector.broadcast %eq3A_319 : i32 to vector<16xi32>
          %eq3A_321 = arith.cmpi eq, %iota3A, %eq3A_320 : vector<16xi32>
          tpu.vector_store_idx %arg17[%min3A_301], %select_n3A masked %eq3A_321 {add = true} : memref<320xf32, #tpu.memory_space<vmem>>[vector<16xi32>], vector<16xf32>, vector<16xi1>
          %eq3A_322 = arith.constant 1 : i32
          %eq3A_323 = vector.broadcast %eq3A_322 : i32 to vector<16xi32>
          %eq3A_324 = arith.cmpi eq, %iota3A, %eq3A_323 : vector<16xi32>
          tpu.vector_store_idx %arg17[%min3A_301], %select_n3A masked %eq3A_324 {add = true} : memref<320xf32, #tpu.memory_space<vmem>>[vector<16xi32>], vector<16xf32>, vector<16xi1>
          %eq3A_325 = arith.constant 2 : i32
          %eq3A_326 = vector.broadcast %eq3A_325 : i32 to vector<16xi32>
          %eq3A_327 = arith.cmpi eq, %iota3A, %eq3A_326 : vector<16xi32>
          tpu.vector_store_idx %arg17[%min3A_301], %select_n3A masked %eq3A_327 {add = true} : memref<320xf32, #tpu.memory_space<vmem>>[vector<16xi32>], vector<16xf32>, vector<16xi1>
          %eq3A_328 = arith.constant 3 : i32
          %eq3A_329 = vector.broadcast %eq3A_328 : i32 to vector<16xi32>
          %eq3A_330 = arith.cmpi eq, %iota3A, %eq3A_329 : vector<16xi32>
          tpu.vector_store_idx %arg17[%min3A_301], %select_n3A masked %eq3A_330 {add = true} : memref<320xf32, #tpu.memory_space<vmem>>[vector<16xi32>], vector<16xf32>, vector<16xi1>
          %eq3A_331 = arith.constant 4 : i32
          %eq3A_332 = vector.broadcast %eq3A_331 : i32 to vector<16xi32>
          %eq3A_333 = arith.cmpi eq, %iota3A, %eq3A_332 : vector<16xi32>
          tpu.vector_store_idx %arg17[%min3A_301], %select_n3A masked %eq3A_333 {add = true} : memref<320xf32, #tpu.memory_space<vmem>>[vector<16xi32>], vector<16xf32>, vector<16xi1>
          %eq3A_334 = arith.constant 5 : i32
          %eq3A_335 = vector.broadcast %eq3A_334 : i32 to vector<16xi32>
          %eq3A_336 = arith.cmpi eq, %iota3A, %eq3A_335 : vector<16xi32>
          tpu.vector_store_idx %arg17[%min3A_301], %select_n3A masked %eq3A_336 {add = true} : memref<320xf32, #tpu.memory_space<vmem>>[vector<16xi32>], vector<16xf32>, vector<16xi1>
          %eq3A_337 = arith.constant 6 : i32
          %eq3A_338 = vector.broadcast %eq3A_337 : i32 to vector<16xi32>
          %eq3A_339 = arith.cmpi eq, %iota3A, %eq3A_338 : vector<16xi32>
          tpu.vector_store_idx %arg17[%min3A_301], %select_n3A masked %eq3A_339 {add = true} : memref<320xf32, #tpu.memory_space<vmem>>[vector<16xi32>], vector<16xf32>, vector<16xi1>
          %eq3A_340 = arith.constant 7 : i32
          %eq3A_341 = vector.broadcast %eq3A_340 : i32 to vector<16xi32>
          %eq3A_342 = arith.cmpi eq, %iota3A, %eq3A_341 : vector<16xi32>
          tpu.vector_store_idx %arg17[%min3A_301], %select_n3A masked %eq3A_342 {add = true} : memref<320xf32, #tpu.memory_space<vmem>>[vector<16xi32>], vector<16xf32>, vector<16xi1>
          %eq3A_343 = arith.constant 8 : i32
          %eq3A_344 = vector.broadcast %eq3A_343 : i32 to vector<16xi32>
          %eq3A_345 = arith.cmpi eq, %iota3A, %eq3A_344 : vector<16xi32>
          tpu.vector_store_idx %arg17[%min3A_301], %select_n3A masked %eq3A_345 {add = true} : memref<320xf32, #tpu.memory_space<vmem>>[vector<16xi32>], vector<16xf32>, vector<16xi1>
          %eq3A_346 = arith.constant 9 : i32
          %eq3A_347 = vector.broadcast %eq3A_346 : i32 to vector<16xi32>
          %eq3A_348 = arith.cmpi eq, %iota3A, %eq3A_347 : vector<16xi32>
          tpu.vector_store_idx %arg17[%min3A_301], %select_n3A masked %eq3A_348 {add = true} : memref<320xf32, #tpu.memory_space<vmem>>[vector<16xi32>], vector<16xf32>, vector<16xi1>
          %eq3A_349 = arith.constant 10 : i32
          %eq3A_350 = vector.broadcast %eq3A_349 : i32 to vector<16xi32>
          %eq3A_351 = arith.cmpi eq, %iota3A, %eq3A_350 : vector<16xi32>
          tpu.vector_store_idx %arg17[%min3A_301], %select_n3A masked %eq3A_351 {add = true} : memref<320xf32, #tpu.memory_space<vmem>>[vector<16xi32>], vector<16xf32>, vector<16xi1>
          %eq3A_352 = arith.constant 11 : i32
          %eq3A_353 = vector.broadcast %eq3A_352 : i32 to vector<16xi32>
          %eq3A_354 = arith.cmpi eq, %iota3A, %eq3A_353 : vector<16xi32>
          tpu.vector_store_idx %arg17[%min3A_301], %select_n3A masked %eq3A_354 {add = true} : memref<320xf32, #tpu.memory_space<vmem>>[vector<16xi32>], vector<16xf32>, vector<16xi1>
          %eq3A_355 = arith.constant 12 : i32
          %eq3A_356 = vector.broadcast %eq3A_355 : i32 to vector<16xi32>
          %eq3A_357 = arith.cmpi eq, %iota3A, %eq3A_356 : vector<16xi32>
          tpu.vector_store_idx %arg17[%min3A_301], %select_n3A masked %eq3A_357 {add = true} : memref<320xf32, #tpu.memory_space<vmem>>[vector<16xi32>], vector<16xf32>, vector<16xi1>
          %eq3A_358 = arith.constant 13 : i32
          %eq3A_359 = vector.broadcast %eq3A_358 : i32 to vector<16xi32>
          %eq3A_360 = arith.cmpi eq, %iota3A, %eq3A_359 : vector<16xi32>
          tpu.vector_store_idx %arg17[%min3A_301], %select_n3A masked %eq3A_360 {add = true} : memref<320xf32, #tpu.memory_space<vmem>>[vector<16xi32>], vector<16xf32>, vector<16xi1>
          %eq3A_361 = arith.constant 14 : i32
          %eq3A_362 = vector.broadcast %eq3A_361 : i32 to vector<16xi32>
          %eq3A_363 = arith.cmpi eq, %iota3A, %eq3A_362 : vector<16xi32>
          tpu.vector_store_idx %arg17[%min3A_301], %select_n3A masked %eq3A_363 {add = true} : memref<320xf32, #tpu.memory_space<vmem>>[vector<16xi32>], vector<16xf32>, vector<16xi1>
          %eq3A_364 = arith.constant 15 : i32
          %eq3A_365 = vector.broadcast %eq3A_364 : i32 to vector<16xi32>
          %eq3A_366 = arith.cmpi eq, %iota3A, %eq3A_365 : vector<16xi32>
          tpu.vector_store_idx %arg17[%min3A_301], %select_n3A masked %eq3A_366 {add = true} : memref<320xf32, #tpu.memory_space<vmem>>[vector<16xi32>], vector<16xf32>, vector<16xi1>
          %scan3A_367 = arith.constant 0 : i32
          %scan3A_368 = arith.constant 0 : i32
          %scan3A_369 = arith.constant 8 : i32
          %scan3A_370 = arith.addi %scan3A_368, %scan3A_369 : i32
          %scan3A_371 = arith.constant 1 : i32
          %scan3A_372 = scf.for %scan3A_375 = %scan3A_368 to %scan3A_370 step %scan3A_371 iter_args(%scan3A_376 = %scan3A_367) -> (i32)  : i32 {
            %mul3A_377 = arith.constant 2 : i32
            %mul3A_378 = arith.muli %mul3A_377, %scan3A_375 : i32
            %add3A_379 = arith.constant 0 : i32
            %add3A_380 = arith.addi %mul3A_378, %add3A_379 : i32
            %broadcast_in_dim3A_381 = vector.broadcast %add3A_380 : i32 to vector<16xi32>
            %lt3A_382 = arith.constant 0 : i32
            %lt3A_383 = vector.broadcast %lt3A_382 : i32 to vector<16xi32>
            %lt3A_384 = arith.cmpi slt, %broadcast_in_dim3A_381, %lt3A_383 : vector<16xi32>
            %add3A_385 = arith.constant 16 : i32
            %add3A_386 = vector.broadcast %add3A_385 : i32 to vector<16xi32>
            %add3A_387 = arith.addi %broadcast_in_dim3A_381, %add3A_386 : vector<16xi32>
            %select_n3A_388 = arith.select %lt3A_384, %add3A_387, %broadcast_in_dim3A_381 : vector<16xi1>, vector<16xi32>
            %broadcast_in_dim3A_389 = vector.shape_cast %select_n3A_388 : vector<16xi32> to vector<16x1xi32>
            %gather3A = vector.shape_cast %broadcast_in_dim3A_389 : vector<16x1xi32> to vector<16xi32>
            %gather3A_390 = tpu.dynamic_gather %select_n3A[%gather3A] in [0] : vector<16xf32>, vector<16xi32> -> vector<16xf32>
            %broadcast_in_dim3A_391 = vector.broadcast %add3A_380 : i32 to vector<16xi32>
            %lt3A_392 = arith.constant 0 : i32
            %lt3A_393 = vector.broadcast %lt3A_392 : i32 to vector<16xi32>
            %lt3A_394 = arith.cmpi slt, %broadcast_in_dim3A_391, %lt3A_393 : vector<16xi32>
            %add3A_395 = arith.constant 16 : i32
            %add3A_396 = vector.broadcast %add3A_395 : i32 to vector<16xi32>
            %add3A_397 = arith.addi %broadcast_in_dim3A_391, %add3A_396 : vector<16xi32>
            %select_n3A_398 = arith.select %lt3A_394, %add3A_397, %broadcast_in_dim3A_391 : vector<16xi1>, vector<16xi32>
            %broadcast_in_dim3A_399 = vector.shape_cast %select_n3A_398 : vector<16xi32> to vector<16x1xi32>
            %gather3A_400 = vector.shape_cast %broadcast_in_dim3A_399 : vector<16x1xi32> to vector<16xi32>
            %gather3A_401 = tpu.dynamic_gather %mul3A_304[%gather3A_400] in [0] : vector<16xi32>, vector<16xi32> -> vector<16xi32>
            %mul3A_402 = arith.constant 80 : i32
            %mul3A_403 = arith.muli %scan3A_210, %mul3A_402 : i32
            %mul3A_404 = arith.constant 16 : i32
            %mul3A_405 = arith.muli %scan3A_293, %mul3A_404 : i32
            %add3A_406 = arith.addi %mul3A_403, %mul3A_405 : i32
            %add3A_407 = arith.addi %add3A_406, %add3A_380 : i32
            %get3A_408 = arith.index_cast %add3A_407 : i32 to index
            %get3A_409 = arith.constant 128 : index
            %get3A_410 = tpu.vector_load %arg10[%get3A_408, %get3A_409] {strides = array<i32>} : memref<160x256xf32, #tpu.memory_space<vmem>>, vector<16xf32>,
            %mul3A_411 = arith.mulf %gather3A_390, %get3A_410 : vector<16xf32>
            %add3A_412 = arith.addi %gather3A_401, %add3A_122 : vector<16xi32>
            %mul3A_413 = arith.constant 80 : i32
            %mul3A_414 = arith.muli %scan3A_210, %mul3A_413 : i32
            %mul3A_415 = arith.constant 16 : i32
            %mul3A_416 = arith.muli %scan3A_293, %mul3A_415 : i32
            %add3A_417 = arith.addi %mul3A_414, %mul3A_416 : i32
            %add3A_418 = arith.addi %add3A_417, %add3A_380 : i32
            %get3A_419 = arith.index_cast %add3A_418 : i32 to index
            %get3A_420 = arith.constant 144 : index
            %get3A_421 = tpu.vector_load %arg10[%get3A_419, %get3A_420] {strides = array<i32>} : memref<160x256xf32, #tpu.memory_space<vmem>>, vector<16xf32>,
            %mul3A_422 = arith.mulf %gather3A_390, %get3A_421 : vector<16xf32>
            %add3A_423 = arith.addi %gather3A_401, %add3A_125 : vector<16xi32>
            %mul3A_424 = arith.constant 80 : i32
            %mul3A_425 = arith.muli %scan3A_210, %mul3A_424 : i32
            %mul3A_426 = arith.constant 16 : i32
            %mul3A_427 = arith.muli %scan3A_293, %mul3A_426 : i32
            %add3A_428 = arith.addi %mul3A_425, %mul3A_427 : i32
            %add3A_429 = arith.addi %add3A_428, %add3A_380 : i32
            %get3A_430 = arith.index_cast %add3A_429 : i32 to index
            %get3A_431 = arith.constant 160 : index
            %get3A_432 = tpu.vector_load %arg10[%get3A_430, %get3A_431] {strides = array<i32>} : memref<160x256xf32, #tpu.memory_space<vmem>>, vector<16xf32>,
            %mul3A_433 = arith.mulf %gather3A_390, %get3A_432 : vector<16xf32>
            %add3A_434 = arith.addi %gather3A_401, %add3A_128 : vector<16xi32>
            %mul3A_435 = arith.constant 80 : i32
            %mul3A_436 = arith.muli %scan3A_210, %mul3A_435 : i32
            %mul3A_437 = arith.constant 16 : i32
            %mul3A_438 = arith.muli %scan3A_293, %mul3A_437 : i32
            %add3A_439 = arith.addi %mul3A_436, %mul3A_438 : i32
            %add3A_440 = arith.addi %add3A_439, %add3A_380 : i32
            %get3A_441 = arith.index_cast %add3A_440 : i32 to index
            %get3A_442 = arith.constant 176 : index
            %get3A_443 = tpu.vector_load %arg10[%get3A_441, %get3A_442] {strides = array<i32>} : memref<160x256xf32, #tpu.memory_space<vmem>>, vector<16xf32>,
            %mul3A_444 = arith.mulf %gather3A_390, %get3A_443 : vector<16xf32>
            %add3A_445 = arith.addi %gather3A_401, %add3A_131 : vector<16xi32>
            %mul3A_446 = arith.constant 80 : i32
            %mul3A_447 = arith.muli %scan3A_210, %mul3A_446 : i32
            %mul3A_448 = arith.constant 16 : i32
            %mul3A_449 = arith.muli %scan3A_293, %mul3A_448 : i32
            %add3A_450 = arith.addi %mul3A_447, %mul3A_449 : i32
            %add3A_451 = arith.addi %add3A_450, %add3A_380 : i32
            %get3A_452 = arith.index_cast %add3A_451 : i32 to index
            %get3A_453 = arith.constant 192 : index
            %get3A_454 = tpu.vector_load %arg10[%get3A_452, %get3A_453] {strides = array<i32>} : memref<160x256xf32, #tpu.memory_space<vmem>>, vector<16xf32>,
            %mul3A_455 = arith.mulf %gather3A_390, %get3A_454 : vector<16xf32>
            %add3A_456 = arith.addi %gather3A_401, %add3A_134 : vector<16xi32>
            %mul3A_457 = arith.constant 80 : i32
            %mul3A_458 = arith.muli %scan3A_210, %mul3A_457 : i32
            %mul3A_459 = arith.constant 16 : i32
            %mul3A_460 = arith.muli %scan3A_293, %mul3A_459 : i32
            %add3A_461 = arith.addi %mul3A_458, %mul3A_460 : i32
            %add3A_462 = arith.addi %add3A_461, %add3A_380 : i32
            %get3A_463 = arith.index_cast %add3A_462 : i32 to index
            %get3A_464 = arith.constant 208 : index
            %get3A_465 = tpu.vector_load %arg10[%get3A_463, %get3A_464] {strides = array<i32>} : memref<160x256xf32, #tpu.memory_space<vmem>>, vector<16xf32>,
            %mul3A_466 = arith.mulf %gather3A_390, %get3A_465 : vector<16xf32>
            %add3A_467 = arith.addi %gather3A_401, %add3A_137 : vector<16xi32>
            %mul3A_468 = arith.constant 80 : i32
            %mul3A_469 = arith.muli %scan3A_210, %mul3A_468 : i32
            %mul3A_470 = arith.constant 16 : i32
            %mul3A_471 = arith.muli %scan3A_293, %mul3A_470 : i32
            %add3A_472 = arith.addi %mul3A_469, %mul3A_471 : i32
            %add3A_473 = arith.addi %add3A_472, %add3A_380 : i32
            %get3A_474 = arith.index_cast %add3A_473 : i32 to index
            %get3A_475 = arith.constant 224 : index
            %get3A_476 = tpu.vector_load %arg10[%get3A_474, %get3A_475] {strides = array<i32>} : memref<160x256xf32, #tpu.memory_space<vmem>>, vector<16xf32>,
            %mul3A_477 = arith.mulf %gather3A_390, %get3A_476 : vector<16xf32>
            %add3A_478 = arith.addi %gather3A_401, %add3A_140 : vector<16xi32>
            %mul3A_479 = arith.constant 80 : i32
            %mul3A_480 = arith.muli %scan3A_210, %mul3A_479 : i32
            %mul3A_481 = arith.constant 16 : i32
            %mul3A_482 = arith.muli %scan3A_293, %mul3A_481 : i32
            %add3A_483 = arith.addi %mul3A_480, %mul3A_482 : i32
            %add3A_484 = arith.addi %add3A_483, %add3A_380 : i32
            %get3A_485 = arith.index_cast %add3A_484 : i32 to index
            %get3A_486 = arith.constant 240 : index
            %get3A_487 = tpu.vector_load %arg10[%get3A_485, %get3A_486] {strides = array<i32>} : memref<160x256xf32, #tpu.memory_space<vmem>>, vector<16xf32>,
            %mul3A_488 = arith.mulf %gather3A_390, %get3A_487 : vector<16xf32>
            %add3A_489 = arith.addi %gather3A_401, %add3A_143 : vector<16xi32>
            %mul3A_490 = arith.constant 2 : i32
            %mul3A_491 = arith.muli %mul3A_490, %scan3A_375 : i32
            %add3A_492 = arith.constant 1 : i32
            %add3A_493 = arith.addi %mul3A_491, %add3A_492 : i32
            %broadcast_in_dim3A_494 = vector.broadcast %add3A_493 : i32 to vector<16xi32>
            %lt3A_495 = arith.constant 0 : i32
            %lt3A_496 = vector.broadcast %lt3A_495 : i32 to vector<16xi32>
            %lt3A_497 = arith.cmpi slt, %broadcast_in_dim3A_494, %lt3A_496 : vector<16xi32>
            %add3A_498 = arith.constant 16 : i32
            %add3A_499 = vector.broadcast %add3A_498 : i32 to vector<16xi32>
            %add3A_500 = arith.addi %broadcast_in_dim3A_494, %add3A_499 : vector<16xi32>
            %select_n3A_501 = arith.select %lt3A_497, %add3A_500, %broadcast_in_dim3A_494 : vector<16xi1>, vector<16xi32>
            %broadcast_in_dim3A_502 = vector.shape_cast %select_n3A_501 : vector<16xi32> to vector<16x1xi32>
            %gather3A_503 = vector.shape_cast %broadcast_in_dim3A_502 : vector<16x1xi32> to vector<16xi32>
            %gather3A_504 = tpu.dynamic_gather %select_n3A[%gather3A_503] in [0] : vector<16xf32>, vector<16xi32> -> vector<16xf32>
            %broadcast_in_dim3A_505 = vector.broadcast %add3A_493 : i32 to vector<16xi32>
            %lt3A_506 = arith.constant 0 : i32
            %lt3A_507 = vector.broadcast %lt3A_506 : i32 to vector<16xi32>
            %lt3A_508 = arith.cmpi slt, %broadcast_in_dim3A_505, %lt3A_507 : vector<16xi32>
            %add3A_509 = arith.constant 16 : i32
            %add3A_510 = vector.broadcast %add3A_509 : i32 to vector<16xi32>
            %add3A_511 = arith.addi %broadcast_in_dim3A_505, %add3A_510 : vector<16xi32>
            %select_n3A_512 = arith.select %lt3A_508, %add3A_511, %broadcast_in_dim3A_505 : vector<16xi1>, vector<16xi32>
            %broadcast_in_dim3A_513 = vector.shape_cast %select_n3A_512 : vector<16xi32> to vector<16x1xi32>
            %gather3A_514 = vector.shape_cast %broadcast_in_dim3A_513 : vector<16x1xi32> to vector<16xi32>
            %gather3A_515 = tpu.dynamic_gather %mul3A_304[%gather3A_514] in [0] : vector<16xi32>, vector<16xi32> -> vector<16xi32>
            %mul3A_516 = arith.constant 80 : i32
            %mul3A_517 = arith.muli %scan3A_210, %mul3A_516 : i32
            %mul3A_518 = arith.constant 16 : i32
            %mul3A_519 = arith.muli %scan3A_293, %mul3A_518 : i32
            %add3A_520 = arith.addi %mul3A_517, %mul3A_519 : i32
            %add3A_521 = arith.addi %add3A_520, %add3A_493 : i32
            %get3A_522 = arith.index_cast %add3A_521 : i32 to index
            %get3A_523 = arith.constant 128 : index
            %get3A_524 = tpu.vector_load %arg10[%get3A_522, %get3A_523] {strides = array<i32>} : memref<160x256xf32, #tpu.memory_space<vmem>>, vector<16xf32>,
            %mul3A_525 = arith.mulf %gather3A_504, %get3A_524 : vector<16xf32>
            %add3A_526 = arith.addi %gather3A_515, %add3A_122 : vector<16xi32>
            %mul3A_527 = arith.constant 80 : i32
            %mul3A_528 = arith.muli %scan3A_210, %mul3A_527 : i32
            %mul3A_529 = arith.constant 16 : i32
            %mul3A_530 = arith.muli %scan3A_293, %mul3A_529 : i32
            %add3A_531 = arith.addi %mul3A_528, %mul3A_530 : i32
            %add3A_532 = arith.addi %add3A_531, %add3A_493 : i32
            %get3A_533 = arith.index_cast %add3A_532 : i32 to index
            %get3A_534 = arith.constant 144 : index
            %get3A_535 = tpu.vector_load %arg10[%get3A_533, %get3A_534] {strides = array<i32>} : memref<160x256xf32, #tpu.memory_space<vmem>>, vector<16xf32>,
            %mul3A_536 = arith.mulf %gather3A_504, %get3A_535 : vector<16xf32>
            %add3A_537 = arith.addi %gather3A_515, %add3A_125 : vector<16xi32>
            %mul3A_538 = arith.constant 80 : i32
            %mul3A_539 = arith.muli %scan3A_210, %mul3A_538 : i32
            %mul3A_540 = arith.constant 16 : i32
            %mul3A_541 = arith.muli %scan3A_293, %mul3A_540 : i32
            %add3A_542 = arith.addi %mul3A_539, %mul3A_541 : i32
            %add3A_543 = arith.addi %add3A_542, %add3A_493 : i32
            %get3A_544 = arith.index_cast %add3A_543 : i32 to index
            %get3A_545 = arith.constant 160 : index
            %get3A_546 = tpu.vector_load %arg10[%get3A_544, %get3A_545] {strides = array<i32>} : memref<160x256xf32, #tpu.memory_space<vmem>>, vector<16xf32>,
            %mul3A_547 = arith.mulf %gather3A_504, %get3A_546 : vector<16xf32>
            %add3A_548 = arith.addi %gather3A_515, %add3A_128 : vector<16xi32>
            %mul3A_549 = arith.constant 80 : i32
            %mul3A_550 = arith.muli %scan3A_210, %mul3A_549 : i32
            %mul3A_551 = arith.constant 16 : i32
            %mul3A_552 = arith.muli %scan3A_293, %mul3A_551 : i32
            %add3A_553 = arith.addi %mul3A_550, %mul3A_552 : i32
            %add3A_554 = arith.addi %add3A_553, %add3A_493 : i32
            %get3A_555 = arith.index_cast %add3A_554 : i32 to index
            %get3A_556 = arith.constant 176 : index
            %get3A_557 = tpu.vector_load %arg10[%get3A_555, %get3A_556] {strides = array<i32>} : memref<160x256xf32, #tpu.memory_space<vmem>>, vector<16xf32>,
            %mul3A_558 = arith.mulf %gather3A_504, %get3A_557 : vector<16xf32>
            %add3A_559 = arith.addi %gather3A_515, %add3A_131 : vector<16xi32>
            %mul3A_560 = arith.constant 80 : i32
            %mul3A_561 = arith.muli %scan3A_210, %mul3A_560 : i32
            %mul3A_562 = arith.constant 16 : i32
            %mul3A_563 = arith.muli %scan3A_293, %mul3A_562 : i32
            %add3A_564 = arith.addi %mul3A_561, %mul3A_563 : i32
            %add3A_565 = arith.addi %add3A_564, %add3A_493 : i32
            %get3A_566 = arith.index_cast %add3A_565 : i32 to index
            %get3A_567 = arith.constant 192 : index
            %get3A_568 = tpu.vector_load %arg10[%get3A_566, %get3A_567] {strides = array<i32>} : memref<160x256xf32, #tpu.memory_space<vmem>>, vector<16xf32>,
            %mul3A_569 = arith.mulf %gather3A_504, %get3A_568 : vector<16xf32>
            %add3A_570 = arith.addi %gather3A_515, %add3A_134 : vector<16xi32>
            %mul3A_571 = arith.constant 80 : i32
            %mul3A_572 = arith.muli %scan3A_210, %mul3A_571 : i32
            %mul3A_573 = arith.constant 16 : i32
            %mul3A_574 = arith.muli %scan3A_293, %mul3A_573 : i32
            %add3A_575 = arith.addi %mul3A_572, %mul3A_574 : i32
            %add3A_576 = arith.addi %add3A_575, %add3A_493 : i32
            %get3A_577 = arith.index_cast %add3A_576 : i32 to index
            %get3A_578 = arith.constant 208 : index
            %get3A_579 = tpu.vector_load %arg10[%get3A_577, %get3A_578] {strides = array<i32>} : memref<160x256xf32, #tpu.memory_space<vmem>>, vector<16xf32>,
            %mul3A_580 = arith.mulf %gather3A_504, %get3A_579 : vector<16xf32>
            %add3A_581 = arith.addi %gather3A_515, %add3A_137 : vector<16xi32>
            %mul3A_582 = arith.constant 80 : i32
            %mul3A_583 = arith.muli %scan3A_210, %mul3A_582 : i32
            %mul3A_584 = arith.constant 16 : i32
            %mul3A_585 = arith.muli %scan3A_293, %mul3A_584 : i32
            %add3A_586 = arith.addi %mul3A_583, %mul3A_585 : i32
            %add3A_587 = arith.addi %add3A_586, %add3A_493 : i32
            %get3A_588 = arith.index_cast %add3A_587 : i32 to index
            %get3A_589 = arith.constant 224 : index
            %get3A_590 = tpu.vector_load %arg10[%get3A_588, %get3A_589] {strides = array<i32>} : memref<160x256xf32, #tpu.memory_space<vmem>>, vector<16xf32>,
            %mul3A_591 = arith.mulf %gather3A_504, %get3A_590 : vector<16xf32>
            %add3A_592 = arith.addi %gather3A_515, %add3A_140 : vector<16xi32>
            %mul3A_593 = arith.constant 80 : i32
            %mul3A_594 = arith.muli %scan3A_210, %mul3A_593 : i32
            %mul3A_595 = arith.constant 16 : i32
            %mul3A_596 = arith.muli %scan3A_293, %mul3A_595 : i32
            %add3A_597 = arith.addi %mul3A_594, %mul3A_596 : i32
            %add3A_598 = arith.addi %add3A_597, %add3A_493 : i32
            %get3A_599 = arith.index_cast %add3A_598 : i32 to index
            %get3A_600 = arith.constant 240 : index
            %get3A_601 = tpu.vector_load %arg10[%get3A_599, %get3A_600] {strides = array<i32>} : memref<160x256xf32, #tpu.memory_space<vmem>>, vector<16xf32>,
            %mul3A_602 = arith.mulf %gather3A_504, %get3A_601 : vector<16xf32>
            %add3A_603 = arith.addi %gather3A_515, %add3A_143 : vector<16xi32>
            tpu.vector_store_idx %arg9[%add3A_412], %mul3A_411 {add = true} : memref<40960xf32, #tpu.memory_space<vmem>>[vector<16xi32>], vector<16xf32>,
            tpu.vector_store_idx %arg9[%add3A_423], %mul3A_422 {add = true} : memref<40960xf32, #tpu.memory_space<vmem>>[vector<16xi32>], vector<16xf32>,
            tpu.vector_store_idx %arg9[%add3A_434], %mul3A_433 {add = true} : memref<40960xf32, #tpu.memory_space<vmem>>[vector<16xi32>], vector<16xf32>,
            tpu.vector_store_idx %arg9[%add3A_445], %mul3A_444 {add = true} : memref<40960xf32, #tpu.memory_space<vmem>>[vector<16xi32>], vector<16xf32>,
            tpu.vector_store_idx %arg9[%add3A_456], %mul3A_455 {add = true} : memref<40960xf32, #tpu.memory_space<vmem>>[vector<16xi32>], vector<16xf32>,
            tpu.vector_store_idx %arg9[%add3A_467], %mul3A_466 {add = true} : memref<40960xf32, #tpu.memory_space<vmem>>[vector<16xi32>], vector<16xf32>,
            tpu.vector_store_idx %arg9[%add3A_478], %mul3A_477 {add = true} : memref<40960xf32, #tpu.memory_space<vmem>>[vector<16xi32>], vector<16xf32>,
            tpu.vector_store_idx %arg9[%add3A_489], %mul3A_488 {add = true} : memref<40960xf32, #tpu.memory_space<vmem>>[vector<16xi32>], vector<16xf32>,
            tpu.vector_store_idx %arg9[%add3A_526], %mul3A_525 {add = true} : memref<40960xf32, #tpu.memory_space<vmem>>[vector<16xi32>], vector<16xf32>,
            tpu.vector_store_idx %arg9[%add3A_537], %mul3A_536 {add = true} : memref<40960xf32, #tpu.memory_space<vmem>>[vector<16xi32>], vector<16xf32>,
            tpu.vector_store_idx %arg9[%add3A_548], %mul3A_547 {add = true} : memref<40960xf32, #tpu.memory_space<vmem>>[vector<16xi32>], vector<16xf32>,
            tpu.vector_store_idx %arg9[%add3A_559], %mul3A_558 {add = true} : memref<40960xf32, #tpu.memory_space<vmem>>[vector<16xi32>], vector<16xf32>,
            tpu.vector_store_idx %arg9[%add3A_570], %mul3A_569 {add = true} : memref<40960xf32, #tpu.memory_space<vmem>>[vector<16xi32>], vector<16xf32>,
            tpu.vector_store_idx %arg9[%add3A_581], %mul3A_580 {add = true} : memref<40960xf32, #tpu.memory_space<vmem>>[vector<16xi32>], vector<16xf32>,
            tpu.vector_store_idx %arg9[%add3A_592], %mul3A_591 {add = true} : memref<40960xf32, #tpu.memory_space<vmem>>[vector<16xi32>], vector<16xf32>,
            tpu.vector_store_idx %arg9[%add3A_603], %mul3A_602 {add = true} : memref<40960xf32, #tpu.memory_space<vmem>>[vector<16xi32>], vector<16xf32>,
            %scan3A_604 = arith.constant 0 : i32
            scf.yield %scan3A_604 : i32
          }
          %scan3A_373 = arith.constant 8 : i32
          %scan3A_374 = arith.constant 0 : i32
          scf.yield %scan3A_374 : i32
        }
        %scan3A_287 = arith.constant 5 : i32
        %sub3A = arith.constant 1 : i32
        %sub3A_288 = arith.subi %scan3A_209, %sub3A : i32
        %add3A_289 = arith.constant 1 : i32
        %add3A_290 = arith.addi %scan3A_210, %add3A_289 : i32
        %rem3A_291 = arith.constant 2 : i32
        %rem3A_292 = arith.remsi %add3A_290, %rem3A_291 : i32
        scf.yield %sub3A_288, %rem3A_292 : i32, i32
      } else {
        scf.yield %scan3A_209, %scan3A_210 : i32, i32
      }
      %ge3A = arith.constant 80 : i32
      %ge3A_261 = arith.cmpi sge, %reduce_max3A_255, %ge3A : i32
      %lt3A_262 = arith.constant 2 : i32
      %lt3A_263 = arith.cmpi slt, %cond3A_260#0, %lt3A_262 : i32
      %and3A = arith.andi %ge3A_261, %lt3A_263 : i1
      %convert_element_type3A_264 = arith.extui %and3A : i1 to i32
      %cond3A_265 = arith.constant 0 : i32
      %cond3A_266 = arith.cmpi ne, %convert_element_type3A_264, %cond3A_265 : i32
      %cond3A_267:3 = scf.if %cond3A_266 -> (vector<16xi32>, i32, i32) {
        %get3A = arith.constant 0 : index
        %get3A_268 = tpu.vector_load %arg13[%get3A] {strides = array<i32>} : memref<400xi32, #tpu.memory_space<vmem>>, vector<16xi32>,
        %swap3A_269 = arith.index_cast %scan3A_211 : i32 to index
        %swap3A_270 = arith.constant 0 : index
        %swap3A_271 = tpu.vector_load %arg15[%swap3A_269, %swap3A_270] {strides = array<i32>} : memref<2x80xi32, #tpu.memory_space<vmem>>, vector<16xi32>,
        tpu.vector_store %arg15[%swap3A_269, %swap3A_270], %get3A_268 {strides = array<i32>} : memref<2x80xi32, #tpu.memory_space<vmem>>, vector<16xi32>,
        %get3A_272 = arith.constant 0 : index
        %get3A_273 = tpu.vector_load %arg14[%get3A_272] {strides = array<i32>} : memref<400xi32, #tpu.memory_space<vmem>>, vector<16xi32>,
        %swap3A_274 = arith.index_cast %scan3A_211 : i32 to index
        %swap3A_275 = arith.constant 0 : index
        %swap3A_276 = tpu.vector_load %arg16[%swap3A_274, %swap3A_275] {strides = array<i32>} : memref<2x80xi32, #tpu.memory_space<vmem>>, vector<16xi32>,
        tpu.vector_store %arg16[%swap3A_274, %swap3A_275], %get3A_273 {strides = array<i32>} : memref<2x80xi32, #tpu.memory_space<vmem>>, vector<16xi32>,
        %get3A_277 = arith.constant 16 : index
        %get3A_278 = tpu.vector_load %arg13[%get3A_277] {strides = array<i32>} : memref<400xi32, #tpu.memory_space<vmem>>, vector<16xi32>,
        %swap3A_279 = arith.index_cast %scan3A_211 : i32 to index
        %swap3A_280 = arith.constant 16 : index
        %swap3A_281 = tpu.vector_load %arg15[%swap3A_279, %swap3A_280] {strides = array<i32>} : memref<2x80xi32, #tpu.memory_space<vmem>>, vector<16xi32>,
        tpu.vector_store %arg15[%swap3A_279, %swap3A_280], %get3A_278 {strides = array<i32>} : memref<2x80xi32, #tpu.memory_space<vmem>>, vector<16xi32>,
        %get3A_282 = arith.constant 16 : index
        %get3A_283 = tpu.vector_load %arg14[%get3A_282] {strides = array<i32>} : memref<400xi32, #tpu.memory_space<vmem>>, vector<16xi32>,
        %swap3A_284 = arith.index_cast %scan3A_211 : i32 to index
        %swap3A_285 = arith.constant 16 : index
        %swap3A_286 = tpu.vector_load %arg16[%swap3A_284, %swap3A_285] {strides = array<i32>} : memref<2x80xi32, #tpu.memory_space<vmem>>, vector<16xi32>,
        tpu.vector_store %arg16[%swap3A_284, %swap3A_285], %get3A_283 {strides = array<i32>} : memref<2x80xi32, #tpu.memory_space<vmem>>, vector<16xi32>,
        %get3A_287 = arith.constant 32 : index
        %get3A_288 = tpu.vector_load %arg13[%get3A_287] {strides = array<i32>} : memref<400xi32, #tpu.memory_space<vmem>>, vector<16xi32>,
        %swap3A_289 = arith.index_cast %scan3A_211 : i32 to index
        %swap3A_290 = arith.constant 32 : index
        %swap3A_291 = tpu.vector_load %arg15[%swap3A_289, %swap3A_290] {strides = array<i32>} : memref<2x80xi32, #tpu.memory_space<vmem>>, vector<16xi32>,
        tpu.vector_store %arg15[%swap3A_289, %swap3A_290], %get3A_288 {strides = array<i32>} : memref<2x80xi32, #tpu.memory_space<vmem>>, vector<16xi32>,
        %get3A_292 = arith.constant 32 : index
        %get3A_293 = tpu.vector_load %arg14[%get3A_292] {strides = array<i32>} : memref<400xi32, #tpu.memory_space<vmem>>, vector<16xi32>,
        %swap3A_294 = arith.index_cast %scan3A_211 : i32 to index
        %swap3A_295 = arith.constant 32 : index
        %swap3A_296 = tpu.vector_load %arg16[%swap3A_294, %swap3A_295] {strides = array<i32>} : memref<2x80xi32, #tpu.memory_space<vmem>>, vector<16xi32>,
        tpu.vector_store %arg16[%swap3A_294, %swap3A_295], %get3A_293 {strides = array<i32>} : memref<2x80xi32, #tpu.memory_space<vmem>>, vector<16xi32>,
        %get3A_297 = arith.constant 48 : index
        %get3A_298 = tpu.vector_load %arg13[%get3A_297] {strides = array<i32>} : memref<400xi32, #tpu.memory_space<vmem>>, vector<16xi32>,
        %swap3A_299 = arith.index_cast %scan3A_211 : i32 to index
        %swap3A_300 = arith.constant 48 : index
        %swap3A_301 = tpu.vector_load %arg15[%swap3A_299, %swap3A_300] {strides = array<i32>} : memref<2x80xi32, #tpu.memory_space<vmem>>, vector<16xi32>,
        tpu.vector_store %arg15[%swap3A_299, %swap3A_300], %get3A_298 {strides = array<i32>} : memref<2x80xi32, #tpu.memory_space<vmem>>, vector<16xi32>,
        %get3A_302 = arith.constant 48 : index
        %get3A_303 = tpu.vector_load %arg14[%get3A_302] {strides = array<i32>} : memref<400xi32, #tpu.memory_space<vmem>>, vector<16xi32>,
        %swap3A_304 = arith.index_cast %scan3A_211 : i32 to index
        %swap3A_305 = arith.constant 48 : index
        %swap3A_306 = tpu.vector_load %arg16[%swap3A_304, %swap3A_305] {strides = array<i32>} : memref<2x80xi32, #tpu.memory_space<vmem>>, vector<16xi32>,
        tpu.vector_store %arg16[%swap3A_304, %swap3A_305], %get3A_303 {strides = array<i32>} : memref<2x80xi32, #tpu.memory_space<vmem>>, vector<16xi32>,
        %get3A_307 = arith.constant 64 : index
        %get3A_308 = tpu.vector_load %arg13[%get3A_307] {strides = array<i32>} : memref<400xi32, #tpu.memory_space<vmem>>, vector<16xi32>,
        %swap3A_309 = arith.index_cast %scan3A_211 : i32 to index
        %swap3A_310 = arith.constant 64 : index
        %swap3A_311 = tpu.vector_load %arg15[%swap3A_309, %swap3A_310] {strides = array<i32>} : memref<2x80xi32, #tpu.memory_space<vmem>>, vector<16xi32>,
        tpu.vector_store %arg15[%swap3A_309, %swap3A_310], %get3A_308 {strides = array<i32>} : memref<2x80xi32, #tpu.memory_space<vmem>>, vector<16xi32>,
        %get3A_312 = arith.constant 64 : index
        %get3A_313 = tpu.vector_load %arg14[%get3A_312] {strides = array<i32>} : memref<400xi32, #tpu.memory_space<vmem>>, vector<16xi32>,
        %swap3A_314 = arith.index_cast %scan3A_211 : i32 to index
        %swap3A_315 = arith.constant 64 : index
        %swap3A_316 = tpu.vector_load %arg16[%swap3A_314, %swap3A_315] {strides = array<i32>} : memref<2x80xi32, #tpu.memory_space<vmem>>, vector<16xi32>,
        tpu.vector_store %arg16[%swap3A_314, %swap3A_315], %get3A_313 {strides = array<i32>} : memref<2x80xi32, #tpu.memory_space<vmem>>, vector<16xi32>,
        %mul3A_317 = arith.constant 80 : i32
        %mul3A_318 = arith.muli %scan3A_211, %mul3A_317 : i32
        %dma_start3A_319 = arith.constant 0 : i32
        %dma_start3A_320 = tpu.memref_slice %arg10[%mul3A_318, %dma_start3A_319] : memref<160x256xf32, #tpu.memory_space<vmem>> -> memref<80x256xf32, #tpu.memory_space<vmem>>
        %dma_start3A_321 = arith.constant 0 : i32
        %dma_start3A_322 = tpu.memref_slice %arg16[%scan3A_211, %dma_start3A_321] : memref<2x80xi32, #tpu.memory_space<vmem>> -> memref<1x80xi32, #tpu.memory_space<vmem>>
        %dma_start3A_323 = tpu.memref_squeeze %dma_start3A_322 : memref<1x80xi32, #tpu.memory_space<vmem>> -> memref<80xi32, #tpu.memory_space<vmem>>
        %dma_start3A_324 = arith.constant 0 : i32
        %dma_start3A_325 = arith.constant 0 : i32
        %dma_start3A_326 = tpu.memref_slice %arg3[%dma_start3A_324, %dma_start3A_325] : memref<10240x256xf32, #tpu.memory_space<hbm>> -> memref<10240x256xf32, #tpu.memory_space<hbm>>
        %dma_start3A_327 = tpu.memref_slice %arg20[%scan3A_211] : memref<2x!tpu.dma_semaphore, #tpu.memory_space<semaphore_mem>> -> memref<1x!tpu.dma_semaphore, #tpu.memory_space<semaphore_mem>>
        %dma_start3A_328 = tpu.memref_squeeze %dma_start3A_327 : memref<1x!tpu.dma_semaphore, #tpu.memory_space<semaphore_mem>> -> memref<!tpu.dma_semaphore, #tpu.memory_space<semaphore_mem>>
        tpu.enqueue_indirect_dma source(%dma_start3A_326 : memref<10240x256xf32, #tpu.memory_space<hbm>>) target(%dma_start3A_320 : memref<80x256xf32, #tpu.memory_space<vmem>>) offsets(%dma_start3A_323 : memref<80xi32, #tpu.memory_space<vmem>>) semaphore(%dma_start3A_328 : memref<!tpu.dma_semaphore, #tpu.memory_space<semaphore_mem>>)
        %get3A_329 = arith.constant 80 : index
        %get3A_330 = tpu.vector_load %arg13[%get3A_329] {strides = array<i32>} : memref<400xi32, #tpu.memory_space<vmem>>, vector<16xi32>,
        %swap3A_331 = arith.constant 0 : index
        %swap3A_332 = tpu.vector_load %arg13[%swap3A_331] {strides = array<i32>} : memref<400xi32, #tpu.memory_space<vmem>>, vector<16xi32>,
        tpu.vector_store %arg13[%swap3A_331], %get3A_330 {strides = array<i32>} : memref<400xi32, #tpu.memory_space<vmem>>, vector<16xi32>,
        %get3A_333 = arith.constant 80 : index
        %get3A_334 = tpu.vector_load %arg14[%get3A_333] {strides = array<i32>} : memref<400xi32, #tpu.memory_space<vmem>>, vector<16xi32>,
        %swap3A_335 = arith.constant 0 : index
        %swap3A_336 = tpu.vector_load %arg14[%swap3A_335] {strides = array<i32>} : memref<400xi32, #tpu.memory_space<vmem>>, vector<16xi32>,
        tpu.vector_store %arg14[%swap3A_335], %get3A_334 {strides = array<i32>} : memref<400xi32, #tpu.memory_space<vmem>>, vector<16xi32>,
        %get3A_337 = arith.constant 96 : index
        %get3A_338 = tpu.vector_load %arg13[%get3A_337] {strides = array<i32>} : memref<400xi32, #tpu.memory_space<vmem>>, vector<16xi32>,
        %swap3A_339 = arith.constant 16 : index
        %swap3A_340 = tpu.vector_load %arg13[%swap3A_339] {strides = array<i32>} : memref<400xi32, #tpu.memory_space<vmem>>, vector<16xi32>,
        tpu.vector_store %arg13[%swap3A_339], %get3A_338 {strides = array<i32>} : memref<400xi32, #tpu.memory_space<vmem>>, vector<16xi32>,
        %get3A_341 = arith.constant 96 : index
        %get3A_342 = tpu.vector_load %arg14[%get3A_341] {strides = array<i32>} : memref<400xi32, #tpu.memory_space<vmem>>, vector<16xi32>,
        %swap3A_343 = arith.constant 16 : index
        %swap3A_344 = tpu.vector_load %arg14[%swap3A_343] {strides = array<i32>} : memref<400xi32, #tpu.memory_space<vmem>>, vector<16xi32>,
        tpu.vector_store %arg14[%swap3A_343], %get3A_342 {strides = array<i32>} : memref<400xi32, #tpu.memory_space<vmem>>, vector<16xi32>,
        %get3A_345 = arith.constant 112 : index
        %get3A_346 = tpu.vector_load %arg13[%get3A_345] {strides = array<i32>} : memref<400xi32, #tpu.memory_space<vmem>>, vector<16xi32>,
        %swap3A_347 = arith.constant 32 : index
        %swap3A_348 = tpu.vector_load %arg13[%swap3A_347] {strides = array<i32>} : memref<400xi32, #tpu.memory_space<vmem>>, vector<16xi32>,
        tpu.vector_store %arg13[%swap3A_347], %get3A_346 {strides = array<i32>} : memref<400xi32, #tpu.memory_space<vmem>>, vector<16xi32>,
        %get3A_349 = arith.constant 112 : index
        %get3A_350 = tpu.vector_load %arg14[%get3A_349] {strides = array<i32>} : memref<400xi32, #tpu.memory_space<vmem>>, vector<16xi32>,
        %swap3A_351 = arith.constant 32 : index
        %swap3A_352 = tpu.vector_load %arg14[%swap3A_351] {strides = array<i32>} : memref<400xi32, #tpu.memory_space<vmem>>, vector<16xi32>,
        tpu.vector_store %arg14[%swap3A_351], %get3A_350 {strides = array<i32>} : memref<400xi32, #tpu.memory_space<vmem>>, vector<16xi32>,
        %get3A_353 = arith.constant 128 : index
        %get3A_354 = tpu.vector_load %arg13[%get3A_353] {strides = array<i32>} : memref<400xi32, #tpu.memory_space<vmem>>, vector<16xi32>,
        %swap3A_355 = arith.constant 48 : index
        %swap3A_356 = tpu.vector_load %arg13[%swap3A_355] {strides = array<i32>} : memref<400xi32, #tpu.memory_space<vmem>>, vector<16xi32>,
        tpu.vector_store %arg13[%swap3A_355], %get3A_354 {strides = array<i32>} : memref<400xi32, #tpu.memory_space<vmem>>, vector<16xi32>,
        %get3A_357 = arith.constant 128 : index
        %get3A_358 = tpu.vector_load %arg14[%get3A_357] {strides = array<i32>} : memref<400xi32, #tpu.memory_space<vmem>>, vector<16xi32>,
        %swap3A_359 = arith.constant 48 : index
        %swap3A_360 = tpu.vector_load %arg14[%swap3A_359] {strides = array<i32>} : memref<400xi32, #tpu.memory_space<vmem>>, vector<16xi32>,
        tpu.vector_store %arg14[%swap3A_359], %get3A_358 {strides = array<i32>} : memref<400xi32, #tpu.memory_space<vmem>>, vector<16xi32>,
        %get3A_361 = arith.constant 144 : index
        %get3A_362 = tpu.vector_load %arg13[%get3A_361] {strides = array<i32>} : memref<400xi32, #tpu.memory_space<vmem>>, vector<16xi32>,
        %swap3A_363 = arith.constant 64 : index
        %swap3A_364 = tpu.vector_load %arg13[%swap3A_363] {strides = array<i32>} : memref<400xi32, #tpu.memory_space<vmem>>, vector<16xi32>,
        tpu.vector_store %arg13[%swap3A_363], %get3A_362 {strides = array<i32>} : memref<400xi32, #tpu.memory_space<vmem>>, vector<16xi32>,
        %get3A_365 = arith.constant 144 : index
        %get3A_366 = tpu.vector_load %arg14[%get3A_365] {strides = array<i32>} : memref<400xi32, #tpu.memory_space<vmem>>, vector<16xi32>,
        %swap3A_367 = arith.constant 64 : index
        %swap3A_368 = tpu.vector_load %arg14[%swap3A_367] {strides = array<i32>} : memref<400xi32, #tpu.memory_space<vmem>>, vector<16xi32>,
        tpu.vector_store %arg14[%swap3A_367], %get3A_366 {strides = array<i32>} : memref<400xi32, #tpu.memory_space<vmem>>, vector<16xi32>,
        %get3A_369 = arith.constant 160 : index
        %get3A_370 = tpu.vector_load %arg13[%get3A_369] {strides = array<i32>} : memref<400xi32, #tpu.memory_space<vmem>>, vector<16xi32>,
        %swap3A_371 = arith.constant 80 : index
        %swap3A_372 = tpu.vector_load %arg13[%swap3A_371] {strides = array<i32>} : memref<400xi32, #tpu.memory_space<vmem>>, vector<16xi32>,
        tpu.vector_store %arg13[%swap3A_371], %get3A_370 {strides = array<i32>} : memref<400xi32, #tpu.memory_space<vmem>>, vector<16xi32>,
        %get3A_373 = arith.constant 160 : index
        %get3A_374 = tpu.vector_load %arg14[%get3A_373] {strides = array<i32>} : memref<400xi32, #tpu.memory_space<vmem>>, vector<16xi32>,
        %swap3A_375 = arith.constant 80 : index
        %swap3A_376 = tpu.vector_load %arg14[%swap3A_375] {strides = array<i32>} : memref<400xi32, #tpu.memory_space<vmem>>, vector<16xi32>,
        tpu.vector_store %arg14[%swap3A_375], %get3A_374 {strides = array<i32>} : memref<400xi32, #tpu.memory_space<vmem>>, vector<16xi32>,
        %get3A_377 = arith.constant 176 : index
        %get3A_378 = tpu.vector_load %arg13[%get3A_377] {strides = array<i32>} : memref<400xi32, #tpu.memory_space<vmem>>, vector<16xi32>,
        %swap3A_379 = arith.constant 96 : index
        %swap3A_380 = tpu.vector_load %arg13[%swap3A_379] {strides = array<i32>} : memref<400xi32, #tpu.memory_space<vmem>>, vector<16xi32>,
        tpu.vector_store %arg13[%swap3A_379], %get3A_378 {strides = array<i32>} : memref<400xi32, #tpu.memory_space<vmem>>, vector<16xi32>,
        %get3A_381 = arith.constant 176 : index
        %get3A_382 = tpu.vector_load %arg14[%get3A_381] {strides = array<i32>} : memref<400xi32, #tpu.memory_space<vmem>>, vector<16xi32>,
        %swap3A_383 = arith.constant 96 : index
        %swap3A_384 = tpu.vector_load %arg14[%swap3A_383] {strides = array<i32>} : memref<400xi32, #tpu.memory_space<vmem>>, vector<16xi32>,
        tpu.vector_store %arg14[%swap3A_383], %get3A_382 {strides = array<i32>} : memref<400xi32, #tpu.memory_space<vmem>>, vector<16xi32>,
        %get3A_385 = arith.constant 192 : index
        %get3A_386 = tpu.vector_load %arg13[%get3A_385] {strides = array<i32>} : memref<400xi32, #tpu.memory_space<vmem>>, vector<16xi32>,
        %swap3A_387 = arith.constant 112 : index
        %swap3A_388 = tpu.vector_load %arg13[%swap3A_387] {strides = array<i32>} : memref<400xi32, #tpu.memory_space<vmem>>, vector<16xi32>,
        tpu.vector_store %arg13[%swap3A_387], %get3A_386 {strides = array<i32>} : memref<400xi32, #tpu.memory_space<vmem>>, vector<16xi32>,
        %get3A_389 = arith.constant 192 : index
        %get3A_390 = tpu.vector_load %arg14[%get3A_389] {strides = array<i32>} : memref<400xi32, #tpu.memory_space<vmem>>, vector<16xi32>,
        %swap3A_391 = arith.constant 112 : index
        %swap3A_392 = tpu.vector_load %arg14[%swap3A_391] {strides = array<i32>} : memref<400xi32, #tpu.memory_space<vmem>>, vector<16xi32>,
        tpu.vector_store %arg14[%swap3A_391], %get3A_390 {strides = array<i32>} : memref<400xi32, #tpu.memory_space<vmem>>, vector<16xi32>,
        %get3A_393 = arith.constant 208 : index
        %get3A_394 = tpu.vector_load %arg13[%get3A_393] {strides = array<i32>} : memref<400xi32, #tpu.memory_space<vmem>>, vector<16xi32>,
        %swap3A_395 = arith.constant 128 : index
        %swap3A_396 = tpu.vector_load %arg13[%swap3A_395] {strides = array<i32>} : memref<400xi32, #tpu.memory_space<vmem>>, vector<16xi32>,
        tpu.vector_store %arg13[%swap3A_395], %get3A_394 {strides = array<i32>} : memref<400xi32, #tpu.memory_space<vmem>>, vector<16xi32>,
        %get3A_397 = arith.constant 208 : index
        %get3A_398 = tpu.vector_load %arg14[%get3A_397] {strides = array<i32>} : memref<400xi32, #tpu.memory_space<vmem>>, vector<16xi32>,
        %swap3A_399 = arith.constant 128 : index
        %swap3A_400 = tpu.vector_load %arg14[%swap3A_399] {strides = array<i32>} : memref<400xi32, #tpu.memory_space<vmem>>, vector<16xi32>,
        tpu.vector_store %arg14[%swap3A_399], %get3A_398 {strides = array<i32>} : memref<400xi32, #tpu.memory_space<vmem>>, vector<16xi32>,
        %get3A_401 = arith.constant 224 : index
        %get3A_402 = tpu.vector_load %arg13[%get3A_401] {strides = array<i32>} : memref<400xi32, #tpu.memory_space<vmem>>, vector<16xi32>,
        %swap3A_403 = arith.constant 144 : index
        %swap3A_404 = tpu.vector_load %arg13[%swap3A_403] {strides = array<i32>} : memref<400xi32, #tpu.memory_space<vmem>>, vector<16xi32>,
        tpu.vector_store %arg13[%swap3A_403], %get3A_402 {strides = array<i32>} : memref<400xi32, #tpu.memory_space<vmem>>, vector<16xi32>,
        %get3A_405 = arith.constant 224 : index
        %get3A_406 = tpu.vector_load %arg14[%get3A_405] {strides = array<i32>} : memref<400xi32, #tpu.memory_space<vmem>>, vector<16xi32>,
        %swap3A_407 = arith.constant 144 : index
        %swap3A_408 = tpu.vector_load %arg14[%swap3A_407] {strides = array<i32>} : memref<400xi32, #tpu.memory_space<vmem>>, vector<16xi32>,
        tpu.vector_store %arg14[%swap3A_407], %get3A_406 {strides = array<i32>} : memref<400xi32, #tpu.memory_space<vmem>>, vector<16xi32>,
        %get3A_409 = arith.constant 240 : index
        %get3A_410 = tpu.vector_load %arg13[%get3A_409] {strides = array<i32>} : memref<400xi32, #tpu.memory_space<vmem>>, vector<16xi32>,
        %swap3A_411 = arith.constant 160 : index
        %swap3A_412 = tpu.vector_load %arg13[%swap3A_411] {strides = array<i32>} : memref<400xi32, #tpu.memory_space<vmem>>, vector<16xi32>,
        tpu.vector_store %arg13[%swap3A_411], %get3A_410 {strides = array<i32>} : memref<400xi32, #tpu.memory_space<vmem>>, vector<16xi32>,
        %get3A_413 = arith.constant 240 : index
        %get3A_414 = tpu.vector_load %arg14[%get3A_413] {strides = array<i32>} : memref<400xi32, #tpu.memory_space<vmem>>, vector<16xi32>,
        %swap3A_415 = arith.constant 160 : index
        %swap3A_416 = tpu.vector_load %arg14[%swap3A_415] {strides = array<i32>} : memref<400xi32, #tpu.memory_space<vmem>>, vector<16xi32>,
        tpu.vector_store %arg14[%swap3A_415], %get3A_414 {strides = array<i32>} : memref<400xi32, #tpu.memory_space<vmem>>, vector<16xi32>,
        %get3A_417 = arith.constant 256 : index
        %get3A_418 = tpu.vector_load %arg13[%get3A_417] {strides = array<i32>} : memref<400xi32, #tpu.memory_space<vmem>>, vector<16xi32>,
        %swap3A_419 = arith.constant 176 : index
        %swap3A_420 = tpu.vector_load %arg13[%swap3A_419] {strides = array<i32>} : memref<400xi32, #tpu.memory_space<vmem>>, vector<16xi32>,
        tpu.vector_store %arg13[%swap3A_419], %get3A_418 {strides = array<i32>} : memref<400xi32, #tpu.memory_space<vmem>>, vector<16xi32>,
        %get3A_421 = arith.constant 256 : index
        %get3A_422 = tpu.vector_load %arg14[%get3A_421] {strides = array<i32>} : memref<400xi32, #tpu.memory_space<vmem>>, vector<16xi32>,
        %swap3A_423 = arith.constant 176 : index
        %swap3A_424 = tpu.vector_load %arg14[%swap3A_423] {strides = array<i32>} : memref<400xi32, #tpu.memory_space<vmem>>, vector<16xi32>,
        tpu.vector_store %arg14[%swap3A_423], %get3A_422 {strides = array<i32>} : memref<400xi32, #tpu.memory_space<vmem>>, vector<16xi32>,
        %get3A_425 = arith.constant 272 : index
        %get3A_426 = tpu.vector_load %arg13[%get3A_425] {strides = array<i32>} : memref<400xi32, #tpu.memory_space<vmem>>, vector<16xi32>,
        %swap3A_427 = arith.constant 192 : index
        %swap3A_428 = tpu.vector_load %arg13[%swap3A_427] {strides = array<i32>} : memref<400xi32, #tpu.memory_space<vmem>>, vector<16xi32>,
        tpu.vector_store %arg13[%swap3A_427], %get3A_426 {strides = array<i32>} : memref<400xi32, #tpu.memory_space<vmem>>, vector<16xi32>,
        %get3A_429 = arith.constant 272 : index
        %get3A_430 = tpu.vector_load %arg14[%get3A_429] {strides = array<i32>} : memref<400xi32, #tpu.memory_space<vmem>>, vector<16xi32>,
        %swap3A_431 = arith.constant 192 : index
        %swap3A_432 = tpu.vector_load %arg14[%swap3A_431] {strides = array<i32>} : memref<400xi32, #tpu.memory_space<vmem>>, vector<16xi32>,
        tpu.vector_store %arg14[%swap3A_431], %get3A_430 {strides = array<i32>} : memref<400xi32, #tpu.memory_space<vmem>>, vector<16xi32>,
        %get3A_433 = arith.constant 288 : index
        %get3A_434 = tpu.vector_load %arg13[%get3A_433] {strides = array<i32>} : memref<400xi32, #tpu.memory_space<vmem>>, vector<16xi32>,
        %swap3A_435 = arith.constant 208 : index
        %swap3A_436 = tpu.vector_load %arg13[%swap3A_435] {strides = array<i32>} : memref<400xi32, #tpu.memory_space<vmem>>, vector<16xi32>,
        tpu.vector_store %arg13[%swap3A_435], %get3A_434 {strides = array<i32>} : memref<400xi32, #tpu.memory_space<vmem>>, vector<16xi32>,
        %get3A_437 = arith.constant 288 : index
        %get3A_438 = tpu.vector_load %arg14[%get3A_437] {strides = array<i32>} : memref<400xi32, #tpu.memory_space<vmem>>, vector<16xi32>,
        %swap3A_439 = arith.constant 208 : index
        %swap3A_440 = tpu.vector_load %arg14[%swap3A_439] {strides = array<i32>} : memref<400xi32, #tpu.memory_space<vmem>>, vector<16xi32>,
        tpu.vector_store %arg14[%swap3A_439], %get3A_438 {strides = array<i32>} : memref<400xi32, #tpu.memory_space<vmem>>, vector<16xi32>,
        %get3A_441 = arith.constant 304 : index
        %get3A_442 = tpu.vector_load %arg13[%get3A_441] {strides = array<i32>} : memref<400xi32, #tpu.memory_space<vmem>>, vector<16xi32>,
        %swap3A_443 = arith.constant 224 : index
        %swap3A_444 = tpu.vector_load %arg13[%swap3A_443] {strides = array<i32>} : memref<400xi32, #tpu.memory_space<vmem>>, vector<16xi32>,
        tpu.vector_store %arg13[%swap3A_443], %get3A_442 {strides = array<i32>} : memref<400xi32, #tpu.memory_space<vmem>>, vector<16xi32>,
        %get3A_445 = arith.constant 304 : index
        %get3A_446 = tpu.vector_load %arg14[%get3A_445] {strides = array<i32>} : memref<400xi32, #tpu.memory_space<vmem>>, vector<16xi32>,
        %swap3A_447 = arith.constant 224 : index
        %swap3A_448 = tpu.vector_load %arg14[%swap3A_447] {strides = array<i32>} : memref<400xi32, #tpu.memory_space<vmem>>, vector<16xi32>,
        tpu.vector_store %arg14[%swap3A_447], %get3A_446 {strides = array<i32>} : memref<400xi32, #tpu.memory_space<vmem>>, vector<16xi32>,
        %get3A_449 = arith.constant 320 : index
        %get3A_450 = tpu.vector_load %arg13[%get3A_449] {strides = array<i32>} : memref<400xi32, #tpu.memory_space<vmem>>, vector<16xi32>,
        %swap3A_451 = arith.constant 240 : index
        %swap3A_452 = tpu.vector_load %arg13[%swap3A_451] {strides = array<i32>} : memref<400xi32, #tpu.memory_space<vmem>>, vector<16xi32>,
        tpu.vector_store %arg13[%swap3A_451], %get3A_450 {strides = array<i32>} : memref<400xi32, #tpu.memory_space<vmem>>, vector<16xi32>,
        %get3A_453 = arith.constant 320 : index
        %get3A_454 = tpu.vector_load %arg14[%get3A_453] {strides = array<i32>} : memref<400xi32, #tpu.memory_space<vmem>>, vector<16xi32>,
        %swap3A_455 = arith.constant 240 : index
        %swap3A_456 = tpu.vector_load %arg14[%swap3A_455] {strides = array<i32>} : memref<400xi32, #tpu.memory_space<vmem>>, vector<16xi32>,
        tpu.vector_store %arg14[%swap3A_455], %get3A_454 {strides = array<i32>} : memref<400xi32, #tpu.memory_space<vmem>>, vector<16xi32>,
        %get3A_457 = arith.constant 336 : index
        %get3A_458 = tpu.vector_load %arg13[%get3A_457] {strides = array<i32>} : memref<400xi32, #tpu.memory_space<vmem>>, vector<16xi32>,
        %swap3A_459 = arith.constant 256 : index
        %swap3A_460 = tpu.vector_load %arg13[%swap3A_459] {strides = array<i32>} : memref<400xi32, #tpu.memory_space<vmem>>, vector<16xi32>,
        tpu.vector_store %arg13[%swap3A_459], %get3A_458 {strides = array<i32>} : memref<400xi32, #tpu.memory_space<vmem>>, vector<16xi32>,
        %get3A_461 = arith.constant 336 : index
        %get3A_462 = tpu.vector_load %arg14[%get3A_461] {strides = array<i32>} : memref<400xi32, #tpu.memory_space<vmem>>, vector<16xi32>,
        %swap3A_463 = arith.constant 256 : index
        %swap3A_464 = tpu.vector_load %arg14[%swap3A_463] {strides = array<i32>} : memref<400xi32, #tpu.memory_space<vmem>>, vector<16xi32>,
        tpu.vector_store %arg14[%swap3A_463], %get3A_462 {strides = array<i32>} : memref<400xi32, #tpu.memory_space<vmem>>, vector<16xi32>,
        %get3A_465 = arith.constant 352 : index
        %get3A_466 = tpu.vector_load %arg13[%get3A_465] {strides = array<i32>} : memref<400xi32, #tpu.memory_space<vmem>>, vector<16xi32>,
        %swap3A_467 = arith.constant 272 : index
        %swap3A_468 = tpu.vector_load %arg13[%swap3A_467] {strides = array<i32>} : memref<400xi32, #tpu.memory_space<vmem>>, vector<16xi32>,
        tpu.vector_store %arg13[%swap3A_467], %get3A_466 {strides = array<i32>} : memref<400xi32, #tpu.memory_space<vmem>>, vector<16xi32>,
        %get3A_469 = arith.constant 352 : index
        %get3A_470 = tpu.vector_load %arg14[%get3A_469] {strides = array<i32>} : memref<400xi32, #tpu.memory_space<vmem>>, vector<16xi32>,
        %swap3A_471 = arith.constant 272 : index
        %swap3A_472 = tpu.vector_load %arg14[%swap3A_471] {strides = array<i32>} : memref<400xi32, #tpu.memory_space<vmem>>, vector<16xi32>,
        tpu.vector_store %arg14[%swap3A_471], %get3A_470 {strides = array<i32>} : memref<400xi32, #tpu.memory_space<vmem>>, vector<16xi32>,
        %get3A_473 = arith.constant 368 : index
        %get3A_474 = tpu.vector_load %arg13[%get3A_473] {strides = array<i32>} : memref<400xi32, #tpu.memory_space<vmem>>, vector<16xi32>,
        %swap3A_475 = arith.constant 288 : index
        %swap3A_476 = tpu.vector_load %arg13[%swap3A_475] {strides = array<i32>} : memref<400xi32, #tpu.memory_space<vmem>>, vector<16xi32>,
        tpu.vector_store %arg13[%swap3A_475], %get3A_474 {strides = array<i32>} : memref<400xi32, #tpu.memory_space<vmem>>, vector<16xi32>,
        %get3A_477 = arith.constant 368 : index
        %get3A_478 = tpu.vector_load %arg14[%get3A_477] {strides = array<i32>} : memref<400xi32, #tpu.memory_space<vmem>>, vector<16xi32>,
        %swap3A_479 = arith.constant 288 : index
        %swap3A_480 = tpu.vector_load %arg14[%swap3A_479] {strides = array<i32>} : memref<400xi32, #tpu.memory_space<vmem>>, vector<16xi32>,
        tpu.vector_store %arg14[%swap3A_479], %get3A_478 {strides = array<i32>} : memref<400xi32, #tpu.memory_space<vmem>>, vector<16xi32>,
        %sub3A = arith.constant 80 : i32
        %sub3A_481 = vector.broadcast %sub3A : i32 to vector<16xi32>
        %sub3A_482 = arith.subi %scan3A_246, %sub3A_481 : vector<16xi32>
        %add3A_483 = arith.constant 1 : i32
        %add3A_484 = arith.addi %cond3A_260#0, %add3A_483 : i32
        %add3A_485 = arith.constant 1 : i32
        %add3A_486 = arith.addi %scan3A_211, %add3A_485 : i32
        %rem3A_487 = arith.constant 2 : i32
        %rem3A_488 = arith.remsi %add3A_486, %rem3A_487 : i32
        scf.yield %sub3A_482, %add3A_484, %rem3A_488 : vector<16xi32>, i32, i32
      } else {
        scf.yield %scan3A_246, %cond3A_260#0, %scan3A_211 : vector<16xi32>, i32, i32
      }
      scf.yield %cond3A_267#0, %cond3A_267#1, %cond3A_260#1, %cond3A_267#2 : vector<16xi32>, i32, i32, i32
    }
    %scan3A_181 = arith.constant 250 : i32
    %gt3A = arith.constant 0 : i32
    %gt3A_182 = arith.cmpi sgt, %scan3A_180#1, %gt3A : i32
    %convert_element_type3A = arith.extui %gt3A_182 : i1 to i32
    %cond3A = arith.constant 0 : i32
    %cond3A_183 = arith.cmpi ne, %convert_element_type3A, %cond3A : i32
    %cond3A_184:2 = scf.if %cond3A_183 -> (i32, i32) {
      %mul3A_207 = arith.constant 80 : i32
      %mul3A_208 = arith.muli %scan3A_180#2, %mul3A_207 : i32
      %dma_wait3A = arith.constant 0 : i32
      %dma_wait3A_209 = tpu.memref_slice %arg10[%mul3A_208, %dma_wait3A] : memref<160x256xf32, #tpu.memory_space<vmem>> -> memref<80x256xf32, #tpu.memory_space<vmem>>
      %dma_wait3A_210 = arith.constant 0 : i32
      %dma_wait3A_211 = tpu.memref_slice %arg16[%scan3A_180#2, %dma_wait3A_210] : memref<2x80xi32, #tpu.memory_space<vmem>> -> memref<1x80xi32, #tpu.memory_space<vmem>>
      %dma_wait3A_212 = tpu.memref_squeeze %dma_wait3A_211 : memref<1x80xi32, #tpu.memory_space<vmem>> -> memref<80xi32, #tpu.memory_space<vmem>>
      %dma_wait3A_213 = arith.constant 0 : i32
      %dma_wait3A_214 = arith.constant 0 : i32
      %dma_wait3A_215 = tpu.memref_slice %arg3[%dma_wait3A_213, %dma_wait3A_214] : memref<10240x256xf32, #tpu.memory_space<hbm>> -> memref<10240x256xf32, #tpu.memory_space<hbm>>
      %dma_wait3A_216 = tpu.memref_slice %arg20[%scan3A_180#2] : memref<2x!tpu.dma_semaphore, #tpu.memory_space<semaphore_mem>> -> memref<1x!tpu.dma_semaphore, #tpu.memory_space<semaphore_mem>>
      %dma_wait3A_217 = tpu.memref_squeeze %dma_wait3A_216 : memref<1x!tpu.dma_semaphore, #tpu.memory_space<semaphore_mem>> -> memref<!tpu.dma_semaphore, #tpu.memory_space<semaphore_mem>>
      tpu.wait_indirect_dma semaphore(%dma_wait3A_217 : memref<!tpu.dma_semaphore, #tpu.memory_space<semaphore_mem>>) src(%dma_wait3A_215 : memref<10240x256xf32, #tpu.memory_space<hbm>>) dst(%dma_wait3A_209 : memref<80x256xf32, #tpu.memory_space<vmem>>)
      %scan3A_218 = arith.constant 80 : i32
      %scan3A_219 = arith.constant 0 : i32
      %scan3A_220 = arith.constant 0 : i32
      %scan3A_221 = arith.constant 5 : i32
      %scan3A_222 = arith.addi %scan3A_220, %scan3A_221 : i32
      %scan3A_223 = arith.constant 1 : i32
      %scan3A_224 = scf.for %scan3A_230 = %scan3A_220 to %scan3A_222 step %scan3A_223 iter_args(%scan3A_231 = %scan3A_219) -> (i32)  : i32 {
        %mul3A_232 = arith.constant 16 : i32
        %mul3A_233 = arith.muli %scan3A_230, %mul3A_232 : i32
        %get3A = arith.index_cast %scan3A_180#2 : i32 to index
        %get3A_234 = arith.index_cast %mul3A_233 : i32 to index
        %get3A_235 = tpu.vector_load %arg15[%get3A, %get3A_234] {strides = array<i32>} : memref<2x80xi32, #tpu.memory_space<vmem>>, vector<16xi32>,
        %jit3A = arith.constant 0 : i32
        %jit3A_236 = arith.constant 319 : i32
        %max3A = vector.broadcast %jit3A : i32 to vector<16xi32>
        %max3A_237 = arith.maxsi %max3A, %get3A_235 : vector<16xi32>
        %min3A = vector.broadcast %jit3A_236 : i32 to vector<16xi32>
        %min3A_238 = arith.minsi %min3A, %max3A_237 : vector<16xi32>
        %mul3A_239 = arith.constant 128 : i32
        %mul3A_240 = vector.broadcast %mul3A_239 : i32 to vector<16xi32>
        %mul3A_241 = arith.muli %min3A_238, %mul3A_240 : vector<16xi32>
        %scan3A_242 = arith.constant 0 : i32
        %scan3A_243 = arith.constant 8 : i32
        %scan3A_244 = arith.addi %scan3A_242, %scan3A_243 : i32
        %scan3A_245 = arith.constant 1 : i32
        %scan3A_246 = scf.for %scan3A_310 = %scan3A_242 to %scan3A_244 step %scan3A_245 iter_args(%scan3A_311 = %broadcast_in_dim3A_3) -> (vector<16xf32>)  : i32 {
          %mul3A_312 = arith.constant 2 : i32
          %mul3A_313 = arith.muli %mul3A_312, %scan3A_310 : i32
          %add3A_314 = arith.constant 0 : i32
          %add3A_315 = arith.addi %mul3A_313, %add3A_314 : i32
          %broadcast_in_dim3A_316 = vector.broadcast %add3A_315 : i32 to vector<16xi32>
          %lt3A_317 = arith.constant 0 : i32
          %lt3A_318 = vector.broadcast %lt3A_317 : i32 to vector<16xi32>
          %lt3A_319 = arith.cmpi slt, %broadcast_in_dim3A_316, %lt3A_318 : vector<16xi32>
          %add3A_320 = arith.constant 16 : i32
          %add3A_321 = vector.broadcast %add3A_320 : i32 to vector<16xi32>
          %add3A_322 = arith.addi %broadcast_in_dim3A_316, %add3A_321 : vector<16xi32>
          %select_n3A_323 = arith.select %lt3A_319, %add3A_322, %broadcast_in_dim3A_316 : vector<16xi1>, vector<16xi32>
          %broadcast_in_dim3A_324 = vector.shape_cast %select_n3A_323 : vector<16xi32> to vector<16x1xi32>
          %gather3A = vector.shape_cast %broadcast_in_dim3A_324 : vector<16x1xi32> to vector<16xi32>
          %gather3A_325 = tpu.dynamic_gather %mul3A_241[%gather3A] in [0] : vector<16xi32>, vector<16xi32> -> vector<16xi32>
          %add3A_326 = arith.addi %gather3A_325, %add3A_122 : vector<16xi32>
          %gather3A_327 = tpu.vector_load_idx %arg8[%add3A_326] : memref<40960xf32, #tpu.memory_space<vmem>>[vector<16xi32>], vector<16xf32>,
          %mul3A_328 = arith.constant 80 : i32
          %mul3A_329 = arith.muli %scan3A_180#2, %mul3A_328 : i32
          %mul3A_330 = arith.constant 16 : i32
          %mul3A_331 = arith.muli %scan3A_230, %mul3A_330 : i32
          %add3A_332 = arith.addi %mul3A_329, %mul3A_331 : i32
          %add3A_333 = arith.addi %add3A_332, %add3A_315 : i32
          %get3A_334 = arith.index_cast %add3A_333 : i32 to index
          %get3A_335 = arith.constant 0 : index
          %get3A_336 = tpu.vector_load %arg10[%get3A_334, %get3A_335] {strides = array<i32>} : memref<160x256xf32, #tpu.memory_space<vmem>>, vector<16xf32>,
          %mul3A_337 = arith.mulf %gather3A_327, %get3A_336 : vector<16xf32>
          %add3A_338 = arith.addf %broadcast_in_dim3A_3, %mul3A_337 : vector<16xf32>
          %add3A_339 = arith.addi %gather3A_325, %add3A_125 : vector<16xi32>
          %gather3A_340 = tpu.vector_load_idx %arg8[%add3A_339] : memref<40960xf32, #tpu.memory_space<vmem>>[vector<16xi32>], vector<16xf32>,
          %mul3A_341 = arith.constant 80 : i32
          %mul3A_342 = arith.muli %scan3A_180#2, %mul3A_341 : i32
          %mul3A_343 = arith.constant 16 : i32
          %mul3A_344 = arith.muli %scan3A_230, %mul3A_343 : i32
          %add3A_345 = arith.addi %mul3A_342, %mul3A_344 : i32
          %add3A_346 = arith.addi %add3A_345, %add3A_315 : i32
          %get3A_347 = arith.index_cast %add3A_346 : i32 to index
          %get3A_348 = arith.constant 16 : index
          %get3A_349 = tpu.vector_load %arg10[%get3A_347, %get3A_348] {strides = array<i32>} : memref<160x256xf32, #tpu.memory_space<vmem>>, vector<16xf32>,
          %mul3A_350 = arith.mulf %gather3A_340, %get3A_349 : vector<16xf32>
          %add3A_351 = arith.addf %broadcast_in_dim3A_3, %mul3A_350 : vector<16xf32>
          %add3A_352 = arith.addi %gather3A_325, %add3A_128 : vector<16xi32>
          %gather3A_353 = tpu.vector_load_idx %arg8[%add3A_352] : memref<40960xf32, #tpu.memory_space<vmem>>[vector<16xi32>], vector<16xf32>,
          %mul3A_354 = arith.constant 80 : i32
          %mul3A_355 = arith.muli %scan3A_180#2, %mul3A_354 : i32
          %mul3A_356 = arith.constant 16 : i32
          %mul3A_357 = arith.muli %scan3A_230, %mul3A_356 : i32
          %add3A_358 = arith.addi %mul3A_355, %mul3A_357 : i32
          %add3A_359 = arith.addi %add3A_358, %add3A_315 : i32
          %get3A_360 = arith.index_cast %add3A_359 : i32 to index
          %get3A_361 = arith.constant 32 : index
          %get3A_362 = tpu.vector_load %arg10[%get3A_360, %get3A_361] {strides = array<i32>} : memref<160x256xf32, #tpu.memory_space<vmem>>, vector<16xf32>,
          %mul3A_363 = arith.mulf %gather3A_353, %get3A_362 : vector<16xf32>
          %add3A_364 = arith.addf %add3A_338, %mul3A_363 : vector<16xf32>
          %add3A_365 = arith.addi %gather3A_325, %add3A_131 : vector<16xi32>
          %gather3A_366 = tpu.vector_load_idx %arg8[%add3A_365] : memref<40960xf32, #tpu.memory_space<vmem>>[vector<16xi32>], vector<16xf32>,
          %mul3A_367 = arith.constant 80 : i32
          %mul3A_368 = arith.muli %scan3A_180#2, %mul3A_367 : i32
          %mul3A_369 = arith.constant 16 : i32
          %mul3A_370 = arith.muli %scan3A_230, %mul3A_369 : i32
          %add3A_371 = arith.addi %mul3A_368, %mul3A_370 : i32
          %add3A_372 = arith.addi %add3A_371, %add3A_315 : i32
          %get3A_373 = arith.index_cast %add3A_372 : i32 to index
          %get3A_374 = arith.constant 48 : index
          %get3A_375 = tpu.vector_load %arg10[%get3A_373, %get3A_374] {strides = array<i32>} : memref<160x256xf32, #tpu.memory_space<vmem>>, vector<16xf32>,
          %mul3A_376 = arith.mulf %gather3A_366, %get3A_375 : vector<16xf32>
          %add3A_377 = arith.addf %add3A_351, %mul3A_376 : vector<16xf32>
          %add3A_378 = arith.addi %gather3A_325, %add3A_134 : vector<16xi32>
          %gather3A_379 = tpu.vector_load_idx %arg8[%add3A_378] : memref<40960xf32, #tpu.memory_space<vmem>>[vector<16xi32>], vector<16xf32>,
          %mul3A_380 = arith.constant 80 : i32
          %mul3A_381 = arith.muli %scan3A_180#2, %mul3A_380 : i32
          %mul3A_382 = arith.constant 16 : i32
          %mul3A_383 = arith.muli %scan3A_230, %mul3A_382 : i32
          %add3A_384 = arith.addi %mul3A_381, %mul3A_383 : i32
          %add3A_385 = arith.addi %add3A_384, %add3A_315 : i32
          %get3A_386 = arith.index_cast %add3A_385 : i32 to index
          %get3A_387 = arith.constant 64 : index
          %get3A_388 = tpu.vector_load %arg10[%get3A_386, %get3A_387] {strides = array<i32>} : memref<160x256xf32, #tpu.memory_space<vmem>>, vector<16xf32>,
          %mul3A_389 = arith.mulf %gather3A_379, %get3A_388 : vector<16xf32>
          %add3A_390 = arith.addf %add3A_364, %mul3A_389 : vector<16xf32>
          %add3A_391 = arith.addi %gather3A_325, %add3A_137 : vector<16xi32>
          %gather3A_392 = tpu.vector_load_idx %arg8[%add3A_391] : memref<40960xf32, #tpu.memory_space<vmem>>[vector<16xi32>], vector<16xf32>,
          %mul3A_393 = arith.constant 80 : i32
          %mul3A_394 = arith.muli %scan3A_180#2, %mul3A_393 : i32
          %mul3A_395 = arith.constant 16 : i32
          %mul3A_396 = arith.muli %scan3A_230, %mul3A_395 : i32
          %add3A_397 = arith.addi %mul3A_394, %mul3A_396 : i32
          %add3A_398 = arith.addi %add3A_397, %add3A_315 : i32
          %get3A_399 = arith.index_cast %add3A_398 : i32 to index
          %get3A_400 = arith.constant 80 : index
          %get3A_401 = tpu.vector_load %arg10[%get3A_399, %get3A_400] {strides = array<i32>} : memref<160x256xf32, #tpu.memory_space<vmem>>, vector<16xf32>,
          %mul3A_402 = arith.mulf %gather3A_392, %get3A_401 : vector<16xf32>
          %add3A_403 = arith.addf %add3A_377, %mul3A_402 : vector<16xf32>
          %add3A_404 = arith.addi %gather3A_325, %add3A_140 : vector<16xi32>
          %gather3A_405 = tpu.vector_load_idx %arg8[%add3A_404] : memref<40960xf32, #tpu.memory_space<vmem>>[vector<16xi32>], vector<16xf32>,
          %mul3A_406 = arith.constant 80 : i32
          %mul3A_407 = arith.muli %scan3A_180#2, %mul3A_406 : i32
          %mul3A_408 = arith.constant 16 : i32
          %mul3A_409 = arith.muli %scan3A_230, %mul3A_408 : i32
          %add3A_410 = arith.addi %mul3A_407, %mul3A_409 : i32
          %add3A_411 = arith.addi %add3A_410, %add3A_315 : i32
          %get3A_412 = arith.index_cast %add3A_411 : i32 to index
          %get3A_413 = arith.constant 96 : index
          %get3A_414 = tpu.vector_load %arg10[%get3A_412, %get3A_413] {strides = array<i32>} : memref<160x256xf32, #tpu.memory_space<vmem>>, vector<16xf32>,
          %mul3A_415 = arith.mulf %gather3A_405, %get3A_414 : vector<16xf32>
          %add3A_416 = arith.addf %add3A_390, %mul3A_415 : vector<16xf32>
          %add3A_417 = arith.addi %gather3A_325, %add3A_143 : vector<16xi32>
          %gather3A_418 = tpu.vector_load_idx %arg8[%add3A_417] : memref<40960xf32, #tpu.memory_space<vmem>>[vector<16xi32>], vector<16xf32>,
          %mul3A_419 = arith.constant 80 : i32
          %mul3A_420 = arith.muli %scan3A_180#2, %mul3A_419 : i32
          %mul3A_421 = arith.constant 16 : i32
          %mul3A_422 = arith.muli %scan3A_230, %mul3A_421 : i32
          %add3A_423 = arith.addi %mul3A_420, %mul3A_422 : i32
          %add3A_424 = arith.addi %add3A_423, %add3A_315 : i32
          %get3A_425 = arith.index_cast %add3A_424 : i32 to index
          %get3A_426 = arith.constant 112 : index
          %get3A_427 = tpu.vector_load %arg10[%get3A_425, %get3A_426] {strides = array<i32>} : memref<160x256xf32, #tpu.memory_space<vmem>>, vector<16xf32>,
          %mul3A_428 = arith.mulf %gather3A_418, %get3A_427 : vector<16xf32>
          %add3A_429 = arith.addf %add3A_403, %mul3A_428 : vector<16xf32>
          %add3A_430 = arith.addf %add3A_416, %add3A_429 : vector<16xf32>
          %reduce_sum3A = arith.constant true
          %reduce_sum3A_431 = vector.broadcast %reduce_sum3A : i1 to vector<16xi1>
          %reduce_sum3A_432 = tpu.scan <sum>, %add3A_430 masked %reduce_sum3A_431 : vector<16xf32>, vector<16xi1> -> vector<16xf32>
          %reduce_sum3A_433 = vector.extract %reduce_sum3A_432[15] : f32 from vector<16xf32>
          %eq3A_434 = vector.broadcast %add3A_315 : i32 to vector<16xi32>
          %eq3A_435 = arith.cmpi eq, %iota3A, %eq3A_434 : vector<16xi32>
          %broadcast_in_dim3A_436 = vector.broadcast %reduce_sum3A_433 : f32 to vector<16xf32>
          %select_n3A_437 = arith.select %eq3A_435, %broadcast_in_dim3A_436, %scan3A_311 : vector<16xi1>, vector<16xf32>
          %mul3A_438 = arith.constant 2 : i32
          %mul3A_439 = arith.muli %mul3A_438, %scan3A_310 : i32
          %add3A_440 = arith.constant 1 : i32
          %add3A_441 = arith.addi %mul3A_439, %add3A_440 : i32
          %broadcast_in_dim3A_442 = vector.broadcast %add3A_441 : i32 to vector<16xi32>
          %lt3A_443 = arith.constant 0 : i32
          %lt3A_444 = vector.broadcast %lt3A_443 : i32 to vector<16xi32>
          %lt3A_445 = arith.cmpi slt, %broadcast_in_dim3A_442, %lt3A_444 : vector<16xi32>
          %add3A_446 = arith.constant 16 : i32
          %add3A_447 = vector.broadcast %add3A_446 : i32 to vector<16xi32>
          %add3A_448 = arith.addi %broadcast_in_dim3A_442, %add3A_447 : vector<16xi32>
          %select_n3A_449 = arith.select %lt3A_445, %add3A_448, %broadcast_in_dim3A_442 : vector<16xi1>, vector<16xi32>
          %broadcast_in_dim3A_450 = vector.shape_cast %select_n3A_449 : vector<16xi32> to vector<16x1xi32>
          %gather3A_451 = vector.shape_cast %broadcast_in_dim3A_450 : vector<16x1xi32> to vector<16xi32>
          %gather3A_452 = tpu.dynamic_gather %mul3A_241[%gather3A_451] in [0] : vector<16xi32>, vector<16xi32> -> vector<16xi32>
          %add3A_453 = arith.addi %gather3A_452, %add3A_122 : vector<16xi32>
          %gather3A_454 = tpu.vector_load_idx %arg8[%add3A_453] : memref<40960xf32, #tpu.memory_space<vmem>>[vector<16xi32>], vector<16xf32>,
          %mul3A_455 = arith.constant 80 : i32
          %mul3A_456 = arith.muli %scan3A_180#2, %mul3A_455 : i32
          %mul3A_457 = arith.constant 16 : i32
          %mul3A_458 = arith.muli %scan3A_230, %mul3A_457 : i32
          %add3A_459 = arith.addi %mul3A_456, %mul3A_458 : i32
          %add3A_460 = arith.addi %add3A_459, %add3A_441 : i32
          %get3A_461 = arith.index_cast %add3A_460 : i32 to index
          %get3A_462 = arith.constant 0 : index
          %get3A_463 = tpu.vector_load %arg10[%get3A_461, %get3A_462] {strides = array<i32>} : memref<160x256xf32, #tpu.memory_space<vmem>>, vector<16xf32>,
          %mul3A_464 = arith.mulf %gather3A_454, %get3A_463 : vector<16xf32>
          %add3A_465 = arith.addf %broadcast_in_dim3A_3, %mul3A_464 : vector<16xf32>
          %add3A_466 = arith.addi %gather3A_452, %add3A_125 : vector<16xi32>
          %gather3A_467 = tpu.vector_load_idx %arg8[%add3A_466] : memref<40960xf32, #tpu.memory_space<vmem>>[vector<16xi32>], vector<16xf32>,
          %mul3A_468 = arith.constant 80 : i32
          %mul3A_469 = arith.muli %scan3A_180#2, %mul3A_468 : i32
          %mul3A_470 = arith.constant 16 : i32
          %mul3A_471 = arith.muli %scan3A_230, %mul3A_470 : i32
          %add3A_472 = arith.addi %mul3A_469, %mul3A_471 : i32
          %add3A_473 = arith.addi %add3A_472, %add3A_441 : i32
          %get3A_474 = arith.index_cast %add3A_473 : i32 to index
          %get3A_475 = arith.constant 16 : index
          %get3A_476 = tpu.vector_load %arg10[%get3A_474, %get3A_475] {strides = array<i32>} : memref<160x256xf32, #tpu.memory_space<vmem>>, vector<16xf32>,
          %mul3A_477 = arith.mulf %gather3A_467, %get3A_476 : vector<16xf32>
          %add3A_478 = arith.addf %broadcast_in_dim3A_3, %mul3A_477 : vector<16xf32>
          %add3A_479 = arith.addi %gather3A_452, %add3A_128 : vector<16xi32>
          %gather3A_480 = tpu.vector_load_idx %arg8[%add3A_479] : memref<40960xf32, #tpu.memory_space<vmem>>[vector<16xi32>], vector<16xf32>,
          %mul3A_481 = arith.constant 80 : i32
          %mul3A_482 = arith.muli %scan3A_180#2, %mul3A_481 : i32
          %mul3A_483 = arith.constant 16 : i32
          %mul3A_484 = arith.muli %scan3A_230, %mul3A_483 : i32
          %add3A_485 = arith.addi %mul3A_482, %mul3A_484 : i32
          %add3A_486 = arith.addi %add3A_485, %add3A_441 : i32
          %get3A_487 = arith.index_cast %add3A_486 : i32 to index
          %get3A_488 = arith.constant 32 : index
          %get3A_489 = tpu.vector_load %arg10[%get3A_487, %get3A_488] {strides = array<i32>} : memref<160x256xf32, #tpu.memory_space<vmem>>, vector<16xf32>,
          %mul3A_490 = arith.mulf %gather3A_480, %get3A_489 : vector<16xf32>
          %add3A_491 = arith.addf %add3A_465, %mul3A_490 : vector<16xf32>
          %add3A_492 = arith.addi %gather3A_452, %add3A_131 : vector<16xi32>
          %gather3A_493 = tpu.vector_load_idx %arg8[%add3A_492] : memref<40960xf32, #tpu.memory_space<vmem>>[vector<16xi32>], vector<16xf32>,
          %mul3A_494 = arith.constant 80 : i32
          %mul3A_495 = arith.muli %scan3A_180#2, %mul3A_494 : i32
          %mul3A_496 = arith.constant 16 : i32
          %mul3A_497 = arith.muli %scan3A_230, %mul3A_496 : i32
          %add3A_498 = arith.addi %mul3A_495, %mul3A_497 : i32
          %add3A_499 = arith.addi %add3A_498, %add3A_441 : i32
          %get3A_500 = arith.index_cast %add3A_499 : i32 to index
          %get3A_501 = arith.constant 48 : index
          %get3A_502 = tpu.vector_load %arg10[%get3A_500, %get3A_501] {strides = array<i32>} : memref<160x256xf32, #tpu.memory_space<vmem>>, vector<16xf32>,
          %mul3A_503 = arith.mulf %gather3A_493, %get3A_502 : vector<16xf32>
          %add3A_504 = arith.addf %add3A_478, %mul3A_503 : vector<16xf32>
          %add3A_505 = arith.addi %gather3A_452, %add3A_134 : vector<16xi32>
          %gather3A_506 = tpu.vector_load_idx %arg8[%add3A_505] : memref<40960xf32, #tpu.memory_space<vmem>>[vector<16xi32>], vector<16xf32>,
          %mul3A_507 = arith.constant 80 : i32
          %mul3A_508 = arith.muli %scan3A_180#2, %mul3A_507 : i32
          %mul3A_509 = arith.constant 16 : i32
          %mul3A_510 = arith.muli %scan3A_230, %mul3A_509 : i32
          %add3A_511 = arith.addi %mul3A_508, %mul3A_510 : i32
          %add3A_512 = arith.addi %add3A_511, %add3A_441 : i32
          %get3A_513 = arith.index_cast %add3A_512 : i32 to index
          %get3A_514 = arith.constant 64 : index
          %get3A_515 = tpu.vector_load %arg10[%get3A_513, %get3A_514] {strides = array<i32>} : memref<160x256xf32, #tpu.memory_space<vmem>>, vector<16xf32>,
          %mul3A_516 = arith.mulf %gather3A_506, %get3A_515 : vector<16xf32>
          %add3A_517 = arith.addf %add3A_491, %mul3A_516 : vector<16xf32>
          %add3A_518 = arith.addi %gather3A_452, %add3A_137 : vector<16xi32>
          %gather3A_519 = tpu.vector_load_idx %arg8[%add3A_518] : memref<40960xf32, #tpu.memory_space<vmem>>[vector<16xi32>], vector<16xf32>,
          %mul3A_520 = arith.constant 80 : i32
          %mul3A_521 = arith.muli %scan3A_180#2, %mul3A_520 : i32
          %mul3A_522 = arith.constant 16 : i32
          %mul3A_523 = arith.muli %scan3A_230, %mul3A_522 : i32
          %add3A_524 = arith.addi %mul3A_521, %mul3A_523 : i32
          %add3A_525 = arith.addi %add3A_524, %add3A_441 : i32
          %get3A_526 = arith.index_cast %add3A_525 : i32 to index
          %get3A_527 = arith.constant 80 : index
          %get3A_528 = tpu.vector_load %arg10[%get3A_526, %get3A_527] {strides = array<i32>} : memref<160x256xf32, #tpu.memory_space<vmem>>, vector<16xf32>,
          %mul3A_529 = arith.mulf %gather3A_519, %get3A_528 : vector<16xf32>
          %add3A_530 = arith.addf %add3A_504, %mul3A_529 : vector<16xf32>
          %add3A_531 = arith.addi %gather3A_452, %add3A_140 : vector<16xi32>
          %gather3A_532 = tpu.vector_load_idx %arg8[%add3A_531] : memref<40960xf32, #tpu.memory_space<vmem>>[vector<16xi32>], vector<16xf32>,
          %mul3A_533 = arith.constant 80 : i32
          %mul3A_534 = arith.muli %scan3A_180#2, %mul3A_533 : i32
          %mul3A_535 = arith.constant 16 : i32
          %mul3A_536 = arith.muli %scan3A_230, %mul3A_535 : i32
          %add3A_537 = arith.addi %mul3A_534, %mul3A_536 : i32
          %add3A_538 = arith.addi %add3A_537, %add3A_441 : i32
          %get3A_539 = arith.index_cast %add3A_538 : i32 to index
          %get3A_540 = arith.constant 96 : index
          %get3A_541 = tpu.vector_load %arg10[%get3A_539, %get3A_540] {strides = array<i32>} : memref<160x256xf32, #tpu.memory_space<vmem>>, vector<16xf32>,
          %mul3A_542 = arith.mulf %gather3A_532, %get3A_541 : vector<16xf32>
          %add3A_543 = arith.addf %add3A_517, %mul3A_542 : vector<16xf32>
          %add3A_544 = arith.addi %gather3A_452, %add3A_143 : vector<16xi32>
          %gather3A_545 = tpu.vector_load_idx %arg8[%add3A_544] : memref<40960xf32, #tpu.memory_space<vmem>>[vector<16xi32>], vector<16xf32>,
          %mul3A_546 = arith.constant 80 : i32
          %mul3A_547 = arith.muli %scan3A_180#2, %mul3A_546 : i32
          %mul3A_548 = arith.constant 16 : i32
          %mul3A_549 = arith.muli %scan3A_230, %mul3A_548 : i32
          %add3A_550 = arith.addi %mul3A_547, %mul3A_549 : i32
          %add3A_551 = arith.addi %add3A_550, %add3A_441 : i32
          %get3A_552 = arith.index_cast %add3A_551 : i32 to index
          %get3A_553 = arith.constant 112 : index
          %get3A_554 = tpu.vector_load %arg10[%get3A_552, %get3A_553] {strides = array<i32>} : memref<160x256xf32, #tpu.memory_space<vmem>>, vector<16xf32>,
          %mul3A_555 = arith.mulf %gather3A_545, %get3A_554 : vector<16xf32>
          %add3A_556 = arith.addf %add3A_530, %mul3A_555 : vector<16xf32>
          %add3A_557 = arith.addf %add3A_543, %add3A_556 : vector<16xf32>
          %reduce_sum3A_558 = arith.constant true
          %reduce_sum3A_559 = vector.broadcast %reduce_sum3A_558 : i1 to vector<16xi1>
          %reduce_sum3A_560 = tpu.scan <sum>, %add3A_557 masked %reduce_sum3A_559 : vector<16xf32>, vector<16xi1> -> vector<16xf32>
          %reduce_sum3A_561 = vector.extract %reduce_sum3A_560[15] : f32 from vector<16xf32>
          %eq3A_562 = vector.broadcast %add3A_441 : i32 to vector<16xi32>
          %eq3A_563 = arith.cmpi eq, %iota3A, %eq3A_562 : vector<16xi32>
          %broadcast_in_dim3A_564 = vector.broadcast %reduce_sum3A_561 : f32 to vector<16xf32>
          %select_n3A_565 = arith.select %eq3A_563, %broadcast_in_dim3A_564, %select_n3A_437 : vector<16xi1>, vector<16xf32>
          scf.yield %select_n3A_565 : vector<16xf32>
        }
        %scan3A_247 = arith.constant 8 : i32
        %exp3A = math.exp %scan3A_246 : vector<16xf32>
        %mul3A_248 = arith.constant 16 : i32
        %mul3A_249 = arith.muli %scan3A_230, %mul3A_248 : i32
        %add3A_250 = vector.broadcast %mul3A_249 : i32 to vector<16xi32>
        %add3A_251 = arith.addi %iota3A, %add3A_250 : vector<16xi32>
        %lt3A = vector.broadcast %scan3A_218 : i32 to vector<16xi32>
        %lt3A_252 = arith.cmpi slt, %add3A_251, %lt3A : vector<16xi32>
        %jit3A_253 = arith.constant 0.000000e+00 : f32
        %broadcast_in_dim3A_254 = vector.broadcast %jit3A_253 : f32 to vector<16xf32>
        %select_n3A = arith.select %lt3A_252, %exp3A, %broadcast_in_dim3A_254 : vector<16xi1>, vector<16xf32>
        %eq3A = arith.constant 0 : i32
        %eq3A_255 = vector.broadcast %eq3A : i32 to vector<16xi32>
        %eq3A_256 = arith.cmpi eq, %iota3A, %eq3A_255 : vector<16xi32>
        tpu.vector_store_idx %arg17[%min3A_238], %select_n3A masked %eq3A_256 {add = true} : memref<320xf32, #tpu.memory_space<vmem>>[vector<16xi32>], vector<16xf32>, vector<16xi1>
        %eq3A_257 = arith.constant 1 : i32
        %eq3A_258 = vector.broadcast %eq3A_257 : i32 to vector<16xi32>
        %eq3A_259 = arith.cmpi eq, %iota3A, %eq3A_258 : vector<16xi32>
        tpu.vector_store_idx %arg17[%min3A_238], %select_n3A masked %eq3A_259 {add = true} : memref<320xf32, #tpu.memory_space<vmem>>[vector<16xi32>], vector<16xf32>, vector<16xi1>
        %eq3A_260 = arith.constant 2 : i32
        %eq3A_261 = vector.broadcast %eq3A_260 : i32 to vector<16xi32>
        %eq3A_262 = arith.cmpi eq, %iota3A, %eq3A_261 : vector<16xi32>
        tpu.vector_store_idx %arg17[%min3A_238], %select_n3A masked %eq3A_262 {add = true} : memref<320xf32, #tpu.memory_space<vmem>>[vector<16xi32>], vector<16xf32>, vector<16xi1>
        %eq3A_263 = arith.constant 3 : i32
        %eq3A_264 = vector.broadcast %eq3A_263 : i32 to vector<16xi32>
        %eq3A_265 = arith.cmpi eq, %iota3A, %eq3A_264 : vector<16xi32>
        tpu.vector_store_idx %arg17[%min3A_238], %select_n3A masked %eq3A_265 {add = true} : memref<320xf32, #tpu.memory_space<vmem>>[vector<16xi32>], vector<16xf32>, vector<16xi1>
        %eq3A_266 = arith.constant 4 : i32
        %eq3A_267 = vector.broadcast %eq3A_266 : i32 to vector<16xi32>
        %eq3A_268 = arith.cmpi eq, %iota3A, %eq3A_267 : vector<16xi32>
        tpu.vector_store_idx %arg17[%min3A_238], %select_n3A masked %eq3A_268 {add = true} : memref<320xf32, #tpu.memory_space<vmem>>[vector<16xi32>], vector<16xf32>, vector<16xi1>
        %eq3A_269 = arith.constant 5 : i32
        %eq3A_270 = vector.broadcast %eq3A_269 : i32 to vector<16xi32>
        %eq3A_271 = arith.cmpi eq, %iota3A, %eq3A_270 : vector<16xi32>
        tpu.vector_store_idx %arg17[%min3A_238], %select_n3A masked %eq3A_271 {add = true} : memref<320xf32, #tpu.memory_space<vmem>>[vector<16xi32>], vector<16xf32>, vector<16xi1>
        %eq3A_272 = arith.constant 6 : i32
        %eq3A_273 = vector.broadcast %eq3A_272 : i32 to vector<16xi32>
        %eq3A_274 = arith.cmpi eq, %iota3A, %eq3A_273 : vector<16xi32>
        tpu.vector_store_idx %arg17[%min3A_238], %select_n3A masked %eq3A_274 {add = true} : memref<320xf32, #tpu.memory_space<vmem>>[vector<16xi32>], vector<16xf32>, vector<16xi1>
        %eq3A_275 = arith.constant 7 : i32
        %eq3A_276 = vector.broadcast %eq3A_275 : i32 to vector<16xi32>
        %eq3A_277 = arith.cmpi eq, %iota3A, %eq3A_276 : vector<16xi32>
        tpu.vector_store_idx %arg17[%min3A_238], %select_n3A masked %eq3A_277 {add = true} : memref<320xf32, #tpu.memory_space<vmem>>[vector<16xi32>], vector<16xf32>, vector<16xi1>
        %eq3A_278 = arith.constant 8 : i32
        %eq3A_279 = vector.broadcast %eq3A_278 : i32 to vector<16xi32>
        %eq3A_280 = arith.cmpi eq, %iota3A, %eq3A_279 : vector<16xi32>
        tpu.vector_store_idx %arg17[%min3A_238], %select_n3A masked %eq3A_280 {add = true} : memref<320xf32, #tpu.memory_space<vmem>>[vector<16xi32>], vector<16xf32>, vector<16xi1>
        %eq3A_281 = arith.constant 9 : i32
        %eq3A_282 = vector.broadcast %eq3A_281 : i32 to vector<16xi32>
        %eq3A_283 = arith.cmpi eq, %iota3A, %eq3A_282 : vector<16xi32>
        tpu.vector_store_idx %arg17[%min3A_238], %select_n3A masked %eq3A_283 {add = true} : memref<320xf32, #tpu.memory_space<vmem>>[vector<16xi32>], vector<16xf32>, vector<16xi1>
        %eq3A_284 = arith.constant 10 : i32
        %eq3A_285 = vector.broadcast %eq3A_284 : i32 to vector<16xi32>
        %eq3A_286 = arith.cmpi eq, %iota3A, %eq3A_285 : vector<16xi32>
        tpu.vector_store_idx %arg17[%min3A_238], %select_n3A masked %eq3A_286 {add = true} : memref<320xf32, #tpu.memory_space<vmem>>[vector<16xi32>], vector<16xf32>, vector<16xi1>
        %eq3A_287 = arith.constant 11 : i32
        %eq3A_288 = vector.broadcast %eq3A_287 : i32 to vector<16xi32>
        %eq3A_289 = arith.cmpi eq, %iota3A, %eq3A_288 : vector<16xi32>
        tpu.vector_store_idx %arg17[%min3A_238], %select_n3A masked %eq3A_289 {add = true} : memref<320xf32, #tpu.memory_space<vmem>>[vector<16xi32>], vector<16xf32>, vector<16xi1>
        %eq3A_290 = arith.constant 12 : i32
        %eq3A_291 = vector.broadcast %eq3A_290 : i32 to vector<16xi32>
        %eq3A_292 = arith.cmpi eq, %iota3A, %eq3A_291 : vector<16xi32>
        tpu.vector_store_idx %arg17[%min3A_238], %select_n3A masked %eq3A_292 {add = true} : memref<320xf32, #tpu.memory_space<vmem>>[vector<16xi32>], vector<16xf32>, vector<16xi1>
        %eq3A_293 = arith.constant 13 : i32
        %eq3A_294 = vector.broadcast %eq3A_293 : i32 to vector<16xi32>
        %eq3A_295 = arith.cmpi eq, %iota3A, %eq3A_294 : vector<16xi32>
        tpu.vector_store_idx %arg17[%min3A_238], %select_n3A masked %eq3A_295 {add = true} : memref<320xf32, #tpu.memory_space<vmem>>[vector<16xi32>], vector<16xf32>, vector<16xi1>
        %eq3A_296 = arith.constant 14 : i32
        %eq3A_297 = vector.broadcast %eq3A_296 : i32 to vector<16xi32>
        %eq3A_298 = arith.cmpi eq, %iota3A, %eq3A_297 : vector<16xi32>
        tpu.vector_store_idx %arg17[%min3A_238], %select_n3A masked %eq3A_298 {add = true} : memref<320xf32, #tpu.memory_space<vmem>>[vector<16xi32>], vector<16xf32>, vector<16xi1>
        %eq3A_299 = arith.constant 15 : i32
        %eq3A_300 = vector.broadcast %eq3A_299 : i32 to vector<16xi32>
        %eq3A_301 = arith.cmpi eq, %iota3A, %eq3A_300 : vector<16xi32>
        tpu.vector_store_idx %arg17[%min3A_238], %select_n3A masked %eq3A_301 {add = true} : memref<320xf32, #tpu.memory_space<vmem>>[vector<16xi32>], vector<16xf32>, vector<16xi1>
        %scan3A_302 = arith.constant 0 : i32
        %scan3A_303 = arith.constant 0 : i32
        %scan3A_304 = arith.constant 8 : i32
        %scan3A_305 = arith.addi %scan3A_303, %scan3A_304 : i32
        %scan3A_306 = arith.constant 1 : i32
        %scan3A_307 = scf.for %scan3A_310 = %scan3A_303 to %scan3A_305 step %scan3A_306 iter_args(%scan3A_311 = %scan3A_302) -> (i32)  : i32 {
          %mul3A_312 = arith.constant 2 : i32
          %mul3A_313 = arith.muli %mul3A_312, %scan3A_310 : i32
          %add3A_314 = arith.constant 0 : i32
          %add3A_315 = arith.addi %mul3A_313, %add3A_314 : i32
          %broadcast_in_dim3A_316 = vector.broadcast %add3A_315 : i32 to vector<16xi32>
          %lt3A_317 = arith.constant 0 : i32
          %lt3A_318 = vector.broadcast %lt3A_317 : i32 to vector<16xi32>
          %lt3A_319 = arith.cmpi slt, %broadcast_in_dim3A_316, %lt3A_318 : vector<16xi32>
          %add3A_320 = arith.constant 16 : i32
          %add3A_321 = vector.broadcast %add3A_320 : i32 to vector<16xi32>
          %add3A_322 = arith.addi %broadcast_in_dim3A_316, %add3A_321 : vector<16xi32>
          %select_n3A_323 = arith.select %lt3A_319, %add3A_322, %broadcast_in_dim3A_316 : vector<16xi1>, vector<16xi32>
          %broadcast_in_dim3A_324 = vector.shape_cast %select_n3A_323 : vector<16xi32> to vector<16x1xi32>
          %gather3A = vector.shape_cast %broadcast_in_dim3A_324 : vector<16x1xi32> to vector<16xi32>
          %gather3A_325 = tpu.dynamic_gather %select_n3A[%gather3A] in [0] : vector<16xf32>, vector<16xi32> -> vector<16xf32>
          %broadcast_in_dim3A_326 = vector.broadcast %add3A_315 : i32 to vector<16xi32>
          %lt3A_327 = arith.constant 0 : i32
          %lt3A_328 = vector.broadcast %lt3A_327 : i32 to vector<16xi32>
          %lt3A_329 = arith.cmpi slt, %broadcast_in_dim3A_326, %lt3A_328 : vector<16xi32>
          %add3A_330 = arith.constant 16 : i32
          %add3A_331 = vector.broadcast %add3A_330 : i32 to vector<16xi32>
          %add3A_332 = arith.addi %broadcast_in_dim3A_326, %add3A_331 : vector<16xi32>
          %select_n3A_333 = arith.select %lt3A_329, %add3A_332, %broadcast_in_dim3A_326 : vector<16xi1>, vector<16xi32>
          %broadcast_in_dim3A_334 = vector.shape_cast %select_n3A_333 : vector<16xi32> to vector<16x1xi32>
          %gather3A_335 = vector.shape_cast %broadcast_in_dim3A_334 : vector<16x1xi32> to vector<16xi32>
          %gather3A_336 = tpu.dynamic_gather %mul3A_241[%gather3A_335] in [0] : vector<16xi32>, vector<16xi32> -> vector<16xi32>
          %mul3A_337 = arith.constant 80 : i32
          %mul3A_338 = arith.muli %scan3A_180#2, %mul3A_337 : i32
          %mul3A_339 = arith.constant 16 : i32
          %mul3A_340 = arith.muli %scan3A_230, %mul3A_339 : i32
          %add3A_341 = arith.addi %mul3A_338, %mul3A_340 : i32
          %add3A_342 = arith.addi %add3A_341, %add3A_315 : i32
          %get3A_343 = arith.index_cast %add3A_342 : i32 to index
          %get3A_344 = arith.constant 128 : index
          %get3A_345 = tpu.vector_load %arg10[%get3A_343, %get3A_344] {strides = array<i32>} : memref<160x256xf32, #tpu.memory_space<vmem>>, vector<16xf32>,
          %mul3A_346 = arith.mulf %gather3A_325, %get3A_345 : vector<16xf32>
          %add3A_347 = arith.addi %gather3A_336, %add3A_122 : vector<16xi32>
          %mul3A_348 = arith.constant 80 : i32
          %mul3A_349 = arith.muli %scan3A_180#2, %mul3A_348 : i32
          %mul3A_350 = arith.constant 16 : i32
          %mul3A_351 = arith.muli %scan3A_230, %mul3A_350 : i32
          %add3A_352 = arith.addi %mul3A_349, %mul3A_351 : i32
          %add3A_353 = arith.addi %add3A_352, %add3A_315 : i32
          %get3A_354 = arith.index_cast %add3A_353 : i32 to index
          %get3A_355 = arith.constant 144 : index
          %get3A_356 = tpu.vector_load %arg10[%get3A_354, %get3A_355] {strides = array<i32>} : memref<160x256xf32, #tpu.memory_space<vmem>>, vector<16xf32>,
          %mul3A_357 = arith.mulf %gather3A_325, %get3A_356 : vector<16xf32>
          %add3A_358 = arith.addi %gather3A_336, %add3A_125 : vector<16xi32>
          %mul3A_359 = arith.constant 80 : i32
          %mul3A_360 = arith.muli %scan3A_180#2, %mul3A_359 : i32
          %mul3A_361 = arith.constant 16 : i32
          %mul3A_362 = arith.muli %scan3A_230, %mul3A_361 : i32
          %add3A_363 = arith.addi %mul3A_360, %mul3A_362 : i32
          %add3A_364 = arith.addi %add3A_363, %add3A_315 : i32
          %get3A_365 = arith.index_cast %add3A_364 : i32 to index
          %get3A_366 = arith.constant 160 : index
          %get3A_367 = tpu.vector_load %arg10[%get3A_365, %get3A_366] {strides = array<i32>} : memref<160x256xf32, #tpu.memory_space<vmem>>, vector<16xf32>,
          %mul3A_368 = arith.mulf %gather3A_325, %get3A_367 : vector<16xf32>
          %add3A_369 = arith.addi %gather3A_336, %add3A_128 : vector<16xi32>
          %mul3A_370 = arith.constant 80 : i32
          %mul3A_371 = arith.muli %scan3A_180#2, %mul3A_370 : i32
          %mul3A_372 = arith.constant 16 : i32
          %mul3A_373 = arith.muli %scan3A_230, %mul3A_372 : i32
          %add3A_374 = arith.addi %mul3A_371, %mul3A_373 : i32
          %add3A_375 = arith.addi %add3A_374, %add3A_315 : i32
          %get3A_376 = arith.index_cast %add3A_375 : i32 to index
          %get3A_377 = arith.constant 176 : index
          %get3A_378 = tpu.vector_load %arg10[%get3A_376, %get3A_377] {strides = array<i32>} : memref<160x256xf32, #tpu.memory_space<vmem>>, vector<16xf32>,
          %mul3A_379 = arith.mulf %gather3A_325, %get3A_378 : vector<16xf32>
          %add3A_380 = arith.addi %gather3A_336, %add3A_131 : vector<16xi32>
          %mul3A_381 = arith.constant 80 : i32
          %mul3A_382 = arith.muli %scan3A_180#2, %mul3A_381 : i32
          %mul3A_383 = arith.constant 16 : i32
          %mul3A_384 = arith.muli %scan3A_230, %mul3A_383 : i32
          %add3A_385 = arith.addi %mul3A_382, %mul3A_384 : i32
          %add3A_386 = arith.addi %add3A_385, %add3A_315 : i32
          %get3A_387 = arith.index_cast %add3A_386 : i32 to index
          %get3A_388 = arith.constant 192 : index
          %get3A_389 = tpu.vector_load %arg10[%get3A_387, %get3A_388] {strides = array<i32>} : memref<160x256xf32, #tpu.memory_space<vmem>>, vector<16xf32>,
          %mul3A_390 = arith.mulf %gather3A_325, %get3A_389 : vector<16xf32>
          %add3A_391 = arith.addi %gather3A_336, %add3A_134 : vector<16xi32>
          %mul3A_392 = arith.constant 80 : i32
          %mul3A_393 = arith.muli %scan3A_180#2, %mul3A_392 : i32
          %mul3A_394 = arith.constant 16 : i32
          %mul3A_395 = arith.muli %scan3A_230, %mul3A_394 : i32
          %add3A_396 = arith.addi %mul3A_393, %mul3A_395 : i32
          %add3A_397 = arith.addi %add3A_396, %add3A_315 : i32
          %get3A_398 = arith.index_cast %add3A_397 : i32 to index
          %get3A_399 = arith.constant 208 : index
          %get3A_400 = tpu.vector_load %arg10[%get3A_398, %get3A_399] {strides = array<i32>} : memref<160x256xf32, #tpu.memory_space<vmem>>, vector<16xf32>,
          %mul3A_401 = arith.mulf %gather3A_325, %get3A_400 : vector<16xf32>
          %add3A_402 = arith.addi %gather3A_336, %add3A_137 : vector<16xi32>
          %mul3A_403 = arith.constant 80 : i32
          %mul3A_404 = arith.muli %scan3A_180#2, %mul3A_403 : i32
          %mul3A_405 = arith.constant 16 : i32
          %mul3A_406 = arith.muli %scan3A_230, %mul3A_405 : i32
          %add3A_407 = arith.addi %mul3A_404, %mul3A_406 : i32
          %add3A_408 = arith.addi %add3A_407, %add3A_315 : i32
          %get3A_409 = arith.index_cast %add3A_408 : i32 to index
          %get3A_410 = arith.constant 224 : index
          %get3A_411 = tpu.vector_load %arg10[%get3A_409, %get3A_410] {strides = array<i32>} : memref<160x256xf32, #tpu.memory_space<vmem>>, vector<16xf32>,
          %mul3A_412 = arith.mulf %gather3A_325, %get3A_411 : vector<16xf32>
          %add3A_413 = arith.addi %gather3A_336, %add3A_140 : vector<16xi32>
          %mul3A_414 = arith.constant 80 : i32
          %mul3A_415 = arith.muli %scan3A_180#2, %mul3A_414 : i32
          %mul3A_416 = arith.constant 16 : i32
          %mul3A_417 = arith.muli %scan3A_230, %mul3A_416 : i32
          %add3A_418 = arith.addi %mul3A_415, %mul3A_417 : i32
          %add3A_419 = arith.addi %add3A_418, %add3A_315 : i32
          %get3A_420 = arith.index_cast %add3A_419 : i32 to index
          %get3A_421 = arith.constant 240 : index
          %get3A_422 = tpu.vector_load %arg10[%get3A_420, %get3A_421] {strides = array<i32>} : memref<160x256xf32, #tpu.memory_space<vmem>>, vector<16xf32>,
          %mul3A_423 = arith.mulf %gather3A_325, %get3A_422 : vector<16xf32>
          %add3A_424 = arith.addi %gather3A_336, %add3A_143 : vector<16xi32>
          %mul3A_425 = arith.constant 2 : i32
          %mul3A_426 = arith.muli %mul3A_425, %scan3A_310 : i32
          %add3A_427 = arith.constant 1 : i32
          %add3A_428 = arith.addi %mul3A_426, %add3A_427 : i32
          %broadcast_in_dim3A_429 = vector.broadcast %add3A_428 : i32 to vector<16xi32>
          %lt3A_430 = arith.constant 0 : i32
          %lt3A_431 = vector.broadcast %lt3A_430 : i32 to vector<16xi32>
          %lt3A_432 = arith.cmpi slt, %broadcast_in_dim3A_429, %lt3A_431 : vector<16xi32>
          %add3A_433 = arith.constant 16 : i32
          %add3A_434 = vector.broadcast %add3A_433 : i32 to vector<16xi32>
          %add3A_435 = arith.addi %broadcast_in_dim3A_429, %add3A_434 : vector<16xi32>
          %select_n3A_436 = arith.select %lt3A_432, %add3A_435, %broadcast_in_dim3A_429 : vector<16xi1>, vector<16xi32>
          %broadcast_in_dim3A_437 = vector.shape_cast %select_n3A_436 : vector<16xi32> to vector<16x1xi32>
          %gather3A_438 = vector.shape_cast %broadcast_in_dim3A_437 : vector<16x1xi32> to vector<16xi32>
          %gather3A_439 = tpu.dynamic_gather %select_n3A[%gather3A_438] in [0] : vector<16xf32>, vector<16xi32> -> vector<16xf32>
          %broadcast_in_dim3A_440 = vector.broadcast %add3A_428 : i32 to vector<16xi32>
          %lt3A_441 = arith.constant 0 : i32
          %lt3A_442 = vector.broadcast %lt3A_441 : i32 to vector<16xi32>
          %lt3A_443 = arith.cmpi slt, %broadcast_in_dim3A_440, %lt3A_442 : vector<16xi32>
          %add3A_444 = arith.constant 16 : i32
          %add3A_445 = vector.broadcast %add3A_444 : i32 to vector<16xi32>
          %add3A_446 = arith.addi %broadcast_in_dim3A_440, %add3A_445 : vector<16xi32>
          %select_n3A_447 = arith.select %lt3A_443, %add3A_446, %broadcast_in_dim3A_440 : vector<16xi1>, vector<16xi32>
          %broadcast_in_dim3A_448 = vector.shape_cast %select_n3A_447 : vector<16xi32> to vector<16x1xi32>
          %gather3A_449 = vector.shape_cast %broadcast_in_dim3A_448 : vector<16x1xi32> to vector<16xi32>
          %gather3A_450 = tpu.dynamic_gather %mul3A_241[%gather3A_449] in [0] : vector<16xi32>, vector<16xi32> -> vector<16xi32>
          %mul3A_451 = arith.constant 80 : i32
          %mul3A_452 = arith.muli %scan3A_180#2, %mul3A_451 : i32
          %mul3A_453 = arith.constant 16 : i32
          %mul3A_454 = arith.muli %scan3A_230, %mul3A_453 : i32
          %add3A_455 = arith.addi %mul3A_452, %mul3A_454 : i32
          %add3A_456 = arith.addi %add3A_455, %add3A_428 : i32
          %get3A_457 = arith.index_cast %add3A_456 : i32 to index
          %get3A_458 = arith.constant 128 : index
          %get3A_459 = tpu.vector_load %arg10[%get3A_457, %get3A_458] {strides = array<i32>} : memref<160x256xf32, #tpu.memory_space<vmem>>, vector<16xf32>,
          %mul3A_460 = arith.mulf %gather3A_439, %get3A_459 : vector<16xf32>
          %add3A_461 = arith.addi %gather3A_450, %add3A_122 : vector<16xi32>
          %mul3A_462 = arith.constant 80 : i32
          %mul3A_463 = arith.muli %scan3A_180#2, %mul3A_462 : i32
          %mul3A_464 = arith.constant 16 : i32
          %mul3A_465 = arith.muli %scan3A_230, %mul3A_464 : i32
          %add3A_466 = arith.addi %mul3A_463, %mul3A_465 : i32
          %add3A_467 = arith.addi %add3A_466, %add3A_428 : i32
          %get3A_468 = arith.index_cast %add3A_467 : i32 to index
          %get3A_469 = arith.constant 144 : index
          %get3A_470 = tpu.vector_load %arg10[%get3A_468, %get3A_469] {strides = array<i32>} : memref<160x256xf32, #tpu.memory_space<vmem>>, vector<16xf32>,
          %mul3A_471 = arith.mulf %gather3A_439, %get3A_470 : vector<16xf32>
          %add3A_472 = arith.addi %gather3A_450, %add3A_125 : vector<16xi32>
          %mul3A_473 = arith.constant 80 : i32
          %mul3A_474 = arith.muli %scan3A_180#2, %mul3A_473 : i32
          %mul3A_475 = arith.constant 16 : i32
          %mul3A_476 = arith.muli %scan3A_230, %mul3A_475 : i32
          %add3A_477 = arith.addi %mul3A_474, %mul3A_476 : i32
          %add3A_478 = arith.addi %add3A_477, %add3A_428 : i32
          %get3A_479 = arith.index_cast %add3A_478 : i32 to index
          %get3A_480 = arith.constant 160 : index
          %get3A_481 = tpu.vector_load %arg10[%get3A_479, %get3A_480] {strides = array<i32>} : memref<160x256xf32, #tpu.memory_space<vmem>>, vector<16xf32>,
          %mul3A_482 = arith.mulf %gather3A_439, %get3A_481 : vector<16xf32>
          %add3A_483 = arith.addi %gather3A_450, %add3A_128 : vector<16xi32>
          %mul3A_484 = arith.constant 80 : i32
          %mul3A_485 = arith.muli %scan3A_180#2, %mul3A_484 : i32
          %mul3A_486 = arith.constant 16 : i32
          %mul3A_487 = arith.muli %scan3A_230, %mul3A_486 : i32
          %add3A_488 = arith.addi %mul3A_485, %mul3A_487 : i32
          %add3A_489 = arith.addi %add3A_488, %add3A_428 : i32
          %get3A_490 = arith.index_cast %add3A_489 : i32 to index
          %get3A_491 = arith.constant 176 : index
          %get3A_492 = tpu.vector_load %arg10[%get3A_490, %get3A_491] {strides = array<i32>} : memref<160x256xf32, #tpu.memory_space<vmem>>, vector<16xf32>,
          %mul3A_493 = arith.mulf %gather3A_439, %get3A_492 : vector<16xf32>
          %add3A_494 = arith.addi %gather3A_450, %add3A_131 : vector<16xi32>
          %mul3A_495 = arith.constant 80 : i32
          %mul3A_496 = arith.muli %scan3A_180#2, %mul3A_495 : i32
          %mul3A_497 = arith.constant 16 : i32
          %mul3A_498 = arith.muli %scan3A_230, %mul3A_497 : i32
          %add3A_499 = arith.addi %mul3A_496, %mul3A_498 : i32
          %add3A_500 = arith.addi %add3A_499, %add3A_428 : i32
          %get3A_501 = arith.index_cast %add3A_500 : i32 to index
          %get3A_502 = arith.constant 192 : index
          %get3A_503 = tpu.vector_load %arg10[%get3A_501, %get3A_502] {strides = array<i32>} : memref<160x256xf32, #tpu.memory_space<vmem>>, vector<16xf32>,
          %mul3A_504 = arith.mulf %gather3A_439, %get3A_503 : vector<16xf32>
          %add3A_505 = arith.addi %gather3A_450, %add3A_134 : vector<16xi32>
          %mul3A_506 = arith.constant 80 : i32
          %mul3A_507 = arith.muli %scan3A_180#2, %mul3A_506 : i32
          %mul3A_508 = arith.constant 16 : i32
          %mul3A_509 = arith.muli %scan3A_230, %mul3A_508 : i32
          %add3A_510 = arith.addi %mul3A_507, %mul3A_509 : i32
          %add3A_511 = arith.addi %add3A_510, %add3A_428 : i32
          %get3A_512 = arith.index_cast %add3A_511 : i32 to index
          %get3A_513 = arith.constant 208 : index
          %get3A_514 = tpu.vector_load %arg10[%get3A_512, %get3A_513] {strides = array<i32>} : memref<160x256xf32, #tpu.memory_space<vmem>>, vector<16xf32>,
          %mul3A_515 = arith.mulf %gather3A_439, %get3A_514 : vector<16xf32>
          %add3A_516 = arith.addi %gather3A_450, %add3A_137 : vector<16xi32>
          %mul3A_517 = arith.constant 80 : i32
          %mul3A_518 = arith.muli %scan3A_180#2, %mul3A_517 : i32
          %mul3A_519 = arith.constant 16 : i32
          %mul3A_520 = arith.muli %scan3A_230, %mul3A_519 : i32
          %add3A_521 = arith.addi %mul3A_518, %mul3A_520 : i32
          %add3A_522 = arith.addi %add3A_521, %add3A_428 : i32
          %get3A_523 = arith.index_cast %add3A_522 : i32 to index
          %get3A_524 = arith.constant 224 : index
          %get3A_525 = tpu.vector_load %arg10[%get3A_523, %get3A_524] {strides = array<i32>} : memref<160x256xf32, #tpu.memory_space<vmem>>, vector<16xf32>,
          %mul3A_526 = arith.mulf %gather3A_439, %get3A_525 : vector<16xf32>
          %add3A_527 = arith.addi %gather3A_450, %add3A_140 : vector<16xi32>
          %mul3A_528 = arith.constant 80 : i32
          %mul3A_529 = arith.muli %scan3A_180#2, %mul3A_528 : i32
          %mul3A_530 = arith.constant 16 : i32
          %mul3A_531 = arith.muli %scan3A_230, %mul3A_530 : i32
          %add3A_532 = arith.addi %mul3A_529, %mul3A_531 : i32
          %add3A_533 = arith.addi %add3A_532, %add3A_428 : i32
          %get3A_534 = arith.index_cast %add3A_533 : i32 to index
          %get3A_535 = arith.constant 240 : index
          %get3A_536 = tpu.vector_load %arg10[%get3A_534, %get3A_535] {strides = array<i32>} : memref<160x256xf32, #tpu.memory_space<vmem>>, vector<16xf32>,
          %mul3A_537 = arith.mulf %gather3A_439, %get3A_536 : vector<16xf32>
          %add3A_538 = arith.addi %gather3A_450, %add3A_143 : vector<16xi32>
          tpu.vector_store_idx %arg9[%add3A_347], %mul3A_346 {add = true} : memref<40960xf32, #tpu.memory_space<vmem>>[vector<16xi32>], vector<16xf32>,
          tpu.vector_store_idx %arg9[%add3A_358], %mul3A_357 {add = true} : memref<40960xf32, #tpu.memory_space<vmem>>[vector<16xi32>], vector<16xf32>,
          tpu.vector_store_idx %arg9[%add3A_369], %mul3A_368 {add = true} : memref<40960xf32, #tpu.memory_space<vmem>>[vector<16xi32>], vector<16xf32>,
          tpu.vector_store_idx %arg9[%add3A_380], %mul3A_379 {add = true} : memref<40960xf32, #tpu.memory_space<vmem>>[vector<16xi32>], vector<16xf32>,
          tpu.vector_store_idx %arg9[%add3A_391], %mul3A_390 {add = true} : memref<40960xf32, #tpu.memory_space<vmem>>[vector<16xi32>], vector<16xf32>,
          tpu.vector_store_idx %arg9[%add3A_402], %mul3A_401 {add = true} : memref<40960xf32, #tpu.memory_space<vmem>>[vector<16xi32>], vector<16xf32>,
          tpu.vector_store_idx %arg9[%add3A_413], %mul3A_412 {add = true} : memref<40960xf32, #tpu.memory_space<vmem>>[vector<16xi32>], vector<16xf32>,
          tpu.vector_store_idx %arg9[%add3A_424], %mul3A_423 {add = true} : memref<40960xf32, #tpu.memory_space<vmem>>[vector<16xi32>], vector<16xf32>,
          tpu.vector_store_idx %arg9[%add3A_461], %mul3A_460 {add = true} : memref<40960xf32, #tpu.memory_space<vmem>>[vector<16xi32>], vector<16xf32>,
          tpu.vector_store_idx %arg9[%add3A_472], %mul3A_471 {add = true} : memref<40960xf32, #tpu.memory_space<vmem>>[vector<16xi32>], vector<16xf32>,
          tpu.vector_store_idx %arg9[%add3A_483], %mul3A_482 {add = true} : memref<40960xf32, #tpu.memory_space<vmem>>[vector<16xi32>], vector<16xf32>,
          tpu.vector_store_idx %arg9[%add3A_494], %mul3A_493 {add = true} : memref<40960xf32, #tpu.memory_space<vmem>>[vector<16xi32>], vector<16xf32>,
          tpu.vector_store_idx %arg9[%add3A_505], %mul3A_504 {add = true} : memref<40960xf32, #tpu.memory_space<vmem>>[vector<16xi32>], vector<16xf32>,
          tpu.vector_store_idx %arg9[%add3A_516], %mul3A_515 {add = true} : memref<40960xf32, #tpu.memory_space<vmem>>[vector<16xi32>], vector<16xf32>,
          tpu.vector_store_idx %arg9[%add3A_527], %mul3A_526 {add = true} : memref<40960xf32, #tpu.memory_space<vmem>>[vector<16xi32>], vector<16xf32>,
          tpu.vector_store_idx %arg9[%add3A_538], %mul3A_537 {add = true} : memref<40960xf32, #tpu.memory_space<vmem>>[vector<16xi32>], vector<16xf32>,
          %scan3A_539 = arith.constant 0 : i32
          scf.yield %scan3A_539 : i32
        }
        %scan3A_308 = arith.constant 8 : i32
        %scan3A_309 = arith.constant 0 : i32
        scf.yield %scan3A_309 : i32
      }
      %scan3A_225 = arith.constant 5 : i32
      %sub3A = arith.constant 1 : i32
      %sub3A_226 = arith.subi %scan3A_180#1, %sub3A : i32
      %add3A_227 = arith.constant 1 : i32
      %add3A_228 = arith.addi %scan3A_180#2, %add3A_227 : i32
      %rem3A = arith.constant 2 : i32
      %rem3A_229 = arith.remsi %add3A_228, %rem3A : i32
      scf.yield %sub3A_226, %rem3A_229 : i32, i32
    } else {
      scf.yield %scan3A_180#1, %scan3A_180#2 : i32, i32
    }
    %gt3A_185 = arith.constant 0 : i32
    %gt3A_186 = arith.cmpi sgt, %cond3A_184#0, %gt3A_185 : i32
    %convert_element_type3A_187 = arith.extui %gt3A_186 : i1 to i32
    %cond3A_188 = arith.constant 0 : i32
    %cond3A_189 = arith.cmpi ne, %convert_element_type3A_187, %cond3A_188 : i32
    %cond3A_190:2 = scf.if %cond3A_189 -> (i32, i32) {
      %mul3A_207 = arith.constant 80 : i32
      %mul3A_208 = arith.muli %cond3A_184#1, %mul3A_207 : i32
      %dma_wait3A = arith.constant 0 : i32
      %dma_wait3A_209 = tpu.memref_slice %arg10[%mul3A_208, %dma_wait3A] : memref<160x256xf32, #tpu.memory_space<vmem>> -> memref<80x256xf32, #tpu.memory_space<vmem>>
      %dma_wait3A_210 = arith.constant 0 : i32
      %dma_wait3A_211 = tpu.memref_slice %arg16[%cond3A_184#1, %dma_wait3A_210] : memref<2x80xi32, #tpu.memory_space<vmem>> -> memref<1x80xi32, #tpu.memory_space<vmem>>
      %dma_wait3A_212 = tpu.memref_squeeze %dma_wait3A_211 : memref<1x80xi32, #tpu.memory_space<vmem>> -> memref<80xi32, #tpu.memory_space<vmem>>
      %dma_wait3A_213 = arith.constant 0 : i32
      %dma_wait3A_214 = arith.constant 0 : i32
      %dma_wait3A_215 = tpu.memref_slice %arg3[%dma_wait3A_213, %dma_wait3A_214] : memref<10240x256xf32, #tpu.memory_space<hbm>> -> memref<10240x256xf32, #tpu.memory_space<hbm>>
      %dma_wait3A_216 = tpu.memref_slice %arg20[%cond3A_184#1] : memref<2x!tpu.dma_semaphore, #tpu.memory_space<semaphore_mem>> -> memref<1x!tpu.dma_semaphore, #tpu.memory_space<semaphore_mem>>
      %dma_wait3A_217 = tpu.memref_squeeze %dma_wait3A_216 : memref<1x!tpu.dma_semaphore, #tpu.memory_space<semaphore_mem>> -> memref<!tpu.dma_semaphore, #tpu.memory_space<semaphore_mem>>
      tpu.wait_indirect_dma semaphore(%dma_wait3A_217 : memref<!tpu.dma_semaphore, #tpu.memory_space<semaphore_mem>>) src(%dma_wait3A_215 : memref<10240x256xf32, #tpu.memory_space<hbm>>) dst(%dma_wait3A_209 : memref<80x256xf32, #tpu.memory_space<vmem>>)
      %scan3A_218 = arith.constant 80 : i32
      %scan3A_219 = arith.constant 0 : i32
      %scan3A_220 = arith.constant 0 : i32
      %scan3A_221 = arith.constant 5 : i32
      %scan3A_222 = arith.addi %scan3A_220, %scan3A_221 : i32
      %scan3A_223 = arith.constant 1 : i32
      %scan3A_224 = scf.for %scan3A_230 = %scan3A_220 to %scan3A_222 step %scan3A_223 iter_args(%scan3A_231 = %scan3A_219) -> (i32)  : i32 {
        %mul3A_232 = arith.constant 16 : i32
        %mul3A_233 = arith.muli %scan3A_230, %mul3A_232 : i32
        %get3A = arith.index_cast %cond3A_184#1 : i32 to index
        %get3A_234 = arith.index_cast %mul3A_233 : i32 to index
        %get3A_235 = tpu.vector_load %arg15[%get3A, %get3A_234] {strides = array<i32>} : memref<2x80xi32, #tpu.memory_space<vmem>>, vector<16xi32>,
        %jit3A = arith.constant 0 : i32
        %jit3A_236 = arith.constant 319 : i32
        %max3A = vector.broadcast %jit3A : i32 to vector<16xi32>
        %max3A_237 = arith.maxsi %max3A, %get3A_235 : vector<16xi32>
        %min3A = vector.broadcast %jit3A_236 : i32 to vector<16xi32>
        %min3A_238 = arith.minsi %min3A, %max3A_237 : vector<16xi32>
        %mul3A_239 = arith.constant 128 : i32
        %mul3A_240 = vector.broadcast %mul3A_239 : i32 to vector<16xi32>
        %mul3A_241 = arith.muli %min3A_238, %mul3A_240 : vector<16xi32>
        %scan3A_242 = arith.constant 0 : i32
        %scan3A_243 = arith.constant 8 : i32
        %scan3A_244 = arith.addi %scan3A_242, %scan3A_243 : i32
        %scan3A_245 = arith.constant 1 : i32
        %scan3A_246 = scf.for %scan3A_310 = %scan3A_242 to %scan3A_244 step %scan3A_245 iter_args(%scan3A_311 = %broadcast_in_dim3A_3) -> (vector<16xf32>)  : i32 {
          %mul3A_312 = arith.constant 2 : i32
          %mul3A_313 = arith.muli %mul3A_312, %scan3A_310 : i32
          %add3A_314 = arith.constant 0 : i32
          %add3A_315 = arith.addi %mul3A_313, %add3A_314 : i32
          %broadcast_in_dim3A_316 = vector.broadcast %add3A_315 : i32 to vector<16xi32>
          %lt3A_317 = arith.constant 0 : i32
          %lt3A_318 = vector.broadcast %lt3A_317 : i32 to vector<16xi32>
          %lt3A_319 = arith.cmpi slt, %broadcast_in_dim3A_316, %lt3A_318 : vector<16xi32>
          %add3A_320 = arith.constant 16 : i32
          %add3A_321 = vector.broadcast %add3A_320 : i32 to vector<16xi32>
          %add3A_322 = arith.addi %broadcast_in_dim3A_316, %add3A_321 : vector<16xi32>
          %select_n3A_323 = arith.select %lt3A_319, %add3A_322, %broadcast_in_dim3A_316 : vector<16xi1>, vector<16xi32>
          %broadcast_in_dim3A_324 = vector.shape_cast %select_n3A_323 : vector<16xi32> to vector<16x1xi32>
          %gather3A = vector.shape_cast %broadcast_in_dim3A_324 : vector<16x1xi32> to vector<16xi32>
          %gather3A_325 = tpu.dynamic_gather %mul3A_241[%gather3A] in [0] : vector<16xi32>, vector<16xi32> -> vector<16xi32>
          %add3A_326 = arith.addi %gather3A_325, %add3A_122 : vector<16xi32>
          %gather3A_327 = tpu.vector_load_idx %arg8[%add3A_326] : memref<40960xf32, #tpu.memory_space<vmem>>[vector<16xi32>], vector<16xf32>,
          %mul3A_328 = arith.constant 80 : i32
          %mul3A_329 = arith.muli %cond3A_184#1, %mul3A_328 : i32
          %mul3A_330 = arith.constant 16 : i32
          %mul3A_331 = arith.muli %scan3A_230, %mul3A_330 : i32
          %add3A_332 = arith.addi %mul3A_329, %mul3A_331 : i32
          %add3A_333 = arith.addi %add3A_332, %add3A_315 : i32
          %get3A_334 = arith.index_cast %add3A_333 : i32 to index
          %get3A_335 = arith.constant 0 : index
          %get3A_336 = tpu.vector_load %arg10[%get3A_334, %get3A_335] {strides = array<i32>} : memref<160x256xf32, #tpu.memory_space<vmem>>, vector<16xf32>,
          %mul3A_337 = arith.mulf %gather3A_327, %get3A_336 : vector<16xf32>
          %add3A_338 = arith.addf %broadcast_in_dim3A_3, %mul3A_337 : vector<16xf32>
          %add3A_339 = arith.addi %gather3A_325, %add3A_125 : vector<16xi32>
          %gather3A_340 = tpu.vector_load_idx %arg8[%add3A_339] : memref<40960xf32, #tpu.memory_space<vmem>>[vector<16xi32>], vector<16xf32>,
          %mul3A_341 = arith.constant 80 : i32
          %mul3A_342 = arith.muli %cond3A_184#1, %mul3A_341 : i32
          %mul3A_343 = arith.constant 16 : i32
          %mul3A_344 = arith.muli %scan3A_230, %mul3A_343 : i32
          %add3A_345 = arith.addi %mul3A_342, %mul3A_344 : i32
          %add3A_346 = arith.addi %add3A_345, %add3A_315 : i32
          %get3A_347 = arith.index_cast %add3A_346 : i32 to index
          %get3A_348 = arith.constant 16 : index
          %get3A_349 = tpu.vector_load %arg10[%get3A_347, %get3A_348] {strides = array<i32>} : memref<160x256xf32, #tpu.memory_space<vmem>>, vector<16xf32>,
          %mul3A_350 = arith.mulf %gather3A_340, %get3A_349 : vector<16xf32>
          %add3A_351 = arith.addf %broadcast_in_dim3A_3, %mul3A_350 : vector<16xf32>
          %add3A_352 = arith.addi %gather3A_325, %add3A_128 : vector<16xi32>
          %gather3A_353 = tpu.vector_load_idx %arg8[%add3A_352] : memref<40960xf32, #tpu.memory_space<vmem>>[vector<16xi32>], vector<16xf32>,
          %mul3A_354 = arith.constant 80 : i32
          %mul3A_355 = arith.muli %cond3A_184#1, %mul3A_354 : i32
          %mul3A_356 = arith.constant 16 : i32
          %mul3A_357 = arith.muli %scan3A_230, %mul3A_356 : i32
          %add3A_358 = arith.addi %mul3A_355, %mul3A_357 : i32
          %add3A_359 = arith.addi %add3A_358, %add3A_315 : i32
          %get3A_360 = arith.index_cast %add3A_359 : i32 to index
          %get3A_361 = arith.constant 32 : index
          %get3A_362 = tpu.vector_load %arg10[%get3A_360, %get3A_361] {strides = array<i32>} : memref<160x256xf32, #tpu.memory_space<vmem>>, vector<16xf32>,
          %mul3A_363 = arith.mulf %gather3A_353, %get3A_362 : vector<16xf32>
          %add3A_364 = arith.addf %add3A_338, %mul3A_363 : vector<16xf32>
          %add3A_365 = arith.addi %gather3A_325, %add3A_131 : vector<16xi32>
          %gather3A_366 = tpu.vector_load_idx %arg8[%add3A_365] : memref<40960xf32, #tpu.memory_space<vmem>>[vector<16xi32>], vector<16xf32>,
          %mul3A_367 = arith.constant 80 : i32
          %mul3A_368 = arith.muli %cond3A_184#1, %mul3A_367 : i32
          %mul3A_369 = arith.constant 16 : i32
          %mul3A_370 = arith.muli %scan3A_230, %mul3A_369 : i32
          %add3A_371 = arith.addi %mul3A_368, %mul3A_370 : i32
          %add3A_372 = arith.addi %add3A_371, %add3A_315 : i32
          %get3A_373 = arith.index_cast %add3A_372 : i32 to index
          %get3A_374 = arith.constant 48 : index
          %get3A_375 = tpu.vector_load %arg10[%get3A_373, %get3A_374] {strides = array<i32>} : memref<160x256xf32, #tpu.memory_space<vmem>>, vector<16xf32>,
          %mul3A_376 = arith.mulf %gather3A_366, %get3A_375 : vector<16xf32>
          %add3A_377 = arith.addf %add3A_351, %mul3A_376 : vector<16xf32>
          %add3A_378 = arith.addi %gather3A_325, %add3A_134 : vector<16xi32>
          %gather3A_379 = tpu.vector_load_idx %arg8[%add3A_378] : memref<40960xf32, #tpu.memory_space<vmem>>[vector<16xi32>], vector<16xf32>,
          %mul3A_380 = arith.constant 80 : i32
          %mul3A_381 = arith.muli %cond3A_184#1, %mul3A_380 : i32
          %mul3A_382 = arith.constant 16 : i32
          %mul3A_383 = arith.muli %scan3A_230, %mul3A_382 : i32
          %add3A_384 = arith.addi %mul3A_381, %mul3A_383 : i32
          %add3A_385 = arith.addi %add3A_384, %add3A_315 : i32
          %get3A_386 = arith.index_cast %add3A_385 : i32 to index
          %get3A_387 = arith.constant 64 : index
          %get3A_388 = tpu.vector_load %arg10[%get3A_386, %get3A_387] {strides = array<i32>} : memref<160x256xf32, #tpu.memory_space<vmem>>, vector<16xf32>,
          %mul3A_389 = arith.mulf %gather3A_379, %get3A_388 : vector<16xf32>
          %add3A_390 = arith.addf %add3A_364, %mul3A_389 : vector<16xf32>
          %add3A_391 = arith.addi %gather3A_325, %add3A_137 : vector<16xi32>
          %gather3A_392 = tpu.vector_load_idx %arg8[%add3A_391] : memref<40960xf32, #tpu.memory_space<vmem>>[vector<16xi32>], vector<16xf32>,
          %mul3A_393 = arith.constant 80 : i32
          %mul3A_394 = arith.muli %cond3A_184#1, %mul3A_393 : i32
          %mul3A_395 = arith.constant 16 : i32
          %mul3A_396 = arith.muli %scan3A_230, %mul3A_395 : i32
          %add3A_397 = arith.addi %mul3A_394, %mul3A_396 : i32
          %add3A_398 = arith.addi %add3A_397, %add3A_315 : i32
          %get3A_399 = arith.index_cast %add3A_398 : i32 to index
          %get3A_400 = arith.constant 80 : index
          %get3A_401 = tpu.vector_load %arg10[%get3A_399, %get3A_400] {strides = array<i32>} : memref<160x256xf32, #tpu.memory_space<vmem>>, vector<16xf32>,
          %mul3A_402 = arith.mulf %gather3A_392, %get3A_401 : vector<16xf32>
          %add3A_403 = arith.addf %add3A_377, %mul3A_402 : vector<16xf32>
          %add3A_404 = arith.addi %gather3A_325, %add3A_140 : vector<16xi32>
          %gather3A_405 = tpu.vector_load_idx %arg8[%add3A_404] : memref<40960xf32, #tpu.memory_space<vmem>>[vector<16xi32>], vector<16xf32>,
          %mul3A_406 = arith.constant 80 : i32
          %mul3A_407 = arith.muli %cond3A_184#1, %mul3A_406 : i32
          %mul3A_408 = arith.constant 16 : i32
          %mul3A_409 = arith.muli %scan3A_230, %mul3A_408 : i32
          %add3A_410 = arith.addi %mul3A_407, %mul3A_409 : i32
          %add3A_411 = arith.addi %add3A_410, %add3A_315 : i32
          %get3A_412 = arith.index_cast %add3A_411 : i32 to index
          %get3A_413 = arith.constant 96 : index
          %get3A_414 = tpu.vector_load %arg10[%get3A_412, %get3A_413] {strides = array<i32>} : memref<160x256xf32, #tpu.memory_space<vmem>>, vector<16xf32>,
          %mul3A_415 = arith.mulf %gather3A_405, %get3A_414 : vector<16xf32>
          %add3A_416 = arith.addf %add3A_390, %mul3A_415 : vector<16xf32>
          %add3A_417 = arith.addi %gather3A_325, %add3A_143 : vector<16xi32>
          %gather3A_418 = tpu.vector_load_idx %arg8[%add3A_417] : memref<40960xf32, #tpu.memory_space<vmem>>[vector<16xi32>], vector<16xf32>,
          %mul3A_419 = arith.constant 80 : i32
          %mul3A_420 = arith.muli %cond3A_184#1, %mul3A_419 : i32
          %mul3A_421 = arith.constant 16 : i32
          %mul3A_422 = arith.muli %scan3A_230, %mul3A_421 : i32
          %add3A_423 = arith.addi %mul3A_420, %mul3A_422 : i32
          %add3A_424 = arith.addi %add3A_423, %add3A_315 : i32
          %get3A_425 = arith.index_cast %add3A_424 : i32 to index
          %get3A_426 = arith.constant 112 : index
          %get3A_427 = tpu.vector_load %arg10[%get3A_425, %get3A_426] {strides = array<i32>} : memref<160x256xf32, #tpu.memory_space<vmem>>, vector<16xf32>,
          %mul3A_428 = arith.mulf %gather3A_418, %get3A_427 : vector<16xf32>
          %add3A_429 = arith.addf %add3A_403, %mul3A_428 : vector<16xf32>
          %add3A_430 = arith.addf %add3A_416, %add3A_429 : vector<16xf32>
          %reduce_sum3A = arith.constant true
          %reduce_sum3A_431 = vector.broadcast %reduce_sum3A : i1 to vector<16xi1>
          %reduce_sum3A_432 = tpu.scan <sum>, %add3A_430 masked %reduce_sum3A_431 : vector<16xf32>, vector<16xi1> -> vector<16xf32>
          %reduce_sum3A_433 = vector.extract %reduce_sum3A_432[15] : f32 from vector<16xf32>
          %eq3A_434 = vector.broadcast %add3A_315 : i32 to vector<16xi32>
          %eq3A_435 = arith.cmpi eq, %iota3A, %eq3A_434 : vector<16xi32>
          %broadcast_in_dim3A_436 = vector.broadcast %reduce_sum3A_433 : f32 to vector<16xf32>
          %select_n3A_437 = arith.select %eq3A_435, %broadcast_in_dim3A_436, %scan3A_311 : vector<16xi1>, vector<16xf32>
          %mul3A_438 = arith.constant 2 : i32
          %mul3A_439 = arith.muli %mul3A_438, %scan3A_310 : i32
          %add3A_440 = arith.constant 1 : i32
          %add3A_441 = arith.addi %mul3A_439, %add3A_440 : i32
          %broadcast_in_dim3A_442 = vector.broadcast %add3A_441 : i32 to vector<16xi32>
          %lt3A_443 = arith.constant 0 : i32
          %lt3A_444 = vector.broadcast %lt3A_443 : i32 to vector<16xi32>
          %lt3A_445 = arith.cmpi slt, %broadcast_in_dim3A_442, %lt3A_444 : vector<16xi32>
          %add3A_446 = arith.constant 16 : i32
          %add3A_447 = vector.broadcast %add3A_446 : i32 to vector<16xi32>
          %add3A_448 = arith.addi %broadcast_in_dim3A_442, %add3A_447 : vector<16xi32>
          %select_n3A_449 = arith.select %lt3A_445, %add3A_448, %broadcast_in_dim3A_442 : vector<16xi1>, vector<16xi32>
          %broadcast_in_dim3A_450 = vector.shape_cast %select_n3A_449 : vector<16xi32> to vector<16x1xi32>
          %gather3A_451 = vector.shape_cast %broadcast_in_dim3A_450 : vector<16x1xi32> to vector<16xi32>
          %gather3A_452 = tpu.dynamic_gather %mul3A_241[%gather3A_451] in [0] : vector<16xi32>, vector<16xi32> -> vector<16xi32>
          %add3A_453 = arith.addi %gather3A_452, %add3A_122 : vector<16xi32>
          %gather3A_454 = tpu.vector_load_idx %arg8[%add3A_453] : memref<40960xf32, #tpu.memory_space<vmem>>[vector<16xi32>], vector<16xf32>,
          %mul3A_455 = arith.constant 80 : i32
          %mul3A_456 = arith.muli %cond3A_184#1, %mul3A_455 : i32
          %mul3A_457 = arith.constant 16 : i32
          %mul3A_458 = arith.muli %scan3A_230, %mul3A_457 : i32
          %add3A_459 = arith.addi %mul3A_456, %mul3A_458 : i32
          %add3A_460 = arith.addi %add3A_459, %add3A_441 : i32
          %get3A_461 = arith.index_cast %add3A_460 : i32 to index
          %get3A_462 = arith.constant 0 : index
          %get3A_463 = tpu.vector_load %arg10[%get3A_461, %get3A_462] {strides = array<i32>} : memref<160x256xf32, #tpu.memory_space<vmem>>, vector<16xf32>,
          %mul3A_464 = arith.mulf %gather3A_454, %get3A_463 : vector<16xf32>
          %add3A_465 = arith.addf %broadcast_in_dim3A_3, %mul3A_464 : vector<16xf32>
          %add3A_466 = arith.addi %gather3A_452, %add3A_125 : vector<16xi32>
          %gather3A_467 = tpu.vector_load_idx %arg8[%add3A_466] : memref<40960xf32, #tpu.memory_space<vmem>>[vector<16xi32>], vector<16xf32>,
          %mul3A_468 = arith.constant 80 : i32
          %mul3A_469 = arith.muli %cond3A_184#1, %mul3A_468 : i32
          %mul3A_470 = arith.constant 16 : i32
          %mul3A_471 = arith.muli %scan3A_230, %mul3A_470 : i32
          %add3A_472 = arith.addi %mul3A_469, %mul3A_471 : i32
          %add3A_473 = arith.addi %add3A_472, %add3A_441 : i32
          %get3A_474 = arith.index_cast %add3A_473 : i32 to index
          %get3A_475 = arith.constant 16 : index
          %get3A_476 = tpu.vector_load %arg10[%get3A_474, %get3A_475] {strides = array<i32>} : memref<160x256xf32, #tpu.memory_space<vmem>>, vector<16xf32>,
          %mul3A_477 = arith.mulf %gather3A_467, %get3A_476 : vector<16xf32>
          %add3A_478 = arith.addf %broadcast_in_dim3A_3, %mul3A_477 : vector<16xf32>
          %add3A_479 = arith.addi %gather3A_452, %add3A_128 : vector<16xi32>
          %gather3A_480 = tpu.vector_load_idx %arg8[%add3A_479] : memref<40960xf32, #tpu.memory_space<vmem>>[vector<16xi32>], vector<16xf32>,
          %mul3A_481 = arith.constant 80 : i32
          %mul3A_482 = arith.muli %cond3A_184#1, %mul3A_481 : i32
          %mul3A_483 = arith.constant 16 : i32
          %mul3A_484 = arith.muli %scan3A_230, %mul3A_483 : i32
          %add3A_485 = arith.addi %mul3A_482, %mul3A_484 : i32
          %add3A_486 = arith.addi %add3A_485, %add3A_441 : i32
          %get3A_487 = arith.index_cast %add3A_486 : i32 to index
          %get3A_488 = arith.constant 32 : index
          %get3A_489 = tpu.vector_load %arg10[%get3A_487, %get3A_488] {strides = array<i32>} : memref<160x256xf32, #tpu.memory_space<vmem>>, vector<16xf32>,
          %mul3A_490 = arith.mulf %gather3A_480, %get3A_489 : vector<16xf32>
          %add3A_491 = arith.addf %add3A_465, %mul3A_490 : vector<16xf32>
          %add3A_492 = arith.addi %gather3A_452, %add3A_131 : vector<16xi32>
          %gather3A_493 = tpu.vector_load_idx %arg8[%add3A_492] : memref<40960xf32, #tpu.memory_space<vmem>>[vector<16xi32>], vector<16xf32>,
          %mul3A_494 = arith.constant 80 : i32
          %mul3A_495 = arith.muli %cond3A_184#1, %mul3A_494 : i32
          %mul3A_496 = arith.constant 16 : i32
          %mul3A_497 = arith.muli %scan3A_230, %mul3A_496 : i32
          %add3A_498 = arith.addi %mul3A_495, %mul3A_497 : i32
          %add3A_499 = arith.addi %add3A_498, %add3A_441 : i32
          %get3A_500 = arith.index_cast %add3A_499 : i32 to index
          %get3A_501 = arith.constant 48 : index
          %get3A_502 = tpu.vector_load %arg10[%get3A_500, %get3A_501] {strides = array<i32>} : memref<160x256xf32, #tpu.memory_space<vmem>>, vector<16xf32>,
          %mul3A_503 = arith.mulf %gather3A_493, %get3A_502 : vector<16xf32>
          %add3A_504 = arith.addf %add3A_478, %mul3A_503 : vector<16xf32>
          %add3A_505 = arith.addi %gather3A_452, %add3A_134 : vector<16xi32>
          %gather3A_506 = tpu.vector_load_idx %arg8[%add3A_505] : memref<40960xf32, #tpu.memory_space<vmem>>[vector<16xi32>], vector<16xf32>,
          %mul3A_507 = arith.constant 80 : i32
          %mul3A_508 = arith.muli %cond3A_184#1, %mul3A_507 : i32
          %mul3A_509 = arith.constant 16 : i32
          %mul3A_510 = arith.muli %scan3A_230, %mul3A_509 : i32
          %add3A_511 = arith.addi %mul3A_508, %mul3A_510 : i32
          %add3A_512 = arith.addi %add3A_511, %add3A_441 : i32
          %get3A_513 = arith.index_cast %add3A_512 : i32 to index
          %get3A_514 = arith.constant 64 : index
          %get3A_515 = tpu.vector_load %arg10[%get3A_513, %get3A_514] {strides = array<i32>} : memref<160x256xf32, #tpu.memory_space<vmem>>, vector<16xf32>,
          %mul3A_516 = arith.mulf %gather3A_506, %get3A_515 : vector<16xf32>
          %add3A_517 = arith.addf %add3A_491, %mul3A_516 : vector<16xf32>
          %add3A_518 = arith.addi %gather3A_452, %add3A_137 : vector<16xi32>
          %gather3A_519 = tpu.vector_load_idx %arg8[%add3A_518] : memref<40960xf32, #tpu.memory_space<vmem>>[vector<16xi32>], vector<16xf32>,
          %mul3A_520 = arith.constant 80 : i32
          %mul3A_521 = arith.muli %cond3A_184#1, %mul3A_520 : i32
          %mul3A_522 = arith.constant 16 : i32
          %mul3A_523 = arith.muli %scan3A_230, %mul3A_522 : i32
          %add3A_524 = arith.addi %mul3A_521, %mul3A_523 : i32
          %add3A_525 = arith.addi %add3A_524, %add3A_441 : i32
          %get3A_526 = arith.index_cast %add3A_525 : i32 to index
          %get3A_527 = arith.constant 80 : index
          %get3A_528 = tpu.vector_load %arg10[%get3A_526, %get3A_527] {strides = array<i32>} : memref<160x256xf32, #tpu.memory_space<vmem>>, vector<16xf32>,
          %mul3A_529 = arith.mulf %gather3A_519, %get3A_528 : vector<16xf32>
          %add3A_530 = arith.addf %add3A_504, %mul3A_529 : vector<16xf32>
          %add3A_531 = arith.addi %gather3A_452, %add3A_140 : vector<16xi32>
          %gather3A_532 = tpu.vector_load_idx %arg8[%add3A_531] : memref<40960xf32, #tpu.memory_space<vmem>>[vector<16xi32>], vector<16xf32>,
          %mul3A_533 = arith.constant 80 : i32
          %mul3A_534 = arith.muli %cond3A_184#1, %mul3A_533 : i32
          %mul3A_535 = arith.constant 16 : i32
          %mul3A_536 = arith.muli %scan3A_230, %mul3A_535 : i32
          %add3A_537 = arith.addi %mul3A_534, %mul3A_536 : i32
          %add3A_538 = arith.addi %add3A_537, %add3A_441 : i32
          %get3A_539 = arith.index_cast %add3A_538 : i32 to index
          %get3A_540 = arith.constant 96 : index
          %get3A_541 = tpu.vector_load %arg10[%get3A_539, %get3A_540] {strides = array<i32>} : memref<160x256xf32, #tpu.memory_space<vmem>>, vector<16xf32>,
          %mul3A_542 = arith.mulf %gather3A_532, %get3A_541 : vector<16xf32>
          %add3A_543 = arith.addf %add3A_517, %mul3A_542 : vector<16xf32>
          %add3A_544 = arith.addi %gather3A_452, %add3A_143 : vector<16xi32>
          %gather3A_545 = tpu.vector_load_idx %arg8[%add3A_544] : memref<40960xf32, #tpu.memory_space<vmem>>[vector<16xi32>], vector<16xf32>,
          %mul3A_546 = arith.constant 80 : i32
          %mul3A_547 = arith.muli %cond3A_184#1, %mul3A_546 : i32
          %mul3A_548 = arith.constant 16 : i32
          %mul3A_549 = arith.muli %scan3A_230, %mul3A_548 : i32
          %add3A_550 = arith.addi %mul3A_547, %mul3A_549 : i32
          %add3A_551 = arith.addi %add3A_550, %add3A_441 : i32
          %get3A_552 = arith.index_cast %add3A_551 : i32 to index
          %get3A_553 = arith.constant 112 : index
          %get3A_554 = tpu.vector_load %arg10[%get3A_552, %get3A_553] {strides = array<i32>} : memref<160x256xf32, #tpu.memory_space<vmem>>, vector<16xf32>,
          %mul3A_555 = arith.mulf %gather3A_545, %get3A_554 : vector<16xf32>
          %add3A_556 = arith.addf %add3A_530, %mul3A_555 : vector<16xf32>
          %add3A_557 = arith.addf %add3A_543, %add3A_556 : vector<16xf32>
          %reduce_sum3A_558 = arith.constant true
          %reduce_sum3A_559 = vector.broadcast %reduce_sum3A_558 : i1 to vector<16xi1>
          %reduce_sum3A_560 = tpu.scan <sum>, %add3A_557 masked %reduce_sum3A_559 : vector<16xf32>, vector<16xi1> -> vector<16xf32>
          %reduce_sum3A_561 = vector.extract %reduce_sum3A_560[15] : f32 from vector<16xf32>
          %eq3A_562 = vector.broadcast %add3A_441 : i32 to vector<16xi32>
          %eq3A_563 = arith.cmpi eq, %iota3A, %eq3A_562 : vector<16xi32>
          %broadcast_in_dim3A_564 = vector.broadcast %reduce_sum3A_561 : f32 to vector<16xf32>
          %select_n3A_565 = arith.select %eq3A_563, %broadcast_in_dim3A_564, %select_n3A_437 : vector<16xi1>, vector<16xf32>
          scf.yield %select_n3A_565 : vector<16xf32>
        }
        %scan3A_247 = arith.constant 8 : i32
        %exp3A = math.exp %scan3A_246 : vector<16xf32>
        %mul3A_248 = arith.constant 16 : i32
        %mul3A_249 = arith.muli %scan3A_230, %mul3A_248 : i32
        %add3A_250 = vector.broadcast %mul3A_249 : i32 to vector<16xi32>
        %add3A_251 = arith.addi %iota3A, %add3A_250 : vector<16xi32>
        %lt3A = vector.broadcast %scan3A_218 : i32 to vector<16xi32>
        %lt3A_252 = arith.cmpi slt, %add3A_251, %lt3A : vector<16xi32>
        %jit3A_253 = arith.constant 0.000000e+00 : f32
        %broadcast_in_dim3A_254 = vector.broadcast %jit3A_253 : f32 to vector<16xf32>
        %select_n3A = arith.select %lt3A_252, %exp3A, %broadcast_in_dim3A_254 : vector<16xi1>, vector<16xf32>
        %eq3A = arith.constant 0 : i32
        %eq3A_255 = vector.broadcast %eq3A : i32 to vector<16xi32>
        %eq3A_256 = arith.cmpi eq, %iota3A, %eq3A_255 : vector<16xi32>
        tpu.vector_store_idx %arg17[%min3A_238], %select_n3A masked %eq3A_256 {add = true} : memref<320xf32, #tpu.memory_space<vmem>>[vector<16xi32>], vector<16xf32>, vector<16xi1>
        %eq3A_257 = arith.constant 1 : i32
        %eq3A_258 = vector.broadcast %eq3A_257 : i32 to vector<16xi32>
        %eq3A_259 = arith.cmpi eq, %iota3A, %eq3A_258 : vector<16xi32>
        tpu.vector_store_idx %arg17[%min3A_238], %select_n3A masked %eq3A_259 {add = true} : memref<320xf32, #tpu.memory_space<vmem>>[vector<16xi32>], vector<16xf32>, vector<16xi1>
        %eq3A_260 = arith.constant 2 : i32
        %eq3A_261 = vector.broadcast %eq3A_260 : i32 to vector<16xi32>
        %eq3A_262 = arith.cmpi eq, %iota3A, %eq3A_261 : vector<16xi32>
        tpu.vector_store_idx %arg17[%min3A_238], %select_n3A masked %eq3A_262 {add = true} : memref<320xf32, #tpu.memory_space<vmem>>[vector<16xi32>], vector<16xf32>, vector<16xi1>
        %eq3A_263 = arith.constant 3 : i32
        %eq3A_264 = vector.broadcast %eq3A_263 : i32 to vector<16xi32>
        %eq3A_265 = arith.cmpi eq, %iota3A, %eq3A_264 : vector<16xi32>
        tpu.vector_store_idx %arg17[%min3A_238], %select_n3A masked %eq3A_265 {add = true} : memref<320xf32, #tpu.memory_space<vmem>>[vector<16xi32>], vector<16xf32>, vector<16xi1>
        %eq3A_266 = arith.constant 4 : i32
        %eq3A_267 = vector.broadcast %eq3A_266 : i32 to vector<16xi32>
        %eq3A_268 = arith.cmpi eq, %iota3A, %eq3A_267 : vector<16xi32>
        tpu.vector_store_idx %arg17[%min3A_238], %select_n3A masked %eq3A_268 {add = true} : memref<320xf32, #tpu.memory_space<vmem>>[vector<16xi32>], vector<16xf32>, vector<16xi1>
        %eq3A_269 = arith.constant 5 : i32
        %eq3A_270 = vector.broadcast %eq3A_269 : i32 to vector<16xi32>
        %eq3A_271 = arith.cmpi eq, %iota3A, %eq3A_270 : vector<16xi32>
        tpu.vector_store_idx %arg17[%min3A_238], %select_n3A masked %eq3A_271 {add = true} : memref<320xf32, #tpu.memory_space<vmem>>[vector<16xi32>], vector<16xf32>, vector<16xi1>
        %eq3A_272 = arith.constant 6 : i32
        %eq3A_273 = vector.broadcast %eq3A_272 : i32 to vector<16xi32>
        %eq3A_274 = arith.cmpi eq, %iota3A, %eq3A_273 : vector<16xi32>
        tpu.vector_store_idx %arg17[%min3A_238], %select_n3A masked %eq3A_274 {add = true} : memref<320xf32, #tpu.memory_space<vmem>>[vector<16xi32>], vector<16xf32>, vector<16xi1>
        %eq3A_275 = arith.constant 7 : i32
        %eq3A_276 = vector.broadcast %eq3A_275 : i32 to vector<16xi32>
        %eq3A_277 = arith.cmpi eq, %iota3A, %eq3A_276 : vector<16xi32>
        tpu.vector_store_idx %arg17[%min3A_238], %select_n3A masked %eq3A_277 {add = true} : memref<320xf32, #tpu.memory_space<vmem>>[vector<16xi32>], vector<16xf32>, vector<16xi1>
        %eq3A_278 = arith.constant 8 : i32
        %eq3A_279 = vector.broadcast %eq3A_278 : i32 to vector<16xi32>
        %eq3A_280 = arith.cmpi eq, %iota3A, %eq3A_279 : vector<16xi32>
        tpu.vector_store_idx %arg17[%min3A_238], %select_n3A masked %eq3A_280 {add = true} : memref<320xf32, #tpu.memory_space<vmem>>[vector<16xi32>], vector<16xf32>, vector<16xi1>
        %eq3A_281 = arith.constant 9 : i32
        %eq3A_282 = vector.broadcast %eq3A_281 : i32 to vector<16xi32>
        %eq3A_283 = arith.cmpi eq, %iota3A, %eq3A_282 : vector<16xi32>
        tpu.vector_store_idx %arg17[%min3A_238], %select_n3A masked %eq3A_283 {add = true} : memref<320xf32, #tpu.memory_space<vmem>>[vector<16xi32>], vector<16xf32>, vector<16xi1>
        %eq3A_284 = arith.constant 10 : i32
        %eq3A_285 = vector.broadcast %eq3A_284 : i32 to vector<16xi32>
        %eq3A_286 = arith.cmpi eq, %iota3A, %eq3A_285 : vector<16xi32>
        tpu.vector_store_idx %arg17[%min3A_238], %select_n3A masked %eq3A_286 {add = true} : memref<320xf32, #tpu.memory_space<vmem>>[vector<16xi32>], vector<16xf32>, vector<16xi1>
        %eq3A_287 = arith.constant 11 : i32
        %eq3A_288 = vector.broadcast %eq3A_287 : i32 to vector<16xi32>
        %eq3A_289 = arith.cmpi eq, %iota3A, %eq3A_288 : vector<16xi32>
        tpu.vector_store_idx %arg17[%min3A_238], %select_n3A masked %eq3A_289 {add = true} : memref<320xf32, #tpu.memory_space<vmem>>[vector<16xi32>], vector<16xf32>, vector<16xi1>
        %eq3A_290 = arith.constant 12 : i32
        %eq3A_291 = vector.broadcast %eq3A_290 : i32 to vector<16xi32>
        %eq3A_292 = arith.cmpi eq, %iota3A, %eq3A_291 : vector<16xi32>
        tpu.vector_store_idx %arg17[%min3A_238], %select_n3A masked %eq3A_292 {add = true} : memref<320xf32, #tpu.memory_space<vmem>>[vector<16xi32>], vector<16xf32>, vector<16xi1>
        %eq3A_293 = arith.constant 13 : i32
        %eq3A_294 = vector.broadcast %eq3A_293 : i32 to vector<16xi32>
        %eq3A_295 = arith.cmpi eq, %iota3A, %eq3A_294 : vector<16xi32>
        tpu.vector_store_idx %arg17[%min3A_238], %select_n3A masked %eq3A_295 {add = true} : memref<320xf32, #tpu.memory_space<vmem>>[vector<16xi32>], vector<16xf32>, vector<16xi1>
        %eq3A_296 = arith.constant 14 : i32
        %eq3A_297 = vector.broadcast %eq3A_296 : i32 to vector<16xi32>
        %eq3A_298 = arith.cmpi eq, %iota3A, %eq3A_297 : vector<16xi32>
        tpu.vector_store_idx %arg17[%min3A_238], %select_n3A masked %eq3A_298 {add = true} : memref<320xf32, #tpu.memory_space<vmem>>[vector<16xi32>], vector<16xf32>, vector<16xi1>
        %eq3A_299 = arith.constant 15 : i32
        %eq3A_300 = vector.broadcast %eq3A_299 : i32 to vector<16xi32>
        %eq3A_301 = arith.cmpi eq, %iota3A, %eq3A_300 : vector<16xi32>
        tpu.vector_store_idx %arg17[%min3A_238], %select_n3A masked %eq3A_301 {add = true} : memref<320xf32, #tpu.memory_space<vmem>>[vector<16xi32>], vector<16xf32>, vector<16xi1>
        %scan3A_302 = arith.constant 0 : i32
        %scan3A_303 = arith.constant 0 : i32
        %scan3A_304 = arith.constant 8 : i32
        %scan3A_305 = arith.addi %scan3A_303, %scan3A_304 : i32
        %scan3A_306 = arith.constant 1 : i32
        %scan3A_307 = scf.for %scan3A_310 = %scan3A_303 to %scan3A_305 step %scan3A_306 iter_args(%scan3A_311 = %scan3A_302) -> (i32)  : i32 {
          %mul3A_312 = arith.constant 2 : i32
          %mul3A_313 = arith.muli %mul3A_312, %scan3A_310 : i32
          %add3A_314 = arith.constant 0 : i32
          %add3A_315 = arith.addi %mul3A_313, %add3A_314 : i32
          %broadcast_in_dim3A_316 = vector.broadcast %add3A_315 : i32 to vector<16xi32>
          %lt3A_317 = arith.constant 0 : i32
          %lt3A_318 = vector.broadcast %lt3A_317 : i32 to vector<16xi32>
          %lt3A_319 = arith.cmpi slt, %broadcast_in_dim3A_316, %lt3A_318 : vector<16xi32>
          %add3A_320 = arith.constant 16 : i32
          %add3A_321 = vector.broadcast %add3A_320 : i32 to vector<16xi32>
          %add3A_322 = arith.addi %broadcast_in_dim3A_316, %add3A_321 : vector<16xi32>
          %select_n3A_323 = arith.select %lt3A_319, %add3A_322, %broadcast_in_dim3A_316 : vector<16xi1>, vector<16xi32>
          %broadcast_in_dim3A_324 = vector.shape_cast %select_n3A_323 : vector<16xi32> to vector<16x1xi32>
          %gather3A = vector.shape_cast %broadcast_in_dim3A_324 : vector<16x1xi32> to vector<16xi32>
          %gather3A_325 = tpu.dynamic_gather %select_n3A[%gather3A] in [0] : vector<16xf32>, vector<16xi32> -> vector<16xf32>
          %broadcast_in_dim3A_326 = vector.broadcast %add3A_315 : i32 to vector<16xi32>
          %lt3A_327 = arith.constant 0 : i32
          %lt3A_328 = vector.broadcast %lt3A_327 : i32 to vector<16xi32>
          %lt3A_329 = arith.cmpi slt, %broadcast_in_dim3A_326, %lt3A_328 : vector<16xi32>
          %add3A_330 = arith.constant 16 : i32
          %add3A_331 = vector.broadcast %add3A_330 : i32 to vector<16xi32>
          %add3A_332 = arith.addi %broadcast_in_dim3A_326, %add3A_331 : vector<16xi32>
          %select_n3A_333 = arith.select %lt3A_329, %add3A_332, %broadcast_in_dim3A_326 : vector<16xi1>, vector<16xi32>
          %broadcast_in_dim3A_334 = vector.shape_cast %select_n3A_333 : vector<16xi32> to vector<16x1xi32>
          %gather3A_335 = vector.shape_cast %broadcast_in_dim3A_334 : vector<16x1xi32> to vector<16xi32>
          %gather3A_336 = tpu.dynamic_gather %mul3A_241[%gather3A_335] in [0] : vector<16xi32>, vector<16xi32> -> vector<16xi32>
          %mul3A_337 = arith.constant 80 : i32
          %mul3A_338 = arith.muli %cond3A_184#1, %mul3A_337 : i32
          %mul3A_339 = arith.constant 16 : i32
          %mul3A_340 = arith.muli %scan3A_230, %mul3A_339 : i32
          %add3A_341 = arith.addi %mul3A_338, %mul3A_340 : i32
          %add3A_342 = arith.addi %add3A_341, %add3A_315 : i32
          %get3A_343 = arith.index_cast %add3A_342 : i32 to index
          %get3A_344 = arith.constant 128 : index
          %get3A_345 = tpu.vector_load %arg10[%get3A_343, %get3A_344] {strides = array<i32>} : memref<160x256xf32, #tpu.memory_space<vmem>>, vector<16xf32>,
          %mul3A_346 = arith.mulf %gather3A_325, %get3A_345 : vector<16xf32>
          %add3A_347 = arith.addi %gather3A_336, %add3A_122 : vector<16xi32>
          %mul3A_348 = arith.constant 80 : i32
          %mul3A_349 = arith.muli %cond3A_184#1, %mul3A_348 : i32
          %mul3A_350 = arith.constant 16 : i32
          %mul3A_351 = arith.muli %scan3A_230, %mul3A_350 : i32
          %add3A_352 = arith.addi %mul3A_349, %mul3A_351 : i32
          %add3A_353 = arith.addi %add3A_352, %add3A_315 : i32
          %get3A_354 = arith.index_cast %add3A_353 : i32 to index
          %get3A_355 = arith.constant 144 : index
          %get3A_356 = tpu.vector_load %arg10[%get3A_354, %get3A_355] {strides = array<i32>} : memref<160x256xf32, #tpu.memory_space<vmem>>, vector<16xf32>,
          %mul3A_357 = arith.mulf %gather3A_325, %get3A_356 : vector<16xf32>
          %add3A_358 = arith.addi %gather3A_336, %add3A_125 : vector<16xi32>
          %mul3A_359 = arith.constant 80 : i32
          %mul3A_360 = arith.muli %cond3A_184#1, %mul3A_359 : i32
          %mul3A_361 = arith.constant 16 : i32
          %mul3A_362 = arith.muli %scan3A_230, %mul3A_361 : i32
          %add3A_363 = arith.addi %mul3A_360, %mul3A_362 : i32
          %add3A_364 = arith.addi %add3A_363, %add3A_315 : i32
          %get3A_365 = arith.index_cast %add3A_364 : i32 to index
          %get3A_366 = arith.constant 160 : index
          %get3A_367 = tpu.vector_load %arg10[%get3A_365, %get3A_366] {strides = array<i32>} : memref<160x256xf32, #tpu.memory_space<vmem>>, vector<16xf32>,
          %mul3A_368 = arith.mulf %gather3A_325, %get3A_367 : vector<16xf32>
          %add3A_369 = arith.addi %gather3A_336, %add3A_128 : vector<16xi32>
          %mul3A_370 = arith.constant 80 : i32
          %mul3A_371 = arith.muli %cond3A_184#1, %mul3A_370 : i32
          %mul3A_372 = arith.constant 16 : i32
          %mul3A_373 = arith.muli %scan3A_230, %mul3A_372 : i32
          %add3A_374 = arith.addi %mul3A_371, %mul3A_373 : i32
          %add3A_375 = arith.addi %add3A_374, %add3A_315 : i32
          %get3A_376 = arith.index_cast %add3A_375 : i32 to index
          %get3A_377 = arith.constant 176 : index
          %get3A_378 = tpu.vector_load %arg10[%get3A_376, %get3A_377] {strides = array<i32>} : memref<160x256xf32, #tpu.memory_space<vmem>>, vector<16xf32>,
          %mul3A_379 = arith.mulf %gather3A_325, %get3A_378 : vector<16xf32>
          %add3A_380 = arith.addi %gather3A_336, %add3A_131 : vector<16xi32>
          %mul3A_381 = arith.constant 80 : i32
          %mul3A_382 = arith.muli %cond3A_184#1, %mul3A_381 : i32
          %mul3A_383 = arith.constant 16 : i32
          %mul3A_384 = arith.muli %scan3A_230, %mul3A_383 : i32
          %add3A_385 = arith.addi %mul3A_382, %mul3A_384 : i32
          %add3A_386 = arith.addi %add3A_385, %add3A_315 : i32
          %get3A_387 = arith.index_cast %add3A_386 : i32 to index
          %get3A_388 = arith.constant 192 : index
          %get3A_389 = tpu.vector_load %arg10[%get3A_387, %get3A_388] {strides = array<i32>} : memref<160x256xf32, #tpu.memory_space<vmem>>, vector<16xf32>,
          %mul3A_390 = arith.mulf %gather3A_325, %get3A_389 : vector<16xf32>
          %add3A_391 = arith.addi %gather3A_336, %add3A_134 : vector<16xi32>
          %mul3A_392 = arith.constant 80 : i32
          %mul3A_393 = arith.muli %cond3A_184#1, %mul3A_392 : i32
          %mul3A_394 = arith.constant 16 : i32
          %mul3A_395 = arith.muli %scan3A_230, %mul3A_394 : i32
          %add3A_396 = arith.addi %mul3A_393, %mul3A_395 : i32
          %add3A_397 = arith.addi %add3A_396, %add3A_315 : i32
          %get3A_398 = arith.index_cast %add3A_397 : i32 to index
          %get3A_399 = arith.constant 208 : index
          %get3A_400 = tpu.vector_load %arg10[%get3A_398, %get3A_399] {strides = array<i32>} : memref<160x256xf32, #tpu.memory_space<vmem>>, vector<16xf32>,
          %mul3A_401 = arith.mulf %gather3A_325, %get3A_400 : vector<16xf32>
          %add3A_402 = arith.addi %gather3A_336, %add3A_137 : vector<16xi32>
          %mul3A_403 = arith.constant 80 : i32
          %mul3A_404 = arith.muli %cond3A_184#1, %mul3A_403 : i32
          %mul3A_405 = arith.constant 16 : i32
          %mul3A_406 = arith.muli %scan3A_230, %mul3A_405 : i32
          %add3A_407 = arith.addi %mul3A_404, %mul3A_406 : i32
          %add3A_408 = arith.addi %add3A_407, %add3A_315 : i32
          %get3A_409 = arith.index_cast %add3A_408 : i32 to index
          %get3A_410 = arith.constant 224 : index
          %get3A_411 = tpu.vector_load %arg10[%get3A_409, %get3A_410] {strides = array<i32>} : memref<160x256xf32, #tpu.memory_space<vmem>>, vector<16xf32>,
          %mul3A_412 = arith.mulf %gather3A_325, %get3A_411 : vector<16xf32>
          %add3A_413 = arith.addi %gather3A_336, %add3A_140 : vector<16xi32>
          %mul3A_414 = arith.constant 80 : i32
          %mul3A_415 = arith.muli %cond3A_184#1, %mul3A_414 : i32
          %mul3A_416 = arith.constant 16 : i32
          %mul3A_417 = arith.muli %scan3A_230, %mul3A_416 : i32
          %add3A_418 = arith.addi %mul3A_415, %mul3A_417 : i32
          %add3A_419 = arith.addi %add3A_418, %add3A_315 : i32
          %get3A_420 = arith.index_cast %add3A_419 : i32 to index
          %get3A_421 = arith.constant 240 : index
          %get3A_422 = tpu.vector_load %arg10[%get3A_420, %get3A_421] {strides = array<i32>} : memref<160x256xf32, #tpu.memory_space<vmem>>, vector<16xf32>,
          %mul3A_423 = arith.mulf %gather3A_325, %get3A_422 : vector<16xf32>
          %add3A_424 = arith.addi %gather3A_336, %add3A_143 : vector<16xi32>
          %mul3A_425 = arith.constant 2 : i32
          %mul3A_426 = arith.muli %mul3A_425, %scan3A_310 : i32
          %add3A_427 = arith.constant 1 : i32
          %add3A_428 = arith.addi %mul3A_426, %add3A_427 : i32
          %broadcast_in_dim3A_429 = vector.broadcast %add3A_428 : i32 to vector<16xi32>
          %lt3A_430 = arith.constant 0 : i32
          %lt3A_431 = vector.broadcast %lt3A_430 : i32 to vector<16xi32>
          %lt3A_432 = arith.cmpi slt, %broadcast_in_dim3A_429, %lt3A_431 : vector<16xi32>
          %add3A_433 = arith.constant 16 : i32
          %add3A_434 = vector.broadcast %add3A_433 : i32 to vector<16xi32>
          %add3A_435 = arith.addi %broadcast_in_dim3A_429, %add3A_434 : vector<16xi32>
          %select_n3A_436 = arith.select %lt3A_432, %add3A_435, %broadcast_in_dim3A_429 : vector<16xi1>, vector<16xi32>
          %broadcast_in_dim3A_437 = vector.shape_cast %select_n3A_436 : vector<16xi32> to vector<16x1xi32>
          %gather3A_438 = vector.shape_cast %broadcast_in_dim3A_437 : vector<16x1xi32> to vector<16xi32>
          %gather3A_439 = tpu.dynamic_gather %select_n3A[%gather3A_438] in [0] : vector<16xf32>, vector<16xi32> -> vector<16xf32>
          %broadcast_in_dim3A_440 = vector.broadcast %add3A_428 : i32 to vector<16xi32>
          %lt3A_441 = arith.constant 0 : i32
          %lt3A_442 = vector.broadcast %lt3A_441 : i32 to vector<16xi32>
          %lt3A_443 = arith.cmpi slt, %broadcast_in_dim3A_440, %lt3A_442 : vector<16xi32>
          %add3A_444 = arith.constant 16 : i32
          %add3A_445 = vector.broadcast %add3A_444 : i32 to vector<16xi32>
          %add3A_446 = arith.addi %broadcast_in_dim3A_440, %add3A_445 : vector<16xi32>
          %select_n3A_447 = arith.select %lt3A_443, %add3A_446, %broadcast_in_dim3A_440 : vector<16xi1>, vector<16xi32>
          %broadcast_in_dim3A_448 = vector.shape_cast %select_n3A_447 : vector<16xi32> to vector<16x1xi32>
          %gather3A_449 = vector.shape_cast %broadcast_in_dim3A_448 : vector<16x1xi32> to vector<16xi32>
          %gather3A_450 = tpu.dynamic_gather %mul3A_241[%gather3A_449] in [0] : vector<16xi32>, vector<16xi32> -> vector<16xi32>
          %mul3A_451 = arith.constant 80 : i32
          %mul3A_452 = arith.muli %cond3A_184#1, %mul3A_451 : i32
          %mul3A_453 = arith.constant 16 : i32
          %mul3A_454 = arith.muli %scan3A_230, %mul3A_453 : i32
          %add3A_455 = arith.addi %mul3A_452, %mul3A_454 : i32
          %add3A_456 = arith.addi %add3A_455, %add3A_428 : i32
          %get3A_457 = arith.index_cast %add3A_456 : i32 to index
          %get3A_458 = arith.constant 128 : index
          %get3A_459 = tpu.vector_load %arg10[%get3A_457, %get3A_458] {strides = array<i32>} : memref<160x256xf32, #tpu.memory_space<vmem>>, vector<16xf32>,
          %mul3A_460 = arith.mulf %gather3A_439, %get3A_459 : vector<16xf32>
          %add3A_461 = arith.addi %gather3A_450, %add3A_122 : vector<16xi32>
          %mul3A_462 = arith.constant 80 : i32
          %mul3A_463 = arith.muli %cond3A_184#1, %mul3A_462 : i32
          %mul3A_464 = arith.constant 16 : i32
          %mul3A_465 = arith.muli %scan3A_230, %mul3A_464 : i32
          %add3A_466 = arith.addi %mul3A_463, %mul3A_465 : i32
          %add3A_467 = arith.addi %add3A_466, %add3A_428 : i32
          %get3A_468 = arith.index_cast %add3A_467 : i32 to index
          %get3A_469 = arith.constant 144 : index
          %get3A_470 = tpu.vector_load %arg10[%get3A_468, %get3A_469] {strides = array<i32>} : memref<160x256xf32, #tpu.memory_space<vmem>>, vector<16xf32>,
          %mul3A_471 = arith.mulf %gather3A_439, %get3A_470 : vector<16xf32>
          %add3A_472 = arith.addi %gather3A_450, %add3A_125 : vector<16xi32>
          %mul3A_473 = arith.constant 80 : i32
          %mul3A_474 = arith.muli %cond3A_184#1, %mul3A_473 : i32
          %mul3A_475 = arith.constant 16 : i32
          %mul3A_476 = arith.muli %scan3A_230, %mul3A_475 : i32
          %add3A_477 = arith.addi %mul3A_474, %mul3A_476 : i32
          %add3A_478 = arith.addi %add3A_477, %add3A_428 : i32
          %get3A_479 = arith.index_cast %add3A_478 : i32 to index
          %get3A_480 = arith.constant 160 : index
          %get3A_481 = tpu.vector_load %arg10[%get3A_479, %get3A_480] {strides = array<i32>} : memref<160x256xf32, #tpu.memory_space<vmem>>, vector<16xf32>,
          %mul3A_482 = arith.mulf %gather3A_439, %get3A_481 : vector<16xf32>
          %add3A_483 = arith.addi %gather3A_450, %add3A_128 : vector<16xi32>
          %mul3A_484 = arith.constant 80 : i32
          %mul3A_485 = arith.muli %cond3A_184#1, %mul3A_484 : i32
          %mul3A_486 = arith.constant 16 : i32
          %mul3A_487 = arith.muli %scan3A_230, %mul3A_486 : i32
          %add3A_488 = arith.addi %mul3A_485, %mul3A_487 : i32
          %add3A_489 = arith.addi %add3A_488, %add3A_428 : i32
          %get3A_490 = arith.index_cast %add3A_489 : i32 to index
          %get3A_491 = arith.constant 176 : index
          %get3A_492 = tpu.vector_load %arg10[%get3A_490, %get3A_491] {strides = array<i32>} : memref<160x256xf32, #tpu.memory_space<vmem>>, vector<16xf32>,
          %mul3A_493 = arith.mulf %gather3A_439, %get3A_492 : vector<16xf32>
          %add3A_494 = arith.addi %gather3A_450, %add3A_131 : vector<16xi32>
          %mul3A_495 = arith.constant 80 : i32
          %mul3A_496 = arith.muli %cond3A_184#1, %mul3A_495 : i32
          %mul3A_497 = arith.constant 16 : i32
          %mul3A_498 = arith.muli %scan3A_230, %mul3A_497 : i32
          %add3A_499 = arith.addi %mul3A_496, %mul3A_498 : i32
          %add3A_500 = arith.addi %add3A_499, %add3A_428 : i32
          %get3A_501 = arith.index_cast %add3A_500 : i32 to index
          %get3A_502 = arith.constant 192 : index
          %get3A_503 = tpu.vector_load %arg10[%get3A_501, %get3A_502] {strides = array<i32>} : memref<160x256xf32, #tpu.memory_space<vmem>>, vector<16xf32>,
          %mul3A_504 = arith.mulf %gather3A_439, %get3A_503 : vector<16xf32>
          %add3A_505 = arith.addi %gather3A_450, %add3A_134 : vector<16xi32>
          %mul3A_506 = arith.constant 80 : i32
          %mul3A_507 = arith.muli %cond3A_184#1, %mul3A_506 : i32
          %mul3A_508 = arith.constant 16 : i32
          %mul3A_509 = arith.muli %scan3A_230, %mul3A_508 : i32
          %add3A_510 = arith.addi %mul3A_507, %mul3A_509 : i32
          %add3A_511 = arith.addi %add3A_510, %add3A_428 : i32
          %get3A_512 = arith.index_cast %add3A_511 : i32 to index
          %get3A_513 = arith.constant 208 : index
          %get3A_514 = tpu.vector_load %arg10[%get3A_512, %get3A_513] {strides = array<i32>} : memref<160x256xf32, #tpu.memory_space<vmem>>, vector<16xf32>,
          %mul3A_515 = arith.mulf %gather3A_439, %get3A_514 : vector<16xf32>
          %add3A_516 = arith.addi %gather3A_450, %add3A_137 : vector<16xi32>
          %mul3A_517 = arith.constant 80 : i32
          %mul3A_518 = arith.muli %cond3A_184#1, %mul3A_517 : i32
          %mul3A_519 = arith.constant 16 : i32
          %mul3A_520 = arith.muli %scan3A_230, %mul3A_519 : i32
          %add3A_521 = arith.addi %mul3A_518, %mul3A_520 : i32
          %add3A_522 = arith.addi %add3A_521, %add3A_428 : i32
          %get3A_523 = arith.index_cast %add3A_522 : i32 to index
          %get3A_524 = arith.constant 224 : index
          %get3A_525 = tpu.vector_load %arg10[%get3A_523, %get3A_524] {strides = array<i32>} : memref<160x256xf32, #tpu.memory_space<vmem>>, vector<16xf32>,
          %mul3A_526 = arith.mulf %gather3A_439, %get3A_525 : vector<16xf32>
          %add3A_527 = arith.addi %gather3A_450, %add3A_140 : vector<16xi32>
          %mul3A_528 = arith.constant 80 : i32
          %mul3A_529 = arith.muli %cond3A_184#1, %mul3A_528 : i32
          %mul3A_530 = arith.constant 16 : i32
          %mul3A_531 = arith.muli %scan3A_230, %mul3A_530 : i32
          %add3A_532 = arith.addi %mul3A_529, %mul3A_531 : i32
          %add3A_533 = arith.addi %add3A_532, %add3A_428 : i32
          %get3A_534 = arith.index_cast %add3A_533 : i32 to index
          %get3A_535 = arith.constant 240 : index
          %get3A_536 = tpu.vector_load %arg10[%get3A_534, %get3A_535] {strides = array<i32>} : memref<160x256xf32, #tpu.memory_space<vmem>>, vector<16xf32>,
          %mul3A_537 = arith.mulf %gather3A_439, %get3A_536 : vector<16xf32>
          %add3A_538 = arith.addi %gather3A_450, %add3A_143 : vector<16xi32>
          tpu.vector_store_idx %arg9[%add3A_347], %mul3A_346 {add = true} : memref<40960xf32, #tpu.memory_space<vmem>>[vector<16xi32>], vector<16xf32>,
          tpu.vector_store_idx %arg9[%add3A_358], %mul3A_357 {add = true} : memref<40960xf32, #tpu.memory_space<vmem>>[vector<16xi32>], vector<16xf32>,
          tpu.vector_store_idx %arg9[%add3A_369], %mul3A_368 {add = true} : memref<40960xf32, #tpu.memory_space<vmem>>[vector<16xi32>], vector<16xf32>,
          tpu.vector_store_idx %arg9[%add3A_380], %mul3A_379 {add = true} : memref<40960xf32, #tpu.memory_space<vmem>>[vector<16xi32>], vector<16xf32>,
          tpu.vector_store_idx %arg9[%add3A_391], %mul3A_390 {add = true} : memref<40960xf32, #tpu.memory_space<vmem>>[vector<16xi32>], vector<16xf32>,
          tpu.vector_store_idx %arg9[%add3A_402], %mul3A_401 {add = true} : memref<40960xf32, #tpu.memory_space<vmem>>[vector<16xi32>], vector<16xf32>,
          tpu.vector_store_idx %arg9[%add3A_413], %mul3A_412 {add = true} : memref<40960xf32, #tpu.memory_space<vmem>>[vector<16xi32>], vector<16xf32>,
          tpu.vector_store_idx %arg9[%add3A_424], %mul3A_423 {add = true} : memref<40960xf32, #tpu.memory_space<vmem>>[vector<16xi32>], vector<16xf32>,
          tpu.vector_store_idx %arg9[%add3A_461], %mul3A_460 {add = true} : memref<40960xf32, #tpu.memory_space<vmem>>[vector<16xi32>], vector<16xf32>,
          tpu.vector_store_idx %arg9[%add3A_472], %mul3A_471 {add = true} : memref<40960xf32, #tpu.memory_space<vmem>>[vector<16xi32>], vector<16xf32>,
          tpu.vector_store_idx %arg9[%add3A_483], %mul3A_482 {add = true} : memref<40960xf32, #tpu.memory_space<vmem>>[vector<16xi32>], vector<16xf32>,
          tpu.vector_store_idx %arg9[%add3A_494], %mul3A_493 {add = true} : memref<40960xf32, #tpu.memory_space<vmem>>[vector<16xi32>], vector<16xf32>,
          tpu.vector_store_idx %arg9[%add3A_505], %mul3A_504 {add = true} : memref<40960xf32, #tpu.memory_space<vmem>>[vector<16xi32>], vector<16xf32>,
          tpu.vector_store_idx %arg9[%add3A_516], %mul3A_515 {add = true} : memref<40960xf32, #tpu.memory_space<vmem>>[vector<16xi32>], vector<16xf32>,
          tpu.vector_store_idx %arg9[%add3A_527], %mul3A_526 {add = true} : memref<40960xf32, #tpu.memory_space<vmem>>[vector<16xi32>], vector<16xf32>,
          tpu.vector_store_idx %arg9[%add3A_538], %mul3A_537 {add = true} : memref<40960xf32, #tpu.memory_space<vmem>>[vector<16xi32>], vector<16xf32>,
          %scan3A_539 = arith.constant 0 : i32
          scf.yield %scan3A_539 : i32
        }
        %scan3A_308 = arith.constant 8 : i32
        %scan3A_309 = arith.constant 0 : i32
        scf.yield %scan3A_309 : i32
      }
      %scan3A_225 = arith.constant 5 : i32
      %sub3A = arith.constant 1 : i32
      %sub3A_226 = arith.subi %cond3A_184#0, %sub3A : i32
      %add3A_227 = arith.constant 1 : i32
      %add3A_228 = arith.addi %cond3A_184#1, %add3A_227 : i32
      %rem3A = arith.constant 2 : i32
      %rem3A_229 = arith.remsi %add3A_228, %rem3A : i32
      scf.yield %sub3A_226, %rem3A_229 : i32, i32
    } else {
      scf.yield %cond3A_184#0, %cond3A_184#1 : i32, i32
    }
    %reduce_max3A = arith.constant true
    %reduce_max3A_191 = vector.broadcast %reduce_max3A : i1 to vector<16xi1>
    %reduce_max3A_192 = arith.constant -2147483648 : i32
    %reduce_max3A_193 = vector.broadcast %reduce_max3A_192 : i32 to vector<16xi32>
    %reduce_max3A_194 = arith.xori %scan3A_180#0, %reduce_max3A_193 : vector<16xi32>
    %reduce_max3A_195 = tpu.scan <max>, %reduce_max3A_194 masked %reduce_max3A_191 : vector<16xi32>, vector<16xi1> -> vector<16xi32>
    %reduce_max3A_196 = arith.xori %reduce_max3A_195, %reduce_max3A_193 : vector<16xi32>
    %reduce_max3A_197 = vector.extract %reduce_max3A_196[15] : i32 from vector<16xi32>
    %scan3A_198 = arith.constant 0 : i32
    %scan3A_199 = arith.constant 0 : i32
    %scan3A_200 = arith.constant 5 : i32
    %scan3A_201 = arith.addi %scan3A_199, %scan3A_200 : i32
    %scan3A_202 = arith.constant 1 : i32
    %scan3A_203 = scf.for %scan3A_207 = %scan3A_199 to %scan3A_201 step %scan3A_202 iter_args(%scan3A_208 = %scan3A_198) -> (i32)  : i32 {
      %mul3A_209 = arith.constant 80 : i32
      %mul3A_210 = arith.muli %scan3A_207, %mul3A_209 : i32
      %lt3A = arith.cmpi slt, %mul3A_210, %reduce_max3A_197 : i32
      %convert_element_type3A_211 = arith.extui %lt3A : i1 to i32
      %cond3A_212 = arith.constant 0 : i32
      %cond3A_213 = arith.cmpi ne, %convert_element_type3A_211, %cond3A_212 : i32
      scf.if %cond3A_213 {
        %mul3A_215 = arith.constant 80 : i32
        %mul3A_216 = arith.muli %scan3A_207, %mul3A_215 : i32
        %add3A_217 = arith.constant 0 : i32
        %add3A_218 = arith.addi %mul3A_216, %add3A_217 : i32
        %get3A = arith.index_cast %add3A_218 : i32 to index
        %get3A_219 = tpu.vector_load %arg13[%get3A] {strides = array<i32>} : memref<400xi32, #tpu.memory_space<vmem>>, vector<16xi32>,
        %swap3A_220 = arith.constant 0 : i32
        %swap3A_221 = arith.index_cast %swap3A_220 : i32 to index
        %swap3A_222 = arith.constant 0 : index
        %swap3A_223 = tpu.vector_load %arg15[%swap3A_221, %swap3A_222] {strides = array<i32>} : memref<2x80xi32, #tpu.memory_space<vmem>>, vector<16xi32>,
        tpu.vector_store %arg15[%swap3A_221, %swap3A_222], %get3A_219 {strides = array<i32>} : memref<2x80xi32, #tpu.memory_space<vmem>>, vector<16xi32>,
        %add3A_224 = arith.constant 0 : i32
        %add3A_225 = arith.addi %mul3A_216, %add3A_224 : i32
        %get3A_226 = arith.index_cast %add3A_225 : i32 to index
        %get3A_227 = tpu.vector_load %arg14[%get3A_226] {strides = array<i32>} : memref<400xi32, #tpu.memory_space<vmem>>, vector<16xi32>,
        %swap3A_228 = arith.constant 0 : i32
        %swap3A_229 = arith.index_cast %swap3A_228 : i32 to index
        %swap3A_230 = arith.constant 0 : index
        %swap3A_231 = tpu.vector_load %arg16[%swap3A_229, %swap3A_230] {strides = array<i32>} : memref<2x80xi32, #tpu.memory_space<vmem>>, vector<16xi32>,
        tpu.vector_store %arg16[%swap3A_229, %swap3A_230], %get3A_227 {strides = array<i32>} : memref<2x80xi32, #tpu.memory_space<vmem>>, vector<16xi32>,
        %add3A_232 = arith.constant 16 : i32
        %add3A_233 = arith.addi %mul3A_216, %add3A_232 : i32
        %get3A_234 = arith.index_cast %add3A_233 : i32 to index
        %get3A_235 = tpu.vector_load %arg13[%get3A_234] {strides = array<i32>} : memref<400xi32, #tpu.memory_space<vmem>>, vector<16xi32>,
        %swap3A_236 = arith.constant 0 : i32
        %swap3A_237 = arith.index_cast %swap3A_236 : i32 to index
        %swap3A_238 = arith.constant 16 : index
        %swap3A_239 = tpu.vector_load %arg15[%swap3A_237, %swap3A_238] {strides = array<i32>} : memref<2x80xi32, #tpu.memory_space<vmem>>, vector<16xi32>,
        tpu.vector_store %arg15[%swap3A_237, %swap3A_238], %get3A_235 {strides = array<i32>} : memref<2x80xi32, #tpu.memory_space<vmem>>, vector<16xi32>,
        %add3A_240 = arith.constant 16 : i32
        %add3A_241 = arith.addi %mul3A_216, %add3A_240 : i32
        %get3A_242 = arith.index_cast %add3A_241 : i32 to index
        %get3A_243 = tpu.vector_load %arg14[%get3A_242] {strides = array<i32>} : memref<400xi32, #tpu.memory_space<vmem>>, vector<16xi32>,
        %swap3A_244 = arith.constant 0 : i32
        %swap3A_245 = arith.index_cast %swap3A_244 : i32 to index
        %swap3A_246 = arith.constant 16 : index
        %swap3A_247 = tpu.vector_load %arg16[%swap3A_245, %swap3A_246] {strides = array<i32>} : memref<2x80xi32, #tpu.memory_space<vmem>>, vector<16xi32>,
        tpu.vector_store %arg16[%swap3A_245, %swap3A_246], %get3A_243 {strides = array<i32>} : memref<2x80xi32, #tpu.memory_space<vmem>>, vector<16xi32>,
        %add3A_248 = arith.constant 32 : i32
        %add3A_249 = arith.addi %mul3A_216, %add3A_248 : i32
        %get3A_250 = arith.index_cast %add3A_249 : i32 to index
        %get3A_251 = tpu.vector_load %arg13[%get3A_250] {strides = array<i32>} : memref<400xi32, #tpu.memory_space<vmem>>, vector<16xi32>,
        %swap3A_252 = arith.constant 0 : i32
        %swap3A_253 = arith.index_cast %swap3A_252 : i32 to index
        %swap3A_254 = arith.constant 32 : index
        %swap3A_255 = tpu.vector_load %arg15[%swap3A_253, %swap3A_254] {strides = array<i32>} : memref<2x80xi32, #tpu.memory_space<vmem>>, vector<16xi32>,
        tpu.vector_store %arg15[%swap3A_253, %swap3A_254], %get3A_251 {strides = array<i32>} : memref<2x80xi32, #tpu.memory_space<vmem>>, vector<16xi32>,
        %add3A_256 = arith.constant 32 : i32
        %add3A_257 = arith.addi %mul3A_216, %add3A_256 : i32
        %get3A_258 = arith.index_cast %add3A_257 : i32 to index
        %get3A_259 = tpu.vector_load %arg14[%get3A_258] {strides = array<i32>} : memref<400xi32, #tpu.memory_space<vmem>>, vector<16xi32>,
        %swap3A_260 = arith.constant 0 : i32
        %swap3A_261 = arith.index_cast %swap3A_260 : i32 to index
        %swap3A_262 = arith.constant 32 : index
        %swap3A_263 = tpu.vector_load %arg16[%swap3A_261, %swap3A_262] {strides = array<i32>} : memref<2x80xi32, #tpu.memory_space<vmem>>, vector<16xi32>,
        tpu.vector_store %arg16[%swap3A_261, %swap3A_262], %get3A_259 {strides = array<i32>} : memref<2x80xi32, #tpu.memory_space<vmem>>, vector<16xi32>,
        %add3A_264 = arith.constant 48 : i32
        %add3A_265 = arith.addi %mul3A_216, %add3A_264 : i32
        %get3A_266 = arith.index_cast %add3A_265 : i32 to index
        %get3A_267 = tpu.vector_load %arg13[%get3A_266] {strides = array<i32>} : memref<400xi32, #tpu.memory_space<vmem>>, vector<16xi32>,
        %swap3A_268 = arith.constant 0 : i32
        %swap3A_269 = arith.index_cast %swap3A_268 : i32 to index
        %swap3A_270 = arith.constant 48 : index
        %swap3A_271 = tpu.vector_load %arg15[%swap3A_269, %swap3A_270] {strides = array<i32>} : memref<2x80xi32, #tpu.memory_space<vmem>>, vector<16xi32>,
        tpu.vector_store %arg15[%swap3A_269, %swap3A_270], %get3A_267 {strides = array<i32>} : memref<2x80xi32, #tpu.memory_space<vmem>>, vector<16xi32>,
        %add3A_272 = arith.constant 48 : i32
        %add3A_273 = arith.addi %mul3A_216, %add3A_272 : i32
        %get3A_274 = arith.index_cast %add3A_273 : i32 to index
        %get3A_275 = tpu.vector_load %arg14[%get3A_274] {strides = array<i32>} : memref<400xi32, #tpu.memory_space<vmem>>, vector<16xi32>,
        %swap3A_276 = arith.constant 0 : i32
        %swap3A_277 = arith.index_cast %swap3A_276 : i32 to index
        %swap3A_278 = arith.constant 48 : index
        %swap3A_279 = tpu.vector_load %arg16[%swap3A_277, %swap3A_278] {strides = array<i32>} : memref<2x80xi32, #tpu.memory_space<vmem>>, vector<16xi32>,
        tpu.vector_store %arg16[%swap3A_277, %swap3A_278], %get3A_275 {strides = array<i32>} : memref<2x80xi32, #tpu.memory_space<vmem>>, vector<16xi32>,
        %add3A_280 = arith.constant 64 : i32
        %add3A_281 = arith.addi %mul3A_216, %add3A_280 : i32
        %get3A_282 = arith.index_cast %add3A_281 : i32 to index
        %get3A_283 = tpu.vector_load %arg13[%get3A_282] {strides = array<i32>} : memref<400xi32, #tpu.memory_space<vmem>>, vector<16xi32>,
        %swap3A_284 = arith.constant 0 : i32
        %swap3A_285 = arith.index_cast %swap3A_284 : i32 to index
        %swap3A_286 = arith.constant 64 : index
        %swap3A_287 = tpu.vector_load %arg15[%swap3A_285, %swap3A_286] {strides = array<i32>} : memref<2x80xi32, #tpu.memory_space<vmem>>, vector<16xi32>,
        tpu.vector_store %arg15[%swap3A_285, %swap3A_286], %get3A_283 {strides = array<i32>} : memref<2x80xi32, #tpu.memory_space<vmem>>, vector<16xi32>,
        %add3A_288 = arith.constant 64 : i32
        %add3A_289 = arith.addi %mul3A_216, %add3A_288 : i32
        %get3A_290 = arith.index_cast %add3A_289 : i32 to index
        %get3A_291 = tpu.vector_load %arg14[%get3A_290] {strides = array<i32>} : memref<400xi32, #tpu.memory_space<vmem>>, vector<16xi32>,
        %swap3A_292 = arith.constant 0 : i32
        %swap3A_293 = arith.index_cast %swap3A_292 : i32 to index
        %swap3A_294 = arith.constant 64 : index
        %swap3A_295 = tpu.vector_load %arg16[%swap3A_293, %swap3A_294] {strides = array<i32>} : memref<2x80xi32, #tpu.memory_space<vmem>>, vector<16xi32>,
        tpu.vector_store %arg16[%swap3A_293, %swap3A_294], %get3A_291 {strides = array<i32>} : memref<2x80xi32, #tpu.memory_space<vmem>>, vector<16xi32>,
        %mul3A_296 = arith.constant 0 : i32
        %mul3A_297 = arith.constant 80 : i32
        %mul3A_298 = arith.muli %mul3A_296, %mul3A_297 : i32
        %dma_start3A_299 = arith.constant 0 : i32
        %dma_start3A_300 = arith.constant 0 : i32
        %dma_start3A_301 = arith.constant 0 : i32
        %dma_start3A_302 = tpu.memref_slice %arg10[%mul3A_298, %dma_start3A_301] : memref<160x256xf32, #tpu.memory_space<vmem>> -> memref<80x256xf32, #tpu.memory_space<vmem>>
        %dma_start3A_303 = arith.constant 0 : i32
        %dma_start3A_304 = tpu.memref_slice %arg16[%dma_start3A_299, %dma_start3A_303] : memref<2x80xi32, #tpu.memory_space<vmem>> -> memref<1x80xi32, #tpu.memory_space<vmem>>
        %dma_start3A_305 = tpu.memref_squeeze %dma_start3A_304 : memref<1x80xi32, #tpu.memory_space<vmem>> -> memref<80xi32, #tpu.memory_space<vmem>>
        %dma_start3A_306 = arith.constant 0 : i32
        %dma_start3A_307 = arith.constant 0 : i32
        %dma_start3A_308 = tpu.memref_slice %arg3[%dma_start3A_306, %dma_start3A_307] : memref<10240x256xf32, #tpu.memory_space<hbm>> -> memref<10240x256xf32, #tpu.memory_space<hbm>>
        %dma_start3A_309 = tpu.memref_slice %arg20[%dma_start3A_300] : memref<2x!tpu.dma_semaphore, #tpu.memory_space<semaphore_mem>> -> memref<1x!tpu.dma_semaphore, #tpu.memory_space<semaphore_mem>>
        %dma_start3A_310 = tpu.memref_squeeze %dma_start3A_309 : memref<1x!tpu.dma_semaphore, #tpu.memory_space<semaphore_mem>> -> memref<!tpu.dma_semaphore, #tpu.memory_space<semaphore_mem>>
        tpu.enqueue_indirect_dma source(%dma_start3A_308 : memref<10240x256xf32, #tpu.memory_space<hbm>>) target(%dma_start3A_302 : memref<80x256xf32, #tpu.memory_space<vmem>>) offsets(%dma_start3A_305 : memref<80xi32, #tpu.memory_space<vmem>>) semaphore(%dma_start3A_310 : memref<!tpu.dma_semaphore, #tpu.memory_space<semaphore_mem>>)
        %mul3A_311 = arith.constant 0 : i32
        %mul3A_312 = arith.constant 80 : i32
        %mul3A_313 = arith.muli %mul3A_311, %mul3A_312 : i32
        %dma_wait3A = arith.constant 0 : i32
        %dma_wait3A_314 = arith.constant 0 : i32
        %dma_wait3A_315 = arith.constant 0 : i32
        %dma_wait3A_316 = tpu.memref_slice %arg10[%mul3A_313, %dma_wait3A_315] : memref<160x256xf32, #tpu.memory_space<vmem>> -> memref<80x256xf32, #tpu.memory_space<vmem>>
        %dma_wait3A_317 = arith.constant 0 : i32
        %dma_wait3A_318 = tpu.memref_slice %arg16[%dma_wait3A, %dma_wait3A_317] : memref<2x80xi32, #tpu.memory_space<vmem>> -> memref<1x80xi32, #tpu.memory_space<vmem>>
        %dma_wait3A_319 = tpu.memref_squeeze %dma_wait3A_318 : memref<1x80xi32, #tpu.memory_space<vmem>> -> memref<80xi32, #tpu.memory_space<vmem>>
        %dma_wait3A_320 = arith.constant 0 : i32
        %dma_wait3A_321 = arith.constant 0 : i32
        %dma_wait3A_322 = tpu.memref_slice %arg3[%dma_wait3A_320, %dma_wait3A_321] : memref<10240x256xf32, #tpu.memory_space<hbm>> -> memref<10240x256xf32, #tpu.memory_space<hbm>>
        %dma_wait3A_323 = tpu.memref_slice %arg20[%dma_wait3A_314] : memref<2x!tpu.dma_semaphore, #tpu.memory_space<semaphore_mem>> -> memref<1x!tpu.dma_semaphore, #tpu.memory_space<semaphore_mem>>
        %dma_wait3A_324 = tpu.memref_squeeze %dma_wait3A_323 : memref<1x!tpu.dma_semaphore, #tpu.memory_space<semaphore_mem>> -> memref<!tpu.dma_semaphore, #tpu.memory_space<semaphore_mem>>
        tpu.wait_indirect_dma semaphore(%dma_wait3A_324 : memref<!tpu.dma_semaphore, #tpu.memory_space<semaphore_mem>>) src(%dma_wait3A_322 : memref<10240x256xf32, #tpu.memory_space<hbm>>) dst(%dma_wait3A_316 : memref<80x256xf32, #tpu.memory_space<vmem>>)
        %mul3A_325 = arith.constant 80 : i32
        %mul3A_326 = arith.muli %scan3A_207, %mul3A_325 : i32
        %sub3A = arith.subi %reduce_max3A_197, %mul3A_326 : i32
        %scan3A_327 = arith.constant 0 : i32
        %scan3A_328 = arith.constant 0 : i32
        %scan3A_329 = arith.constant 0 : i32
        %scan3A_330 = arith.constant 5 : i32
        %scan3A_331 = arith.addi %scan3A_329, %scan3A_330 : i32
        %scan3A_332 = arith.constant 1 : i32
        %scan3A_333 = scf.for %scan3A_335 = %scan3A_329 to %scan3A_331 step %scan3A_332 iter_args(%scan3A_336 = %scan3A_328) -> (i32)  : i32 {
          %mul3A_337 = arith.constant 16 : i32
          %mul3A_338 = arith.muli %scan3A_335, %mul3A_337 : i32
          %get3A_339 = arith.index_cast %scan3A_327 : i32 to index
          %get3A_340 = arith.index_cast %mul3A_338 : i32 to index
          %get3A_341 = tpu.vector_load %arg15[%get3A_339, %get3A_340] {strides = array<i32>} : memref<2x80xi32, #tpu.memory_space<vmem>>, vector<16xi32>,
          %jit3A = arith.constant 0 : i32
          %jit3A_342 = arith.constant 319 : i32
          %max3A = vector.broadcast %jit3A : i32 to vector<16xi32>
          %max3A_343 = arith.maxsi %max3A, %get3A_341 : vector<16xi32>
          %min3A = vector.broadcast %jit3A_342 : i32 to vector<16xi32>
          %min3A_344 = arith.minsi %min3A, %max3A_343 : vector<16xi32>
          %mul3A_345 = arith.constant 128 : i32
          %mul3A_346 = vector.broadcast %mul3A_345 : i32 to vector<16xi32>
          %mul3A_347 = arith.muli %min3A_344, %mul3A_346 : vector<16xi32>
          %scan3A_348 = arith.constant 0 : i32
          %scan3A_349 = arith.constant 8 : i32
          %scan3A_350 = arith.addi %scan3A_348, %scan3A_349 : i32
          %scan3A_351 = arith.constant 1 : i32
          %scan3A_352 = scf.for %scan3A_417 = %scan3A_348 to %scan3A_350 step %scan3A_351 iter_args(%scan3A_418 = %broadcast_in_dim3A_3) -> (vector<16xf32>)  : i32 {
            %mul3A_419 = arith.constant 2 : i32
            %mul3A_420 = arith.muli %mul3A_419, %scan3A_417 : i32
            %add3A_421 = arith.constant 0 : i32
            %add3A_422 = arith.addi %mul3A_420, %add3A_421 : i32
            %broadcast_in_dim3A_423 = vector.broadcast %add3A_422 : i32 to vector<16xi32>
            %lt3A_424 = arith.constant 0 : i32
            %lt3A_425 = vector.broadcast %lt3A_424 : i32 to vector<16xi32>
            %lt3A_426 = arith.cmpi slt, %broadcast_in_dim3A_423, %lt3A_425 : vector<16xi32>
            %add3A_427 = arith.constant 16 : i32
            %add3A_428 = vector.broadcast %add3A_427 : i32 to vector<16xi32>
            %add3A_429 = arith.addi %broadcast_in_dim3A_423, %add3A_428 : vector<16xi32>
            %select_n3A_430 = arith.select %lt3A_426, %add3A_429, %broadcast_in_dim3A_423 : vector<16xi1>, vector<16xi32>
            %broadcast_in_dim3A_431 = vector.shape_cast %select_n3A_430 : vector<16xi32> to vector<16x1xi32>
            %gather3A = vector.shape_cast %broadcast_in_dim3A_431 : vector<16x1xi32> to vector<16xi32>
            %gather3A_432 = tpu.dynamic_gather %mul3A_347[%gather3A] in [0] : vector<16xi32>, vector<16xi32> -> vector<16xi32>
            %add3A_433 = arith.addi %gather3A_432, %add3A_122 : vector<16xi32>
            %gather3A_434 = tpu.vector_load_idx %arg8[%add3A_433] : memref<40960xf32, #tpu.memory_space<vmem>>[vector<16xi32>], vector<16xf32>,
            %mul3A_435 = arith.constant 80 : i32
            %mul3A_436 = arith.muli %scan3A_327, %mul3A_435 : i32
            %mul3A_437 = arith.constant 16 : i32
            %mul3A_438 = arith.muli %scan3A_335, %mul3A_437 : i32
            %add3A_439 = arith.addi %mul3A_436, %mul3A_438 : i32
            %add3A_440 = arith.addi %add3A_439, %add3A_422 : i32
            %get3A_441 = arith.index_cast %add3A_440 : i32 to index
            %get3A_442 = arith.constant 0 : index
            %get3A_443 = tpu.vector_load %arg10[%get3A_441, %get3A_442] {strides = array<i32>} : memref<160x256xf32, #tpu.memory_space<vmem>>, vector<16xf32>,
            %mul3A_444 = arith.mulf %gather3A_434, %get3A_443 : vector<16xf32>
            %add3A_445 = arith.addf %broadcast_in_dim3A_3, %mul3A_444 : vector<16xf32>
            %add3A_446 = arith.addi %gather3A_432, %add3A_125 : vector<16xi32>
            %gather3A_447 = tpu.vector_load_idx %arg8[%add3A_446] : memref<40960xf32, #tpu.memory_space<vmem>>[vector<16xi32>], vector<16xf32>,
            %mul3A_448 = arith.constant 80 : i32
            %mul3A_449 = arith.muli %scan3A_327, %mul3A_448 : i32
            %mul3A_450 = arith.constant 16 : i32
            %mul3A_451 = arith.muli %scan3A_335, %mul3A_450 : i32
            %add3A_452 = arith.addi %mul3A_449, %mul3A_451 : i32
            %add3A_453 = arith.addi %add3A_452, %add3A_422 : i32
            %get3A_454 = arith.index_cast %add3A_453 : i32 to index
            %get3A_455 = arith.constant 16 : index
            %get3A_456 = tpu.vector_load %arg10[%get3A_454, %get3A_455] {strides = array<i32>} : memref<160x256xf32, #tpu.memory_space<vmem>>, vector<16xf32>,
            %mul3A_457 = arith.mulf %gather3A_447, %get3A_456 : vector<16xf32>
            %add3A_458 = arith.addf %broadcast_in_dim3A_3, %mul3A_457 : vector<16xf32>
            %add3A_459 = arith.addi %gather3A_432, %add3A_128 : vector<16xi32>
            %gather3A_460 = tpu.vector_load_idx %arg8[%add3A_459] : memref<40960xf32, #tpu.memory_space<vmem>>[vector<16xi32>], vector<16xf32>,
            %mul3A_461 = arith.constant 80 : i32
            %mul3A_462 = arith.muli %scan3A_327, %mul3A_461 : i32
            %mul3A_463 = arith.constant 16 : i32
            %mul3A_464 = arith.muli %scan3A_335, %mul3A_463 : i32
            %add3A_465 = arith.addi %mul3A_462, %mul3A_464 : i32
            %add3A_466 = arith.addi %add3A_465, %add3A_422 : i32
            %get3A_467 = arith.index_cast %add3A_466 : i32 to index
            %get3A_468 = arith.constant 32 : index
            %get3A_469 = tpu.vector_load %arg10[%get3A_467, %get3A_468] {strides = array<i32>} : memref<160x256xf32, #tpu.memory_space<vmem>>, vector<16xf32>,
            %mul3A_470 = arith.mulf %gather3A_460, %get3A_469 : vector<16xf32>
            %add3A_471 = arith.addf %add3A_445, %mul3A_470 : vector<16xf32>
            %add3A_472 = arith.addi %gather3A_432, %add3A_131 : vector<16xi32>
            %gather3A_473 = tpu.vector_load_idx %arg8[%add3A_472] : memref<40960xf32, #tpu.memory_space<vmem>>[vector<16xi32>], vector<16xf32>,
            %mul3A_474 = arith.constant 80 : i32
            %mul3A_475 = arith.muli %scan3A_327, %mul3A_474 : i32
            %mul3A_476 = arith.constant 16 : i32
            %mul3A_477 = arith.muli %scan3A_335, %mul3A_476 : i32
            %add3A_478 = arith.addi %mul3A_475, %mul3A_477 : i32
            %add3A_479 = arith.addi %add3A_478, %add3A_422 : i32
            %get3A_480 = arith.index_cast %add3A_479 : i32 to index
            %get3A_481 = arith.constant 48 : index
            %get3A_482 = tpu.vector_load %arg10[%get3A_480, %get3A_481] {strides = array<i32>} : memref<160x256xf32, #tpu.memory_space<vmem>>, vector<16xf32>,
            %mul3A_483 = arith.mulf %gather3A_473, %get3A_482 : vector<16xf32>
            %add3A_484 = arith.addf %add3A_458, %mul3A_483 : vector<16xf32>
            %add3A_485 = arith.addi %gather3A_432, %add3A_134 : vector<16xi32>
            %gather3A_486 = tpu.vector_load_idx %arg8[%add3A_485] : memref<40960xf32, #tpu.memory_space<vmem>>[vector<16xi32>], vector<16xf32>,
            %mul3A_487 = arith.constant 80 : i32
            %mul3A_488 = arith.muli %scan3A_327, %mul3A_487 : i32
            %mul3A_489 = arith.constant 16 : i32
            %mul3A_490 = arith.muli %scan3A_335, %mul3A_489 : i32
            %add3A_491 = arith.addi %mul3A_488, %mul3A_490 : i32
            %add3A_492 = arith.addi %add3A_491, %add3A_422 : i32
            %get3A_493 = arith.index_cast %add3A_492 : i32 to index
            %get3A_494 = arith.constant 64 : index
            %get3A_495 = tpu.vector_load %arg10[%get3A_493, %get3A_494] {strides = array<i32>} : memref<160x256xf32, #tpu.memory_space<vmem>>, vector<16xf32>,
            %mul3A_496 = arith.mulf %gather3A_486, %get3A_495 : vector<16xf32>
            %add3A_497 = arith.addf %add3A_471, %mul3A_496 : vector<16xf32>
            %add3A_498 = arith.addi %gather3A_432, %add3A_137 : vector<16xi32>
            %gather3A_499 = tpu.vector_load_idx %arg8[%add3A_498] : memref<40960xf32, #tpu.memory_space<vmem>>[vector<16xi32>], vector<16xf32>,
            %mul3A_500 = arith.constant 80 : i32
            %mul3A_501 = arith.muli %scan3A_327, %mul3A_500 : i32
            %mul3A_502 = arith.constant 16 : i32
            %mul3A_503 = arith.muli %scan3A_335, %mul3A_502 : i32
            %add3A_504 = arith.addi %mul3A_501, %mul3A_503 : i32
            %add3A_505 = arith.addi %add3A_504, %add3A_422 : i32
            %get3A_506 = arith.index_cast %add3A_505 : i32 to index
            %get3A_507 = arith.constant 80 : index
            %get3A_508 = tpu.vector_load %arg10[%get3A_506, %get3A_507] {strides = array<i32>} : memref<160x256xf32, #tpu.memory_space<vmem>>, vector<16xf32>,
            %mul3A_509 = arith.mulf %gather3A_499, %get3A_508 : vector<16xf32>
            %add3A_510 = arith.addf %add3A_484, %mul3A_509 : vector<16xf32>
            %add3A_511 = arith.addi %gather3A_432, %add3A_140 : vector<16xi32>
            %gather3A_512 = tpu.vector_load_idx %arg8[%add3A_511] : memref<40960xf32, #tpu.memory_space<vmem>>[vector<16xi32>], vector<16xf32>,
            %mul3A_513 = arith.constant 80 : i32
            %mul3A_514 = arith.muli %scan3A_327, %mul3A_513 : i32
            %mul3A_515 = arith.constant 16 : i32
            %mul3A_516 = arith.muli %scan3A_335, %mul3A_515 : i32
            %add3A_517 = arith.addi %mul3A_514, %mul3A_516 : i32
            %add3A_518 = arith.addi %add3A_517, %add3A_422 : i32
            %get3A_519 = arith.index_cast %add3A_518 : i32 to index
            %get3A_520 = arith.constant 96 : index
            %get3A_521 = tpu.vector_load %arg10[%get3A_519, %get3A_520] {strides = array<i32>} : memref<160x256xf32, #tpu.memory_space<vmem>>, vector<16xf32>,
            %mul3A_522 = arith.mulf %gather3A_512, %get3A_521 : vector<16xf32>
            %add3A_523 = arith.addf %add3A_497, %mul3A_522 : vector<16xf32>
            %add3A_524 = arith.addi %gather3A_432, %add3A_143 : vector<16xi32>
            %gather3A_525 = tpu.vector_load_idx %arg8[%add3A_524] : memref<40960xf32, #tpu.memory_space<vmem>>[vector<16xi32>], vector<16xf32>,
            %mul3A_526 = arith.constant 80 : i32
            %mul3A_527 = arith.muli %scan3A_327, %mul3A_526 : i32
            %mul3A_528 = arith.constant 16 : i32
            %mul3A_529 = arith.muli %scan3A_335, %mul3A_528 : i32
            %add3A_530 = arith.addi %mul3A_527, %mul3A_529 : i32
            %add3A_531 = arith.addi %add3A_530, %add3A_422 : i32
            %get3A_532 = arith.index_cast %add3A_531 : i32 to index
            %get3A_533 = arith.constant 112 : index
            %get3A_534 = tpu.vector_load %arg10[%get3A_532, %get3A_533] {strides = array<i32>} : memref<160x256xf32, #tpu.memory_space<vmem>>, vector<16xf32>,
            %mul3A_535 = arith.mulf %gather3A_525, %get3A_534 : vector<16xf32>
            %add3A_536 = arith.addf %add3A_510, %mul3A_535 : vector<16xf32>
            %add3A_537 = arith.addf %add3A_523, %add3A_536 : vector<16xf32>
            %reduce_sum3A = arith.constant true
            %reduce_sum3A_538 = vector.broadcast %reduce_sum3A : i1 to vector<16xi1>
            %reduce_sum3A_539 = tpu.scan <sum>, %add3A_537 masked %reduce_sum3A_538 : vector<16xf32>, vector<16xi1> -> vector<16xf32>
            %reduce_sum3A_540 = vector.extract %reduce_sum3A_539[15] : f32 from vector<16xf32>
            %eq3A_541 = vector.broadcast %add3A_422 : i32 to vector<16xi32>
            %eq3A_542 = arith.cmpi eq, %iota3A, %eq3A_541 : vector<16xi32>
            %broadcast_in_dim3A_543 = vector.broadcast %reduce_sum3A_540 : f32 to vector<16xf32>
            %select_n3A_544 = arith.select %eq3A_542, %broadcast_in_dim3A_543, %scan3A_418 : vector<16xi1>, vector<16xf32>
            %mul3A_545 = arith.constant 2 : i32
            %mul3A_546 = arith.muli %mul3A_545, %scan3A_417 : i32
            %add3A_547 = arith.constant 1 : i32
            %add3A_548 = arith.addi %mul3A_546, %add3A_547 : i32
            %broadcast_in_dim3A_549 = vector.broadcast %add3A_548 : i32 to vector<16xi32>
            %lt3A_550 = arith.constant 0 : i32
            %lt3A_551 = vector.broadcast %lt3A_550 : i32 to vector<16xi32>
            %lt3A_552 = arith.cmpi slt, %broadcast_in_dim3A_549, %lt3A_551 : vector<16xi32>
            %add3A_553 = arith.constant 16 : i32
            %add3A_554 = vector.broadcast %add3A_553 : i32 to vector<16xi32>
            %add3A_555 = arith.addi %broadcast_in_dim3A_549, %add3A_554 : vector<16xi32>
            %select_n3A_556 = arith.select %lt3A_552, %add3A_555, %broadcast_in_dim3A_549 : vector<16xi1>, vector<16xi32>
            %broadcast_in_dim3A_557 = vector.shape_cast %select_n3A_556 : vector<16xi32> to vector<16x1xi32>
            %gather3A_558 = vector.shape_cast %broadcast_in_dim3A_557 : vector<16x1xi32> to vector<16xi32>
            %gather3A_559 = tpu.dynamic_gather %mul3A_347[%gather3A_558] in [0] : vector<16xi32>, vector<16xi32> -> vector<16xi32>
            %add3A_560 = arith.addi %gather3A_559, %add3A_122 : vector<16xi32>
            %gather3A_561 = tpu.vector_load_idx %arg8[%add3A_560] : memref<40960xf32, #tpu.memory_space<vmem>>[vector<16xi32>], vector<16xf32>,
            %mul3A_562 = arith.constant 80 : i32
            %mul3A_563 = arith.muli %scan3A_327, %mul3A_562 : i32
            %mul3A_564 = arith.constant 16 : i32
            %mul3A_565 = arith.muli %scan3A_335, %mul3A_564 : i32
            %add3A_566 = arith.addi %mul3A_563, %mul3A_565 : i32
            %add3A_567 = arith.addi %add3A_566, %add3A_548 : i32
            %get3A_568 = arith.index_cast %add3A_567 : i32 to index
            %get3A_569 = arith.constant 0 : index
            %get3A_570 = tpu.vector_load %arg10[%get3A_568, %get3A_569] {strides = array<i32>} : memref<160x256xf32, #tpu.memory_space<vmem>>, vector<16xf32>,
            %mul3A_571 = arith.mulf %gather3A_561, %get3A_570 : vector<16xf32>
            %add3A_572 = arith.addf %broadcast_in_dim3A_3, %mul3A_571 : vector<16xf32>
            %add3A_573 = arith.addi %gather3A_559, %add3A_125 : vector<16xi32>
            %gather3A_574 = tpu.vector_load_idx %arg8[%add3A_573] : memref<40960xf32, #tpu.memory_space<vmem>>[vector<16xi32>], vector<16xf32>,
            %mul3A_575 = arith.constant 80 : i32
            %mul3A_576 = arith.muli %scan3A_327, %mul3A_575 : i32
            %mul3A_577 = arith.constant 16 : i32
            %mul3A_578 = arith.muli %scan3A_335, %mul3A_577 : i32
            %add3A_579 = arith.addi %mul3A_576, %mul3A_578 : i32
            %add3A_580 = arith.addi %add3A_579, %add3A_548 : i32
            %get3A_581 = arith.index_cast %add3A_580 : i32 to index
            %get3A_582 = arith.constant 16 : index
            %get3A_583 = tpu.vector_load %arg10[%get3A_581, %get3A_582] {strides = array<i32>} : memref<160x256xf32, #tpu.memory_space<vmem>>, vector<16xf32>,
            %mul3A_584 = arith.mulf %gather3A_574, %get3A_583 : vector<16xf32>
            %add3A_585 = arith.addf %broadcast_in_dim3A_3, %mul3A_584 : vector<16xf32>
            %add3A_586 = arith.addi %gather3A_559, %add3A_128 : vector<16xi32>
            %gather3A_587 = tpu.vector_load_idx %arg8[%add3A_586] : memref<40960xf32, #tpu.memory_space<vmem>>[vector<16xi32>], vector<16xf32>,
            %mul3A_588 = arith.constant 80 : i32
            %mul3A_589 = arith.muli %scan3A_327, %mul3A_588 : i32
            %mul3A_590 = arith.constant 16 : i32
            %mul3A_591 = arith.muli %scan3A_335, %mul3A_590 : i32
            %add3A_592 = arith.addi %mul3A_589, %mul3A_591 : i32
            %add3A_593 = arith.addi %add3A_592, %add3A_548 : i32
            %get3A_594 = arith.index_cast %add3A_593 : i32 to index
            %get3A_595 = arith.constant 32 : index
            %get3A_596 = tpu.vector_load %arg10[%get3A_594, %get3A_595] {strides = array<i32>} : memref<160x256xf32, #tpu.memory_space<vmem>>, vector<16xf32>,
            %mul3A_597 = arith.mulf %gather3A_587, %get3A_596 : vector<16xf32>
            %add3A_598 = arith.addf %add3A_572, %mul3A_597 : vector<16xf32>
            %add3A_599 = arith.addi %gather3A_559, %add3A_131 : vector<16xi32>
            %gather3A_600 = tpu.vector_load_idx %arg8[%add3A_599] : memref<40960xf32, #tpu.memory_space<vmem>>[vector<16xi32>], vector<16xf32>,
            %mul3A_601 = arith.constant 80 : i32
            %mul3A_602 = arith.muli %scan3A_327, %mul3A_601 : i32
            %mul3A_603 = arith.constant 16 : i32
            %mul3A_604 = arith.muli %scan3A_335, %mul3A_603 : i32
            %add3A_605 = arith.addi %mul3A_602, %mul3A_604 : i32
            %add3A_606 = arith.addi %add3A_605, %add3A_548 : i32
            %get3A_607 = arith.index_cast %add3A_606 : i32 to index
            %get3A_608 = arith.constant 48 : index
            %get3A_609 = tpu.vector_load %arg10[%get3A_607, %get3A_608] {strides = array<i32>} : memref<160x256xf32, #tpu.memory_space<vmem>>, vector<16xf32>,
            %mul3A_610 = arith.mulf %gather3A_600, %get3A_609 : vector<16xf32>
            %add3A_611 = arith.addf %add3A_585, %mul3A_610 : vector<16xf32>
            %add3A_612 = arith.addi %gather3A_559, %add3A_134 : vector<16xi32>
            %gather3A_613 = tpu.vector_load_idx %arg8[%add3A_612] : memref<40960xf32, #tpu.memory_space<vmem>>[vector<16xi32>], vector<16xf32>,
            %mul3A_614 = arith.constant 80 : i32
            %mul3A_615 = arith.muli %scan3A_327, %mul3A_614 : i32
            %mul3A_616 = arith.constant 16 : i32
            %mul3A_617 = arith.muli %scan3A_335, %mul3A_616 : i32
            %add3A_618 = arith.addi %mul3A_615, %mul3A_617 : i32
            %add3A_619 = arith.addi %add3A_618, %add3A_548 : i32
            %get3A_620 = arith.index_cast %add3A_619 : i32 to index
            %get3A_621 = arith.constant 64 : index
            %get3A_622 = tpu.vector_load %arg10[%get3A_620, %get3A_621] {strides = array<i32>} : memref<160x256xf32, #tpu.memory_space<vmem>>, vector<16xf32>,
            %mul3A_623 = arith.mulf %gather3A_613, %get3A_622 : vector<16xf32>
            %add3A_624 = arith.addf %add3A_598, %mul3A_623 : vector<16xf32>
            %add3A_625 = arith.addi %gather3A_559, %add3A_137 : vector<16xi32>
            %gather3A_626 = tpu.vector_load_idx %arg8[%add3A_625] : memref<40960xf32, #tpu.memory_space<vmem>>[vector<16xi32>], vector<16xf32>,
            %mul3A_627 = arith.constant 80 : i32
            %mul3A_628 = arith.muli %scan3A_327, %mul3A_627 : i32
            %mul3A_629 = arith.constant 16 : i32
            %mul3A_630 = arith.muli %scan3A_335, %mul3A_629 : i32
            %add3A_631 = arith.addi %mul3A_628, %mul3A_630 : i32
            %add3A_632 = arith.addi %add3A_631, %add3A_548 : i32
            %get3A_633 = arith.index_cast %add3A_632 : i32 to index
            %get3A_634 = arith.constant 80 : index
            %get3A_635 = tpu.vector_load %arg10[%get3A_633, %get3A_634] {strides = array<i32>} : memref<160x256xf32, #tpu.memory_space<vmem>>, vector<16xf32>,
            %mul3A_636 = arith.mulf %gather3A_626, %get3A_635 : vector<16xf32>
            %add3A_637 = arith.addf %add3A_611, %mul3A_636 : vector<16xf32>
            %add3A_638 = arith.addi %gather3A_559, %add3A_140 : vector<16xi32>
            %gather3A_639 = tpu.vector_load_idx %arg8[%add3A_638] : memref<40960xf32, #tpu.memory_space<vmem>>[vector<16xi32>], vector<16xf32>,
            %mul3A_640 = arith.constant 80 : i32
            %mul3A_641 = arith.muli %scan3A_327, %mul3A_640 : i32
            %mul3A_642 = arith.constant 16 : i32
            %mul3A_643 = arith.muli %scan3A_335, %mul3A_642 : i32
            %add3A_644 = arith.addi %mul3A_641, %mul3A_643 : i32
            %add3A_645 = arith.addi %add3A_644, %add3A_548 : i32
            %get3A_646 = arith.index_cast %add3A_645 : i32 to index
            %get3A_647 = arith.constant 96 : index
            %get3A_648 = tpu.vector_load %arg10[%get3A_646, %get3A_647] {strides = array<i32>} : memref<160x256xf32, #tpu.memory_space<vmem>>, vector<16xf32>,
            %mul3A_649 = arith.mulf %gather3A_639, %get3A_648 : vector<16xf32>
            %add3A_650 = arith.addf %add3A_624, %mul3A_649 : vector<16xf32>
            %add3A_651 = arith.addi %gather3A_559, %add3A_143 : vector<16xi32>
            %gather3A_652 = tpu.vector_load_idx %arg8[%add3A_651] : memref<40960xf32, #tpu.memory_space<vmem>>[vector<16xi32>], vector<16xf32>,
            %mul3A_653 = arith.constant 80 : i32
            %mul3A_654 = arith.muli %scan3A_327, %mul3A_653 : i32
            %mul3A_655 = arith.constant 16 : i32
            %mul3A_656 = arith.muli %scan3A_335, %mul3A_655 : i32
            %add3A_657 = arith.addi %mul3A_654, %mul3A_656 : i32
            %add3A_658 = arith.addi %add3A_657, %add3A_548 : i32
            %get3A_659 = arith.index_cast %add3A_658 : i32 to index
            %get3A_660 = arith.constant 112 : index
            %get3A_661 = tpu.vector_load %arg10[%get3A_659, %get3A_660] {strides = array<i32>} : memref<160x256xf32, #tpu.memory_space<vmem>>, vector<16xf32>,
            %mul3A_662 = arith.mulf %gather3A_652, %get3A_661 : vector<16xf32>
            %add3A_663 = arith.addf %add3A_637, %mul3A_662 : vector<16xf32>
            %add3A_664 = arith.addf %add3A_650, %add3A_663 : vector<16xf32>
            %reduce_sum3A_665 = arith.constant true
            %reduce_sum3A_666 = vector.broadcast %reduce_sum3A_665 : i1 to vector<16xi1>
            %reduce_sum3A_667 = tpu.scan <sum>, %add3A_664 masked %reduce_sum3A_666 : vector<16xf32>, vector<16xi1> -> vector<16xf32>
            %reduce_sum3A_668 = vector.extract %reduce_sum3A_667[15] : f32 from vector<16xf32>
            %eq3A_669 = vector.broadcast %add3A_548 : i32 to vector<16xi32>
            %eq3A_670 = arith.cmpi eq, %iota3A, %eq3A_669 : vector<16xi32>
            %broadcast_in_dim3A_671 = vector.broadcast %reduce_sum3A_668 : f32 to vector<16xf32>
            %select_n3A_672 = arith.select %eq3A_670, %broadcast_in_dim3A_671, %select_n3A_544 : vector<16xi1>, vector<16xf32>
            scf.yield %select_n3A_672 : vector<16xf32>
          }
          %scan3A_353 = arith.constant 8 : i32
          %exp3A = math.exp %scan3A_352 : vector<16xf32>
          %mul3A_354 = arith.constant 16 : i32
          %mul3A_355 = arith.muli %scan3A_335, %mul3A_354 : i32
          %add3A_356 = vector.broadcast %mul3A_355 : i32 to vector<16xi32>
          %add3A_357 = arith.addi %iota3A, %add3A_356 : vector<16xi32>
          %lt3A_358 = vector.broadcast %sub3A : i32 to vector<16xi32>
          %lt3A_359 = arith.cmpi slt, %add3A_357, %lt3A_358 : vector<16xi32>
          %jit3A_360 = arith.constant 0.000000e+00 : f32
          %broadcast_in_dim3A_361 = vector.broadcast %jit3A_360 : f32 to vector<16xf32>
          %select_n3A = arith.select %lt3A_359, %exp3A, %broadcast_in_dim3A_361 : vector<16xi1>, vector<16xf32>
          %eq3A = arith.constant 0 : i32
          %eq3A_362 = vector.broadcast %eq3A : i32 to vector<16xi32>
          %eq3A_363 = arith.cmpi eq, %iota3A, %eq3A_362 : vector<16xi32>
          tpu.vector_store_idx %arg17[%min3A_344], %select_n3A masked %eq3A_363 {add = true} : memref<320xf32, #tpu.memory_space<vmem>>[vector<16xi32>], vector<16xf32>, vector<16xi1>
          %eq3A_364 = arith.constant 1 : i32
          %eq3A_365 = vector.broadcast %eq3A_364 : i32 to vector<16xi32>
          %eq3A_366 = arith.cmpi eq, %iota3A, %eq3A_365 : vector<16xi32>
          tpu.vector_store_idx %arg17[%min3A_344], %select_n3A masked %eq3A_366 {add = true} : memref<320xf32, #tpu.memory_space<vmem>>[vector<16xi32>], vector<16xf32>, vector<16xi1>
          %eq3A_367 = arith.constant 2 : i32
          %eq3A_368 = vector.broadcast %eq3A_367 : i32 to vector<16xi32>
          %eq3A_369 = arith.cmpi eq, %iota3A, %eq3A_368 : vector<16xi32>
          tpu.vector_store_idx %arg17[%min3A_344], %select_n3A masked %eq3A_369 {add = true} : memref<320xf32, #tpu.memory_space<vmem>>[vector<16xi32>], vector<16xf32>, vector<16xi1>
          %eq3A_370 = arith.constant 3 : i32
          %eq3A_371 = vector.broadcast %eq3A_370 : i32 to vector<16xi32>
          %eq3A_372 = arith.cmpi eq, %iota3A, %eq3A_371 : vector<16xi32>
          tpu.vector_store_idx %arg17[%min3A_344], %select_n3A masked %eq3A_372 {add = true} : memref<320xf32, #tpu.memory_space<vmem>>[vector<16xi32>], vector<16xf32>, vector<16xi1>
          %eq3A_373 = arith.constant 4 : i32
          %eq3A_374 = vector.broadcast %eq3A_373 : i32 to vector<16xi32>
          %eq3A_375 = arith.cmpi eq, %iota3A, %eq3A_374 : vector<16xi32>
          tpu.vector_store_idx %arg17[%min3A_344], %select_n3A masked %eq3A_375 {add = true} : memref<320xf32, #tpu.memory_space<vmem>>[vector<16xi32>], vector<16xf32>, vector<16xi1>
          %eq3A_376 = arith.constant 5 : i32
          %eq3A_377 = vector.broadcast %eq3A_376 : i32 to vector<16xi32>
          %eq3A_378 = arith.cmpi eq, %iota3A, %eq3A_377 : vector<16xi32>
          tpu.vector_store_idx %arg17[%min3A_344], %select_n3A masked %eq3A_378 {add = true} : memref<320xf32, #tpu.memory_space<vmem>>[vector<16xi32>], vector<16xf32>, vector<16xi1>
          %eq3A_379 = arith.constant 6 : i32
          %eq3A_380 = vector.broadcast %eq3A_379 : i32 to vector<16xi32>
          %eq3A_381 = arith.cmpi eq, %iota3A, %eq3A_380 : vector<16xi32>
          tpu.vector_store_idx %arg17[%min3A_344], %select_n3A masked %eq3A_381 {add = true} : memref<320xf32, #tpu.memory_space<vmem>>[vector<16xi32>], vector<16xf32>, vector<16xi1>
          %eq3A_382 = arith.constant 7 : i32
          %eq3A_383 = vector.broadcast %eq3A_382 : i32 to vector<16xi32>
          %eq3A_384 = arith.cmpi eq, %iota3A, %eq3A_383 : vector<16xi32>
          tpu.vector_store_idx %arg17[%min3A_344], %select_n3A masked %eq3A_384 {add = true} : memref<320xf32, #tpu.memory_space<vmem>>[vector<16xi32>], vector<16xf32>, vector<16xi1>
          %eq3A_385 = arith.constant 8 : i32
          %eq3A_386 = vector.broadcast %eq3A_385 : i32 to vector<16xi32>
          %eq3A_387 = arith.cmpi eq, %iota3A, %eq3A_386 : vector<16xi32>
          tpu.vector_store_idx %arg17[%min3A_344], %select_n3A masked %eq3A_387 {add = true} : memref<320xf32, #tpu.memory_space<vmem>>[vector<16xi32>], vector<16xf32>, vector<16xi1>
          %eq3A_388 = arith.constant 9 : i32
          %eq3A_389 = vector.broadcast %eq3A_388 : i32 to vector<16xi32>
          %eq3A_390 = arith.cmpi eq, %iota3A, %eq3A_389 : vector<16xi32>
          tpu.vector_store_idx %arg17[%min3A_344], %select_n3A masked %eq3A_390 {add = true} : memref<320xf32, #tpu.memory_space<vmem>>[vector<16xi32>], vector<16xf32>, vector<16xi1>
          %eq3A_391 = arith.constant 10 : i32
          %eq3A_392 = vector.broadcast %eq3A_391 : i32 to vector<16xi32>
          %eq3A_393 = arith.cmpi eq, %iota3A, %eq3A_392 : vector<16xi32>
          tpu.vector_store_idx %arg17[%min3A_344], %select_n3A masked %eq3A_393 {add = true} : memref<320xf32, #tpu.memory_space<vmem>>[vector<16xi32>], vector<16xf32>, vector<16xi1>
          %eq3A_394 = arith.constant 11 : i32
          %eq3A_395 = vector.broadcast %eq3A_394 : i32 to vector<16xi32>
          %eq3A_396 = arith.cmpi eq, %iota3A, %eq3A_395 : vector<16xi32>
          tpu.vector_store_idx %arg17[%min3A_344], %select_n3A masked %eq3A_396 {add = true} : memref<320xf32, #tpu.memory_space<vmem>>[vector<16xi32>], vector<16xf32>, vector<16xi1>
          %eq3A_397 = arith.constant 12 : i32
          %eq3A_398 = vector.broadcast %eq3A_397 : i32 to vector<16xi32>
          %eq3A_399 = arith.cmpi eq, %iota3A, %eq3A_398 : vector<16xi32>
          tpu.vector_store_idx %arg17[%min3A_344], %select_n3A masked %eq3A_399 {add = true} : memref<320xf32, #tpu.memory_space<vmem>>[vector<16xi32>], vector<16xf32>, vector<16xi1>
          %eq3A_400 = arith.constant 13 : i32
          %eq3A_401 = vector.broadcast %eq3A_400 : i32 to vector<16xi32>
          %eq3A_402 = arith.cmpi eq, %iota3A, %eq3A_401 : vector<16xi32>
          tpu.vector_store_idx %arg17[%min3A_344], %select_n3A masked %eq3A_402 {add = true} : memref<320xf32, #tpu.memory_space<vmem>>[vector<16xi32>], vector<16xf32>, vector<16xi1>
          %eq3A_403 = arith.constant 14 : i32
          %eq3A_404 = vector.broadcast %eq3A_403 : i32 to vector<16xi32>
          %eq3A_405 = arith.cmpi eq, %iota3A, %eq3A_404 : vector<16xi32>
          tpu.vector_store_idx %arg17[%min3A_344], %select_n3A masked %eq3A_405 {add = true} : memref<320xf32, #tpu.memory_space<vmem>>[vector<16xi32>], vector<16xf32>, vector<16xi1>
          %eq3A_406 = arith.constant 15 : i32
          %eq3A_407 = vector.broadcast %eq3A_406 : i32 to vector<16xi32>
          %eq3A_408 = arith.cmpi eq, %iota3A, %eq3A_407 : vector<16xi32>
          tpu.vector_store_idx %arg17[%min3A_344], %select_n3A masked %eq3A_408 {add = true} : memref<320xf32, #tpu.memory_space<vmem>>[vector<16xi32>], vector<16xf32>, vector<16xi1>
          %scan3A_409 = arith.constant 0 : i32
          %scan3A_410 = arith.constant 0 : i32
          %scan3A_411 = arith.constant 8 : i32
          %scan3A_412 = arith.addi %scan3A_410, %scan3A_411 : i32
          %scan3A_413 = arith.constant 1 : i32
          %scan3A_414 = scf.for %scan3A_417 = %scan3A_410 to %scan3A_412 step %scan3A_413 iter_args(%scan3A_418 = %scan3A_409) -> (i32)  : i32 {
            %mul3A_419 = arith.constant 2 : i32
            %mul3A_420 = arith.muli %mul3A_419, %scan3A_417 : i32
            %add3A_421 = arith.constant 0 : i32
            %add3A_422 = arith.addi %mul3A_420, %add3A_421 : i32
            %broadcast_in_dim3A_423 = vector.broadcast %add3A_422 : i32 to vector<16xi32>
            %lt3A_424 = arith.constant 0 : i32
            %lt3A_425 = vector.broadcast %lt3A_424 : i32 to vector<16xi32>
            %lt3A_426 = arith.cmpi slt, %broadcast_in_dim3A_423, %lt3A_425 : vector<16xi32>
            %add3A_427 = arith.constant 16 : i32
            %add3A_428 = vector.broadcast %add3A_427 : i32 to vector<16xi32>
            %add3A_429 = arith.addi %broadcast_in_dim3A_423, %add3A_428 : vector<16xi32>
            %select_n3A_430 = arith.select %lt3A_426, %add3A_429, %broadcast_in_dim3A_423 : vector<16xi1>, vector<16xi32>
            %broadcast_in_dim3A_431 = vector.shape_cast %select_n3A_430 : vector<16xi32> to vector<16x1xi32>
            %gather3A = vector.shape_cast %broadcast_in_dim3A_431 : vector<16x1xi32> to vector<16xi32>
            %gather3A_432 = tpu.dynamic_gather %select_n3A[%gather3A] in [0] : vector<16xf32>, vector<16xi32> -> vector<16xf32>
            %broadcast_in_dim3A_433 = vector.broadcast %add3A_422 : i32 to vector<16xi32>
            %lt3A_434 = arith.constant 0 : i32
            %lt3A_435 = vector.broadcast %lt3A_434 : i32 to vector<16xi32>
            %lt3A_436 = arith.cmpi slt, %broadcast_in_dim3A_433, %lt3A_435 : vector<16xi32>
            %add3A_437 = arith.constant 16 : i32
            %add3A_438 = vector.broadcast %add3A_437 : i32 to vector<16xi32>
            %add3A_439 = arith.addi %broadcast_in_dim3A_433, %add3A_438 : vector<16xi32>
            %select_n3A_440 = arith.select %lt3A_436, %add3A_439, %broadcast_in_dim3A_433 : vector<16xi1>, vector<16xi32>
            %broadcast_in_dim3A_441 = vector.shape_cast %select_n3A_440 : vector<16xi32> to vector<16x1xi32>
            %gather3A_442 = vector.shape_cast %broadcast_in_dim3A_441 : vector<16x1xi32> to vector<16xi32>
            %gather3A_443 = tpu.dynamic_gather %mul3A_347[%gather3A_442] in [0] : vector<16xi32>, vector<16xi32> -> vector<16xi32>
            %mul3A_444 = arith.constant 80 : i32
            %mul3A_445 = arith.muli %scan3A_327, %mul3A_444 : i32
            %mul3A_446 = arith.constant 16 : i32
            %mul3A_447 = arith.muli %scan3A_335, %mul3A_446 : i32
            %add3A_448 = arith.addi %mul3A_445, %mul3A_447 : i32
            %add3A_449 = arith.addi %add3A_448, %add3A_422 : i32
            %get3A_450 = arith.index_cast %add3A_449 : i32 to index
            %get3A_451 = arith.constant 128 : index
            %get3A_452 = tpu.vector_load %arg10[%get3A_450, %get3A_451] {strides = array<i32>} : memref<160x256xf32, #tpu.memory_space<vmem>>, vector<16xf32>,
            %mul3A_453 = arith.mulf %gather3A_432, %get3A_452 : vector<16xf32>
            %add3A_454 = arith.addi %gather3A_443, %add3A_122 : vector<16xi32>
            %mul3A_455 = arith.constant 80 : i32
            %mul3A_456 = arith.muli %scan3A_327, %mul3A_455 : i32
            %mul3A_457 = arith.constant 16 : i32
            %mul3A_458 = arith.muli %scan3A_335, %mul3A_457 : i32
            %add3A_459 = arith.addi %mul3A_456, %mul3A_458 : i32
            %add3A_460 = arith.addi %add3A_459, %add3A_422 : i32
            %get3A_461 = arith.index_cast %add3A_460 : i32 to index
            %get3A_462 = arith.constant 144 : index
            %get3A_463 = tpu.vector_load %arg10[%get3A_461, %get3A_462] {strides = array<i32>} : memref<160x256xf32, #tpu.memory_space<vmem>>, vector<16xf32>,
            %mul3A_464 = arith.mulf %gather3A_432, %get3A_463 : vector<16xf32>
            %add3A_465 = arith.addi %gather3A_443, %add3A_125 : vector<16xi32>
            %mul3A_466 = arith.constant 80 : i32
            %mul3A_467 = arith.muli %scan3A_327, %mul3A_466 : i32
            %mul3A_468 = arith.constant 16 : i32
            %mul3A_469 = arith.muli %scan3A_335, %mul3A_468 : i32
            %add3A_470 = arith.addi %mul3A_467, %mul3A_469 : i32
            %add3A_471 = arith.addi %add3A_470, %add3A_422 : i32
            %get3A_472 = arith.index_cast %add3A_471 : i32 to index
            %get3A_473 = arith.constant 160 : index
            %get3A_474 = tpu.vector_load %arg10[%get3A_472, %get3A_473] {strides = array<i32>} : memref<160x256xf32, #tpu.memory_space<vmem>>, vector<16xf32>,
            %mul3A_475 = arith.mulf %gather3A_432, %get3A_474 : vector<16xf32>
            %add3A_476 = arith.addi %gather3A_443, %add3A_128 : vector<16xi32>
            %mul3A_477 = arith.constant 80 : i32
            %mul3A_478 = arith.muli %scan3A_327, %mul3A_477 : i32
            %mul3A_479 = arith.constant 16 : i32
            %mul3A_480 = arith.muli %scan3A_335, %mul3A_479 : i32
            %add3A_481 = arith.addi %mul3A_478, %mul3A_480 : i32
            %add3A_482 = arith.addi %add3A_481, %add3A_422 : i32
            %get3A_483 = arith.index_cast %add3A_482 : i32 to index
            %get3A_484 = arith.constant 176 : index
            %get3A_485 = tpu.vector_load %arg10[%get3A_483, %get3A_484] {strides = array<i32>} : memref<160x256xf32, #tpu.memory_space<vmem>>, vector<16xf32>,
            %mul3A_486 = arith.mulf %gather3A_432, %get3A_485 : vector<16xf32>
            %add3A_487 = arith.addi %gather3A_443, %add3A_131 : vector<16xi32>
            %mul3A_488 = arith.constant 80 : i32
            %mul3A_489 = arith.muli %scan3A_327, %mul3A_488 : i32
            %mul3A_490 = arith.constant 16 : i32
            %mul3A_491 = arith.muli %scan3A_335, %mul3A_490 : i32
            %add3A_492 = arith.addi %mul3A_489, %mul3A_491 : i32
            %add3A_493 = arith.addi %add3A_492, %add3A_422 : i32
            %get3A_494 = arith.index_cast %add3A_493 : i32 to index
            %get3A_495 = arith.constant 192 : index
            %get3A_496 = tpu.vector_load %arg10[%get3A_494, %get3A_495] {strides = array<i32>} : memref<160x256xf32, #tpu.memory_space<vmem>>, vector<16xf32>,
            %mul3A_497 = arith.mulf %gather3A_432, %get3A_496 : vector<16xf32>
            %add3A_498 = arith.addi %gather3A_443, %add3A_134 : vector<16xi32>
            %mul3A_499 = arith.constant 80 : i32
            %mul3A_500 = arith.muli %scan3A_327, %mul3A_499 : i32
            %mul3A_501 = arith.constant 16 : i32
            %mul3A_502 = arith.muli %scan3A_335, %mul3A_501 : i32
            %add3A_503 = arith.addi %mul3A_500, %mul3A_502 : i32
            %add3A_504 = arith.addi %add3A_503, %add3A_422 : i32
            %get3A_505 = arith.index_cast %add3A_504 : i32 to index
            %get3A_506 = arith.constant 208 : index
            %get3A_507 = tpu.vector_load %arg10[%get3A_505, %get3A_506] {strides = array<i32>} : memref<160x256xf32, #tpu.memory_space<vmem>>, vector<16xf32>,
            %mul3A_508 = arith.mulf %gather3A_432, %get3A_507 : vector<16xf32>
            %add3A_509 = arith.addi %gather3A_443, %add3A_137 : vector<16xi32>
            %mul3A_510 = arith.constant 80 : i32
            %mul3A_511 = arith.muli %scan3A_327, %mul3A_510 : i32
            %mul3A_512 = arith.constant 16 : i32
            %mul3A_513 = arith.muli %scan3A_335, %mul3A_512 : i32
            %add3A_514 = arith.addi %mul3A_511, %mul3A_513 : i32
            %add3A_515 = arith.addi %add3A_514, %add3A_422 : i32
            %get3A_516 = arith.index_cast %add3A_515 : i32 to index
            %get3A_517 = arith.constant 224 : index
            %get3A_518 = tpu.vector_load %arg10[%get3A_516, %get3A_517] {strides = array<i32>} : memref<160x256xf32, #tpu.memory_space<vmem>>, vector<16xf32>,
            %mul3A_519 = arith.mulf %gather3A_432, %get3A_518 : vector<16xf32>
            %add3A_520 = arith.addi %gather3A_443, %add3A_140 : vector<16xi32>
            %mul3A_521 = arith.constant 80 : i32
            %mul3A_522 = arith.muli %scan3A_327, %mul3A_521 : i32
            %mul3A_523 = arith.constant 16 : i32
            %mul3A_524 = arith.muli %scan3A_335, %mul3A_523 : i32
            %add3A_525 = arith.addi %mul3A_522, %mul3A_524 : i32
            %add3A_526 = arith.addi %add3A_525, %add3A_422 : i32
            %get3A_527 = arith.index_cast %add3A_526 : i32 to index
            %get3A_528 = arith.constant 240 : index
            %get3A_529 = tpu.vector_load %arg10[%get3A_527, %get3A_528] {strides = array<i32>} : memref<160x256xf32, #tpu.memory_space<vmem>>, vector<16xf32>,
            %mul3A_530 = arith.mulf %gather3A_432, %get3A_529 : vector<16xf32>
            %add3A_531 = arith.addi %gather3A_443, %add3A_143 : vector<16xi32>
            %mul3A_532 = arith.constant 2 : i32
            %mul3A_533 = arith.muli %mul3A_532, %scan3A_417 : i32
            %add3A_534 = arith.constant 1 : i32
            %add3A_535 = arith.addi %mul3A_533, %add3A_534 : i32
            %broadcast_in_dim3A_536 = vector.broadcast %add3A_535 : i32 to vector<16xi32>
            %lt3A_537 = arith.constant 0 : i32
            %lt3A_538 = vector.broadcast %lt3A_537 : i32 to vector<16xi32>
            %lt3A_539 = arith.cmpi slt, %broadcast_in_dim3A_536, %lt3A_538 : vector<16xi32>
            %add3A_540 = arith.constant 16 : i32
            %add3A_541 = vector.broadcast %add3A_540 : i32 to vector<16xi32>
            %add3A_542 = arith.addi %broadcast_in_dim3A_536, %add3A_541 : vector<16xi32>
            %select_n3A_543 = arith.select %lt3A_539, %add3A_542, %broadcast_in_dim3A_536 : vector<16xi1>, vector<16xi32>
            %broadcast_in_dim3A_544 = vector.shape_cast %select_n3A_543 : vector<16xi32> to vector<16x1xi32>
            %gather3A_545 = vector.shape_cast %broadcast_in_dim3A_544 : vector<16x1xi32> to vector<16xi32>
            %gather3A_546 = tpu.dynamic_gather %select_n3A[%gather3A_545] in [0] : vector<16xf32>, vector<16xi32> -> vector<16xf32>
            %broadcast_in_dim3A_547 = vector.broadcast %add3A_535 : i32 to vector<16xi32>
            %lt3A_548 = arith.constant 0 : i32
            %lt3A_549 = vector.broadcast %lt3A_548 : i32 to vector<16xi32>
            %lt3A_550 = arith.cmpi slt, %broadcast_in_dim3A_547, %lt3A_549 : vector<16xi32>
            %add3A_551 = arith.constant 16 : i32
            %add3A_552 = vector.broadcast %add3A_551 : i32 to vector<16xi32>
            %add3A_553 = arith.addi %broadcast_in_dim3A_547, %add3A_552 : vector<16xi32>
            %select_n3A_554 = arith.select %lt3A_550, %add3A_553, %broadcast_in_dim3A_547 : vector<16xi1>, vector<16xi32>
            %broadcast_in_dim3A_555 = vector.shape_cast %select_n3A_554 : vector<16xi32> to vector<16x1xi32>
            %gather3A_556 = vector.shape_cast %broadcast_in_dim3A_555 : vector<16x1xi32> to vector<16xi32>
            %gather3A_557 = tpu.dynamic_gather %mul3A_347[%gather3A_556] in [0] : vector<16xi32>, vector<16xi32> -> vector<16xi32>
            %mul3A_558 = arith.constant 80 : i32
            %mul3A_559 = arith.muli %scan3A_327, %mul3A_558 : i32
            %mul3A_560 = arith.constant 16 : i32
            %mul3A_561 = arith.muli %scan3A_335, %mul3A_560 : i32
            %add3A_562 = arith.addi %mul3A_559, %mul3A_561 : i32
            %add3A_563 = arith.addi %add3A_562, %add3A_535 : i32
            %get3A_564 = arith.index_cast %add3A_563 : i32 to index
            %get3A_565 = arith.constant 128 : index
            %get3A_566 = tpu.vector_load %arg10[%get3A_564, %get3A_565] {strides = array<i32>} : memref<160x256xf32, #tpu.memory_space<vmem>>, vector<16xf32>,
            %mul3A_567 = arith.mulf %gather3A_546, %get3A_566 : vector<16xf32>
            %add3A_568 = arith.addi %gather3A_557, %add3A_122 : vector<16xi32>
            %mul3A_569 = arith.constant 80 : i32
            %mul3A_570 = arith.muli %scan3A_327, %mul3A_569 : i32
            %mul3A_571 = arith.constant 16 : i32
            %mul3A_572 = arith.muli %scan3A_335, %mul3A_571 : i32
            %add3A_573 = arith.addi %mul3A_570, %mul3A_572 : i32
            %add3A_574 = arith.addi %add3A_573, %add3A_535 : i32
            %get3A_575 = arith.index_cast %add3A_574 : i32 to index
            %get3A_576 = arith.constant 144 : index
            %get3A_577 = tpu.vector_load %arg10[%get3A_575, %get3A_576] {strides = array<i32>} : memref<160x256xf32, #tpu.memory_space<vmem>>, vector<16xf32>,
            %mul3A_578 = arith.mulf %gather3A_546, %get3A_577 : vector<16xf32>
            %add3A_579 = arith.addi %gather3A_557, %add3A_125 : vector<16xi32>
            %mul3A_580 = arith.constant 80 : i32
            %mul3A_581 = arith.muli %scan3A_327, %mul3A_580 : i32
            %mul3A_582 = arith.constant 16 : i32
            %mul3A_583 = arith.muli %scan3A_335, %mul3A_582 : i32
            %add3A_584 = arith.addi %mul3A_581, %mul3A_583 : i32
            %add3A_585 = arith.addi %add3A_584, %add3A_535 : i32
            %get3A_586 = arith.index_cast %add3A_585 : i32 to index
            %get3A_587 = arith.constant 160 : index
            %get3A_588 = tpu.vector_load %arg10[%get3A_586, %get3A_587] {strides = array<i32>} : memref<160x256xf32, #tpu.memory_space<vmem>>, vector<16xf32>,
            %mul3A_589 = arith.mulf %gather3A_546, %get3A_588 : vector<16xf32>
            %add3A_590 = arith.addi %gather3A_557, %add3A_128 : vector<16xi32>
            %mul3A_591 = arith.constant 80 : i32
            %mul3A_592 = arith.muli %scan3A_327, %mul3A_591 : i32
            %mul3A_593 = arith.constant 16 : i32
            %mul3A_594 = arith.muli %scan3A_335, %mul3A_593 : i32
            %add3A_595 = arith.addi %mul3A_592, %mul3A_594 : i32
            %add3A_596 = arith.addi %add3A_595, %add3A_535 : i32
            %get3A_597 = arith.index_cast %add3A_596 : i32 to index
            %get3A_598 = arith.constant 176 : index
            %get3A_599 = tpu.vector_load %arg10[%get3A_597, %get3A_598] {strides = array<i32>} : memref<160x256xf32, #tpu.memory_space<vmem>>, vector<16xf32>,
            %mul3A_600 = arith.mulf %gather3A_546, %get3A_599 : vector<16xf32>
            %add3A_601 = arith.addi %gather3A_557, %add3A_131 : vector<16xi32>
            %mul3A_602 = arith.constant 80 : i32
            %mul3A_603 = arith.muli %scan3A_327, %mul3A_602 : i32
            %mul3A_604 = arith.constant 16 : i32
            %mul3A_605 = arith.muli %scan3A_335, %mul3A_604 : i32
            %add3A_606 = arith.addi %mul3A_603, %mul3A_605 : i32
            %add3A_607 = arith.addi %add3A_606, %add3A_535 : i32
            %get3A_608 = arith.index_cast %add3A_607 : i32 to index
            %get3A_609 = arith.constant 192 : index
            %get3A_610 = tpu.vector_load %arg10[%get3A_608, %get3A_609] {strides = array<i32>} : memref<160x256xf32, #tpu.memory_space<vmem>>, vector<16xf32>,
            %mul3A_611 = arith.mulf %gather3A_546, %get3A_610 : vector<16xf32>
            %add3A_612 = arith.addi %gather3A_557, %add3A_134 : vector<16xi32>
            %mul3A_613 = arith.constant 80 : i32
            %mul3A_614 = arith.muli %scan3A_327, %mul3A_613 : i32
            %mul3A_615 = arith.constant 16 : i32
            %mul3A_616 = arith.muli %scan3A_335, %mul3A_615 : i32
            %add3A_617 = arith.addi %mul3A_614, %mul3A_616 : i32
            %add3A_618 = arith.addi %add3A_617, %add3A_535 : i32
            %get3A_619 = arith.index_cast %add3A_618 : i32 to index
            %get3A_620 = arith.constant 208 : index
            %get3A_621 = tpu.vector_load %arg10[%get3A_619, %get3A_620] {strides = array<i32>} : memref<160x256xf32, #tpu.memory_space<vmem>>, vector<16xf32>,
            %mul3A_622 = arith.mulf %gather3A_546, %get3A_621 : vector<16xf32>
            %add3A_623 = arith.addi %gather3A_557, %add3A_137 : vector<16xi32>
            %mul3A_624 = arith.constant 80 : i32
            %mul3A_625 = arith.muli %scan3A_327, %mul3A_624 : i32
            %mul3A_626 = arith.constant 16 : i32
            %mul3A_627 = arith.muli %scan3A_335, %mul3A_626 : i32
            %add3A_628 = arith.addi %mul3A_625, %mul3A_627 : i32
            %add3A_629 = arith.addi %add3A_628, %add3A_535 : i32
            %get3A_630 = arith.index_cast %add3A_629 : i32 to index
            %get3A_631 = arith.constant 224 : index
            %get3A_632 = tpu.vector_load %arg10[%get3A_630, %get3A_631] {strides = array<i32>} : memref<160x256xf32, #tpu.memory_space<vmem>>, vector<16xf32>,
            %mul3A_633 = arith.mulf %gather3A_546, %get3A_632 : vector<16xf32>
            %add3A_634 = arith.addi %gather3A_557, %add3A_140 : vector<16xi32>
            %mul3A_635 = arith.constant 80 : i32
            %mul3A_636 = arith.muli %scan3A_327, %mul3A_635 : i32
            %mul3A_637 = arith.constant 16 : i32
            %mul3A_638 = arith.muli %scan3A_335, %mul3A_637 : i32
            %add3A_639 = arith.addi %mul3A_636, %mul3A_638 : i32
            %add3A_640 = arith.addi %add3A_639, %add3A_535 : i32
            %get3A_641 = arith.index_cast %add3A_640 : i32 to index
            %get3A_642 = arith.constant 240 : index
            %get3A_643 = tpu.vector_load %arg10[%get3A_641, %get3A_642] {strides = array<i32>} : memref<160x256xf32, #tpu.memory_space<vmem>>, vector<16xf32>,
            %mul3A_644 = arith.mulf %gather3A_546, %get3A_643 : vector<16xf32>
            %add3A_645 = arith.addi %gather3A_557, %add3A_143 : vector<16xi32>
            tpu.vector_store_idx %arg9[%add3A_454], %mul3A_453 {add = true} : memref<40960xf32, #tpu.memory_space<vmem>>[vector<16xi32>], vector<16xf32>,
            tpu.vector_store_idx %arg9[%add3A_465], %mul3A_464 {add = true} : memref<40960xf32, #tpu.memory_space<vmem>>[vector<16xi32>], vector<16xf32>,
            tpu.vector_store_idx %arg9[%add3A_476], %mul3A_475 {add = true} : memref<40960xf32, #tpu.memory_space<vmem>>[vector<16xi32>], vector<16xf32>,
            tpu.vector_store_idx %arg9[%add3A_487], %mul3A_486 {add = true} : memref<40960xf32, #tpu.memory_space<vmem>>[vector<16xi32>], vector<16xf32>,
            tpu.vector_store_idx %arg9[%add3A_498], %mul3A_497 {add = true} : memref<40960xf32, #tpu.memory_space<vmem>>[vector<16xi32>], vector<16xf32>,
            tpu.vector_store_idx %arg9[%add3A_509], %mul3A_508 {add = true} : memref<40960xf32, #tpu.memory_space<vmem>>[vector<16xi32>], vector<16xf32>,
            tpu.vector_store_idx %arg9[%add3A_520], %mul3A_519 {add = true} : memref<40960xf32, #tpu.memory_space<vmem>>[vector<16xi32>], vector<16xf32>,
            tpu.vector_store_idx %arg9[%add3A_531], %mul3A_530 {add = true} : memref<40960xf32, #tpu.memory_space<vmem>>[vector<16xi32>], vector<16xf32>,
            tpu.vector_store_idx %arg9[%add3A_568], %mul3A_567 {add = true} : memref<40960xf32, #tpu.memory_space<vmem>>[vector<16xi32>], vector<16xf32>,
            tpu.vector_store_idx %arg9[%add3A_579], %mul3A_578 {add = true} : memref<40960xf32, #tpu.memory_space<vmem>>[vector<16xi32>], vector<16xf32>,
            tpu.vector_store_idx %arg9[%add3A_590], %mul3A_589 {add = true} : memref<40960xf32, #tpu.memory_space<vmem>>[vector<16xi32>], vector<16xf32>,
            tpu.vector_store_idx %arg9[%add3A_601], %mul3A_600 {add = true} : memref<40960xf32, #tpu.memory_space<vmem>>[vector<16xi32>], vector<16xf32>,
            tpu.vector_store_idx %arg9[%add3A_612], %mul3A_611 {add = true} : memref<40960xf32, #tpu.memory_space<vmem>>[vector<16xi32>], vector<16xf32>,
            tpu.vector_store_idx %arg9[%add3A_623], %mul3A_622 {add = true} : memref<40960xf32, #tpu.memory_space<vmem>>[vector<16xi32>], vector<16xf32>,
            tpu.vector_store_idx %arg9[%add3A_634], %mul3A_633 {add = true} : memref<40960xf32, #tpu.memory_space<vmem>>[vector<16xi32>], vector<16xf32>,
            tpu.vector_store_idx %arg9[%add3A_645], %mul3A_644 {add = true} : memref<40960xf32, #tpu.memory_space<vmem>>[vector<16xi32>], vector<16xf32>,
            %scan3A_646 = arith.constant 0 : i32
            scf.yield %scan3A_646 : i32
          }
          %scan3A_415 = arith.constant 8 : i32
          %scan3A_416 = arith.constant 0 : i32
          scf.yield %scan3A_416 : i32
        }
        %scan3A_334 = arith.constant 5 : i32
      } else {
      }
      %scan3A_214 = arith.constant 0 : i32
      scf.yield %scan3A_214 : i32
    }
    %scan3A_204 = arith.constant 5 : i32
    %mul3A_205 = arith.constant 40960 : i32
    %mul3A_206 = arith.muli %add3A, %mul3A_205 : i32
    "tpu.region"() ({
      %run_scoped3A = tpu.sem_alloc : memref<!tpu.dma_semaphore, #tpu.memory_space<semaphore_mem>>
      %dma_start3A_207 = tpu.memref_slice %arg6[%mul3A_206] : memref<1310720xf32, #tpu.memory_space<hbm>> -> memref<40960xf32, #tpu.memory_space<hbm>>
      %dma_start3A_208 = tpu.memref_slice %arg6[%mul3A_206] : memref<1310720xf32, #tpu.memory_space<hbm>> -> memref<40960xf32, #tpu.memory_space<hbm>>
      tpu.enqueue_dma source(%arg9 : memref<40960xf32, #tpu.memory_space<vmem>>) target(%dma_start3A_208 : memref<40960xf32, #tpu.memory_space<hbm>>) target_semaphore(%run_scoped3A : memref<!tpu.dma_semaphore, #tpu.memory_space<semaphore_mem>>)
      %dma_wait3A = tpu.memref_slice %arg6[%mul3A_206] : memref<1310720xf32, #tpu.memory_space<hbm>> -> memref<40960xf32, #tpu.memory_space<hbm>>
      %dma_wait3A_209 = tpu.memref_slice %arg6[%mul3A_206] : memref<1310720xf32, #tpu.memory_space<hbm>> -> memref<40960xf32, #tpu.memory_space<hbm>>
      tpu.wait_dma2 semaphore(%run_scoped3A : memref<!tpu.dma_semaphore, #tpu.memory_space<semaphore_mem>>) src(%arg9 : memref<40960xf32, #tpu.memory_space<vmem>>) dst(%dma_wait3A_209 : memref<40960xf32, #tpu.memory_space<hbm>>)
      tpu.yield
    }) : () -> ()
    "tpu.region"() ({
      %run_scoped3A = tpu.sem_alloc : memref<!tpu.dma_semaphore, #tpu.memory_space<semaphore_mem>>
      %dma_start3A_207 = tpu.memref_slice %arg7[%mul3A_2] : memref<10240xf32, #tpu.memory_space<hbm>> -> memref<320xf32, #tpu.memory_space<hbm>>
      %dma_start3A_208 = tpu.memref_slice %arg7[%mul3A_2] : memref<10240xf32, #tpu.memory_space<hbm>> -> memref<320xf32, #tpu.memory_space<hbm>>
      tpu.enqueue_dma source(%arg17 : memref<320xf32, #tpu.memory_space<vmem>>) target(%dma_start3A_208 : memref<320xf32, #tpu.memory_space<hbm>>) target_semaphore(%run_scoped3A : memref<!tpu.dma_semaphore, #tpu.memory_space<semaphore_mem>>)
      %dma_wait3A = tpu.memref_slice %arg7[%mul3A_2] : memref<10240xf32, #tpu.memory_space<hbm>> -> memref<320xf32, #tpu.memory_space<hbm>>
      %dma_wait3A_209 = tpu.memref_slice %arg7[%mul3A_2] : memref<10240xf32, #tpu.memory_space<hbm>> -> memref<320xf32, #tpu.memory_space<hbm>>
      tpu.wait_dma2 semaphore(%run_scoped3A : memref<!tpu.dma_semaphore, #tpu.memory_space<semaphore_mem>>) src(%arg17 : memref<320xf32, #tpu.memory_space<vmem>>) dst(%dma_wait3A_209 : memref<320xf32, #tpu.memory_space<hbm>>)
      tpu.yield
    }) : () -> ()
    return
  }
}

module attributes {stable_mosaic.version = 14 : i64} {
  func.func @_proj_body(%arg0: i32, %arg1: memref<1024x128xf32, #tpu.memory_space<vmem>>, %arg2: memref<1024x128xf32, #tpu.memory_space<vmem>>, %arg3: memref<128x128xf32, #tpu.memory_space<vmem>>, %arg4: memref<1x128xf32, #tpu.memory_space<vmem>>, %arg5: memref<128x128xf32, #tpu.memory_space<vmem>>, %arg6: memref<1x128xf32, #tpu.memory_space<vmem>>, %arg7: memref<128x128xf32, #tpu.memory_space<vmem>>, %arg8: memref<1x128xf32, #tpu.memory_space<vmem>>, %arg9: memref<1024x128xf32, #tpu.memory_space<vmem>>, %arg10: memref<1024x256xf32, #tpu.memory_space<vmem>>) attributes {dimension_semantics = [#tpu.dimension_semantics<arbitrary>], iteration_bounds = array<i64: 10>, scalar_prefetch = 0 : i64, scratch_operands = 0 : i64, tpu.core_type = #tpu.core_type<tc>, window_params = [{transform_indices = @transform_0, window_bounds = array<i64: 1024, 128>}, {transform_indices = @transform_1, window_bounds = array<i64: 1024, 128>}, {pipeline_mode = #tpu.pipeline_mode<synchronous>, transform_indices = @transform_2, window_bounds = array<i64: 128, 128>}, {pipeline_mode = #tpu.pipeline_mode<synchronous>, transform_indices = @transform_3, window_bounds = array<i64: 1, 128>}, {pipeline_mode = #tpu.pipeline_mode<synchronous>, transform_indices = @transform_4, window_bounds = array<i64: 128, 128>}, {pipeline_mode = #tpu.pipeline_mode<synchronous>, transform_indices = @transform_5, window_bounds = array<i64: 1, 128>}, {pipeline_mode = #tpu.pipeline_mode<synchronous>, transform_indices = @transform_6, window_bounds = array<i64: 128, 128>}, {pipeline_mode = #tpu.pipeline_mode<synchronous>, transform_indices = @transform_7, window_bounds = array<i64: 1, 128>}, {transform_indices = @transform_8, window_bounds = array<i64: 1024, 128>}, {transform_indices = @transform_9, window_bounds = array<i64: 1024, 256>}]} {
    %get3A = arith.constant 0 : index
    %get3A_0 = arith.constant 0 : index
    %get3A_1 = vector.load %arg1[%get3A, %get3A_0] : memref<1024x128xf32, #tpu.memory_space<vmem>>, vector<1024x128xf32>
    %get3A_2 = arith.constant 0 : index
    %get3A_3 = arith.constant 0 : index
    %get3A_4 = vector.load %arg2[%get3A_2, %get3A_3] : memref<1024x128xf32, #tpu.memory_space<vmem>>, vector<1024x128xf32>
    %get3A_5 = arith.constant 0 : index
    %get3A_6 = arith.constant 0 : index
    %get3A_7 = vector.load %arg3[%get3A_5, %get3A_6] : memref<128x128xf32, #tpu.memory_space<vmem>>, vector<128x128xf32>
    %dot_general3A = arith.constant dense<0.000000e+00> : vector<1024x128xf32>
    %dot_general3A_8 = tpu.matmul %get3A_1, %get3A_7, %dot_general3A {dimension_numbers = #tpu.dot_dimension_numbers<[1], [0], [0], [1], [0, 0, 1, 1], [], []>, transpose_lhs_hint = false} : vector<1024x128xf32>, vector<128x128xf32>, vector<1024x128xf32> -> vector<1024x128xf32>
    %get3A_9 = arith.constant 0 : index
    %get3A_10 = arith.constant 0 : index
    %get3A_11 = vector.load %arg4[%get3A_9, %get3A_10] : memref<1x128xf32, #tpu.memory_space<vmem>>, vector<1x128xf32>
    %add3A = vector.broadcast %get3A_11 : vector<1x128xf32> to vector<1024x128xf32>
    %add3A_12 = arith.addf %dot_general3A_8, %add3A : vector<1024x128xf32>
    %mul3A = arith.constant 0.0883883461 : f32
    %mul3A_13 = vector.broadcast %mul3A : f32 to vector<1024x128xf32>
    %mul3A_14 = arith.mulf %add3A_12, %mul3A_13 : vector<1024x128xf32>
    %swap3A = arith.constant 0 : index
    %swap3A_15 = arith.constant 0 : index
    %swap3A_16 = vector.load %arg9[%swap3A, %swap3A_15] : memref<1024x128xf32, #tpu.memory_space<vmem>>, vector<1024x128xf32>
    tpu.vector_store %arg9[%swap3A, %swap3A_15], %mul3A_14 {strides = array<i32>} : memref<1024x128xf32, #tpu.memory_space<vmem>>, vector<1024x128xf32>,
    %get3A_17 = arith.constant 0 : index
    %get3A_18 = arith.constant 0 : index
    %get3A_19 = vector.load %arg5[%get3A_17, %get3A_18] : memref<128x128xf32, #tpu.memory_space<vmem>>, vector<128x128xf32>
    %dot_general3A_20 = arith.constant dense<0.000000e+00> : vector<1024x128xf32>
    %dot_general3A_21 = tpu.matmul %get3A_4, %get3A_19, %dot_general3A_20 {dimension_numbers = #tpu.dot_dimension_numbers<[1], [0], [0], [1], [0, 0, 1, 1], [], []>, transpose_lhs_hint = false} : vector<1024x128xf32>, vector<128x128xf32>, vector<1024x128xf32> -> vector<1024x128xf32>
    %get3A_22 = arith.constant 0 : index
    %get3A_23 = arith.constant 0 : index
    %get3A_24 = vector.load %arg6[%get3A_22, %get3A_23] : memref<1x128xf32, #tpu.memory_space<vmem>>, vector<1x128xf32>
    %add3A_25 = vector.broadcast %get3A_24 : vector<1x128xf32> to vector<1024x128xf32>
    %add3A_26 = arith.addf %dot_general3A_21, %add3A_25 : vector<1024x128xf32>
    %get3A_27 = arith.constant 0 : index
    %get3A_28 = arith.constant 0 : index
    %get3A_29 = vector.load %arg7[%get3A_27, %get3A_28] : memref<128x128xf32, #tpu.memory_space<vmem>>, vector<128x128xf32>
    %dot_general3A_30 = arith.constant dense<0.000000e+00> : vector<1024x128xf32>
    %dot_general3A_31 = tpu.matmul %get3A_1, %get3A_29, %dot_general3A_30 {dimension_numbers = #tpu.dot_dimension_numbers<[1], [0], [0], [1], [0, 0, 1, 1], [], []>, transpose_lhs_hint = false} : vector<1024x128xf32>, vector<128x128xf32>, vector<1024x128xf32> -> vector<1024x128xf32>
    %get3A_32 = arith.constant 0 : index
    %get3A_33 = arith.constant 0 : index
    %get3A_34 = vector.load %arg8[%get3A_32, %get3A_33] : memref<1x128xf32, #tpu.memory_space<vmem>>, vector<1x128xf32>
    %add3A_35 = vector.broadcast %get3A_34 : vector<1x128xf32> to vector<1024x128xf32>
    %add3A_36 = arith.addf %dot_general3A_31, %add3A_35 : vector<1024x128xf32>
    %concatenate3A = tpu.concatenate %add3A_26, %add3A_36 in 1 : vector<1024x128xf32>, vector<1024x128xf32> -> vector<1024x256xf32>
    %swap3A_37 = arith.constant 0 : index
    %swap3A_38 = arith.constant 0 : index
    %swap3A_39 = vector.load %arg10[%swap3A_37, %swap3A_38] : memref<1024x256xf32, #tpu.memory_space<vmem>>, vector<1024x256xf32>
    tpu.vector_store %arg10[%swap3A_37, %swap3A_38], %concatenate3A {strides = array<i32>} : memref<1024x256xf32, #tpu.memory_space<vmem>>, vector<1024x256xf32>,
    return
  }
  func.func @transform_0(%arg0: i32) -> (i32, i32) {
    %c0_i32 = arith.constant 0 : i32
    %c0_i32_0 = arith.constant 0 : i32
    return %arg0, %c0_i32 : i32, i32
  }
  func.func @transform_1(%arg0: i32) -> (i32, i32) {
    %c0_i32 = arith.constant 0 : i32
    %c0_i32_0 = arith.constant 0 : i32
    return %arg0, %c0_i32 : i32, i32
  }
  func.func @transform_2(%arg0: i32) -> (i32, i32) {
    %c0_i32 = arith.constant 0 : i32
    %c0_i32_0 = arith.constant 0 : i32
    %c0_i32_1 = arith.constant 0 : i32
    return %c0_i32, %c0_i32_0 : i32, i32
  }
  func.func @transform_3(%arg0: i32) -> (i32, i32) {
    %c0_i32 = arith.constant 0 : i32
    %c0_i32_0 = arith.constant 0 : i32
    %c0_i32_1 = arith.constant 0 : i32
    return %c0_i32, %c0_i32_0 : i32, i32
  }
  func.func @transform_4(%arg0: i32) -> (i32, i32) {
    %c0_i32 = arith.constant 0 : i32
    %c0_i32_0 = arith.constant 0 : i32
    %c0_i32_1 = arith.constant 0 : i32
    return %c0_i32, %c0_i32_0 : i32, i32
  }
  func.func @transform_5(%arg0: i32) -> (i32, i32) {
    %c0_i32 = arith.constant 0 : i32
    %c0_i32_0 = arith.constant 0 : i32
    %c0_i32_1 = arith.constant 0 : i32
    return %c0_i32, %c0_i32_0 : i32, i32
  }
  func.func @transform_6(%arg0: i32) -> (i32, i32) {
    %c0_i32 = arith.constant 0 : i32
    %c0_i32_0 = arith.constant 0 : i32
    %c0_i32_1 = arith.constant 0 : i32
    return %c0_i32, %c0_i32_0 : i32, i32
  }
  func.func @transform_7(%arg0: i32) -> (i32, i32) {
    %c0_i32 = arith.constant 0 : i32
    %c0_i32_0 = arith.constant 0 : i32
    %c0_i32_1 = arith.constant 0 : i32
    return %c0_i32, %c0_i32_0 : i32, i32
  }
  func.func @transform_8(%arg0: i32) -> (i32, i32) {
    %c0_i32 = arith.constant 0 : i32
    %c0_i32_0 = arith.constant 0 : i32
    return %arg0, %c0_i32 : i32, i32
  }
  func.func @transform_9(%arg0: i32) -> (i32, i32) {
    %c0_i32 = arith.constant 0 : i32
    %c0_i32_0 = arith.constant 0 : i32
    return %arg0, %c0_i32 : i32, i32
  }
}

module attributes {stable_mosaic.version = 14 : i64} {
  func.func @_fin_body(%arg0: i32, %arg1: memref<1024x128xf32, #tpu.memory_space<vmem>>, %arg2: memref<1024x1xf32, #tpu.memory_space<vmem>>, %arg3: memref<1024x128xf32, #tpu.memory_space<vmem>>, %arg4: memref<1024x128xf32, #tpu.memory_space<vmem>>) attributes {dimension_semantics = [#tpu.dimension_semantics<arbitrary>], iteration_bounds = array<i64: 10>, scalar_prefetch = 0 : i64, scratch_operands = 0 : i64, tpu.core_type = #tpu.core_type<tc>, window_params = [{transform_indices = @transform_0, window_bounds = array<i64: 1024, 128>}, {transform_indices = @transform_1, window_bounds = array<i64: 1024, 1>}, {transform_indices = @transform_2, window_bounds = array<i64: 1024, 128>}, {transform_indices = @transform_3, window_bounds = array<i64: 1024, 128>}]} {
    %get3A = arith.constant 0 : index
    %get3A_0 = arith.constant 0 : index
    %get3A_1 = vector.load %arg2[%get3A, %get3A_0] : memref<1024x1xf32, #tpu.memory_space<vmem>>, vector<1024x1xf32>
    %max3A = arith.constant 1.000000e-30 : f32
    %max3A_2 = vector.broadcast %max3A : f32 to vector<1024x1xf32>
    %max3A_3 = arith.maximumf %get3A_1, %max3A_2 : vector<1024x1xf32>
    %get3A_4 = arith.constant 0 : index
    %get3A_5 = arith.constant 0 : index
    %get3A_6 = vector.load %arg1[%get3A_4, %get3A_5] : memref<1024x128xf32, #tpu.memory_space<vmem>>, vector<1024x128xf32>
    %div3A = vector.broadcast %max3A_3 : vector<1024x1xf32> to vector<1024x128xf32>
    %div3A_7 = arith.divf %get3A_6, %div3A : vector<1024x128xf32>
    %get3A_8 = arith.constant 0 : index
    %get3A_9 = arith.constant 0 : index
    %get3A_10 = vector.load %arg3[%get3A_8, %get3A_9] : memref<1024x128xf32, #tpu.memory_space<vmem>>, vector<1024x128xf32>
    %add3A = arith.addf %div3A_7, %get3A_10 : vector<1024x128xf32>
    %swap3A = arith.constant 0 : index
    %swap3A_11 = arith.constant 0 : index
    %swap3A_12 = vector.load %arg4[%swap3A, %swap3A_11] : memref<1024x128xf32, #tpu.memory_space<vmem>>, vector<1024x128xf32>
    tpu.vector_store %arg4[%swap3A, %swap3A_11], %add3A {strides = array<i32>} : memref<1024x128xf32, #tpu.memory_space<vmem>>, vector<1024x128xf32>,
    return
  }
  func.func @transform_0(%arg0: i32) -> (i32, i32) {
    %c0_i32 = arith.constant 0 : i32
    %c0_i32_0 = arith.constant 0 : i32
    return %arg0, %c0_i32 : i32, i32
  }
  func.func @transform_1(%arg0: i32) -> (i32, i32) {
    %c0_i32 = arith.constant 0 : i32
    %c0_i32_0 = arith.constant 0 : i32
    return %arg0, %c0_i32 : i32, i32
  }
  func.func @transform_2(%arg0: i32) -> (i32, i32) {
    %c0_i32 = arith.constant 0 : i32
    %c0_i32_0 = arith.constant 0 : i32
    return %arg0, %c0_i32 : i32, i32
  }
  func.func @transform_3(%arg0: i32) -> (i32, i32) {
    %c0_i32 = arith.constant 0 : i32
    %c0_i32_0 = arith.constant 0 : i32
    return %arg0, %c0_i32 : i32, i32
  }
}

</mosaic_0001>

<sc_bundles>
// kernel: kernel.5.cloned.1.call-start
scs
__scs_entry_jumppad:
0x0: {  	(pc) =	sbr.rel $0x88, $3  }
0x1: {  	(tag) =	ssettag $0x0;
	lr =	simm.s32 $0x1  }
0x2: {  	[smem:$0x3F98] =	sst lr;
	_ =	strace $0xD0000000  }
0x3: {  	_ = 	snop  }
0x4: {  	_ = 	snop  }
0x5: {  	_ = 	snop  }
0x6: {  	_ = 	snop  }
0x7: {  	_ = 	snop  }
__scs_overlays_trampoline_lowered:
0x8: {  	[smem:$0x3FA7] =	sst s0  }
0x9: {  	[smem:$0x3FA8] =	sst s1  }
0xa: {  	[smem:$0x3FA9] =	sst s2  }
0xb: {  	[smem:$0x3FAA] =	sst s3  }
0xc: {  	[smem:$0x3FAB] =	sst s4  }
0xd: {  	[smem:$0x3FAC] =	sst s5  }
0xe: {  	[smem:$0x3FAD] =	sst s6  }
0xf: {  	[smem:$0x3FAE] =	sst s7  }
0x10: {  	[smem:$0x3FAF] =	sst s8  }
0x11: {  	[smem:$0x3FB0] =	sst s9;
	s0 =	simm.s32 @!p0 $0x0  }
0x12: {  	s1 =	sld [smem:$0x3F96];
	s0 =	simm.s32 @p0 $0x1  }
0x13: {  	[smem:$0x3FB1] =	sst s0;
	s0 =	simm.s32 @!p1 $0x0  }
0x14: {  	s2 =	sld [smem:$0x3F95];
	s0 =	simm.s32 @p1 $0x1  }
0x15: {  	[smem:$0x3FB2] =	sst s0;
	s0 =	simm.s32 @!p2 $0x0  }
0x16: {  	s3 =	sld [smem:$0x3FDB];
	s0 =	simm.s32 @p2 $0x1  }
0x17: {  	s4 =	simm.s32 $0x1BF5;
	[smem:$0x3FB4] =	sst s0  }
0x18: {  	s0 =	sld [smem:$0x3F97];
	_ =	swait.ge [sflag:s4], $0x0  }
0x19: {  	s7 =	sld [smem:$0x3F98]  }
0x1a: {  	s8 =	sadd.s32 $0xFFFFE003, lr  }
0x1b: {  	s9 =	sadd.s32 $0xFFFFFEF7, lr;
	s5 =	simm.s32 $0xFFFFFFFF;
	p2 =	slt.u32 s8, $0xFFFFF086  }
0x1c: {  	p1 =	slt.u32 s9, $0xF7A;
	s5 =	simm.s32 @!p2 $0x0  }
0x1d: {  	s5 =	simm.s32 @p1 $0x1;
	p0 =	seq.s32 s7, s2  }
0x1e: {  	s7 =	smul.u32 @!p0 $0xF7A, s2;
	p2 =	seq.s32 @!p0 s5, $0x0  }
0x1f: {  	s9 =	smul.u32 $0xF7A, s1;
	s8 =	simm.s32 @!p0 $0x1BF5;
	p2 =	por !p2, p0  }
0x20: {  	[sflag:s8] =	ssyncset.s32 @!p0 $0xFFFFF086;
	s6 =	sadd.s32 @!p0 s3, s7;
	s7 =	simm.s32 @!p0 $0x108  }
0x21: {  	s3 =	sadd.s32 s3, s9;
	s6 =	sadd.s32 @!p0 $0x88, s6;
	s7 =	simm.s32 @p2 $0x1082  }
0x22: {  	[simem:s7], [sflag:s8] =	dma.local @!p0 [hbm:s6], $0xF7A  }
0x23: {  	s9 =	sor.u32 $0xD0000000, s2;
	s6 =	simm.s32 $0x108;
	_ =	swait.ge @!p0 [sflag:s8], $0x0  }
0x24: {  	s3 =	sadd.s32 $0x88, s3;
	s6 =	simm.s32 @!p1 $0x1082;
	[sflag:s4] =	ssyncset.s32 $0xFFFFF086  }
0x25: {  	[simem:s6], [sflag:s4] =	dma.local [hbm:s3], $0xF7A  }
0x26: {  	[smem:$0x3F98] =	sst s1;
	(tag) =	ssettag s2;
	_ =	strace s9  }
0x27: {  	s1 =	sld [smem:$0x3FA8]  }
0x28: {  	s2 =	sld [smem:$0x3FA9]  }
0x29: {  	s4 =	sld [smem:$0x3FAB]  }
0x2a: {  	p0 =	seq.s32 s5, $0x0;
	s5 =	sld [smem:$0x3FAC]  }
0x2b: {  	s6 =	sld [smem:$0x3FAD]  }
0x2c: {  	s7 =	sld [smem:$0x3FAE]  }
0x2d: {  	s3 =	simm.s32 $0x108;
	s8 =	sld [smem:$0x3FAF]  }
0x2e: {  	s3 =	simm.s32 @!p0 $0x1082;
	s9 =	sld [smem:$0x3FB0]  }
0x2f: {  	lr =	sadd.s32 s0, s3;
	s0 =	sld [smem:$0x3FA7]  }
0x30: {  	s3 =	sld [smem:$0x3FAA]  }
0x31: {  	[smem:$0x3FB3] =	sst s10  }
0x32: {  	s10 =	sld [smem:$0x3FB1];
	_ =	sdelay $0x3  }
0x33: {  	p0 =	seq.s32 s10, $0x1;
	s10 =	sld [smem:$0x3FB3];
	_ =	sdelay $0x3  }
0x34: {  	[smem:$0x3FB3] =	sst s10  }
0x35: {  	s10 =	sld [smem:$0x3FB2];
	_ =	sdelay $0x3  }
0x36: {  	p1 =	seq.s32 s10, $0x1;
	s10 =	sld [smem:$0x3FB3];
	_ =	sdelay $0x3  }
0x37: {  	[smem:$0x3FB3] =	sst s10  }
0x38: {  	s10 =	sld [smem:$0x3FB4]  }
0x39: {  	_ = 	snop;
	(pc) =	sbr.ind lr, $3  }
0x3a: {  	_ = 	snop  }
0x3b: {  	_ = 	snop  }
0x3c: {  	p2 =	seq.s32 s10, $0x1;
	s10 =	sld [smem:$0x3FB3]  }
0x3d: {  	_ =	shalt  }
0x3e: {  	_ =	shalt  }
0x3f: {  	_ =	shalt  }
0x40: {  	_ =	shalt  }
0x41: {  	_ =	shalt  }
0x42: {  	_ =	shalt  }
0x43: {  	_ =	shalt  }
0x44: {  	_ =	shalt  }
0x45: {  	_ =	shalt  }
0x46: {  	_ =	shalt  }
0x47: {  	_ =	shalt  }
0x48: {  	_ =	shalt  }
0x49: {  	_ =	shalt  }
0x4a: {  	_ =	shalt  }
0x4b: {  	_ =	shalt  }
0x4c: {  	_ =	shalt  }
0x4d: {  	_ =	shalt  }
0x4e: {  	_ =	shalt  }
0x4f: {  	_ =	shalt  }
0x50: {  	_ =	shalt  }
0x51: {  	_ =	shalt  }
0x52: {  	_ =	shalt  }
0x53: {  	_ =	shalt  }
0x54: {  	_ =	shalt  }
0x55: {  	_ =	shalt  }
0x56: {  	_ =	shalt  }
0x57: {  	_ =	shalt  }
0x58: {  	_ =	shalt  }
0x59: {  	_ =	shalt  }
0x5a: {  	_ =	shalt  }
0x5b: {  	_ =	shalt  }
0x5c: {  	_ =	shalt  }
0x5d: {  	_ =	shalt  }
0x5e: {  	_ =	shalt  }
0x5f: {  	_ =	shalt  }
0x60: {  	_ =	shalt  }
0x61: {  	_ =	shalt  }
0x62: {  	_ =	shalt  }
0x63: {  	_ =	shalt  }
0x64: {  	_ =	shalt  }
0x65: {  	_ =	shalt  }
0x66: {  	_ =	shalt  }
0x67: {  	_ =	shalt  }
0x68: {  	_ =	shalt  }
0x69: {  	_ =	shalt  }
0x6a: {  	_ =	shalt  }
0x6b: {  	_ =	shalt  }
0x6c: {  	_ =	shalt  }
0x6d: {  	_ =	shalt  }
0x6e: {  	_ =	shalt  }
0x6f: {  	_ =	shalt  }
0x70: {  	_ =	shalt  }
0x71: {  	_ =	shalt  }
0x72: {  	_ =	shalt  }
0x73: {  	_ =	shalt  }
0x74: {  	_ =	shalt  }
0x75: {  	_ =	shalt  }
0x76: {  	_ =	shalt  }
0x77: {  	_ =	shalt  }
0x78: {  	_ =	shalt  }
0x79: {  	_ =	shalt  }
0x7a: {  	_ =	shalt  }
0x7b: {  	_ =	shalt  }
0x7c: {  	_ =	shalt  }
0x7d: {  	_ =	shalt  }
0x7e: {  	_ =	shalt  }
0x7f: {  	_ =	shalt  }
0x80: {  	_ =	shalt  }
0x81: {  	_ =	shalt  }
0x82: {  	_ =	shalt  }
0x83: {  	_ =	shalt  }
0x84: {  	_ =	shalt  }
0x85: {  	_ =	shalt  }
0x86: {  	_ =	shalt  }
0x87: {  	_ =	shalt  }
.Lfunc_end0:
.L_simem_size_0:
called_computation_lowered:
.L_overlay_start_0:
0x88: {  	s2 =	sld [smem:$0x3FD9]  }
0x89: {  	s3 =	sld [smem:$0x3FFE];
	_ =	sdelay $0x1  }
0x8a: {  	s1 =	srdreg.scid  }
0x8b: {  	s0 =	sand.u32 $0x1, s1  }
0x8c: {  	s17 =	sshll.u32 s0, $0xA;
	s2 =	sadd.s32 s3, s2  }
0x8d: {  	s2 =	sadd.s32 s2, s17  }
0x8e: {  	[smem:$0x3FBF] =	sst s2  }
0x8f: {  	_ = 	snop  }
0x90: {  	s2 =	sld [smem:$0x3FD0];
	(tm) =	ssettm $0x1  }
0x91: {  	s18 =	sld [smem:$0x3FFB];
	_ =	sdelay $0x3  }
0x92: {  	_ =	strace s18  }
0x93: {  	s3 =	sld [smem:$0x3FFC];
	_ =	sdelay $0x3  }
0x94: {  	_ =	strace s3  }
0x95: {  	s3 =	sld [smem:$0x3FFD];
	_ =	sdelay $0x3  }
0x96: {  	_ =	strace s3  }
0x97: {  	_ =	strace $0x8FFFFFFF  }
0x98: {  	s19 =	sld [smem:$0x3FDB];
	_ =	sdelay $0x1  }
0x99: {  	s4 =	simm.s32 $_scs_section_size  }
0x9a: {  	s5 =	simm.s32 $_size__tile_overlayer_lowered;
	s6 =	simm.s32 $_tile_overlayer_lowered  }
0x9b: {  	s22 =	simm.s32 $0x1BFF;
	s21 =	sshll.u32 s6, $0x1;
	s3 =	sadd.s32 s4, s19  }
0x9c: {  	s7 =	simm.s32 $0x0;
	s20 =	sshll.u32 s5, $0x1;
	s5 =	sadd.s32 s21, s3  }
0x9d: {  	[timem:s7], [sflag:s22] =	dma.local [hbm:s5], s20  }
0x9e: {  	_ =	swait.ge [sflag:s22], s20  }
0x9f: {  	s4 =	ssub.s32 $0x0, s20;
	[sflag:s22] =	ssyncset.done $0x0  }
0xa0: {  	[sflag:s22] =	ssyncadd.s32 s4;
	_ =	sdelay $0x1  }
0xa1: {  	s23 =	simm.s32 $0x1B8B  }
0xa2: {  	_ =	swait.ge [sflag:s23], $0x1  }
0xa3: {  	[sflag:s23] =	ssyncset.done $0x0  }
0xa4: {  	s25 =	simm.s32 $0x1B8E;
	s24 =	sld [smem:$0x3FFE];
	[sflag:s23] =	ssyncadd.s32 $0xFFFFFFFF  }
0xa5: {  	s26 =	simm.s32 $execute0_lowered;
	[smem:$0x3FD2] =	sst s25  }
0xa6: {  	s5 =	sshll.u32 s26, $0x1;
	_ =	strace $0x80000046;
	[dreg:$0x1] =	wrdreg $0xFFFFFFFF  }
0xa7: {  	s28 =	simm.s32 $_size_execute0_lowered;
	s3 =	sadd.s32 s3, s5;
	[dreg:$0x0] =	wrdreg $0x0  }
0xa8: {  	s5 =	sshll.u32 s28, $0x1;
	[dreg:$0x2] =	wrdreg s3  }
0xa9: {  	[dreg:$0x3] =	wrdreg s5  }
0xaa: {  	[dreg:$0x4] =	wrdreg $0xC0  }
0xab: {  	_ =	task [dreg:s7], $0x5FFFF  }
0xac: {  	[dreg:$0x1] =	wrdreg $0xFFFFFFFF  }
0xad: {  	[dreg:$0x0] =	wrdreg $0x60  }
0xae: {  	[dreg:$0x2] =	wrdreg s24  }
0xaf: {  	[dreg:$0x3] =	wrdreg s2  }
0xb0: {  	[dreg:$0x4] =	wrdreg $0x9  }
0xb1: {  	_ =	task.clear_ibuf [dreg:s7], $0x5FFFF;
	_ =	strace $0x90000046  }
0xb2: {  	s29 =	simm.s32 $0x9;
	_ =	strace $0x80000048  }
0xb3: {  	_ =	swait.ge [sflag:s29], $0x1  }
0xb4: {  	[sflag:s29] =	ssyncadd.s32 $0xFFFFFFFF  }
0xb5: {  	_ =	strace $0x90000048  }
0xb6: {  	_ =	sfence  }
0xb7: {  	s30 =	sld [smem:$0x0];
	_ =	sdelay $0x2  }
0xb8: {  	s31 =	sshll.u32 s1, $0xD;
	s1 =	sshrl.u32 s1, $0x2  }
0xb9: {  	s3 =	sand.u32 $0x4000, s31;
	s1 =	sadd.s32 s1, s30  }
0xba: {  	s0 =	sor.u32 s3, s0;
	s1 =	sshll.u32 s1, $0x11  }
0xbb: {  	s0 =	sor.u32 s1, s0  }
0xbc: {  	s0 =	sadd.s32 $0x8F2B, s0  }
0xbd: {  	[sflag:s0] =	ssyncadd.remote.s32 $0x1  }
0xbe: {  	_ =	sfence.sel $0xFFFF  }
0xbf: {  	[dreg:$0x0] =	wrdreg $0xFFFFFFFF;
	(pc) =	sbr.abs _section_cstart, $3  }
0xc0: {  	[dreg:$0x1] =	wrdreg $0xFFFFFFFF  }
0xc1: {  	_ =	task.clear_ibuf [dreg:s7], $0x2FFFF;
	_ =	strace $0x9FFFFFFF  }
0xc2: {  	(tm) =	ssettm $0x7FFFFFFF  }
0xc3: {  	_ =	shalt  }
tec
execute0_lowered:
.L_overlay_start_1:
0x0: {  	(tag) =	ssettag $0x1  }
0x1: {  	s0 =	rddreg [dreg:$0x0];
	s3 =	stileid.u32  }
0x2: {  	s2 =	rddreg [dreg:$0x1];
	s4 =	sshll.u32 s3, $0x1;
	s3 =	simm.s32 $0x0  }
0x3: {  	s12 =	sadd.s32 $0x1610, s0;
	[smem:$0x7FF] =	sst s3  }
0x4: {  	s13 =	sadd.s32 $0x1620, s0;
	_ =	strace $0x80000047;
	[dreg:$0x7] =	wrdreg s12  }
0x5: {  	s14 =	sadd.s32 $0x1630, s0;
	[dreg:$0x8] =	wrdreg s13  }
0x6: {  	s15 =	sadd.s32 $0x1640, s0;
	[dreg:$0x9] =	wrdreg s14  }
0x7: {  	s16 =	sadd.s32 $0x1650, s0;
	[dreg:$0xa] =	wrdreg s15  }
0x8: {  	s17 =	sadd.s32 $0x1660, s0;
	[dreg:$0xb] =	wrdreg s16  }
0x9: {  	s1 =	srdreg.scid;
	s18 =	sadd.s32 $0x1670, s0;
	[dreg:$0xc] =	wrdreg s17  }
0xa: {  	s30 =	simm.s32 $0x1F400;
	s19 =	sadd.s32 $0x1680, s0;
	[dreg:$0xd] =	wrdreg s18  }
0xb: {  	s31 =	simm.s32 $0x1F600;
	s20 =	sadd.s32 $0x10, s2;
	[dreg:$0xe] =	wrdreg s19  }
0xc: {  	s1 =	sand.u32 $0x1, s1;
	s21 =	sadd.s32 $0x20, s2;
	[dreg:$0x10] =	wrdreg s20  }
0xd: {  	s22 =	sadd.s32 $0x30, s2;
	s23 =	sadd.s32 $0x40, s2;
	[dreg:$0x11] =	wrdreg s21  }
0xe: {  	s24 =	sadd.s32 $0x50, s2;
	s25 =	sadd.s32 $0x60, s2;
	[dreg:$0x12] =	wrdreg s22  }
0xf: {  	s26 =	sadd.s32 $0x70, s2;
	s28 =	sadd.s32 $0x80, s2;
	[dreg:$0x13] =	wrdreg s23  }
0x10: {  	s29 =	sadd.s32 $0x90, s2;
	s5 =	sor.u32 s1, s4;
	[dreg:$0x14] =	wrdreg s24  }
0x11: {  	s4 =	sadd.s32 $0xB400, s0;
	s6 =	smul.u32 $0x140, s5;
	[dreg:$0x15] =	wrdreg s25  }
0x12: {  	v1 =	vimm.f32 $0.0e+00;
	s1 =	ssub.s32 $0x2, s1;
	s7 =	smul.u32 $0x1400, s5;
	[dreg:$0x16] =	wrdreg s26  }
0x13: {  	v2 =	vimm.s32 $0x0;
	v3 =	vimm.s32 $0xF;
	v4 =	vlaneseq.u32;
	s5 =	sadd.s32 $0x1600, s0;
	s9 =	sshrl.u32 s1, $0x1;
	[dreg:$0x17] =	wrdreg s28  }
0x14: {  	vm1 =	vcmask $0x704;
	vm2 =	vcmask $0xB08;
	vm3 =	vcmask $0xF0C;
	[dreg:$0x18] =	wrdreg s29;
	s12 =	simm.s32 $0x17000;
	s13 =	simm.s32 $0x17800  }
0x15: {  	vm4 =	vcmask $0x1310;
	vm5 =	vcmask $0x1714;
	vm6 =	vcmask $0x1B18;
	s14 =	simm.s32 $0x18000;
	s15 =	simm.s32 $0x18800;
	s1 =	ssub.s32 s1, s9  }
0x16: {  	vm7 =	vcmask $0x1F1C;
	vm8 =	vcmask $0x2320;
	vm9 =	vcmask $0x2724;
	s16 =	simm.s32 $0x5;
	s7 =	sadd.s32 s7, s0;
	s1 =	smax.u32 s1, $0x1  }
0x17: {  	vm10 =	vcmask $0x2B28;
	vm11 =	vcmask $0x2F2C;
	vm12 =	vcmask $0x3330;
	s8 =	sshrl.u32 s6, $0x3;
	s10 =	sadd.s32 $0x5B400, s7;
	[dreg:$0x6] =	wrdreg s1  }
.Ltmp0:
0x18: {  	vm0 =	vmmov $0xffff;
	v14 =	vimm.s32 $0x0;
	v5 =	vor.u32 $0x10, v4;
	s7 =	sadd.s32 $0x83A00, s7;
	[dreg:$0x3] =	wrdreg s10;
	(pc) =	sbr.rel .LBB2_1-.Ltmp0, $4  }
0x19: {  	v6 =	vor.u32 $0x20, v4;
	v7 =	vor.u32 $0x30, v4;
	v8 =	vor.u32 $0x40, v4;
	s8 =	sadd.s32 s8, s0;
	s0 =	sadd.s32 $0x1690, s0;
	[dreg:$0x4] =	wrdreg s7  }
0x1a: {  	v9 =	vor.u32 $0x50, v4;
	v10 =	vor.u32 $0x60, v4;
	v11 =	vor.u32 $0x70, v4;
	s1 =	simm.s32 $0x1FA00;
	s11 =	sadd.s32 $0x83400, s8;
	[dreg:$0xf] =	wrdreg s0  }
0x1b: {  	v12 =	vand.u32 $0x7, v4;
	v13 =	vshrl.u32 v4, $0x3;
	v14 =	vsel vm0, $0xFFFFFFFF, v14;
	s8 =	simm.s32 $0x7;
	s0 =	simm.s32 $0xA000;
	s10 =	simm.s32 $0x16000  }
0x1c: {  	v13 =	vmul.u32 $0x8, v13;
	[tilespmem:$0x1FFF0] =	vst v14;
	v14 =	vor.u32 $0x8, v4;
	v0 =	vmov s6;
	s7 =	simm.s32 $0x0;
	[dreg:$0x5] =	wrdreg s11;
	s11 =	simm.s32 $0x16800  }
.LBB2_43:
0x1d: {  	s6 =	rddreg [dreg:$0x4];
	s8 =	simm.s32 $0x7  }
0x1e: {  	[hbm4b:s6+s3] =	stream.linear.scatter [tilespmem:s0], [sflag:$0x7], $0xA000, $0x38;
	[tilespmem:$0x1FB80] =	vst v63  }
0x1f: {  	_ =	swait.ge [sflag:s8], $0xA000  }
0x20: {  	[sflag:s8] =	ssyncset.done $0x0  }
0x21: {  	s28 =	rddreg [dreg:$0x5];
	[sflag:s8] =	ssyncadd.s32 $0xFFFF6000  }
0x22: {  	[hbm4b:s28+s3] =	stream.linear.scatter [tilespmem:s1], [sflag:$0x7], $0x140, $0x38;
	[tilespmem:$0x1FB80] =	vst v63  }
0x23: {  	_ =	swait.ge [sflag:s8], $0x140  }
0x24: {  	s7 =	rddreg [dreg:$0x19]  }
0x25: {  	s29 =	rddreg [dreg:$0x6];
	s7 =	sadd.s32 $0x1, s7  }
0x26: {  	p0 =	sne.s32 s7, s29  }
.Ltmp1:
0x27: {  	_ = 	snop;
	(pc) =	sbr.rel @!p0 .LBB2_44-.Ltmp1, $3  }
0x28: {  	_ =	sdelay $0x1  }
0x29: {  	[sflag:s8] =	ssyncset.done $0x0  }
0x2a: {  	[sflag:s8] =	ssyncadd.s32 $0xFFFFFEC0  }
.LBB2_1:
0x2b: {  	[dreg:$0x19] =	wrdreg s7;
	s6 =	simm.s32 $0x40;
	s7 =	simm.s32 $0x0  }
.LBB2_2:
0x2c: {  	p0 =	sne.s32 s6, $0x27FC0;
	[tilespmem:s7+$0xA000] =	vst v1;
	s7 =	smov.u32 s6;
	s6 =	sadd.s32 $0x40, s6  }
.Ltmp2:
0x2d: {  	(pc) =	sbr.rel @p0 .LBB2_2-.Ltmp2, $2  }
0x2e: {  	_ =	sdelay $0x2  }
0x2f: {  	s7 =	sshra.s32 s7, $0x2  }
0x30: {  	[tilespmem:s7+$0xA000] =	vst v1  }
0x31: {  	[tilespmem:$0x1FA00] =	vst v1  }
0x32: {  	[tilespmem:$0x1FA10] =	vst v1  }
0x33: {  	[tilespmem:$0x1FA20] =	vst v1  }
0x34: {  	[tilespmem:$0x1FA30] =	vst v1  }
0x35: {  	[tilespmem:$0x1FA40] =	vst v1  }
0x36: {  	[tilespmem:$0x1FA50] =	vst v1  }
0x37: {  	[tilespmem:$0x1FA60] =	vst v1  }
0x38: {  	[tilespmem:$0x1FA70] =	vst v1  }
0x39: {  	[tilespmem:$0x1FA80] =	vst v1  }
0x3a: {  	[tilespmem:$0x1FA90] =	vst v1  }
0x3b: {  	[tilespmem:$0x1FAA0] =	vst v1  }
0x3c: {  	[tilespmem:$0x1FAB0] =	vst v1  }
0x3d: {  	[tilespmem:$0x1FAC0] =	vst v1  }
0x3e: {  	[tilespmem:$0x1FAD0] =	vst v1  }
0x3f: {  	[tilespmem:$0x1FAE0] =	vst v1  }
0x40: {  	[tilespmem:$0x1FAF0] =	vst v1  }
0x41: {  	[tilespmem:$0x1FB00] =	vst v1  }
0x42: {  	[tilespmem:$0x1FB10] =	vst v1  }
0x43: {  	[tilespmem:$0x1FB20] =	vst v1  }
0x44: {  	v15 =	vimm.s32 $0x0;
	[tilespmem:$0x1FB30] =	vst v1  }
0x45: {  	[tilespmem:$0x1F400] =	vst v15  }
0x46: {  	[tilespmem:$0x1F600] =	vst v15  }
0x47: {  	[tilespmem:$0x1F410] =	vst v15  }
0x48: {  	[tilespmem:$0x1F610] =	vst v15  }
0x49: {  	[tilespmem:$0x1F420] =	vst v15  }
0x4a: {  	[tilespmem:$0x1F620] =	vst v15  }
0x4b: {  	[tilespmem:$0x1F430] =	vst v15  }
0x4c: {  	[tilespmem:$0x1F630] =	vst v15  }
0x4d: {  	[tilespmem:$0x1F440] =	vst v15  }
0x4e: {  	[tilespmem:$0x1F640] =	vst v15  }
0x4f: {  	[tilespmem:$0x1F450] =	vst v15  }
0x50: {  	[tilespmem:$0x1F650] =	vst v15  }
0x51: {  	[tilespmem:$0x1F460] =	vst v15  }
0x52: {  	[tilespmem:$0x1F660] =	vst v15  }
0x53: {  	[tilespmem:$0x1F470] =	vst v15  }
0x54: {  	[tilespmem:$0x1F670] =	vst v15  }
0x55: {  	[tilespmem:$0x1F480] =	vst v15  }
0x56: {  	[tilespmem:$0x1F680] =	vst v15  }
0x57: {  	[tilespmem:$0x1F490] =	vst v15  }
0x58: {  	[tilespmem:$0x1F690] =	vst v15  }
0x59: {  	[tilespmem:$0x1F4A0] =	vst v15  }
0x5a: {  	[tilespmem:$0x1F6A0] =	vst v15  }
0x5b: {  	[tilespmem:$0x1F4B0] =	vst v15  }
0x5c: {  	[tilespmem:$0x1F6B0] =	vst v15  }
0x5d: {  	[tilespmem:$0x1F4C0] =	vst v15  }
0x5e: {  	[tilespmem:$0x1F6C0] =	vst v15  }
0x5f: {  	[tilespmem:$0x1F4D0] =	vst v15  }
0x60: {  	[tilespmem:$0x1F6D0] =	vst v15  }
0x61: {  	[tilespmem:$0x1F4E0] =	vst v15  }
0x62: {  	[tilespmem:$0x1F6E0] =	vst v15  }
0x63: {  	[tilespmem:$0x1F4F0] =	vst v15  }
0x64: {  	[tilespmem:$0x1F6F0] =	vst v15  }
0x65: {  	[tilespmem:$0x1F500] =	vst v15  }
0x66: {  	[tilespmem:$0x1F700] =	vst v15  }
0x67: {  	[tilespmem:$0x1F510] =	vst v15  }
0x68: {  	[tilespmem:$0x1F710] =	vst v15  }
0x69: {  	[tilespmem:$0x1F520] =	vst v15  }
0x6a: {  	[tilespmem:$0x1F720] =	vst v15  }
0x6b: {  	[tilespmem:$0x1F530] =	vst v15  }
0x6c: {  	[tilespmem:$0x1F730] =	vst v15  }
0x6d: {  	[tilespmem:$0x1F540] =	vst v15  }
0x6e: {  	[tilespmem:$0x1F740] =	vst v15  }
0x6f: {  	[tilespmem:$0x1F550] =	vst v15  }
0x70: {  	[tilespmem:$0x1F750] =	vst v15  }
0x71: {  	[tilespmem:$0x1F560] =	vst v15  }
0x72: {  	[tilespmem:$0x1F760] =	vst v15  }
0x73: {  	[tilespmem:$0x1F570] =	vst v15  }
0x74: {  	[tilespmem:$0x1F770] =	vst v15  }
0x75: {  	[tilespmem:$0x1F580] =	vst v15  }
0x76: {  	s6 =	simm.s32 $0x0;
	s17 =	rddreg [dreg:$0x3];
	[tilespmem:$0x1F780] =	vst v15  }
0x77: {  	[tilespmem:s6], [sflag:$0x7] =	stream.linear.gather [hbm4b:s17+s6], $0xA000, $0x38;
	[tilespmem:$0x1FB80] =	vst v63  }
0x78: {  	_ =	swait.ge [sflag:s8], $0xA000  }
0x79: {  	[sflag:s8] =	ssyncset.done $0x0  }
0x7a: {  	s18 =	simm.s32 $0x1E000;
	[sflag:s8] =	ssyncadd.s32 $0xFFFF6000  }
0x7b: {  	[tilespmem:s18], [sflag:$0x1] =	stream.linear.gather [hbm4b:s5+s6], $0x80, $0x38;
	[tilespmem:$0x1FB80] =	vst v63  }
0x7c: {  	s20 =	simm.s32 $0x1E100;
	s19 =	rddreg [dreg:$0x7]  }
0x7d: {  	[tilespmem:s20], [sflag:$0x1] =	stream.linear.gather [hbm4b:s19+s6], $0x80, $0x38;
	[tilespmem:$0x1FB80] =	vst v63  }
0x7e: {  	s22 =	simm.s32 $0x1E200;
	s21 =	rddreg [dreg:$0x8]  }
0x7f: {  	[tilespmem:s22], [sflag:$0x1] =	stream.linear.gather [hbm4b:s21+s6], $0x80, $0x38;
	[tilespmem:$0x1FB80] =	vst v63  }
0x80: {  	s24 =	simm.s32 $0x1E300;
	s23 =	rddreg [dreg:$0x9]  }
0x81: {  	[tilespmem:s24], [sflag:$0x1] =	stream.linear.gather [hbm4b:s23+s6], $0x80, $0x38;
	[tilespmem:$0x1FB80] =	vst v63  }
0x82: {  	s26 =	simm.s32 $0x1E400;
	s25 =	rddreg [dreg:$0xa]  }
0x83: {  	[tilespmem:s26], [sflag:$0x1] =	stream.linear.gather [hbm4b:s25+s6], $0x80, $0x38;
	[tilespmem:$0x1FB80] =	vst v63  }
0x84: {  	s29 =	simm.s32 $0x1E500;
	s28 =	rddreg [dreg:$0xb]  }
0x85: {  	[tilespmem:s29], [sflag:$0x1] =	stream.linear.gather [hbm4b:s28+s6], $0x80, $0x38;
	[tilespmem:$0x1FB80] =	vst v63  }
0x86: {  	s17 =	simm.s32 $0x1E600;
	s9 =	rddreg [dreg:$0xc]  }
0x87: {  	[tilespmem:s17], [sflag:$0x1] =	stream.linear.gather [hbm4b:s9+s6], $0x80, $0x38;
	[tilespmem:$0x1FB80] =	vst v63  }
0x88: {  	s18 =	rddreg [dreg:$0xd];
	s19 =	simm.s32 $0x1E700  }
0x89: {  	[tilespmem:s19], [sflag:$0x1] =	stream.linear.gather [hbm4b:s18+s6], $0x80, $0x38;
	[tilespmem:$0x1FB80] =	vst v63  }
0x8a: {  	s20 =	rddreg [dreg:$0xe];
	s21 =	simm.s32 $0x1E800  }
0x8b: {  	[tilespmem:s21], [sflag:$0x1] =	stream.linear.gather [hbm4b:s20+s6], $0x80, $0x38;
	[tilespmem:$0x1FB80] =	vst v63  }
0x8c: {  	s22 =	rddreg [dreg:$0xf];
	s23 =	simm.s32 $0x1E900  }
0x8d: {  	[tilespmem:s23], [sflag:$0x1] =	stream.linear.gather [hbm4b:s22+s6], $0x80, $0x38;
	[tilespmem:$0x1FB80] =	vst v63  }
0x8e: {  	s24 =	simm.s32 $0x1EA00  }
0x8f: {  	[tilespmem:s24], [sflag:$0x3] =	stream.linear.gather [hbm4b:s2+s6], $0x80, $0x38;
	[tilespmem:$0x1FB80] =	vst v63  }
0x90: {  	s25 =	rddreg [dreg:$0x10];
	s26 =	simm.s32 $0x1EB00  }
0x91: {  	[tilespmem:s26], [sflag:$0x3] =	stream.linear.gather [hbm4b:s25+s6], $0x80, $0x38;
	[tilespmem:$0x1FB80] =	vst v63  }
0x92: {  	s28 =	rddreg [dreg:$0x11];
	s29 =	simm.s32 $0x1EC00  }
0x93: {  	[tilespmem:s29], [sflag:$0x3] =	stream.linear.gather [hbm4b:s28+s6], $0x80, $0x38;
	[tilespmem:$0x1FB80] =	vst v63  }
0x94: {  	s8 =	rddreg [dreg:$0x12];
	s9 =	simm.s32 $0x1ED00  }
0x95: {  	[tilespmem:s9], [sflag:$0x3] =	stream.linear.gather [hbm4b:s8+s6], $0x80, $0x38;
	[tilespmem:$0x1FB80] =	vst v63  }
0x96: {  	s17 =	rddreg [dreg:$0x13];
	s18 =	simm.s32 $0x1EE00  }
0x97: {  	[tilespmem:s18], [sflag:$0x3] =	stream.linear.gather [hbm4b:s17+s6], $0x80, $0x38;
	[tilespmem:$0x1FB80] =	vst v63  }
0x98: {  	s19 =	rddreg [dreg:$0x14];
	s20 =	simm.s32 $0x1EF00  }
0x99: {  	[tilespmem:s20], [sflag:$0x3] =	stream.linear.gather [hbm4b:s19+s6], $0x80, $0x38;
	[tilespmem:$0x1FB80] =	vst v63  }
0x9a: {  	s21 =	rddreg [dreg:$0x15];
	s22 =	simm.s32 $0x1F000  }
0x9b: {  	[tilespmem:s22], [sflag:$0x3] =	stream.linear.gather [hbm4b:s21+s6], $0x80, $0x38;
	[tilespmem:$0x1FB80] =	vst v63  }
0x9c: {  	s23 =	rddreg [dreg:$0x16];
	s24 =	simm.s32 $0x1F100  }
0x9d: {  	[tilespmem:s24], [sflag:$0x3] =	stream.linear.gather [hbm4b:s23+s6], $0x80, $0x38;
	[tilespmem:$0x1FB80] =	vst v63  }
.Ltmp3:
0x9e: {  	s25 =	rddreg [dreg:$0x17];
	(pc) =	sbr.rel .LBB2_4-.Ltmp3, $4  }
0x9f: {  	s26 =	simm.s32 $0x1F200;
	s28 =	rddreg [dreg:$0x18];
	s29 =	simm.s32 $0x1F300  }
0xa0: {  	[tilespmem:s26], [sflag:$0x3] =	stream.linear.gather [hbm4b:s25+s6], $0x80, $0x38;
	[tilespmem:$0x1FB80] =	vst v63  }
0xa1: {  	s18 =	simm.s32 $0x0;
	s20 =	simm.s32 $0x0;
	s19 =	simm.s32 $0x0  }
0xa2: {  	[tilespmem:s29], [sflag:$0x3] =	stream.linear.gather [hbm4b:s28+s6], $0x80, $0x38;
	[tilespmem:$0x1FB80] =	vst v63  }
.LBB2_19:
0xa3: {  	p0 =	sne.s32 s21, $0xFA  }
.Ltmp4:
0xa4: {  	_ = 	snop;
	(pc) =	sbr.rel @!p0 .LBB2_20-.Ltmp4, $2  }
0xa5: {  	_ =	sdelay $0x2  }
0xa6: {  	s6 =	smov.u32 s21  }
.LBB2_4:
0xa7: {  	s7 =	sand.u32 $0x1, s6  }
0xa8: {  	s8 =	sadd.s32 $0x1, s7  }
0xa9: {  	p0 =	seq.s32 s6, $0xF9;
	_ =	swait.ge [sflag:s8], $0x500  }
.Ltmp5:
0xaa: {  	[sflag:s8] =	ssyncset.done $0x0;
	(pc) =	sbr.rel @p0 .LBB2_6-.Ltmp5, $4  }
0xab: {  	vm14 =	vmmov vm12;
	vm13 =	vmmov vm11;
	vm12 =	vmmov vm10;
	s7 =	sadd.s32 $0x3, s7;
	[sflag:s8] =	ssyncadd.s32 $0xFFFFFB00  }
0xac: {  	vm11 =	vmmov vm9;
	vm10 =	vmmov vm8;
	vm9 =	vmmov vm7;
	_ =	swait.ge [sflag:s7], $0x500  }
0xad: {  	vm8 =	vmmov vm6;
	vm7 =	vmmov vm5;
	vm6 =	vmmov vm4;
	[sflag:s7] =	ssyncset.done $0x0  }
0xae: {  	vm5 =	vmmov vm3;
	vm4 =	vmmov vm2;
	vm3 =	vmmov vm1;
	s21 =	sadd.s32 $0x1, s6;
	[sflag:s7] =	ssyncadd.s32 $0xFFFFFB00  }
0xaf: {  	s7 =	sshll.u32 s21, $0x7;
	s8 =	smul.u32 $0xA0, s21  }
0xb0: {  	s17 =	sand.u32 $0x1, s21;
	s7 =	sand.u32 $0x80, s7  }
0xb1: {  	s22 =	sadd.s32 $0x1, s17;
	s23 =	sor.u32 $0x1E000, s7;
	s24 =	sadd.s32 s5, s8  }
0xb2: {  	[tilespmem:s23], [sflag:s22] =	stream.linear.gather [hbm4b:s24+s3], $0x80, $0x38;
	[tilespmem:$0x1FB80] =	vst v63  }
0xb3: {  	s25 =	sor.u32 $0x1E100, s7;
	s9 =	sadd.s32 $0x10, s24  }
0xb4: {  	[tilespmem:s25], [sflag:s22] =	stream.linear.gather [hbm4b:s9+s3], $0x80, $0x38;
	[tilespmem:$0x1FB80] =	vst v63  }
0xb5: {  	s28 =	sor.u32 $0x1E200, s7;
	s26 =	sadd.s32 $0x20, s24  }
0xb6: {  	[tilespmem:s28], [sflag:s22] =	stream.linear.gather [hbm4b:s26+s3], $0x80, $0x38;
	[tilespmem:$0x1FB80] =	vst v63  }
0xb7: {  	s29 =	sadd.s32 $0x30, s24;
	s9 =	sor.u32 $0x1E300, s7  }
0xb8: {  	[tilespmem:s9], [sflag:s22] =	stream.linear.gather [hbm4b:s29+s3], $0x80, $0x38;
	[tilespmem:$0x1FB80] =	vst v63  }
0xb9: {  	s26 =	sadd.s32 $0x40, s24;
	s28 =	sor.u32 $0x1E400, s7  }
0xba: {  	[tilespmem:s28], [sflag:s22] =	stream.linear.gather [hbm4b:s26+s3], $0x80, $0x38;
	[tilespmem:$0x1FB80] =	vst v63  }
0xbb: {  	s29 =	sadd.s32 $0x50, s24;
	s9 =	sor.u32 $0x1E500, s7  }
0xbc: {  	[tilespmem:s9], [sflag:s22] =	stream.linear.gather [hbm4b:s29+s3], $0x80, $0x38;
	[tilespmem:$0x1FB80] =	vst v63  }
0xbd: {  	s26 =	sadd.s32 $0x60, s24;
	s28 =	sor.u32 $0x1E600, s7  }
0xbe: {  	[tilespmem:s28], [sflag:s22] =	stream.linear.gather [hbm4b:s26+s3], $0x80, $0x38;
	[tilespmem:$0x1FB80] =	vst v63  }
0xbf: {  	s29 =	sadd.s32 $0x70, s24;
	s9 =	sor.u32 $0x1E700, s7  }
0xc0: {  	[tilespmem:s9], [sflag:s22] =	stream.linear.gather [hbm4b:s29+s3], $0x80, $0x38;
	[tilespmem:$0x1FB80] =	vst v63  }
0xc1: {  	s26 =	sadd.s32 $0x80, s24;
	s28 =	sor.u32 $0x1E800, s7  }
0xc2: {  	[tilespmem:s28], [sflag:s22] =	stream.linear.gather [hbm4b:s26+s3], $0x80, $0x38;
	[tilespmem:$0x1FB80] =	vst v63  }
0xc3: {  	s29 =	sadd.s32 $0x90, s24;
	s9 =	sor.u32 $0x1E900, s7  }
0xc4: {  	[tilespmem:s9], [sflag:s22] =	stream.linear.gather [hbm4b:s29+s3], $0x80, $0x38;
	[tilespmem:$0x1FB80] =	vst v63  }
0xc5: {  	s17 =	sadd.s32 $0x3, s17;
	s8 =	sadd.s32 s2, s8;
	s25 =	sor.u32 $0x1EA00, s7  }
0xc6: {  	[tilespmem:s25], [sflag:s17] =	stream.linear.gather [hbm4b:s8+s3], $0x80, $0x38;
	[tilespmem:$0x1FB80] =	vst v63  }
0xc7: {  	s26 =	sadd.s32 $0x10, s8;
	s28 =	sor.u32 $0x1EB00, s7  }
0xc8: {  	[tilespmem:s28], [sflag:s17] =	stream.linear.gather [hbm4b:s26+s3], $0x80, $0x38;
	[tilespmem:$0x1FB80] =	vst v63  }
0xc9: {  	s29 =	sadd.s32 $0x20, s8;
	s9 =	sor.u32 $0x1EC00, s7  }
0xca: {  	[tilespmem:s9], [sflag:s17] =	stream.linear.gather [hbm4b:s29+s3], $0x80, $0x38;
	[tilespmem:$0x1FB80] =	vst v63  }
0xcb: {  	s24 =	sadd.s32 $0x30, s8;
	s25 =	sor.u32 $0x1ED00, s7  }
0xcc: {  	[tilespmem:s25], [sflag:s17] =	stream.linear.gather [hbm4b:s24+s3], $0x80, $0x38;
	[tilespmem:$0x1FB80] =	vst v63  }
0xcd: {  	s26 =	sadd.s32 $0x40, s8;
	s28 =	sor.u32 $0x1EE00, s7  }
0xce: {  	[tilespmem:s28], [sflag:s17] =	stream.linear.gather [hbm4b:s26+s3], $0x80, $0x38;
	[tilespmem:$0x1FB80] =	vst v63  }
0xcf: {  	s29 =	sadd.s32 $0x50, s8;
	s9 =	sor.u32 $0x1EF00, s7  }
0xd0: {  	[tilespmem:s9], [sflag:s17] =	stream.linear.gather [hbm4b:s29+s3], $0x80, $0x38;
	[tilespmem:$0x1FB80] =	vst v63  }
0xd1: {  	s23 =	sadd.s32 $0x60, s8;
	s24 =	sor.u32 $0x1F000, s7  }
0xd2: {  	[tilespmem:s24], [sflag:s17] =	stream.linear.gather [hbm4b:s23+s3], $0x80, $0x38;
	[tilespmem:$0x1FB80] =	vst v63  }
0xd3: {  	s25 =	sadd.s32 $0x70, s8;
	s26 =	sor.u32 $0x1F100, s7  }
0xd4: {  	[tilespmem:s26], [sflag:s17] =	stream.linear.gather [hbm4b:s25+s3], $0x80, $0x38;
	[tilespmem:$0x1FB80] =	vst v63  }
0xd5: {  	s28 =	sadd.s32 $0x80, s8;
	s29 =	sor.u32 $0x1F200, s7  }
0xd6: {  	[tilespmem:s29], [sflag:s17] =	stream.linear.gather [hbm4b:s28+s3], $0x80, $0x38;
	[tilespmem:$0x1FB80] =	vst v63  }
0xd7: {  	s8 =	sadd.s32 $0x90, s8;
	s7 =	sor.u32 $0x1F300, s7  }
0xd8: {  	[tilespmem:s7], [sflag:s17] =	stream.linear.gather [hbm4b:s8+s3], $0x80, $0x38;
	[tilespmem:$0x1FB80] =	vst v63  }
.LBB2_6:
0xd9: {  	s6 =	sshll.u32 s6, $0x7;
	s7 =	simm.s32 $0x0  }
0xda: {  	s17 =	sand.u32 $0x80, s6;
	s9 =	sand.u32 $0x40, s7  }
0xdb: {  	s7 =	sand.u32 $0xF00, s7;
	s8 =	sor.u32 s17, s9  }
0xdc: {  	s23 =	sor.u32 $0x10, s17;
	s8 =	sor.u32 s7, s8  }
0xdd: {  	s24 =	sor.u32 s23, s9;
	v16 =	vld [tilespmem:s8+$0x1E000]  }
0xde: {  	s22 =	sor.u32 $0x20, s17;
	s25 =	sor.u32 s7, s24  }
0xdf: {  	s26 =	sor.u32 s22, s9;
	v17 =	vld [tilespmem:s25+$0x1E000]  }
0xe0: {  	s24 =	sor.u32 $0x30, s17;
	s26 =	sor.u32 s7, s26  }
0xe1: {  	s6 =	sor.u32 s24, s9;
	v18 =	vld [tilespmem:s26+$0x1E000]  }
0xe2: {  	s6 =	sor.u32 s7, s6;
	v16 =	vsub.s32 v16, v0  }
0xe3: {  	v19 =	vld [tilespmem:s6+$0x1E000];
	vm1 =	vlt.u32 v16, $0x140  }
0xe4: {  	v20 =	vsub.s32 v17, v0;
	v17 =	vsel vm1, $0x1, v2  }
0xe5: {  	vm2 =	vlt.u32 v20, $0x140;
	(xrf0) =	vadd.scan.msk.s32 $0xffff, v17  }
0xe6: {  	v18 =	vsub.s32 v18, v0;
	v21 =	vsel vm2, $0x1, v2  }
0xe7: {  	vm0 =	vlt.u32 v18, $0x140;
	(xrf0) =	vadd.scan.msk.s32 $0xffff, v21  }
0xe8: {  	v22 =	vsel vm0, $0x1, v2;
	v19 =	vsub.s32 v19, v0  }
0xe9: {  	vm15 =	vlt.u32 v19, $0x140;
	(xrf0) =	vadd.scan.msk.s32 $0xffff, v22  }
0xea: {  	v23 =	vsel vm15, $0x1, v2  }
0xeb: {  	v24, _, _ =	vpop (xrf0);
	(xrf0) =	vadd.scan.msk.s32 $0xffff, v23  }
0xec: {  	v17 =	vsub.s32 v24, v17;
	v24 =	vperm.xlane v24, v3  }
0xed: {  	v25, _, _ =	vpop (xrf0);
	v26 =	vadd.s32 v15, v17  }
0xee: {  	v60 =	vld [tilespmem:s8+$0x1EA00];
	v17 =	vsub.s32 v25, v21;
	v59 =	vperm.xlane v25, v3;
	v15 =	vadd.s32 v15, v24  }
0xef: {  	v61, _, _ =	vpop (xrf0);
	v28 =	vadd.s32 v17, v15  }
0xf0: {  	v63 =	vld [tilespmem:s25+$0x1EA00];
	v62 =	vperm.xlane v61, v3;
	v17 =	vsub.s32 v61, v22;
	v21 =	vadd.s32 v59, v15  }
0xf1: {  	v27 =	vld [tilespmem:s26+$0x1EA00];
	v29 =	vadd.s32 v17, v21;
	v30, _, _ =	vpop (xrf0)  }
0xf2: {  	v15 =	vld [tilespmem:s6+$0x1EA00];
	v21 =	vadd.s32 v62, v21;
	v17 =	vsub.s32 v30, v23;
	[tilespmem:v26+s30+$0x0] =	vst.idx.msk vm1, v16  }
0xf3: {  	v17 =	vadd.s32 v21, v17;
	[tilespmem:v26+s31+$0x0] =	vst.idx.msk vm1, v60  }
0xf4: {  	[tilespmem:v28+s30+$0x0] =	vst.idx.msk vm2, v20  }
0xf5: {  	s26 =	simm.s32 $0x40;
	[tilespmem:v28+s31+$0x0] =	vst.idx.msk vm2, v63  }
0xf6: {  	s7 =	sand.u32 $0x40, s26;
	v16 =	vperm.xlane v30, v3;
	[tilespmem:v29+s30+$0x0] =	vst.idx.msk vm0, v18  }
0xf7: {  	s25 =	simm.s32 $0x80;
	s26 =	sor.u32 s17, s7;
	s6 =	simm.s32 $0x80;
	[tilespmem:v29+s31+$0x0] =	vst.idx.msk vm0, v27  }
0xf8: {  	s8 =	sor.u32 s23, s7;
	s29 =	sor.u32 s24, s7;
	s28 =	sand.u32 $0xF00, s6;
	v16 =	vadd.s32 v16, v21;
	[tilespmem:v17+s30+$0x0] =	vst.idx.msk vm15, v19  }
.LBB2_7:
0xf9: {  	p0 =	sne.s32 s25, $0x4C0  }
0xfa: {  	s9 =	sor.u32 s28, s26;
	[tilespmem:v17+s31+$0x0] =	vst.idx.msk vm15, v15;
	s26 =	smov.u32 s25;
	s25 =	sadd.s32 $0x40, s25  }
0xfb: {  	s8 =	sor.u32 s28, s8;
	s7 =	sor.u32 s22, s7;
	v15 =	vld [tilespmem:s9+$0x1E000]  }
0xfc: {  	s7 =	sor.u32 s28, s7;
	v17 =	vld [tilespmem:s8+$0x1E000]  }
0xfd: {  	v18 =	vld [tilespmem:s7+$0x1E000];
	_ =	sdelay $0x2  }
0xfe: {  	s28 =	sor.u32 s28, s29;
	v19 =	vsub.s32 v15, v0  }
0xff: {  	vm1 =	vlt.u32 v19, $0x140;
	v20 =	vsub.s32 v17, v0;
	v15 =	vld [tilespmem:s28+$0x1E000]  }
0x100: {  	v17 =	vsel vm1, $0x1, v2;
	vm2 =	vlt.u32 v20, $0x140;
	v18 =	vsub.s32 v18, v0  }
0x101: {  	v21 =	vsel vm2, $0x1, v2;
	vm0 =	vlt.u32 v18, $0x140;
	(xrf0) =	vadd.scan.msk.s32 $0xffff, v17  }
0x102: {  	v22 =	vsel vm0, $0x1, v2;
	(xrf0) =	vadd.scan.msk.s32 $0xffff, v21  }
0x103: {  	(xrf0) =	vadd.scan.msk.s32 $0xffff, v22  }
0x104: {  	v23 =	vsub.s32 v15, v0  }
0x105: {  	vm15 =	vlt.u32 v23, $0x140  }
0x106: {  	v24 =	vsel vm15, $0x1, v2  }
0x107: {  	v15, _, _ =	vpop (xrf0);
	(xrf0) =	vadd.scan.msk.s32 $0xffff, v24  }
0x108: {  	v17 =	vsub.s32 v15, v17;
	v15 =	vperm.xlane v15, v3;
	v25, _, _ =	vpop (xrf0)  }
0x109: {  	v26 =	vadd.s32 v16, v17;
	v17 =	vsub.s32 v25, v21;
	v21 =	vperm.xlane v25, v3;
	v25, _, _ =	vpop (xrf0)  }
0x10a: {  	v27 =	vld [tilespmem:s9+$0x1EA00];
	v15 =	vadd.s32 v16, v15;
	v16 =	vsub.s32 v25, v22;
	v22 =	vperm.xlane v25, v3  }
0x10b: {  	v25 =	vld [tilespmem:s7+$0x1EA00];
	v28 =	vadd.s32 v17, v15;
	v17 =	vadd.s32 v21, v15  }
0x10c: {  	v21 =	vld [tilespmem:s8+$0x1EA00];
	v22 =	vadd.s32 v22, v17  }
0x10d: {  	v29 =	vadd.s32 v16, v17;
	v15 =	vld [tilespmem:s28+$0x1EA00];
	v16, _, _ =	vpop (xrf0)  }
0x10e: {  	v17 =	vsub.s32 v16, v24;
	v16 =	vperm.xlane v16, v3;
	[tilespmem:v26+s30+$0x0] =	vst.idx.msk vm1, v19  }
0x10f: {  	v17 =	vadd.s32 v22, v17;
	[tilespmem:v26+s31+$0x0] =	vst.idx.msk vm1, v27  }
.Ltmp6:
0x110: {  	v16 =	vadd.s32 v16, v22;
	[tilespmem:v28+s30+$0x0] =	vst.idx.msk vm2, v20;
	(pc) =	sbr.rel @p0 .LBB2_7-.Ltmp6, $4  }
0x111: {  	[tilespmem:v28+s31+$0x0] =	vst.idx.msk vm2, v21  }
0x112: {  	s6 =	sadd.s32 $0x80, s6;
	[tilespmem:v29+s30+$0x0] =	vst.idx.msk vm0, v18  }
0x113: {  	s7 =	sand.u32 $0x40, s26;
	s28 =	sand.u32 $0xF00, s6;
	[tilespmem:v29+s31+$0x0] =	vst.idx.msk vm0, v25  }
0x114: {  	s26 =	sor.u32 s17, s7;
	s8 =	sor.u32 s23, s7;
	s29 =	sor.u32 s24, s7;
	[tilespmem:v17+s30+$0x0] =	vst.idx.msk vm15, v23  }
0x115: {  	_ =	sdelay $0x4  }
0x116: {  	s6 =	sor.u32 s28, s26;
	[tilespmem:v17+s31+$0x0] =	vst.idx.msk vm15, v15  }
0x117: {  	s8 =	sor.u32 s28, s8;
	s7 =	sor.u32 s22, s7;
	v15 =	vld [tilespmem:s6+$0x1E000]  }
0x118: {  	v17 =	vld [tilespmem:s8+$0x1E000];
	s7 =	sor.u32 s28, s7  }
0x119: {  	s9 =	sor.u32 s28, s29;
	v18 =	vld [tilespmem:s7+$0x1E000]  }
0x11a: {  	v19 =	vld [tilespmem:s9+$0x1E000];
	_ =	sdelay $0x1  }
0x11b: {  	v20 =	vsub.s32 v15, v0  }
0x11c: {  	v17 =	vsub.s32 v17, v0;
	vm0 =	vlt.u32 v20, $0x140  }
0x11d: {  	vm1 =	vlt.u32 v17, $0x140;
	v18 =	vsub.s32 v18, v0;
	v21 =	vsel vm0, $0x1, v2  }
0x11e: {  	v19 =	vsub.s32 v19, v0;
	v22 =	vsel vm1, $0x1, v2;
	vm2 =	vlt.u32 v18, $0x140;
	(xrf0) =	vadd.scan.msk.s32 $0xffff, v21  }
0x11f: {  	vm15 =	vlt.u32 v19, $0x140;
	v23 =	vsel vm2, $0x1, v2;
	(xrf0) =	vadd.scan.msk.s32 $0xffff, v22  }
0x120: {  	v24 =	vsel vm15, $0x1, v2;
	(xrf0) =	vadd.scan.msk.s32 $0xffff, v23  }
0x121: {  	(xrf0) =	vadd.scan.msk.s32 $0xffff, v24;
	_ =	sdelay $0x2  }
0x122: {  	v25, _, _ =	vpop (xrf0)  }
0x123: {  	v15 =	vperm.xlane v25, v3;
	v26, _, _ =	vpop (xrf0)  }
0x124: {  	v27 =	vperm.xlane v26, v3;
	v28, _, _ =	vpop (xrf0)  }
0x125: {  	v29 =	vadd.s32 v16, v15;
	v15 =	vperm.xlane v28, v3;
	v30, _, _ =	vpop (xrf0)  }
0x126: {  	v27 =	vadd.s32 v27, v29;
	v31 =	vperm.xlane v30, v3  }
0x127: {  	v32 =	vadd.s32 v15, v27  }
0x128: {  	v15 =	vadd.s32 v31, v32  }
0x129: {  	v31 =	vxor.u32 $0x80000000, v15  }
0x12a: {  	(xrf0) =	vmax.scan.msk.u32 $0xffff, v31;
	_ =	sdelay $0x5  }
0x12b: {  	v31, _, _ =	vpop (xrf0)  }
0x12c: {  	(v2sf) =	vpush v31, $0xF;
	_ =	sdelay $0x1  }
0x12d: {  	v21 =	vsub.s32 v25, v21  }
0x12e: {  	v16 =	vadd.s32 v16, v21  }
0x12f: {  	v59 =	vld [tilespmem:s6+$0x1EA00];
	v58 =	vsub.s32 v26, v22  }
0x130: {  	v21 =	vadd.s32 v58, v29  }
0x131: {  	v61 =	vld [tilespmem:s8+$0x1EA00];
	v23 =	vsub.s32 v28, v23  }
0x132: {  	v62 =	vld [tilespmem:s9+$0x1EA00];
	v23 =	vadd.s32 v23, v27  }
0x133: {  	v60 =	vld [tilespmem:s7+$0x1EA00];
	v24 =	vsub.s32 v30, v24;
	[tilespmem:v16+s30+$0x0] =	vst.idx.msk vm0, v20  }
0x134: {  	v63 =	vadd.s32 v32, v24;
	[tilespmem:v16+s31+$0x0] =	vst.idx.msk vm0, v59  }
0x135: {  	p0 =	sne.s32 s19, $0x2;
	[tilespmem:v21+s30+$0x0] =	vst.idx.msk vm1, v17  }
.Ltmp7:
0x136: {  	[tilespmem:v21+s31+$0x0] =	vst.idx.msk vm1, v61;
	(pc) =	sbr.rel @p0 .LBB2_9-.Ltmp7, $4  }
0x137: {  	[tilespmem:v23+s30+$0x0] =	vst.idx.msk vm2, v18  }
0x138: {  	[tilespmem:v23+s31+$0x0] =	vst.idx.msk vm2, v60  }
0x139: {  	[tilespmem:v63+s30+$0x0] =	vst.idx.msk vm15, v19  }
0x13a: {  	[tilespmem:v63+s31+$0x0] =	vst.idx.msk vm15, v62;
	s22 =	spop (v2sf)  }
0x13b: {  	vm1 =	vmmov vm3  }
0x13c: {  	vm2 =	vmmov vm4;
	vm3 =	vmmov vm5;
	vm4 =	vmmov vm6  }
0x13d: {  	s6 =	sadd.s32 $0x5, s18;
	s7 =	sshll.u32 s18, $0x7;
	vm5 =	vmmov vm7;
	vm6 =	vmmov vm8;
	vm7 =	vmmov vm9  }
0x13e: {  	vm8 =	vmmov vm10;
	vm9 =	vmmov vm11;
	vm10 =	vmmov vm12;
	_ =	swait.ge [sflag:s6], $0x5000;
	s7 =	sand.u32 $0x3FFFFF80, s7  }
0x13f: {  	s19 =	smul.u32 $0x5000, s18;
	vm11 =	vmmov vm13;
	vm12 =	vmmov vm14;
	vm13 =	vcmask $0x3734;
	[sflag:s6] =	ssyncset.done $0x0;
	s29 =	sadd.s32 $0x1F800, s7  }
0x140: {  	s23 =	simm.s32 $0x0;
	s24 =	simm.s32 $0x0;
	vm14 =	vcmask $0x3B38;
	vm15 =	vcmask $0x3F3C;
	[sflag:s6] =	ssyncadd.s32 $0xFFFFB000;
	v16 =	vmov s29  }
.LBB2_11:
0x141: {  	_ =	sdelay $0x1  }
0x142: {  	s6 =	sand.u32 $0xFFFFF800, s19;
	s7 =	simm.s32 $0x80  }
0x143: {  	s26 =	sshll.u32 s24, $0x4;
	s25 =	sadd.s32 $0x14000, s6;
	s9 =	sand.u32 $0x380, s7  }
0x144: {  	s17 =	sand.u32 $0x300, s23;
	v17 =	vld.idx.msk [tilespmem:v16+s26+$0x0 ss:$0x1], $0xffff;
	s6 =	sor.u32 s9, s25  }
0x145: {  	s7 =	sor.u32 s17, s25;
	v24 =	vld [tilespmem:s6+$0x60]  }
0x146: {  	v21 =	vld [tilespmem:s7+$0x60]  }
0x147: {  	v22 =	vld [tilespmem:s7+$0x70]  }
0x148: {  	v25 =	vld [tilespmem:s6+$0x40]  }
0x149: {  	v28 =	vld [tilespmem:s6+$0x50]  }
0x14a: {  	v23 =	vld [tilespmem:s7+$0x40];
	vm0 =	vgt.s32 v17, $0x0  }
0x14b: {  	v27 =	vld [tilespmem:s7+$0x50];
	v17 =	vnsel vm0, $0x0, v17  }
0x14c: {  	v29 =	vld [tilespmem:s6+$0x20];
	v18 =	vmin.u32 v17, $0x13F  }
0x14d: {  	v19 =	vmov s23;
	v30 =	vld [tilespmem:s6+$0x30];
	v17 =	vshll.u32 v18, $0x7  }
0x14e: {  	v31 =	vld [tilespmem:s7+$0x20];
	v26 =	vperm.xlane v17, v19  }
0x14f: {  	v32 =	vld [tilespmem:s7+$0x30]  }
0x150: {  	v34 =	vld [tilespmem:s6+$0x0];
	v20 =	vadd.s32 v10, v26  }
0x151: {  	v36 =	vld [tilespmem:s6+$0x10];
	v33 =	vadd.s32 v11, v26  }
0x152: {  	v37 =	vld [tilespmem:s7+$0x0];
	v35 =	vadd.s32 v8, v26  }
0x153: {  	v39 =	vld [tilespmem:s7+$0x10];
	v38 =	vadd.s32 v9, v26  }
0x154: {  	s8 =	simm.s32 $0x1;
	v53 =	vld [tilespmem:s6+$0x70];
	v40 =	vadd.s32 v6, v26  }
0x155: {  	v41 =	vadd.s32 v4, v26;
	v42 =	vld.idx.msk [tilespmem:v20+s3+$0x0], $0xffff;
	v20 =	vmov s8  }
0x156: {  	v43 =	vadd.s32 v5, v26;
	v33 =	vld.idx.msk [tilespmem:v33+s3+$0x0], $0xffff;
	v44 =	vperm.xlane v17, v20  }
0x157: {  	v26 =	vadd.s32 v7, v26;
	v35 =	vld.idx.msk [tilespmem:v35+s3+$0x0], $0xffff  }
0x158: {  	v38 =	vld.idx.msk [tilespmem:v38+s3+$0x0], $0xffff;
	v45 =	vadd.s32 v4, v44  }
0x159: {  	v40 =	vld.idx.msk [tilespmem:v40+s3+$0x0], $0xffff;
	v46 =	vadd.s32 v5, v44  }
0x15a: {  	v41 =	vld.idx.msk [tilespmem:v41+s3+$0x0], $0xffff;
	v47 =	vadd.s32 v6, v44  }
0x15b: {  	v43 =	vld.idx.msk [tilespmem:v43+s3+$0x0], $0xffff;
	v48 =	vadd.s32 v7, v44  }
0x15c: {  	v49 =	vld.idx.msk [tilespmem:v26+s3+$0x0], $0xffff;
	v26 =	vadd.s32 v8, v44  }
0x15d: {  	v50 =	vadd.s32 v9, v44;
	v45 =	vld.idx.msk [tilespmem:v45+s3+$0x0], $0xffff  }
0x15e: {  	v51 =	vadd.s32 v10, v44;
	v42 =	vmul.f32 v21, v42;
	v46 =	vld.idx.msk [tilespmem:v46+s3+$0x0], $0xffff  }
0x15f: {  	v44 =	vadd.s32 v11, v44;
	v35 =	vmul.f32 v23, v35;
	v33 =	vmul.f32 v22, v33;
	v47 =	vld.idx.msk [tilespmem:v47+s3+$0x0], $0xffff  }
0x160: {  	v22 =	vmul.f32 v37, v41;
	v23 =	vmul.f32 v39, v43;
	v48 =	vld.idx.msk [tilespmem:v48+s3+$0x0], $0xffff  }
0x161: {  	s29 =	sadd.s32 $0x200, s19;
	v31 =	vmul.f32 v31, v40;
	v55 =	vmul.f32 v27, v38;
	v52 =	vld.idx.msk [tilespmem:v26+s3+$0x0], $0xffff  }
0x162: {  	s9 =	sand.u32 $0xFFFFF800, s29;
	s8 =	simm.s32 $0x180;
	v32 =	vmul.f32 v32, v49;
	v56 =	vadd.f32 $0.0e+00, v22;
	v39 =	vadd.f32 $0.0e+00, v23;
	v50 =	vld.idx.msk [tilespmem:v50+s3+$0x0], $0xffff  }
0x163: {  	s17 =	simm.s32 $0x100;
	s7 =	sadd.s32 $0x14000, s9;
	s8 =	sand.u32 $0x380, s8;
	v51 =	vld.idx.msk [tilespmem:v51+s3+$0x0], $0xffff;
	v34 =	vmul.f32 v34, v45;
	v36 =	vmul.f32 v36, v46  }
0x164: {  	s9 =	sand.u32 $0x300, s17;
	s28 =	sor.u32 s8, s7;
	v44 =	vld.idx.msk [tilespmem:v44+s3+$0x0], $0xffff;
	v38 =	vadd.f32 v31, v56;
	v32 =	vadd.f32 v32, v39;
	v29 =	vmul.f32 v29, v47  }
0x165: {  	s9 =	sor.u32 s9, s7;
	v21 =	vld [tilespmem:s28+$0x60];
	v57 =	vmul.f32 v30, v48;
	v34 =	vadd.f32 $0.0e+00, v34;
	v36 =	vadd.f32 $0.0e+00, v36  }
0x166: {  	v27 =	vld [tilespmem:s9+$0x70];
	v38 =	vadd.f32 v35, v38;
	v32 =	vadd.f32 v55, v32;
	v58 =	vmul.f32 v25, v52  }
0x167: {  	v37 =	vld [tilespmem:s9+$0x0];
	v59 =	vmul.f32 v28, v50;
	v34 =	vadd.f32 v29, v34;
	v36 =	vadd.f32 v57, v36  }
0x168: {  	v22 =	vld [tilespmem:s28+$0x40];
	v24 =	vmul.f32 v24, v51;
	v38 =	vadd.f32 v42, v38;
	v61 =	vadd.f32 v33, v32  }
0x169: {  	v23 =	vld [tilespmem:s28+$0x50];
	v60 =	vmul.f32 v53, v44;
	v34 =	vadd.f32 v58, v34;
	v36 =	vadd.f32 v59, v36  }
0x16a: {  	v26 =	vld [tilespmem:s9+$0x60];
	v38 =	vadd.f32 v61, v38  }
0x16b: {  	s8 =	simm.s32 $0x2;
	v31 =	vld [tilespmem:s9+$0x40];
	v63 =	vadd.f32 v24, v34;
	v36 =	vadd.f32 v60, v36  }
0x16c: {  	v35 =	vld [tilespmem:s9+$0x20];
	v29 =	vmov s8;
	(xrf2) =	vadd.scan.msk.f32 $0xffff, v38  }
0x16d: {  	v30 =	vld [tilespmem:s9+$0x50];
	v40 =	vperm.xlane v17, v29;
	v36 =	vadd.f32 v36, v63  }
0x16e: {  	v28 =	vld [tilespmem:s28+$0x20]  }
0x16f: {  	v25 =	vld [tilespmem:s28+$0x30];
	v62 =	vadd.s32 v10, v40;
	(xrf2) =	vadd.scan.msk.f32 $0xffff, v36  }
0x170: {  	v32 =	vld [tilespmem:s9+$0x30];
	v44 =	vadd.s32 v11, v40  }
0x171: {  	v33 =	vld [tilespmem:s28+$0x0];
	v41 =	vadd.s32 v8, v40  }
0x172: {  	v38 =	vld [tilespmem:s9+$0x10];
	v42 =	vadd.s32 v9, v40  }
0x173: {  	s9 =	simm.s32 $0x3;
	v45 =	vadd.s32 v6, v40;
	v34 =	vld [tilespmem:s28+$0x10]  }
0x174: {  	s6 =	simm.s32 $0x4;
	v43 =	vadd.s32 v4, v40;
	v24 =	vimm.f32 $0.0e+00;
	v39 =	vld.idx.msk [tilespmem:v62+s3+$0x0], $0xffff;
	v36 =	vmov s9  }
.LBB2_12:
0x175: {  	p0 =	sne.s32 s6, $0xE;
	v46 =	vadd.s32 v5, v40;
	v44 =	vld.idx.msk [tilespmem:v44+s3+$0x0], $0xffff;
	v47 =	vperm.xlane v17, v36  }
0x176: {  	v40 =	vadd.s32 v7, v40;
	v41 =	vld.idx.msk [tilespmem:v41+s3+$0x0], $0xffff;
	v48, _, _ =	vpop (xrf2)  }
0x177: {  	v42 =	vld.idx.msk [tilespmem:v42+s3+$0x0], $0xffff;
	v49 =	vadd.s32 v4, v47  }
0x178: {  	v50 =	vadd.s32 v5, v47;
	v45 =	vld.idx.msk [tilespmem:v45+s3+$0x0], $0xffff  }
0x179: {  	v51 =	vadd.s32 v6, v47;
	v48 =	vbroadcast v48, $0xF;
	v43 =	vld.idx.msk [tilespmem:v43+s3+$0x0], $0xffff;
	v52, _, _ =	vpop (xrf2)  }
0x17a: {  	vm0 =	veq.s32 v19, v4;
	v19 =	vmovc v29;
	v53 =	vadd.s32 v7, v47;
	v46 =	vld.idx.msk [tilespmem:v46+s3+$0x0], $0xffff;
	v52 =	vbroadcast v52, $0xF  }
0x17b: {  	v24 =	vsel vm0, v48, v24;
	vm0 =	veq.s32 v20, v4;
	v29 =	vld.idx.msk [tilespmem:v40+s3+$0x0], $0xffff;
	v40 =	vadd.s32 v8, v47  }
0x17c: {  	v20 =	vmov v36;
	v48 =	vld.idx.msk [tilespmem:v49+s3+$0x0], $0xffff;
	v49 =	vadd.s32 v9, v47;
	v24 =	vsel vm0, v52, v24  }
0x17d: {  	v36 =	vld.idx.msk [tilespmem:v50+s3+$0x0], $0xffff;
	v50 =	vadd.s32 v10, v47  }
0x17e: {  	v39 =	vmul.f32 v26, v39;
	v47 =	vadd.s32 v11, v47;
	v26 =	vld.idx.msk [tilespmem:v51+s3+$0x0], $0xffff  }
0x17f: {  	v31 =	vmul.f32 v31, v41;
	v41 =	vmul.f32 v27, v44;
	v27 =	vld.idx.msk [tilespmem:v53+s3+$0x0], $0xffff  }
0x180: {  	v37 =	vmul.f32 v37, v43;
	v38 =	vmul.f32 v38, v46;
	v40 =	vld.idx.msk [tilespmem:v40+s3+$0x0], $0xffff  }
0x181: {  	s17 =	sadd.s32 $0x100, s17;
	s29 =	sadd.s32 $0x200, s29;
	v30 =	vmul.f32 v30, v42;
	v35 =	vmul.f32 v35, v45;
	v42 =	vld.idx.msk [tilespmem:v49+s3+$0x0], $0xffff  }
0x182: {  	s7 =	sand.u32 $0xFFFFF800, s29;
	s8 =	sadd.s32 $0x80, s17;
	v37 =	vadd.f32 $0.0e+00, v37;
	v29 =	vmul.f32 v32, v29;
	v38 =	vadd.f32 $0.0e+00, v38;
	v32 =	vld.idx.msk [tilespmem:v50+s3+$0x0], $0xffff  }
0x183: {  	s7 =	sadd.s32 $0x14000, s7;
	s8 =	sand.u32 $0x380, s8;
	v33 =	vmul.f32 v33, v48;
	v34 =	vmul.f32 v34, v36;
	v36 =	vld.idx.msk [tilespmem:v47+s3+$0x0], $0xffff  }
0x184: {  	s9 =	sand.u32 $0x300, s17;
	v35 =	vadd.f32 v35, v37;
	v29 =	vadd.f32 v29, v38;
	v28 =	vmul.f32 v28, v26;
	v37 =	vld [tilespmem:s28+$0x70];
	s28 =	sor.u32 s8, s7  }
0x185: {  	v33 =	vadd.f32 $0.0e+00, v33;
	s7 =	sor.u32 s9, s7;
	v34 =	vadd.f32 $0.0e+00, v34;
	v25 =	vmul.f32 v25, v27;
	v38 =	vld [tilespmem:s28+$0x60]  }
0x186: {  	v31 =	vadd.f32 v31, v35;
	v29 =	vadd.f32 v30, v29;
	v30 =	vmul.f32 v22, v40;
	v26 =	vld [tilespmem:s7+$0x60]  }
0x187: {  	v28 =	vadd.f32 v28, v33;
	v25 =	vadd.f32 v25, v34;
	v33 =	vmul.f32 v23, v42;
	v27 =	vld [tilespmem:s7+$0x70]  }
0x188: {  	v34 =	vadd.f32 v39, v31;
	v29 =	vadd.f32 v41, v29;
	v32 =	vmul.f32 v21, v32;
	v22 =	vld [tilespmem:s28+$0x40]  }
0x189: {  	v28 =	vadd.f32 v30, v28;
	v25 =	vadd.f32 v33, v25;
	v23 =	vld [tilespmem:s28+$0x50];
	v33 =	vmul.f32 v37, v36  }
0x18a: {  	v34 =	vadd.f32 v29, v34;
	v31 =	vld [tilespmem:s7+$0x40];
	v21 =	vmov v38  }
0x18b: {  	v32 =	vadd.f32 v32, v28;
	v30 =	vld [tilespmem:s7+$0x50];
	v33 =	vadd.f32 v33, v25  }
0x18c: {  	v29 =	vmov s6;
	v28 =	vld [tilespmem:s28+$0x20];
	(xrf2) =	vadd.scan.msk.f32 $0xffff, v34  }
0x18d: {  	v40 =	vperm.xlane v17, v29;
	v25 =	vld [tilespmem:s28+$0x30];
	v33 =	vadd.f32 v33, v32  }
0x18e: {  	v35 =	vld [tilespmem:s7+$0x20]  }
0x18f: {  	v36 =	vadd.s32 v10, v40;
	v32 =	vld [tilespmem:s7+$0x30];
	(xrf2) =	vadd.scan.msk.f32 $0xffff, v33  }
.Ltmp8:
0x190: {  	v44 =	vadd.s32 v11, v40;
	v33 =	vld [tilespmem:s28+$0x0];
	(pc) =	sbr.rel @p0 .LBB2_12-.Ltmp8, $4  }
0x191: {  	v41 =	vadd.s32 v8, v40;
	v34 =	vld [tilespmem:s28+$0x10]  }
0x192: {  	v42 =	vadd.s32 v9, v40;
	v37 =	vld [tilespmem:s7+$0x0]  }
0x193: {  	v45 =	vadd.s32 v6, v40;
	v38 =	vld [tilespmem:s7+$0x10];
	s7 =	sadd.s32 $0x1, s6  }
0x194: {  	v43 =	vadd.s32 v4, v40;
	s6 =	sadd.s32 $0x2, s6;
	v39 =	vld.idx.msk [tilespmem:v36+s3+$0x0], $0xffff;
	v36 =	vmov s7  }
0x195: {  	_ =	sdelay $0x3  }
0x196: {  	v44 =	vld.idx.msk [tilespmem:v44+s3+$0x0], $0xffff  }
0x197: {  	v46 =	vadd.s32 v5, v40;
	v47 =	vperm.xlane v17, v36;
	v41 =	vld.idx.msk [tilespmem:v41+s3+$0x0], $0xffff  }
0x198: {  	v57 =	vadd.s32 v7, v40;
	v42 =	vld.idx.msk [tilespmem:v42+s3+$0x0], $0xffff  }
0x199: {  	v45 =	vld.idx.msk [tilespmem:v45+s3+$0x0], $0xffff;
	v48 =	vadd.s32 v4, v47  }
0x19a: {  	v43 =	vld.idx.msk [tilespmem:v43+s3+$0x0], $0xffff;
	v49 =	vadd.s32 v5, v47  }
0x19b: {  	v63 =	vld [tilespmem:s28+$0x70];
	v50 =	vadd.s32 v6, v47  }
0x19c: {  	v51 =	vadd.s32 v7, v47;
	v46 =	vld.idx.msk [tilespmem:v46+s3+$0x0], $0xffff  }
0x19d: {  	v52 =	vadd.s32 v8, v47;
	v40 =	vld.idx.msk [tilespmem:v57+s3+$0x0], $0xffff  }
0x19e: {  	v53 =	vadd.s32 v9, v47;
	v48 =	vld.idx.msk [tilespmem:v48+s3+$0x0], $0xffff  }
0x19f: {  	v54 =	vadd.s32 v10, v47;
	v49 =	vld.idx.msk [tilespmem:v49+s3+$0x0], $0xffff  }
0x1a0: {  	v47 =	vadd.s32 v11, v47;
	v26 =	vmul.f32 v26, v39;
	v50 =	vld.idx.msk [tilespmem:v50+s3+$0x0], $0xffff  }
0x1a1: {  	v31 =	vmul.f32 v31, v41;
	v27 =	vmul.f32 v27, v44;
	v58 =	vld.idx.msk [tilespmem:v51+s3+$0x0], $0xffff  }
0x1a2: {  	v37 =	vmul.f32 v37, v43;
	v35 =	vmul.f32 v35, v45;
	v59 =	vld.idx.msk [tilespmem:v52+s3+$0x0], $0xffff  }
0x1a3: {  	v30 =	vmul.f32 v30, v42;
	v60 =	vld.idx.msk [tilespmem:v53+s3+$0x0], $0xffff;
	v38 =	vmul.f32 v38, v46  }
0x1a4: {  	v61 =	vld.idx.msk [tilespmem:v54+s3+$0x0], $0xffff;
	v37 =	vadd.f32 $0.0e+00, v37;
	v33 =	vmul.f32 v33, v48;
	v34 =	vmul.f32 v34, v49  }
0x1a5: {  	v62 =	vld.idx.msk [tilespmem:v47+s3+$0x0], $0xffff;
	v32 =	vmul.f32 v32, v40;
	v38 =	vadd.f32 $0.0e+00, v38;
	v28 =	vmul.f32 v28, v50  }
0x1a6: {  	v25 =	vmul.f32 v25, v58;
	v33 =	vadd.f32 $0.0e+00, v33;
	v34 =	vadd.f32 $0.0e+00, v34  }
0x1a7: {  	v35 =	vadd.f32 v35, v37;
	v22 =	vmul.f32 v22, v59;
	v32 =	vadd.f32 v32, v38  }
0x1a8: {  	v23 =	vmul.f32 v23, v60;
	v28 =	vadd.f32 v28, v33;
	v25 =	vadd.f32 v25, v34  }
0x1a9: {  	v31 =	vadd.f32 v31, v35;
	v21 =	vmul.f32 v21, v61;
	v30 =	vadd.f32 v30, v32  }
0x1aa: {  	v22 =	vadd.f32 v22, v28;
	v23 =	vadd.f32 v23, v25;
	v25 =	vmul.f32 v63, v62  }
0x1ab: {  	v26 =	vadd.f32 v26, v31;
	v27 =	vadd.f32 v27, v30  }
0x1ac: {  	v21 =	vadd.f32 v21, v22;
	v22 =	vadd.f32 v25, v23  }
0x1ad: {  	v23 =	vadd.f32 v27, v26  }
0x1ae: {  	v21 =	vadd.f32 v22, v21  }
0x1af: {  	(xrf2) =	vadd.scan.msk.f32 $0xffff, v23  }
0x1b0: {  	(xrf2) =	vadd.scan.msk.f32 $0xffff, v21;
	_ =	sdelay $0x6  }
0x1b1: {  	v21, _, _ =	vpop (xrf2)  }
0x1b2: {  	v22, _, _ =	vpop (xrf2);
	v21 =	vbroadcast v21, $0xF  }
0x1b3: {  	vm0 =	veq.s32 v19, v4;
	v19 =	vbroadcast v22, $0xF;
	v22, _, _ =	vpop (xrf2)  }
0x1b4: {  	v21 =	vsel vm0, v21, v24;
	vm0 =	veq.s32 v20, v4;
	v20 =	vbroadcast v22, $0xF;
	v22, _, _ =	vpop (xrf2)  }
0x1b5: {  	v19 =	vsel vm0, v19, v21;
	vm0 =	veq.s32 v29, v4;
	v21 =	vbroadcast v22, $0xF  }
0x1b6: {  	v19 =	vsel vm0, v20, v19;
	vm0 =	veq.s32 v36, v4  }
0x1b7: {  	v19 =	vsel vm0, v21, v19  }
0x1b8: {  	v19 =	vmul.f32 $1.442695020e+00, v19;
	_ =	sdelay $0x1  }
0x1b9: {  	(erf) = vpow2.f32 v19;
	_ =	sdelay $0x8  }
0x1ba: {  	p0 =	slt.u32 s26, $0x50;
	v19 =	vpop (erf)  }
0x1bb: {  	v19 =	vpsel !p0, $0x0, v19  }
0x1bc: {  	[tilespmem:v18+s1+$0x0] =	vst.idx.add.f32.msk $0x1, v19  }
0x1bd: {  	[tilespmem:v18+s1+$0x0] =	vst.idx.add.f32.msk vm1, v19  }
0x1be: {  	[tilespmem:v18+s1+$0x0] =	vst.idx.add.f32.msk vm2, v19  }
0x1bf: {  	[tilespmem:v18+s1+$0x0] =	vst.idx.add.f32.msk vm3, v19  }
0x1c0: {  	[tilespmem:v18+s1+$0x0] =	vst.idx.add.f32.msk vm4, v19  }
0x1c1: {  	[tilespmem:v18+s1+$0x0] =	vst.idx.add.f32.msk vm5, v19  }
0x1c2: {  	[tilespmem:v18+s1+$0x0] =	vst.idx.add.f32.msk vm6, v19  }
0x1c3: {  	[tilespmem:v18+s1+$0x0] =	vst.idx.add.f32.msk vm7, v19  }
0x1c4: {  	[tilespmem:v18+s1+$0x0] =	vst.idx.add.f32.msk vm8, v19  }
0x1c5: {  	[tilespmem:v18+s1+$0x0] =	vst.idx.add.f32.msk vm9, v19  }
0x1c6: {  	[tilespmem:v18+s1+$0x0] =	vst.idx.add.f32.msk vm10, v19  }
0x1c7: {  	[tilespmem:v18+s1+$0x0] =	vst.idx.add.f32.msk vm11, v19  }
0x1c8: {  	[tilespmem:v18+s1+$0x0] =	vst.idx.add.f32.msk vm12, v19  }
0x1c9: {  	s17 =	simm.s32 $0x0;
	[tilespmem:v18+s1+$0x0] =	vst.idx.add.f32.msk vm13, v19  }
0x1ca: {  	s6 =	sand.u32 $0x300, s17;
	[tilespmem:v18+s1+$0x0] =	vst.idx.add.f32.msk vm14, v19  }
0x1cb: {  	s6 =	sor.u32 s6, s25;
	[tilespmem:v18+s1+$0x0] =	vst.idx.add.f32.msk vm15, v19  }
0x1cc: {  	v18 =	vld [tilespmem:s6+$0x470]  }
0x1cd: {  	v20 =	vld [tilespmem:s6+$0x460]  }
0x1ce: {  	v21 =	vld [tilespmem:s6+$0x450]  }
0x1cf: {  	s7 =	simm.s32 $0x80;
	v22 =	vld [tilespmem:s6+$0x440]  }
0x1d0: {  	s7 =	sand.u32 $0x380, s7;
	v23 =	vld [tilespmem:s6+$0x420]  }
0x1d1: {  	s7 =	sor.u32 s7, s25;
	v24 =	vld [tilespmem:s6+$0x410]  }
0x1d2: {  	v25 =	vld [tilespmem:s7+$0x470]  }
0x1d3: {  	v26 =	vld [tilespmem:s6+$0x400]  }
0x1d4: {  	v27 =	vmov s17;
	v44 =	vld [tilespmem:s6+$0x430]  }
0x1d5: {  	v45 =	vperm.xlane v17, v27;
	v46 =	vld [tilespmem:s7+$0x460]  }
0x1d6: {  	v47 =	vld [tilespmem:s7+$0x450]  }
0x1d7: {  	s29 =	simm.s32 $0x1;
	v48 =	vadd.s32 v4, v45;
	v49 =	vld [tilespmem:s7+$0x430]  }
0x1d8: {  	v59 =	vmov s29;
	v50 =	vadd.s32 v5, v45;
	v27 =	vperm.xlane v19, v27;
	v51 =	vld [tilespmem:s7+$0x440]  }
0x1d9: {  	v60 =	vperm.xlane v17, v59;
	v52 =	vadd.s32 v6, v45;
	v53 =	vld [tilespmem:s7+$0x420]  }
0x1da: {  	v54 =	vadd.s32 v7, v45;
	v55 =	vld [tilespmem:s7+$0x410];
	v26 =	vmul.f32 v26, v27  }
0x1db: {  	v62 =	vadd.s32 v5, v60;
	v56 =	vadd.s32 v8, v45;
	v57 =	vld [tilespmem:s7+$0x400];
	v24 =	vmul.f32 v24, v27  }
0x1dc: {  	v58 =	vadd.s32 v9, v45;
	v23 =	vmul.f32 v23, v27;
	[tilespmem:v48+s0+$0x0] =	vst.idx.add.f32.msk $0xffff, v26  }
0x1dd: {  	v28 =	vmul.f32 v44, v27;
	v26 =	vadd.s32 v10, v45;
	[tilespmem:v50+s0+$0x0] =	vst.idx.add.f32.msk $0xffff, v24  }
0x1de: {  	v22 =	vmul.f32 v22, v27;
	v24 =	vadd.s32 v11, v45;
	[tilespmem:v52+s0+$0x0] =	vst.idx.add.f32.msk $0xffff, v23  }
0x1df: {  	v21 =	vmul.f32 v21, v27;
	v23 =	vadd.s32 v4, v60;
	[tilespmem:v54+s0+$0x0] =	vst.idx.add.f32.msk $0xffff, v28  }
0x1e0: {  	v61 =	vperm.xlane v19, v59;
	v20 =	vmul.f32 v20, v27;
	[tilespmem:v56+s0+$0x0] =	vst.idx.add.f32.msk $0xffff, v22  }
0x1e1: {  	v18 =	vmul.f32 v18, v27;
	v27 =	vadd.s32 v6, v60;
	[tilespmem:v58+s0+$0x0] =	vst.idx.add.f32.msk $0xffff, v21  }
0x1e2: {  	v63 =	vadd.s32 v7, v60;
	v21 =	vmul.f32 v57, v61;
	[tilespmem:v26+s0+$0x0] =	vst.idx.add.f32.msk $0xffff, v20  }
0x1e3: {  	v20 =	vmul.f32 v55, v61;
	v26 =	vadd.s32 v8, v60;
	[tilespmem:v24+s0+$0x0] =	vst.idx.add.f32.msk $0xffff, v18  }
0x1e4: {  	v22 =	vadd.s32 v9, v60;
	v24 =	vmul.f32 v53, v61;
	[tilespmem:v23+s0+$0x0] =	vst.idx.add.f32.msk $0xffff, v21  }
0x1e5: {  	v18 =	vmul.f32 v25, v61;
	v23 =	vmul.f32 v49, v61;
	[tilespmem:v62+s0+$0x0] =	vst.idx.add.f32.msk $0xffff, v20  }
0x1e6: {  	v25 =	vmul.f32 v51, v61;
	v20 =	vadd.s32 v10, v60;
	[tilespmem:v27+s0+$0x0] =	vst.idx.add.f32.msk $0xffff, v24  }
0x1e7: {  	v21 =	vadd.s32 v11, v60;
	[tilespmem:v63+s0+$0x0] =	vst.idx.add.f32.msk $0xffff, v23  }
0x1e8: {  	s7 =	simm.s32 $0x2;
	s6 =	sadd.s32 $0x200, s19;
	v24 =	vmul.f32 v47, v61;
	v23 =	vmul.f32 v46, v61;
	[tilespmem:v26+s0+$0x0] =	vst.idx.add.f32.msk $0xffff, v25  }
.LBB2_14:
0x1e9: {  	s8 =	sand.u32 $0xFFFFF800, s6  }
0x1ea: {  	v25 =	vmov s7;
	[tilespmem:v22+s0+$0x0] =	vst.idx.add.f32.msk $0xffff, v24;
	s17 =	sadd.s32 $0x100, s17;
	s9 =	smov.u32 s7;
	s25 =	sadd.s32 $0x2, s7  }
0x1eb: {  	p0 =	sne.s32 s7, $0xE;
	v22 =	vperm.xlane v17, v25;
	s26 =	sand.u32 $0x300, s17;
	s8 =	sadd.s32 $0x14000, s8;
	[tilespmem:v20+s0+$0x0] =	vst.idx.add.f32.msk $0xffff, v23  }
0x1ec: {  	s7 =	sor.u32 s26, s8;
	[tilespmem:v21+s0+$0x0] =	vst.idx.add.f32.msk $0xffff, v18  }
0x1ed: {  	s26 =	sadd.s32 $0x80, s17;
	v18 =	vld [tilespmem:s7+$0x470]  }
0x1ee: {  	s26 =	sand.u32 $0x380, s26;
	v20 =	vld [tilespmem:s7+$0x460]  }
0x1ef: {  	s8 =	sor.u32 s26, s8;
	v21 =	vld [tilespmem:s7+$0x450]  }
0x1f0: {  	v23 =	vld [tilespmem:s7+$0x440]  }
0x1f1: {  	v24 =	vld [tilespmem:s7+$0x420]  }
0x1f2: {  	v26 =	vld [tilespmem:s7+$0x410]  }
0x1f3: {  	v27 =	vld [tilespmem:s8+$0x470]  }
0x1f4: {  	v28 =	vld [tilespmem:s7+$0x400]  }
0x1f5: {  	v25 =	vperm.xlane v19, v25;
	v29 =	vld [tilespmem:s7+$0x430]  }
0x1f6: {  	v30 =	vld [tilespmem:s8+$0x460]  }
0x1f7: {  	v31 =	vadd.s32 v4, v22;
	v21 =	vmul.f32 v21, v25;
	v26 =	vmul.f32 v26, v25;
	v32 =	vld [tilespmem:s8+$0x450]  }
0x1f8: {  	v33 =	vadd.s32 v5, v22;
	v34 =	vmul.f32 v18, v25;
	v24 =	vmul.f32 v24, v25;
	v35 =	vld [tilespmem:s8+$0x430]  }
0x1f9: {  	v20 =	vmul.f32 v20, v25;
	v18 =	vmul.f32 v28, v25;
	v28 =	vadd.s32 v6, v22;
	v36 =	vld [tilespmem:s8+$0x440]  }
0x1fa: {  	v37 =	vadd.s32 v7, v22;
	v29 =	vmul.f32 v29, v25;
	v38 =	vld [tilespmem:s8+$0x420]  }
0x1fb: {  	v39 =	vadd.s32 v8, v22;
	s7 =	sadd.s32 $0x1, s9;
	v40 =	vld [tilespmem:s8+$0x410]  }
0x1fc: {  	v41 =	vadd.s32 v9, v22;
	v42 =	vadd.s32 v11, v22;
	v43 =	vmov s7;
	v44 =	vld [tilespmem:s8+$0x400]  }
0x1fd: {  	v45 =	vperm.xlane v17, v43;
	v22 =	vadd.s32 v10, v22;
	[tilespmem:v31+s0+$0x0] =	vst.idx.add.f32.msk $0xffff, v18  }
0x1fe: {  	v23 =	vmul.f32 v23, v25;
	v25 =	vperm.xlane v19, v43;
	[tilespmem:v33+s0+$0x0] =	vst.idx.add.f32.msk $0xffff, v26  }
0x1ff: {  	v26 =	vadd.s32 v4, v45;
	[tilespmem:v28+s0+$0x0] =	vst.idx.add.f32.msk $0xffff, v24  }
0x200: {  	v28 =	vadd.s32 v5, v45;
	v24 =	vmul.f32 v40, v25;
	[tilespmem:v37+s0+$0x0] =	vst.idx.add.f32.msk $0xffff, v29  }
0x201: {  	v18 =	vmul.f32 v27, v25;
	v29 =	vadd.s32 v6, v45;
	[tilespmem:v39+s0+$0x0] =	vst.idx.add.f32.msk $0xffff, v23  }
0x202: {  	v27 =	vadd.s32 v7, v45;
	v23 =	vmul.f32 v44, v25;
	[tilespmem:v41+s0+$0x0] =	vst.idx.add.f32.msk $0xffff, v21  }
0x203: {  	v33 =	vadd.s32 v8, v45;
	v31 =	vmul.f32 v38, v25;
	[tilespmem:v22+s0+$0x0] =	vst.idx.add.f32.msk $0xffff, v20  }
0x204: {  	v22 =	vadd.s32 v9, v45;
	[tilespmem:v42+s0+$0x0] =	vst.idx.add.f32.msk $0xffff, v34  }
.Ltmp9:
0x205: {  	v20 =	vadd.s32 v10, v45;
	v34 =	vmul.f32 v35, v25;
	[tilespmem:v26+s0+$0x0] =	vst.idx.add.f32.msk $0xffff, v23;
	(pc) =	sbr.rel @p0 .LBB2_14-.Ltmp9, $4  }
0x206: {  	v21 =	vadd.s32 v11, v45;
	v26 =	vmul.f32 v36, v25;
	[tilespmem:v28+s0+$0x0] =	vst.idx.add.f32.msk $0xffff, v24  }
0x207: {  	v24 =	vmul.f32 v32, v25;
	[tilespmem:v29+s0+$0x0] =	vst.idx.add.f32.msk $0xffff, v31  }
0x208: {  	v23 =	vmul.f32 v30, v25;
	[tilespmem:v27+s0+$0x0] =	vst.idx.add.f32.msk $0xffff, v34  }
0x209: {  	s6 =	sadd.s32 $0x200, s6;
	s7 =	smov.u32 s25;
	[tilespmem:v33+s0+$0x0] =	vst.idx.add.f32.msk $0xffff, v26  }
0x20a: {  	s24 =	sadd.s32 $0x1, s24  }
0x20b: {  	p0 =	sne.s32 s24, $0x5  }
.Ltmp10:
0x20c: {  	_ = 	snop;
	(pc) =	sbr.rel @p0 .LBB2_11-.Ltmp10, $4  }
0x20d: {  	_ = 	snop  }
0x20e: {  	[tilespmem:v22+s0+$0x0] =	vst.idx.add.f32.msk $0xffff, v24  }
0x20f: {  	[tilespmem:v20+s0+$0x0] =	vst.idx.add.f32.msk $0xffff, v23  }
0x210: {  	s19 =	sadd.s32 $0x1000, s19;
	[tilespmem:v21+s0+$0x0] =	vst.idx.add.f32.msk $0xffff, v18  }
.Ltmp11:
0x211: {  	(pc) =	sbr.rel .LBB2_17-.Ltmp11, $2  }
0x212: {  	_ =	sdelay $0x2  }
0x213: {  	s18 =	sxor.u32 $0x1, s18;
	s19 =	simm.s32 $0x1  }
.LBB2_9:
0x214: {  	vm1 =	vmmov vm3;
	vm2 =	vmmov vm4;
	vm3 =	vmmov vm5  }
0x215: {  	vm4 =	vmmov vm6;
	vm5 =	vmmov vm7;
	vm6 =	vmmov vm8  }
0x216: {  	vm7 =	vmmov vm9;
	vm8 =	vmmov vm10;
	vm9 =	vmmov vm11  }
0x217: {  	vm10 =	vmmov vm12;
	vm11 =	vmmov vm13;
	vm12 =	vmmov vm14  }
0x218: {  	vm13 =	vcmask $0x3734;
	vm14 =	vcmask $0x3B38;
	vm15 =	vcmask $0x3F3C  }
.LBB2_17:
0x219: {  	p0 =	slt.u32 s22, $0x80000050  }
.Ltmp12:
0x21a: {  	_ = 	snop;
	(pc) =	sbr.rel @p0 .LBB2_19-.Ltmp12, $1  }
0x21b: {  	_ =	sdelay $0x3  }
0x21c: {  	v16 =	vld [tilespmem:$0x1F400];
	_ =	sdelay $0x3  }
0x21d: {  	s6 =	sshll.u32 s20, $0x7  }
0x21e: {  	[tilespmem:s6+$0x1F800] =	vst v16  }
0x21f: {  	v16 =	vld [tilespmem:$0x1F600];
	_ =	sdelay $0x4  }
0x220: {  	[tilespmem:s6+$0x1F900] =	vst v16  }
0x221: {  	v16 =	vld [tilespmem:$0x1F410];
	_ =	sdelay $0x4  }
0x222: {  	[tilespmem:s6+$0x1F810] =	vst v16  }
0x223: {  	v16 =	vld [tilespmem:$0x1F610];
	_ =	sdelay $0x4  }
0x224: {  	[tilespmem:s6+$0x1F910] =	vst v16  }
0x225: {  	v16 =	vld [tilespmem:$0x1F420];
	_ =	sdelay $0x4  }
0x226: {  	[tilespmem:s6+$0x1F820] =	vst v16  }
0x227: {  	v16 =	vld [tilespmem:$0x1F620];
	_ =	sdelay $0x4  }
0x228: {  	[tilespmem:s6+$0x1F920] =	vst v16  }
0x229: {  	v16 =	vld [tilespmem:$0x1F430];
	_ =	sdelay $0x4  }
0x22a: {  	[tilespmem:s6+$0x1F830] =	vst v16  }
0x22b: {  	v16 =	vld [tilespmem:$0x1F630];
	_ =	sdelay $0x2  }
0x22c: {  	v17 =	vld [tilespmem:s6+$0x1F900];
	_ =	sdelay $0x1  }
0x22d: {  	[tilespmem:s6+$0x1F930] =	vst v16  }
0x22e: {  	v16 =	vld [tilespmem:$0x1F440];
	_ =	sdelay $0x1  }
0x22f: {  	v18 =	vshll.u32 v17, $0x1  }
0x230: {  	v17 =	vand.u32 $0x7, v17;
	v18 =	vand.u32 $0xFFFFFFF0, v18  }
0x231: {  	v17 =	vor.u32 v17, v18  }
0x232: {  	v43 =	vld [tilespmem:$0x1FFF0];
	[tilespmem:s6+$0x1F840] =	vst v16;
	v16 =	vperm.xlane v17, v12  }
0x233: {  	v42 =	vld [tilespmem:$0x1F640]  }
0x234: {  	v17 =	vperm.xlane v17, v14;
	v16 =	vadd.s32 v13, v16  }
0x235: {  	s7 =	smul.u32 $0x14000, s20  }
0x236: {  	v17 =	vadd.s32 v13, v17  }
0x237: {  	s7 =	sshra.s32 s7, $0x2  }
0x238: {  	s8 =	sadd.s32 $0x5, s20;
	s9 =	sadd.s32 $0x14000, s7;
	vm0 =	vnez.u8 v43;
	[tilespmem:s6+$0x1F940] =	vst v42  }
0x239: {  	[tilespmem:s9], [sflag:s8] =	stream.indirect_vreg.gather [hbm4b:s4+s3], $0x80, v16, vm0, $0xb8;
	[tilespmem:$0x1FB80] =	vst v63  }
0x23a: {  	s29 =	sadd.s32 $0x14800, s7  }
0x23b: {  	[tilespmem:s29], [sflag:s8] =	stream.indirect_vreg.gather [hbm4b:s4+s3], $0x80, v17, vm0, $0xb8;
	[tilespmem:$0x1FB80] =	vst v63  }
0x23c: {  	v16 =	vld [tilespmem:s6+$0x1F910];
	_ =	sdelay $0x4  }
0x23d: {  	v17 =	vshll.u32 v16, $0x1  }
0x23e: {  	v16 =	vand.u32 $0x7, v16;
	v17 =	vand.u32 $0xFFFFFFF0, v17  }
0x23f: {  	v16 =	vor.u32 v16, v17  }
0x240: {  	v17 =	vperm.xlane v16, v12;
	_ =	sdelay $0x1  }
0x241: {  	v16 =	vperm.xlane v16, v14;
	v17 =	vadd.s32 v13, v17;
	_ =	sdelay $0x1  }
0x242: {  	v16 =	vadd.s32 v13, v16;
	_ =	sdelay $0x1  }
0x243: {  	s17 =	sadd.s32 $0x15000, s7  }
0x244: {  	[tilespmem:s17], [sflag:s8] =	stream.indirect_vreg.gather [hbm4b:s4+s3], $0x80, v17, vm0, $0xb8;
	[tilespmem:$0x1FB80] =	vst v63  }
0x245: {  	s22 =	sadd.s32 $0x15800, s7  }
0x246: {  	[tilespmem:s22], [sflag:s8] =	stream.indirect_vreg.gather [hbm4b:s4+s3], $0x80, v16, vm0, $0xb8;
	[tilespmem:$0x1FB80] =	vst v63  }
0x247: {  	v16 =	vld [tilespmem:s6+$0x1F920];
	_ =	sdelay $0x4  }
0x248: {  	v17 =	vshll.u32 v16, $0x1  }
0x249: {  	v16 =	vand.u32 $0x7, v16;
	v17 =	vand.u32 $0xFFFFFFF0, v17  }
0x24a: {  	v16 =	vor.u32 v16, v17  }
0x24b: {  	v17 =	vperm.xlane v16, v12;
	_ =	sdelay $0x1  }
0x24c: {  	v16 =	vperm.xlane v16, v14;
	v17 =	vadd.s32 v13, v17;
	_ =	sdelay $0x1  }
0x24d: {  	v16 =	vadd.s32 v13, v16;
	_ =	sdelay $0x1  }
0x24e: {  	s23 =	sadd.s32 $0x16000, s7  }
0x24f: {  	[tilespmem:s23], [sflag:s8] =	stream.indirect_vreg.gather [hbm4b:s4+s3], $0x80, v17, vm0, $0xb8;
	[tilespmem:$0x1FB80] =	vst v63  }
0x250: {  	s24 =	sadd.s32 $0x16800, s7  }
0x251: {  	[tilespmem:s24], [sflag:s8] =	stream.indirect_vreg.gather [hbm4b:s4+s3], $0x80, v16, vm0, $0xb8;
	[tilespmem:$0x1FB80] =	vst v63  }
0x252: {  	v16 =	vld [tilespmem:s6+$0x1F930];
	_ =	sdelay $0x4  }
0x253: {  	v17 =	vshll.u32 v16, $0x1  }
0x254: {  	v16 =	vand.u32 $0x7, v16;
	v17 =	vand.u32 $0xFFFFFFF0, v17  }
0x255: {  	v16 =	vor.u32 v16, v17  }
0x256: {  	v17 =	vperm.xlane v16, v12;
	_ =	sdelay $0x1  }
0x257: {  	v16 =	vperm.xlane v16, v14;
	v17 =	vadd.s32 v13, v17;
	_ =	sdelay $0x1  }
0x258: {  	v16 =	vadd.s32 v13, v16;
	_ =	sdelay $0x1  }
0x259: {  	s25 =	sadd.s32 $0x17000, s7  }
0x25a: {  	[tilespmem:s25], [sflag:s8] =	stream.indirect_vreg.gather [hbm4b:s4+s3], $0x80, v17, vm0, $0xb8;
	[tilespmem:$0x1FB80] =	vst v63  }
0x25b: {  	s26 =	sadd.s32 $0x17800, s7  }
0x25c: {  	[tilespmem:s26], [sflag:s8] =	stream.indirect_vreg.gather [hbm4b:s4+s3], $0x80, v16, vm0, $0xb8;
	[tilespmem:$0x1FB80] =	vst v63  }
0x25d: {  	v16 =	vld [tilespmem:s6+$0x1F940];
	_ =	sdelay $0x4  }
0x25e: {  	v17 =	vshll.u32 v16, $0x1  }
0x25f: {  	v16 =	vand.u32 $0x7, v16;
	v17 =	vand.u32 $0xFFFFFFF0, v17  }
0x260: {  	v16 =	vor.u32 v16, v17  }
0x261: {  	v17 =	vperm.xlane v16, v12;
	_ =	sdelay $0x1  }
0x262: {  	v16 =	vperm.xlane v16, v14;
	v17 =	vadd.s32 v13, v17;
	_ =	sdelay $0x1  }
0x263: {  	v16 =	vadd.s32 v13, v16;
	_ =	sdelay $0x1  }
0x264: {  	s28 =	sadd.s32 $0x18000, s7  }
0x265: {  	[tilespmem:s28], [sflag:s8] =	stream.indirect_vreg.gather [hbm4b:s4+s3], $0x80, v17, vm0, $0xb8;
	[tilespmem:$0x1FB80] =	vst v63  }
0x266: {  	s29 =	sadd.s32 $0x18800, s7  }
0x267: {  	[tilespmem:s29], [sflag:s8] =	stream.indirect_vreg.gather [hbm4b:s4+s3], $0x80, v16, vm0, $0xb8;
	[tilespmem:$0x1FB80] =	vst v63  }
0x268: {  	v16 =	vld [tilespmem:$0x1F450]  }
0x269: {  	v17 =	vld [tilespmem:$0x1F650]  }
0x26a: {  	v44 =	vld [tilespmem:$0x1F460]  }
0x26b: {  	v19 =	vld [tilespmem:$0x1F660]  }
0x26c: {  	v20 =	vld [tilespmem:$0x1F470]  }
0x26d: {  	v45 =	vld [tilespmem:$0x1F680];
	[tilespmem:$0x1F400] =	vst v16  }
0x26e: {  	v16 =	vld [tilespmem:$0x1F670];
	[tilespmem:$0x1F600] =	vst v17  }
0x26f: {  	v17 =	vld [tilespmem:$0x1F480];
	[tilespmem:$0x1F410] =	vst v44  }
0x270: {  	v46 =	vld [tilespmem:$0x1F490];
	[tilespmem:$0x1F610] =	vst v19  }
0x271: {  	v47 =	vld [tilespmem:$0x1F690];
	[tilespmem:$0x1F420] =	vst v20  }
0x272: {  	v48 =	vld [tilespmem:$0x1F4B0];
	[tilespmem:$0x1F630] =	vst v45  }
0x273: {  	[tilespmem:$0x1F620] =	vst v16;
	v16 =	vld [tilespmem:$0x1F4A0]  }
0x274: {  	[tilespmem:$0x1F430] =	vst v17;
	v17 =	vld [tilespmem:$0x1F6A0]  }
0x275: {  	v49 =	vld [tilespmem:$0x1F6B0];
	[tilespmem:$0x1F440] =	vst v46  }
0x276: {  	v50 =	vld [tilespmem:$0x1F4C0];
	[tilespmem:$0x1F640] =	vst v47  }
0x277: {  	v51 =	vld [tilespmem:$0x1F6D0];
	[tilespmem:$0x1F460] =	vst v48  }
0x278: {  	[tilespmem:$0x1F450] =	vst v16;
	v16 =	vld [tilespmem:$0x1F6C0]  }
0x279: {  	[tilespmem:$0x1F650] =	vst v17;
	v17 =	vld [tilespmem:$0x1F4D0]  }
0x27a: {  	v52 =	vld [tilespmem:$0x1F4E0];
	[tilespmem:$0x1F660] =	vst v49  }
0x27b: {  	v53 =	vld [tilespmem:$0x1F6E0];
	[tilespmem:$0x1F470] =	vst v50  }
0x27c: {  	v54 =	vld [tilespmem:$0x1F500];
	[tilespmem:$0x1F680] =	vst v51  }
0x27d: {  	[tilespmem:$0x1F670] =	vst v16;
	v16 =	vld [tilespmem:$0x1F4F0]  }
0x27e: {  	[tilespmem:$0x1F480] =	vst v17;
	v17 =	vld [tilespmem:$0x1F6F0]  }
0x27f: {  	v55 =	vld [tilespmem:$0x1F700];
	[tilespmem:$0x1F490] =	vst v52  }
0x280: {  	v56 =	vld [tilespmem:$0x1F510];
	[tilespmem:$0x1F690] =	vst v53  }
0x281: {  	v57 =	vld [tilespmem:$0x1F720];
	[tilespmem:$0x1F4B0] =	vst v54  }
0x282: {  	[tilespmem:$0x1F4A0] =	vst v16;
	v16 =	vld [tilespmem:$0x1F710]  }
0x283: {  	[tilespmem:$0x1F6A0] =	vst v17;
	v17 =	vld [tilespmem:$0x1F520]  }
0x284: {  	v58 =	vld [tilespmem:$0x1F530];
	[tilespmem:$0x1F6B0] =	vst v55  }
0x285: {  	v59 =	vld [tilespmem:$0x1F730];
	[tilespmem:$0x1F4C0] =	vst v56  }
0x286: {  	v60 =	vld [tilespmem:$0x1F550];
	[tilespmem:$0x1F6D0] =	vst v57  }
0x287: {  	[tilespmem:$0x1F6C0] =	vst v16;
	v16 =	vld [tilespmem:$0x1F540]  }
0x288: {  	[tilespmem:$0x1F4D0] =	vst v17;
	v17 =	vld [tilespmem:$0x1F740]  }
0x289: {  	v61 =	vld [tilespmem:$0x1F750];
	[tilespmem:$0x1F4E0] =	vst v58  }
0x28a: {  	v62 =	vld [tilespmem:$0x1F560];
	[tilespmem:$0x1F6E0] =	vst v59  }
0x28b: {  	v63 =	vld [tilespmem:$0x1F770];
	[tilespmem:$0x1F500] =	vst v60  }
0x28c: {  	[tilespmem:$0x1F4F0] =	vst v16;
	v16 =	vld [tilespmem:$0x1F760]  }
0x28d: {  	[tilespmem:$0x1F6F0] =	vst v17;
	v17 =	vld [tilespmem:$0x1F570]  }
.Ltmp13:
0x28e: {  	[tilespmem:$0x1F700] =	vst v61;
	(pc) =	sbr.rel .LBB2_19-.Ltmp13, $4  }
0x28f: {  	[tilespmem:$0x1F510] =	vst v62  }
0x290: {  	[tilespmem:$0x1F720] =	vst v63  }
0x291: {  	[tilespmem:$0x1F710] =	vst v16  }
0x292: {  	v15 =	vadd.s32 $0xFFFFFFB0, v15;
	s19 =	sadd.s32 $0x1, s19;
	s20 =	sxor.u32 $0x1, s20;
	[tilespmem:$0x1F520] =	vst v17  }
.LBB2_20:
0x293: {  	p0 =	slt.s32 s19, $0x1  }
.Ltmp14:
0x294: {  	_ = 	snop;
	(pc) =	sbr.rel @p0 .LBB2_34-.Ltmp14, $1  }
0x295: {  	_ =	sdelay $0x3  }
0x296: {  	s6 =	sadd.s32 $0x5, s18;
	s7 =	sshll.u32 s18, $0x7  }
0x297: {  	_ =	swait.ge [sflag:s6], $0x5000;
	s7 =	sand.u32 $0x3FFFFF80, s7  }
0x298: {  	s20 =	smul.u32 $0x5000, s18;
	[sflag:s6] =	ssyncset.done $0x0;
	s29 =	sadd.s32 $0x1F800, s7  }
0x299: {  	s21 =	simm.s32 $0x0;
	s22 =	simm.s32 $0x0;
	[sflag:s6] =	ssyncadd.s32 $0xFFFFB000;
	v16 =	vmov s29  }
.LBB2_22:
0x29a: {  	_ =	sdelay $0x1  }
0x29b: {  	s6 =	sand.u32 $0x7FFFF800, s20;
	s7 =	simm.s32 $0x80  }
0x29c: {  	s24 =	sshll.u32 s22, $0x4;
	s23 =	sadd.s32 $0x14000, s6;
	s25 =	sand.u32 $0x380, s7  }
0x29d: {  	s26 =	sand.u32 $0x300, s21;
	v17 =	vld.idx.msk [tilespmem:v16+s24+$0x0 ss:$0x1], $0xffff;
	s6 =	sor.u32 s25, s23  }
0x29e: {  	s7 =	sor.u32 s26, s23;
	v24 =	vld [tilespmem:s6+$0x60]  }
0x29f: {  	v21 =	vld [tilespmem:s7+$0x60]  }
0x2a0: {  	v22 =	vld [tilespmem:s7+$0x70]  }
0x2a1: {  	v25 =	vld [tilespmem:s6+$0x40]  }
0x2a2: {  	v28 =	vld [tilespmem:s6+$0x50]  }
0x2a3: {  	v23 =	vld [tilespmem:s7+$0x40];
	vm0 =	vgt.s32 v17, $0x0  }
0x2a4: {  	v27 =	vld [tilespmem:s7+$0x50];
	v17 =	vnsel vm0, $0x0, v17  }
0x2a5: {  	v29 =	vld [tilespmem:s6+$0x20];
	v18 =	vmin.u32 v17, $0x13F  }
0x2a6: {  	v19 =	vmov s21;
	v30 =	vld [tilespmem:s6+$0x30];
	v17 =	vshll.u32 v18, $0x7  }
0x2a7: {  	v31 =	vld [tilespmem:s7+$0x20];
	v26 =	vperm.xlane v17, v19  }
0x2a8: {  	v32 =	vld [tilespmem:s7+$0x30]  }
0x2a9: {  	v34 =	vld [tilespmem:s6+$0x0];
	v20 =	vadd.s32 v10, v26  }
0x2aa: {  	v36 =	vld [tilespmem:s6+$0x10];
	v33 =	vadd.s32 v11, v26  }
0x2ab: {  	v37 =	vld [tilespmem:s7+$0x0];
	v35 =	vadd.s32 v8, v26  }
0x2ac: {  	v39 =	vld [tilespmem:s7+$0x10];
	v38 =	vadd.s32 v9, v26  }
0x2ad: {  	s28 =	simm.s32 $0x1;
	v53 =	vld [tilespmem:s6+$0x70];
	v40 =	vadd.s32 v6, v26  }
0x2ae: {  	v41 =	vadd.s32 v4, v26;
	v42 =	vld.idx.msk [tilespmem:v20+s3+$0x0], $0xffff;
	v20 =	vmov s28  }
0x2af: {  	v43 =	vadd.s32 v5, v26;
	v33 =	vld.idx.msk [tilespmem:v33+s3+$0x0], $0xffff;
	v44 =	vperm.xlane v17, v20  }
0x2b0: {  	v26 =	vadd.s32 v7, v26;
	v35 =	vld.idx.msk [tilespmem:v35+s3+$0x0], $0xffff  }
0x2b1: {  	v38 =	vld.idx.msk [tilespmem:v38+s3+$0x0], $0xffff;
	v45 =	vadd.s32 v4, v44  }
0x2b2: {  	v40 =	vld.idx.msk [tilespmem:v40+s3+$0x0], $0xffff;
	v46 =	vadd.s32 v5, v44  }
0x2b3: {  	v41 =	vld.idx.msk [tilespmem:v41+s3+$0x0], $0xffff;
	v47 =	vadd.s32 v6, v44  }
0x2b4: {  	v43 =	vld.idx.msk [tilespmem:v43+s3+$0x0], $0xffff;
	v48 =	vadd.s32 v7, v44  }
0x2b5: {  	v49 =	vld.idx.msk [tilespmem:v26+s3+$0x0], $0xffff;
	v26 =	vadd.s32 v8, v44  }
0x2b6: {  	v50 =	vadd.s32 v9, v44;
	v45 =	vld.idx.msk [tilespmem:v45+s3+$0x0], $0xffff  }
0x2b7: {  	v51 =	vadd.s32 v10, v44;
	v42 =	vmul.f32 v21, v42;
	v46 =	vld.idx.msk [tilespmem:v46+s3+$0x0], $0xffff  }
0x2b8: {  	v44 =	vadd.s32 v11, v44;
	v35 =	vmul.f32 v23, v35;
	v33 =	vmul.f32 v22, v33;
	v47 =	vld.idx.msk [tilespmem:v47+s3+$0x0], $0xffff  }
0x2b9: {  	v22 =	vmul.f32 v37, v41;
	v23 =	vmul.f32 v39, v43;
	v48 =	vld.idx.msk [tilespmem:v48+s3+$0x0], $0xffff  }
0x2ba: {  	s26 =	sadd.s32 $0x200, s20;
	v31 =	vmul.f32 v31, v40;
	v55 =	vmul.f32 v27, v38;
	v52 =	vld.idx.msk [tilespmem:v26+s3+$0x0], $0xffff  }
0x2bb: {  	s8 =	simm.s32 $0x180;
	s29 =	sand.u32 $0x7FFFF800, s26;
	v32 =	vmul.f32 v32, v49;
	v56 =	vadd.f32 $0.0e+00, v22;
	v39 =	vadd.f32 $0.0e+00, v23;
	v50 =	vld.idx.msk [tilespmem:v50+s3+$0x0], $0xffff  }
0x2bc: {  	s17 =	simm.s32 $0x100;
	s8 =	sand.u32 $0x380, s8;
	s7 =	sadd.s32 $0x14000, s29;
	v51 =	vld.idx.msk [tilespmem:v51+s3+$0x0], $0xffff;
	v34 =	vmul.f32 v34, v45;
	v36 =	vmul.f32 v36, v46  }
0x2bd: {  	s9 =	sand.u32 $0x300, s17;
	s25 =	sor.u32 s8, s7;
	v44 =	vld.idx.msk [tilespmem:v44+s3+$0x0], $0xffff;
	v38 =	vadd.f32 v31, v56;
	v32 =	vadd.f32 v32, v39;
	v29 =	vmul.f32 v29, v47  }
0x2be: {  	s9 =	sor.u32 s9, s7;
	v21 =	vld [tilespmem:s25+$0x60];
	v57 =	vmul.f32 v30, v48;
	v34 =	vadd.f32 $0.0e+00, v34;
	v36 =	vadd.f32 $0.0e+00, v36  }
0x2bf: {  	v27 =	vld [tilespmem:s9+$0x70];
	v38 =	vadd.f32 v35, v38;
	v32 =	vadd.f32 v55, v32;
	v58 =	vmul.f32 v25, v52  }
0x2c0: {  	v37 =	vld [tilespmem:s9+$0x0];
	v59 =	vmul.f32 v28, v50;
	v34 =	vadd.f32 v29, v34;
	v36 =	vadd.f32 v57, v36  }
0x2c1: {  	v22 =	vld [tilespmem:s25+$0x40];
	v24 =	vmul.f32 v24, v51;
	v38 =	vadd.f32 v42, v38;
	v61 =	vadd.f32 v33, v32  }
0x2c2: {  	v23 =	vld [tilespmem:s25+$0x50];
	v60 =	vmul.f32 v53, v44;
	v34 =	vadd.f32 v58, v34;
	v36 =	vadd.f32 v59, v36  }
0x2c3: {  	v26 =	vld [tilespmem:s9+$0x60];
	v38 =	vadd.f32 v61, v38  }
0x2c4: {  	s28 =	simm.s32 $0x2;
	v31 =	vld [tilespmem:s9+$0x40];
	v63 =	vadd.f32 v24, v34;
	v36 =	vadd.f32 v60, v36  }
0x2c5: {  	v35 =	vld [tilespmem:s9+$0x20];
	v29 =	vmov s28;
	(xrf2) =	vadd.scan.msk.f32 $0xffff, v38  }
0x2c6: {  	v30 =	vld [tilespmem:s9+$0x50];
	v40 =	vperm.xlane v17, v29;
	v36 =	vadd.f32 v36, v63  }
0x2c7: {  	v28 =	vld [tilespmem:s25+$0x20]  }
0x2c8: {  	v25 =	vld [tilespmem:s25+$0x30];
	v62 =	vadd.s32 v10, v40;
	(xrf2) =	vadd.scan.msk.f32 $0xffff, v36  }
0x2c9: {  	v32 =	vld [tilespmem:s9+$0x30];
	v44 =	vadd.s32 v11, v40  }
0x2ca: {  	v33 =	vld [tilespmem:s25+$0x0];
	v41 =	vadd.s32 v8, v40  }
0x2cb: {  	v38 =	vld [tilespmem:s9+$0x10];
	v42 =	vadd.s32 v9, v40  }
0x2cc: {  	s29 =	simm.s32 $0x3;
	v45 =	vadd.s32 v6, v40;
	v34 =	vld [tilespmem:s25+$0x10]  }
0x2cd: {  	s6 =	simm.s32 $0x4;
	v43 =	vadd.s32 v4, v40;
	v24 =	vimm.f32 $0.0e+00;
	v39 =	vld.idx.msk [tilespmem:v62+s3+$0x0], $0xffff;
	v36 =	vmov s29  }
.LBB2_23:
0x2ce: {  	p0 =	sne.s32 s6, $0xE;
	v46 =	vadd.s32 v5, v40;
	v44 =	vld.idx.msk [tilespmem:v44+s3+$0x0], $0xffff;
	v47 =	vperm.xlane v17, v36  }
0x2cf: {  	v40 =	vadd.s32 v7, v40;
	v41 =	vld.idx.msk [tilespmem:v41+s3+$0x0], $0xffff;
	v48, _, _ =	vpop (xrf2)  }
0x2d0: {  	v42 =	vld.idx.msk [tilespmem:v42+s3+$0x0], $0xffff;
	v49 =	vadd.s32 v4, v47  }
0x2d1: {  	v50 =	vadd.s32 v5, v47;
	v45 =	vld.idx.msk [tilespmem:v45+s3+$0x0], $0xffff  }
0x2d2: {  	v51 =	vadd.s32 v6, v47;
	v48 =	vbroadcast v48, $0xF;
	v43 =	vld.idx.msk [tilespmem:v43+s3+$0x0], $0xffff;
	v52, _, _ =	vpop (xrf2)  }
0x2d3: {  	vm0 =	veq.s32 v19, v4;
	v19 =	vmovc v29;
	v53 =	vadd.s32 v7, v47;
	v46 =	vld.idx.msk [tilespmem:v46+s3+$0x0], $0xffff;
	v52 =	vbroadcast v52, $0xF  }
0x2d4: {  	v24 =	vsel vm0, v48, v24;
	vm0 =	veq.s32 v20, v4;
	v29 =	vld.idx.msk [tilespmem:v40+s3+$0x0], $0xffff;
	v40 =	vadd.s32 v8, v47  }
0x2d5: {  	v20 =	vmov v36;
	v48 =	vld.idx.msk [tilespmem:v49+s3+$0x0], $0xffff;
	v49 =	vadd.s32 v9, v47;
	v24 =	vsel vm0, v52, v24  }
0x2d6: {  	v36 =	vld.idx.msk [tilespmem:v50+s3+$0x0], $0xffff;
	v50 =	vadd.s32 v10, v47  }
0x2d7: {  	v39 =	vmul.f32 v26, v39;
	v47 =	vadd.s32 v11, v47;
	v26 =	vld.idx.msk [tilespmem:v51+s3+$0x0], $0xffff  }
0x2d8: {  	v31 =	vmul.f32 v31, v41;
	v41 =	vmul.f32 v27, v44;
	v27 =	vld.idx.msk [tilespmem:v53+s3+$0x0], $0xffff  }
0x2d9: {  	v37 =	vmul.f32 v37, v43;
	v38 =	vmul.f32 v38, v46;
	v40 =	vld.idx.msk [tilespmem:v40+s3+$0x0], $0xffff  }
0x2da: {  	s17 =	sadd.s32 $0x100, s17;
	s26 =	sadd.s32 $0x200, s26;
	v30 =	vmul.f32 v30, v42;
	v35 =	vmul.f32 v35, v45;
	v42 =	vld.idx.msk [tilespmem:v49+s3+$0x0], $0xffff  }
0x2db: {  	s7 =	sand.u32 $0x7FFFF800, s26;
	s8 =	sadd.s32 $0x80, s17;
	v37 =	vadd.f32 $0.0e+00, v37;
	v29 =	vmul.f32 v32, v29;
	v38 =	vadd.f32 $0.0e+00, v38;
	v32 =	vld.idx.msk [tilespmem:v50+s3+$0x0], $0xffff  }
0x2dc: {  	s7 =	sadd.s32 $0x14000, s7;
	s8 =	sand.u32 $0x380, s8;
	v33 =	vmul.f32 v33, v48;
	v34 =	vmul.f32 v34, v36;
	v36 =	vld.idx.msk [tilespmem:v47+s3+$0x0], $0xffff  }
0x2dd: {  	s9 =	sand.u32 $0x300, s17;
	v35 =	vadd.f32 v35, v37;
	v29 =	vadd.f32 v29, v38;
	v28 =	vmul.f32 v28, v26;
	v37 =	vld [tilespmem:s25+$0x70];
	s25 =	sor.u32 s8, s7  }
0x2de: {  	v33 =	vadd.f32 $0.0e+00, v33;
	s7 =	sor.u32 s9, s7;
	v34 =	vadd.f32 $0.0e+00, v34;
	v25 =	vmul.f32 v25, v27;
	v38 =	vld [tilespmem:s25+$0x60]  }
0x2df: {  	v31 =	vadd.f32 v31, v35;
	v29 =	vadd.f32 v30, v29;
	v30 =	vmul.f32 v22, v40;
	v26 =	vld [tilespmem:s7+$0x60]  }
0x2e0: {  	v28 =	vadd.f32 v28, v33;
	v25 =	vadd.f32 v25, v34;
	v33 =	vmul.f32 v23, v42;
	v27 =	vld [tilespmem:s7+$0x70]  }
0x2e1: {  	v34 =	vadd.f32 v39, v31;
	v29 =	vadd.f32 v41, v29;
	v32 =	vmul.f32 v21, v32;
	v22 =	vld [tilespmem:s25+$0x40]  }
0x2e2: {  	v28 =	vadd.f32 v30, v28;
	v25 =	vadd.f32 v33, v25;
	v23 =	vld [tilespmem:s25+$0x50];
	v33 =	vmul.f32 v37, v36  }
0x2e3: {  	v34 =	vadd.f32 v29, v34;
	v31 =	vld [tilespmem:s7+$0x40];
	v21 =	vmov v38  }
0x2e4: {  	v32 =	vadd.f32 v32, v28;
	v30 =	vld [tilespmem:s7+$0x50];
	v33 =	vadd.f32 v33, v25  }
0x2e5: {  	v29 =	vmov s6;
	v28 =	vld [tilespmem:s25+$0x20];
	(xrf2) =	vadd.scan.msk.f32 $0xffff, v34  }
0x2e6: {  	v40 =	vperm.xlane v17, v29;
	v25 =	vld [tilespmem:s25+$0x30];
	v33 =	vadd.f32 v33, v32  }
0x2e7: {  	v35 =	vld [tilespmem:s7+$0x20]  }
0x2e8: {  	v36 =	vadd.s32 v10, v40;
	v32 =	vld [tilespmem:s7+$0x30];
	(xrf2) =	vadd.scan.msk.f32 $0xffff, v33  }
.Ltmp15:
0x2e9: {  	v44 =	vadd.s32 v11, v40;
	v33 =	vld [tilespmem:s25+$0x0];
	(pc) =	sbr.rel @p0 .LBB2_23-.Ltmp15, $4  }
0x2ea: {  	v41 =	vadd.s32 v8, v40;
	v34 =	vld [tilespmem:s25+$0x10]  }
0x2eb: {  	v42 =	vadd.s32 v9, v40;
	v37 =	vld [tilespmem:s7+$0x0]  }
0x2ec: {  	v45 =	vadd.s32 v6, v40;
	v38 =	vld [tilespmem:s7+$0x10];
	s7 =	sadd.s32 $0x1, s6  }
0x2ed: {  	v43 =	vadd.s32 v4, v40;
	s6 =	sadd.s32 $0x2, s6;
	v39 =	vld.idx.msk [tilespmem:v36+s3+$0x0], $0xffff;
	v36 =	vmov s7  }
0x2ee: {  	_ =	sdelay $0x3  }
0x2ef: {  	v44 =	vld.idx.msk [tilespmem:v44+s3+$0x0], $0xffff  }
0x2f0: {  	v46 =	vadd.s32 v5, v40;
	v47 =	vperm.xlane v17, v36;
	v41 =	vld.idx.msk [tilespmem:v41+s3+$0x0], $0xffff  }
0x2f1: {  	v57 =	vadd.s32 v7, v40;
	v42 =	vld.idx.msk [tilespmem:v42+s3+$0x0], $0xffff  }
0x2f2: {  	v45 =	vld.idx.msk [tilespmem:v45+s3+$0x0], $0xffff;
	v48 =	vadd.s32 v4, v47  }
0x2f3: {  	v43 =	vld.idx.msk [tilespmem:v43+s3+$0x0], $0xffff;
	v49 =	vadd.s32 v5, v47  }
0x2f4: {  	v63 =	vld [tilespmem:s25+$0x70];
	v50 =	vadd.s32 v6, v47  }
0x2f5: {  	v51 =	vadd.s32 v7, v47;
	v46 =	vld.idx.msk [tilespmem:v46+s3+$0x0], $0xffff  }
0x2f6: {  	v52 =	vadd.s32 v8, v47;
	v40 =	vld.idx.msk [tilespmem:v57+s3+$0x0], $0xffff  }
0x2f7: {  	v53 =	vadd.s32 v9, v47;
	v48 =	vld.idx.msk [tilespmem:v48+s3+$0x0], $0xffff  }
0x2f8: {  	v54 =	vadd.s32 v10, v47;
	v49 =	vld.idx.msk [tilespmem:v49+s3+$0x0], $0xffff  }
0x2f9: {  	v47 =	vadd.s32 v11, v47;
	v26 =	vmul.f32 v26, v39;
	v50 =	vld.idx.msk [tilespmem:v50+s3+$0x0], $0xffff  }
0x2fa: {  	v31 =	vmul.f32 v31, v41;
	v27 =	vmul.f32 v27, v44;
	v58 =	vld.idx.msk [tilespmem:v51+s3+$0x0], $0xffff  }
0x2fb: {  	v37 =	vmul.f32 v37, v43;
	v35 =	vmul.f32 v35, v45;
	v59 =	vld.idx.msk [tilespmem:v52+s3+$0x0], $0xffff  }
0x2fc: {  	v30 =	vmul.f32 v30, v42;
	v60 =	vld.idx.msk [tilespmem:v53+s3+$0x0], $0xffff;
	v38 =	vmul.f32 v38, v46  }
0x2fd: {  	v61 =	vld.idx.msk [tilespmem:v54+s3+$0x0], $0xffff;
	v37 =	vadd.f32 $0.0e+00, v37;
	v33 =	vmul.f32 v33, v48;
	v34 =	vmul.f32 v34, v49  }
0x2fe: {  	v62 =	vld.idx.msk [tilespmem:v47+s3+$0x0], $0xffff;
	v32 =	vmul.f32 v32, v40;
	v38 =	vadd.f32 $0.0e+00, v38;
	v28 =	vmul.f32 v28, v50  }
0x2ff: {  	v25 =	vmul.f32 v25, v58;
	v33 =	vadd.f32 $0.0e+00, v33;
	v34 =	vadd.f32 $0.0e+00, v34  }
0x300: {  	v35 =	vadd.f32 v35, v37;
	v22 =	vmul.f32 v22, v59;
	v32 =	vadd.f32 v32, v38  }
0x301: {  	v23 =	vmul.f32 v23, v60;
	v28 =	vadd.f32 v28, v33;
	v25 =	vadd.f32 v25, v34  }
0x302: {  	v31 =	vadd.f32 v31, v35;
	v21 =	vmul.f32 v21, v61;
	v30 =	vadd.f32 v30, v32  }
0x303: {  	v22 =	vadd.f32 v22, v28;
	v23 =	vadd.f32 v23, v25;
	v25 =	vmul.f32 v63, v62  }
0x304: {  	v26 =	vadd.f32 v26, v31;
	v27 =	vadd.f32 v27, v30  }
0x305: {  	v21 =	vadd.f32 v21, v22;
	v22 =	vadd.f32 v25, v23  }
0x306: {  	v23 =	vadd.f32 v27, v26  }
0x307: {  	v21 =	vadd.f32 v22, v21  }
0x308: {  	(xrf2) =	vadd.scan.msk.f32 $0xffff, v23  }
0x309: {  	(xrf2) =	vadd.scan.msk.f32 $0xffff, v21;
	_ =	sdelay $0x6  }
0x30a: {  	v21, _, _ =	vpop (xrf2)  }
0x30b: {  	v22, _, _ =	vpop (xrf2);
	v21 =	vbroadcast v21, $0xF  }
0x30c: {  	vm0 =	veq.s32 v19, v4;
	v19 =	vbroadcast v22, $0xF;
	v22, _, _ =	vpop (xrf2)  }
0x30d: {  	v21 =	vsel vm0, v21, v24;
	vm0 =	veq.s32 v20, v4;
	v20 =	vbroadcast v22, $0xF;
	v22, _, _ =	vpop (xrf2)  }
0x30e: {  	v19 =	vsel vm0, v19, v21;
	vm0 =	veq.s32 v29, v4;
	v21 =	vbroadcast v22, $0xF  }
0x30f: {  	v19 =	vsel vm0, v20, v19;
	vm0 =	veq.s32 v36, v4  }
0x310: {  	v19 =	vsel vm0, v21, v19  }
0x311: {  	v19 =	vmul.f32 $1.442695020e+00, v19;
	_ =	sdelay $0x1  }
0x312: {  	(erf) = vpow2.f32 v19;
	_ =	sdelay $0x8  }
0x313: {  	p0 =	slt.u32 s24, $0x50;
	v19 =	vpop (erf)  }
0x314: {  	v19 =	vpsel !p0, $0x0, v19  }
0x315: {  	[tilespmem:v18+s1+$0x0] =	vst.idx.add.f32.msk $0x1, v19  }
0x316: {  	[tilespmem:v18+s1+$0x0] =	vst.idx.add.f32.msk vm1, v19  }
0x317: {  	[tilespmem:v18+s1+$0x0] =	vst.idx.add.f32.msk vm2, v19  }
0x318: {  	[tilespmem:v18+s1+$0x0] =	vst.idx.add.f32.msk vm3, v19  }
0x319: {  	[tilespmem:v18+s1+$0x0] =	vst.idx.add.f32.msk vm4, v19  }
0x31a: {  	[tilespmem:v18+s1+$0x0] =	vst.idx.add.f32.msk vm5, v19  }
0x31b: {  	[tilespmem:v18+s1+$0x0] =	vst.idx.add.f32.msk vm6, v19  }
0x31c: {  	[tilespmem:v18+s1+$0x0] =	vst.idx.add.f32.msk vm7, v19  }
0x31d: {  	[tilespmem:v18+s1+$0x0] =	vst.idx.add.f32.msk vm8, v19  }
0x31e: {  	[tilespmem:v18+s1+$0x0] =	vst.idx.add.f32.msk vm9, v19  }
0x31f: {  	[tilespmem:v18+s1+$0x0] =	vst.idx.add.f32.msk vm10, v19  }
0x320: {  	[tilespmem:v18+s1+$0x0] =	vst.idx.add.f32.msk vm11, v19  }
0x321: {  	[tilespmem:v18+s1+$0x0] =	vst.idx.add.f32.msk vm12, v19  }
0x322: {  	s17 =	simm.s32 $0x0;
	[tilespmem:v18+s1+$0x0] =	vst.idx.add.f32.msk vm13, v19  }
0x323: {  	s6 =	sand.u32 $0x300, s17;
	[tilespmem:v18+s1+$0x0] =	vst.idx.add.f32.msk vm14, v19  }
0x324: {  	s6 =	sor.u32 s6, s23;
	[tilespmem:v18+s1+$0x0] =	vst.idx.add.f32.msk vm15, v19  }
0x325: {  	v18 =	vld [tilespmem:s6+$0x470]  }
0x326: {  	v20 =	vld [tilespmem:s6+$0x460]  }
0x327: {  	v21 =	vld [tilespmem:s6+$0x450]  }
0x328: {  	s7 =	simm.s32 $0x80;
	v22 =	vld [tilespmem:s6+$0x440]  }
0x329: {  	s7 =	sand.u32 $0x380, s7;
	v23 =	vld [tilespmem:s6+$0x420]  }
0x32a: {  	s7 =	sor.u32 s7, s23;
	v24 =	vld [tilespmem:s6+$0x410]  }
0x32b: {  	v25 =	vld [tilespmem:s7+$0x470]  }
0x32c: {  	v26 =	vld [tilespmem:s6+$0x400]  }
0x32d: {  	v27 =	vmov s17;
	v44 =	vld [tilespmem:s6+$0x430]  }
0x32e: {  	v45 =	vperm.xlane v17, v27;
	v46 =	vld [tilespmem:s7+$0x460]  }
0x32f: {  	v47 =	vld [tilespmem:s7+$0x450]  }
0x330: {  	s29 =	simm.s32 $0x1;
	v48 =	vadd.s32 v4, v45;
	v49 =	vld [tilespmem:s7+$0x430]  }
0x331: {  	v59 =	vmov s29;
	v50 =	vadd.s32 v5, v45;
	v27 =	vperm.xlane v19, v27;
	v51 =	vld [tilespmem:s7+$0x440]  }
0x332: {  	v60 =	vperm.xlane v17, v59;
	v52 =	vadd.s32 v6, v45;
	v53 =	vld [tilespmem:s7+$0x420]  }
0x333: {  	v54 =	vadd.s32 v7, v45;
	v55 =	vld [tilespmem:s7+$0x410];
	v26 =	vmul.f32 v26, v27  }
0x334: {  	v62 =	vadd.s32 v5, v60;
	v56 =	vadd.s32 v8, v45;
	v57 =	vld [tilespmem:s7+$0x400];
	v24 =	vmul.f32 v24, v27  }
0x335: {  	v58 =	vadd.s32 v9, v45;
	v23 =	vmul.f32 v23, v27;
	[tilespmem:v48+s0+$0x0] =	vst.idx.add.f32.msk $0xffff, v26  }
0x336: {  	v28 =	vmul.f32 v44, v27;
	v26 =	vadd.s32 v10, v45;
	[tilespmem:v50+s0+$0x0] =	vst.idx.add.f32.msk $0xffff, v24  }
0x337: {  	v22 =	vmul.f32 v22, v27;
	v24 =	vadd.s32 v11, v45;
	[tilespmem:v52+s0+$0x0] =	vst.idx.add.f32.msk $0xffff, v23  }
0x338: {  	v21 =	vmul.f32 v21, v27;
	v23 =	vadd.s32 v4, v60;
	[tilespmem:v54+s0+$0x0] =	vst.idx.add.f32.msk $0xffff, v28  }
0x339: {  	v61 =	vperm.xlane v19, v59;
	v20 =	vmul.f32 v20, v27;
	[tilespmem:v56+s0+$0x0] =	vst.idx.add.f32.msk $0xffff, v22  }
0x33a: {  	v18 =	vmul.f32 v18, v27;
	v27 =	vadd.s32 v6, v60;
	[tilespmem:v58+s0+$0x0] =	vst.idx.add.f32.msk $0xffff, v21  }
0x33b: {  	v63 =	vadd.s32 v7, v60;
	v21 =	vmul.f32 v57, v61;
	[tilespmem:v26+s0+$0x0] =	vst.idx.add.f32.msk $0xffff, v20  }
0x33c: {  	v20 =	vmul.f32 v55, v61;
	v26 =	vadd.s32 v8, v60;
	[tilespmem:v24+s0+$0x0] =	vst.idx.add.f32.msk $0xffff, v18  }
0x33d: {  	v22 =	vadd.s32 v9, v60;
	v24 =	vmul.f32 v53, v61;
	[tilespmem:v23+s0+$0x0] =	vst.idx.add.f32.msk $0xffff, v21  }
0x33e: {  	v18 =	vmul.f32 v25, v61;
	v23 =	vmul.f32 v49, v61;
	[tilespmem:v62+s0+$0x0] =	vst.idx.add.f32.msk $0xffff, v20  }
0x33f: {  	v25 =	vmul.f32 v51, v61;
	v20 =	vadd.s32 v10, v60;
	[tilespmem:v27+s0+$0x0] =	vst.idx.add.f32.msk $0xffff, v24  }
0x340: {  	v21 =	vadd.s32 v11, v60;
	[tilespmem:v63+s0+$0x0] =	vst.idx.add.f32.msk $0xffff, v23  }
0x341: {  	s7 =	simm.s32 $0x2;
	s6 =	sadd.s32 $0x200, s20;
	v24 =	vmul.f32 v47, v61;
	v23 =	vmul.f32 v46, v61;
	[tilespmem:v26+s0+$0x0] =	vst.idx.add.f32.msk $0xffff, v25  }
.LBB2_25:
0x342: {  	s8 =	sand.u32 $0x7FFFF800, s6  }
0x343: {  	v25 =	vmov s7;
	[tilespmem:v22+s0+$0x0] =	vst.idx.add.f32.msk $0xffff, v24;
	s17 =	sadd.s32 $0x100, s17;
	s9 =	smov.u32 s7;
	s23 =	sadd.s32 $0x2, s7  }
0x344: {  	p0 =	sne.s32 s7, $0xE;
	v22 =	vperm.xlane v17, v25;
	s24 =	sand.u32 $0x300, s17;
	s8 =	sadd.s32 $0x14000, s8;
	[tilespmem:v20+s0+$0x0] =	vst.idx.add.f32.msk $0xffff, v23  }
0x345: {  	s7 =	sor.u32 s24, s8;
	[tilespmem:v21+s0+$0x0] =	vst.idx.add.f32.msk $0xffff, v18  }
0x346: {  	s24 =	sadd.s32 $0x80, s17;
	v18 =	vld [tilespmem:s7+$0x470]  }
0x347: {  	s24 =	sand.u32 $0x380, s24;
	v20 =	vld [tilespmem:s7+$0x460]  }
0x348: {  	s8 =	sor.u32 s24, s8;
	v21 =	vld [tilespmem:s7+$0x450]  }
0x349: {  	v23 =	vld [tilespmem:s7+$0x440]  }
0x34a: {  	v24 =	vld [tilespmem:s7+$0x420]  }
0x34b: {  	v26 =	vld [tilespmem:s7+$0x410]  }
0x34c: {  	v27 =	vld [tilespmem:s8+$0x470]  }
0x34d: {  	v28 =	vld [tilespmem:s7+$0x400]  }
0x34e: {  	v25 =	vperm.xlane v19, v25;
	v29 =	vld [tilespmem:s7+$0x430]  }
0x34f: {  	v30 =	vld [tilespmem:s8+$0x460]  }
0x350: {  	v31 =	vadd.s32 v4, v22;
	v21 =	vmul.f32 v21, v25;
	v26 =	vmul.f32 v26, v25;
	v32 =	vld [tilespmem:s8+$0x450]  }
0x351: {  	v33 =	vadd.s32 v5, v22;
	v34 =	vmul.f32 v18, v25;
	v24 =	vmul.f32 v24, v25;
	v35 =	vld [tilespmem:s8+$0x430]  }
0x352: {  	v20 =	vmul.f32 v20, v25;
	v18 =	vmul.f32 v28, v25;
	v28 =	vadd.s32 v6, v22;
	v36 =	vld [tilespmem:s8+$0x440]  }
0x353: {  	v37 =	vadd.s32 v7, v22;
	v29 =	vmul.f32 v29, v25;
	v38 =	vld [tilespmem:s8+$0x420]  }
0x354: {  	v39 =	vadd.s32 v8, v22;
	s7 =	sadd.s32 $0x1, s9;
	v40 =	vld [tilespmem:s8+$0x410]  }
0x355: {  	v41 =	vadd.s32 v9, v22;
	v42 =	vadd.s32 v11, v22;
	v43 =	vmov s7;
	v44 =	vld [tilespmem:s8+$0x400]  }
0x356: {  	v45 =	vperm.xlane v17, v43;
	v22 =	vadd.s32 v10, v22;
	[tilespmem:v31+s0+$0x0] =	vst.idx.add.f32.msk $0xffff, v18  }
0x357: {  	v23 =	vmul.f32 v23, v25;
	v25 =	vperm.xlane v19, v43;
	[tilespmem:v33+s0+$0x0] =	vst.idx.add.f32.msk $0xffff, v26  }
0x358: {  	v26 =	vadd.s32 v4, v45;
	[tilespmem:v28+s0+$0x0] =	vst.idx.add.f32.msk $0xffff, v24  }
0x359: {  	v28 =	vadd.s32 v5, v45;
	v24 =	vmul.f32 v40, v25;
	[tilespmem:v37+s0+$0x0] =	vst.idx.add.f32.msk $0xffff, v29  }
0x35a: {  	v18 =	vmul.f32 v27, v25;
	v29 =	vadd.s32 v6, v45;
	[tilespmem:v39+s0+$0x0] =	vst.idx.add.f32.msk $0xffff, v23  }
0x35b: {  	v27 =	vadd.s32 v7, v45;
	v23 =	vmul.f32 v44, v25;
	[tilespmem:v41+s0+$0x0] =	vst.idx.add.f32.msk $0xffff, v21  }
0x35c: {  	v33 =	vadd.s32 v8, v45;
	v31 =	vmul.f32 v38, v25;
	[tilespmem:v22+s0+$0x0] =	vst.idx.add.f32.msk $0xffff, v20  }
0x35d: {  	v22 =	vadd.s32 v9, v45;
	[tilespmem:v42+s0+$0x0] =	vst.idx.add.f32.msk $0xffff, v34  }
.Ltmp16:
0x35e: {  	v20 =	vadd.s32 v10, v45;
	v34 =	vmul.f32 v35, v25;
	[tilespmem:v26+s0+$0x0] =	vst.idx.add.f32.msk $0xffff, v23;
	(pc) =	sbr.rel @p0 .LBB2_25-.Ltmp16, $4  }
0x35f: {  	v21 =	vadd.s32 v11, v45;
	v26 =	vmul.f32 v36, v25;
	[tilespmem:v28+s0+$0x0] =	vst.idx.add.f32.msk $0xffff, v24  }
0x360: {  	v24 =	vmul.f32 v32, v25;
	[tilespmem:v29+s0+$0x0] =	vst.idx.add.f32.msk $0xffff, v31  }
0x361: {  	v23 =	vmul.f32 v30, v25;
	[tilespmem:v27+s0+$0x0] =	vst.idx.add.f32.msk $0xffff, v34  }
0x362: {  	s6 =	sadd.s32 $0x200, s6;
	s7 =	smov.u32 s23;
	[tilespmem:v33+s0+$0x0] =	vst.idx.add.f32.msk $0xffff, v26  }
0x363: {  	s22 =	sadd.s32 $0x1, s22  }
0x364: {  	p0 =	sne.s32 s22, $0x5  }
.Ltmp17:
0x365: {  	_ = 	snop;
	(pc) =	sbr.rel @p0 .LBB2_22-.Ltmp17, $4  }
0x366: {  	_ = 	snop  }
0x367: {  	[tilespmem:v22+s0+$0x0] =	vst.idx.add.f32.msk $0xffff, v24  }
0x368: {  	[tilespmem:v20+s0+$0x0] =	vst.idx.add.f32.msk $0xffff, v23  }
0x369: {  	s20 =	sadd.s32 $0x1000, s20;
	[tilespmem:v21+s0+$0x0] =	vst.idx.add.f32.msk $0xffff, v18  }
0x36a: {  	p0 =	seq.s32 s19, $0x1  }
.Ltmp18:
0x36b: {  	_ = 	snop;
	(pc) =	sbr.rel @p0 .LBB2_34-.Ltmp18, $1  }
0x36c: {  	_ =	sdelay $0x3  }
0x36d: {  	s6 =	sxor.u32 $0x1, s18  }
0x36e: {  	s7 =	sadd.s32 $0x5, s6;
	s8 =	sshll.u32 s6, $0x7  }
0x36f: {  	_ =	swait.ge [sflag:s7], $0x5000;
	s8 =	sand.u32 $0x3FFFFF80, s8  }
0x370: {  	s19 =	simm.s32 $0x0;
	[sflag:s7] =	ssyncset.done $0x0;
	s29 =	sadd.s32 $0x1F800, s8  }
0x371: {  	s20 =	simm.s32 $0x0;
	s18 =	smul.u32 $0x5000, s6;
	[sflag:s7] =	ssyncadd.s32 $0xFFFFB000;
	v16 =	vmov s29  }
.LBB2_29:
0x372: {  	_ =	sdelay $0x1  }
0x373: {  	s7 =	simm.s32 $0x80;
	s6 =	sand.u32 $0xFFFFF800, s18  }
0x374: {  	s22 =	sshll.u32 s20, $0x4;
	s17 =	sand.u32 $0x380, s7;
	s21 =	sadd.s32 $0x14000, s6  }
0x375: {  	s23 =	sand.u32 $0x300, s19;
	v17 =	vld.idx.msk [tilespmem:v16+s22+$0x0 ss:$0x1], $0xffff;
	s6 =	sor.u32 s17, s21  }
0x376: {  	s7 =	sor.u32 s23, s21;
	v24 =	vld [tilespmem:s6+$0x60]  }
0x377: {  	v21 =	vld [tilespmem:s7+$0x60]  }
0x378: {  	v22 =	vld [tilespmem:s7+$0x70]  }
0x379: {  	v25 =	vld [tilespmem:s6+$0x40]  }
0x37a: {  	v28 =	vld [tilespmem:s6+$0x50]  }
0x37b: {  	v23 =	vld [tilespmem:s7+$0x40];
	vm0 =	vgt.s32 v17, $0x0  }
0x37c: {  	v27 =	vld [tilespmem:s7+$0x50];
	v17 =	vnsel vm0, $0x0, v17  }
0x37d: {  	v29 =	vld [tilespmem:s6+$0x20];
	v18 =	vmin.u32 v17, $0x13F  }
0x37e: {  	v19 =	vmov s19;
	v30 =	vld [tilespmem:s6+$0x30];
	v17 =	vshll.u32 v18, $0x7  }
0x37f: {  	v31 =	vld [tilespmem:s7+$0x20];
	v26 =	vperm.xlane v17, v19  }
0x380: {  	v32 =	vld [tilespmem:s7+$0x30]  }
0x381: {  	v34 =	vld [tilespmem:s6+$0x0];
	v20 =	vadd.s32 v10, v26  }
0x382: {  	v36 =	vld [tilespmem:s6+$0x10];
	v33 =	vadd.s32 v11, v26  }
0x383: {  	v37 =	vld [tilespmem:s7+$0x0];
	v35 =	vadd.s32 v8, v26  }
0x384: {  	v39 =	vld [tilespmem:s7+$0x10];
	v38 =	vadd.s32 v9, v26  }
0x385: {  	s24 =	simm.s32 $0x1;
	v53 =	vld [tilespmem:s6+$0x70];
	v40 =	vadd.s32 v6, v26  }
0x386: {  	v41 =	vadd.s32 v4, v26;
	v42 =	vld.idx.msk [tilespmem:v20+s3+$0x0], $0xffff;
	v20 =	vmov s24  }
0x387: {  	v43 =	vadd.s32 v5, v26;
	v33 =	vld.idx.msk [tilespmem:v33+s3+$0x0], $0xffff;
	v44 =	vperm.xlane v17, v20  }
0x388: {  	v26 =	vadd.s32 v7, v26;
	v35 =	vld.idx.msk [tilespmem:v35+s3+$0x0], $0xffff  }
0x389: {  	v38 =	vld.idx.msk [tilespmem:v38+s3+$0x0], $0xffff;
	v45 =	vadd.s32 v4, v44  }
0x38a: {  	v40 =	vld.idx.msk [tilespmem:v40+s3+$0x0], $0xffff;
	v46 =	vadd.s32 v5, v44  }
0x38b: {  	v41 =	vld.idx.msk [tilespmem:v41+s3+$0x0], $0xffff;
	v47 =	vadd.s32 v6, v44  }
0x38c: {  	v43 =	vld.idx.msk [tilespmem:v43+s3+$0x0], $0xffff;
	v48 =	vadd.s32 v7, v44  }
0x38d: {  	v49 =	vld.idx.msk [tilespmem:v26+s3+$0x0], $0xffff;
	v26 =	vadd.s32 v8, v44  }
0x38e: {  	v50 =	vadd.s32 v9, v44;
	v45 =	vld.idx.msk [tilespmem:v45+s3+$0x0], $0xffff  }
0x38f: {  	v51 =	vadd.s32 v10, v44;
	v42 =	vmul.f32 v21, v42;
	v46 =	vld.idx.msk [tilespmem:v46+s3+$0x0], $0xffff  }
0x390: {  	v44 =	vadd.s32 v11, v44;
	v35 =	vmul.f32 v23, v35;
	v33 =	vmul.f32 v22, v33;
	v47 =	vld.idx.msk [tilespmem:v47+s3+$0x0], $0xffff  }
0x391: {  	v22 =	vmul.f32 v37, v41;
	v23 =	vmul.f32 v39, v43;
	v48 =	vld.idx.msk [tilespmem:v48+s3+$0x0], $0xffff  }
0x392: {  	s24 =	sadd.s32 $0x200, s18;
	v31 =	vmul.f32 v31, v40;
	v55 =	vmul.f32 v27, v38;
	v52 =	vld.idx.msk [tilespmem:v26+s3+$0x0], $0xffff  }
0x393: {  	s8 =	simm.s32 $0x180;
	s25 =	sand.u32 $0xFFFFF800, s24;
	v32 =	vmul.f32 v32, v49;
	v56 =	vadd.f32 $0.0e+00, v22;
	v39 =	vadd.f32 $0.0e+00, v23;
	v50 =	vld.idx.msk [tilespmem:v50+s3+$0x0], $0xffff  }
0x394: {  	s8 =	sand.u32 $0x380, s8;
	s17 =	simm.s32 $0x100;
	s7 =	sadd.s32 $0x14000, s25;
	v51 =	vld.idx.msk [tilespmem:v51+s3+$0x0], $0xffff;
	v34 =	vmul.f32 v34, v45;
	v36 =	vmul.f32 v36, v46  }
0x395: {  	s9 =	sand.u32 $0x300, s17;
	s23 =	sor.u32 s8, s7;
	v44 =	vld.idx.msk [tilespmem:v44+s3+$0x0], $0xffff;
	v38 =	vadd.f32 v31, v56;
	v32 =	vadd.f32 v32, v39;
	v29 =	vmul.f32 v29, v47  }
0x396: {  	s26 =	sor.u32 s9, s7;
	v21 =	vld [tilespmem:s23+$0x60];
	v57 =	vmul.f32 v30, v48;
	v34 =	vadd.f32 $0.0e+00, v34;
	v36 =	vadd.f32 $0.0e+00, v36  }
0x397: {  	v27 =	vld [tilespmem:s26+$0x70];
	v38 =	vadd.f32 v35, v38;
	v32 =	vadd.f32 v55, v32;
	v58 =	vmul.f32 v25, v52  }
0x398: {  	v37 =	vld [tilespmem:s26+$0x0];
	v59 =	vmul.f32 v28, v50;
	v34 =	vadd.f32 v29, v34;
	v36 =	vadd.f32 v57, v36  }
0x399: {  	v22 =	vld [tilespmem:s23+$0x40];
	v24 =	vmul.f32 v24, v51;
	v38 =	vadd.f32 v42, v38;
	v61 =	vadd.f32 v33, v32  }
0x39a: {  	v23 =	vld [tilespmem:s23+$0x50];
	v60 =	vmul.f32 v53, v44;
	v34 =	vadd.f32 v58, v34;
	v36 =	vadd.f32 v59, v36  }
0x39b: {  	v26 =	vld [tilespmem:s26+$0x60];
	v38 =	vadd.f32 v61, v38  }
0x39c: {  	s28 =	simm.s32 $0x2;
	v31 =	vld [tilespmem:s26+$0x40];
	v63 =	vadd.f32 v24, v34;
	v36 =	vadd.f32 v60, v36  }
0x39d: {  	v35 =	vld [tilespmem:s26+$0x20];
	v29 =	vmov s28;
	(xrf2) =	vadd.scan.msk.f32 $0xffff, v38  }
0x39e: {  	v30 =	vld [tilespmem:s26+$0x50];
	v40 =	vperm.xlane v17, v29;
	v36 =	vadd.f32 v36, v63  }
0x39f: {  	v28 =	vld [tilespmem:s23+$0x20]  }
0x3a0: {  	v25 =	vld [tilespmem:s23+$0x30];
	v62 =	vadd.s32 v10, v40;
	(xrf2) =	vadd.scan.msk.f32 $0xffff, v36  }
0x3a1: {  	v32 =	vld [tilespmem:s26+$0x30];
	v44 =	vadd.s32 v11, v40  }
0x3a2: {  	v33 =	vld [tilespmem:s23+$0x0];
	v41 =	vadd.s32 v8, v40  }
0x3a3: {  	v38 =	vld [tilespmem:s26+$0x10];
	v42 =	vadd.s32 v9, v40  }
0x3a4: {  	s29 =	simm.s32 $0x3;
	v45 =	vadd.s32 v6, v40;
	v34 =	vld [tilespmem:s23+$0x10]  }
0x3a5: {  	s6 =	simm.s32 $0x4;
	v43 =	vadd.s32 v4, v40;
	v24 =	vimm.f32 $0.0e+00;
	v39 =	vld.idx.msk [tilespmem:v62+s3+$0x0], $0xffff;
	v36 =	vmov s29  }
.LBB2_30:
0x3a6: {  	p0 =	sne.s32 s6, $0xE;
	v46 =	vadd.s32 v5, v40;
	v44 =	vld.idx.msk [tilespmem:v44+s3+$0x0], $0xffff;
	v47 =	vperm.xlane v17, v36  }
0x3a7: {  	v40 =	vadd.s32 v7, v40;
	v41 =	vld.idx.msk [tilespmem:v41+s3+$0x0], $0xffff;
	v48, _, _ =	vpop (xrf2)  }
0x3a8: {  	v42 =	vld.idx.msk [tilespmem:v42+s3+$0x0], $0xffff;
	v49 =	vadd.s32 v4, v47  }
0x3a9: {  	v50 =	vadd.s32 v5, v47;
	v45 =	vld.idx.msk [tilespmem:v45+s3+$0x0], $0xffff  }
0x3aa: {  	v51 =	vadd.s32 v6, v47;
	v48 =	vbroadcast v48, $0xF;
	v43 =	vld.idx.msk [tilespmem:v43+s3+$0x0], $0xffff;
	v52, _, _ =	vpop (xrf2)  }
0x3ab: {  	vm0 =	veq.s32 v19, v4;
	v19 =	vmovc v29;
	v53 =	vadd.s32 v7, v47;
	v46 =	vld.idx.msk [tilespmem:v46+s3+$0x0], $0xffff;
	v52 =	vbroadcast v52, $0xF  }
0x3ac: {  	v24 =	vsel vm0, v48, v24;
	vm0 =	veq.s32 v20, v4;
	v29 =	vld.idx.msk [tilespmem:v40+s3+$0x0], $0xffff;
	v40 =	vadd.s32 v8, v47  }
0x3ad: {  	v20 =	vmov v36;
	v48 =	vld.idx.msk [tilespmem:v49+s3+$0x0], $0xffff;
	v49 =	vadd.s32 v9, v47;
	v24 =	vsel vm0, v52, v24  }
0x3ae: {  	v36 =	vld.idx.msk [tilespmem:v50+s3+$0x0], $0xffff;
	v50 =	vadd.s32 v10, v47  }
0x3af: {  	v39 =	vmul.f32 v26, v39;
	v47 =	vadd.s32 v11, v47;
	v26 =	vld.idx.msk [tilespmem:v51+s3+$0x0], $0xffff  }
0x3b0: {  	v31 =	vmul.f32 v31, v41;
	v41 =	vmul.f32 v27, v44;
	v27 =	vld.idx.msk [tilespmem:v53+s3+$0x0], $0xffff  }
0x3b1: {  	v37 =	vmul.f32 v37, v43;
	v38 =	vmul.f32 v38, v46;
	v40 =	vld.idx.msk [tilespmem:v40+s3+$0x0], $0xffff  }
0x3b2: {  	s17 =	sadd.s32 $0x100, s17;
	s24 =	sadd.s32 $0x200, s24;
	v30 =	vmul.f32 v30, v42;
	v35 =	vmul.f32 v35, v45;
	v42 =	vld.idx.msk [tilespmem:v49+s3+$0x0], $0xffff  }
0x3b3: {  	s7 =	sand.u32 $0xFFFFF800, s24;
	s8 =	sadd.s32 $0x80, s17;
	v37 =	vadd.f32 $0.0e+00, v37;
	v29 =	vmul.f32 v32, v29;
	v38 =	vadd.f32 $0.0e+00, v38;
	v32 =	vld.idx.msk [tilespmem:v50+s3+$0x0], $0xffff  }
0x3b4: {  	s7 =	sadd.s32 $0x14000, s7;
	s8 =	sand.u32 $0x380, s8;
	v33 =	vmul.f32 v33, v48;
	v34 =	vmul.f32 v34, v36;
	v36 =	vld.idx.msk [tilespmem:v47+s3+$0x0], $0xffff  }
0x3b5: {  	s9 =	sand.u32 $0x300, s17;
	v35 =	vadd.f32 v35, v37;
	v29 =	vadd.f32 v29, v38;
	v28 =	vmul.f32 v28, v26;
	v37 =	vld [tilespmem:s23+$0x70];
	s23 =	sor.u32 s8, s7  }
0x3b6: {  	v33 =	vadd.f32 $0.0e+00, v33;
	s7 =	sor.u32 s9, s7;
	v34 =	vadd.f32 $0.0e+00, v34;
	v25 =	vmul.f32 v25, v27;
	v38 =	vld [tilespmem:s23+$0x60]  }
0x3b7: {  	v31 =	vadd.f32 v31, v35;
	v29 =	vadd.f32 v30, v29;
	v30 =	vmul.f32 v22, v40;
	v26 =	vld [tilespmem:s7+$0x60]  }
0x3b8: {  	v28 =	vadd.f32 v28, v33;
	v25 =	vadd.f32 v25, v34;
	v33 =	vmul.f32 v23, v42;
	v27 =	vld [tilespmem:s7+$0x70]  }
0x3b9: {  	v34 =	vadd.f32 v39, v31;
	v29 =	vadd.f32 v41, v29;
	v32 =	vmul.f32 v21, v32;
	v22 =	vld [tilespmem:s23+$0x40]  }
0x3ba: {  	v28 =	vadd.f32 v30, v28;
	v25 =	vadd.f32 v33, v25;
	v23 =	vld [tilespmem:s23+$0x50];
	v33 =	vmul.f32 v37, v36  }
0x3bb: {  	v34 =	vadd.f32 v29, v34;
	v31 =	vld [tilespmem:s7+$0x40];
	v21 =	vmov v38  }
0x3bc: {  	v32 =	vadd.f32 v32, v28;
	v30 =	vld [tilespmem:s7+$0x50];
	v33 =	vadd.f32 v33, v25  }
0x3bd: {  	v29 =	vmov s6;
	v28 =	vld [tilespmem:s23+$0x20];
	(xrf2) =	vadd.scan.msk.f32 $0xffff, v34  }
0x3be: {  	v40 =	vperm.xlane v17, v29;
	v25 =	vld [tilespmem:s23+$0x30];
	v33 =	vadd.f32 v33, v32  }
0x3bf: {  	v35 =	vld [tilespmem:s7+$0x20]  }
0x3c0: {  	v36 =	vadd.s32 v10, v40;
	v32 =	vld [tilespmem:s7+$0x30];
	(xrf2) =	vadd.scan.msk.f32 $0xffff, v33  }
.Ltmp19:
0x3c1: {  	v44 =	vadd.s32 v11, v40;
	v33 =	vld [tilespmem:s23+$0x0];
	(pc) =	sbr.rel @p0 .LBB2_30-.Ltmp19, $4  }
0x3c2: {  	v41 =	vadd.s32 v8, v40;
	v34 =	vld [tilespmem:s23+$0x10]  }
0x3c3: {  	v42 =	vadd.s32 v9, v40;
	v37 =	vld [tilespmem:s7+$0x0]  }
0x3c4: {  	v45 =	vadd.s32 v6, v40;
	v38 =	vld [tilespmem:s7+$0x10];
	s7 =	sadd.s32 $0x1, s6  }
0x3c5: {  	v43 =	vadd.s32 v4, v40;
	s6 =	sadd.s32 $0x2, s6;
	v39 =	vld.idx.msk [tilespmem:v36+s3+$0x0], $0xffff;
	v36 =	vmov s7  }
0x3c6: {  	_ =	sdelay $0x3  }
0x3c7: {  	v44 =	vld.idx.msk [tilespmem:v44+s3+$0x0], $0xffff  }
0x3c8: {  	v46 =	vadd.s32 v5, v40;
	v47 =	vperm.xlane v17, v36;
	v41 =	vld.idx.msk [tilespmem:v41+s3+$0x0], $0xffff  }
0x3c9: {  	v57 =	vadd.s32 v7, v40;
	v42 =	vld.idx.msk [tilespmem:v42+s3+$0x0], $0xffff  }
0x3ca: {  	v45 =	vld.idx.msk [tilespmem:v45+s3+$0x0], $0xffff;
	v48 =	vadd.s32 v4, v47  }
0x3cb: {  	v43 =	vld.idx.msk [tilespmem:v43+s3+$0x0], $0xffff;
	v49 =	vadd.s32 v5, v47  }
0x3cc: {  	v63 =	vld [tilespmem:s23+$0x70];
	v50 =	vadd.s32 v6, v47  }
0x3cd: {  	v51 =	vadd.s32 v7, v47;
	v46 =	vld.idx.msk [tilespmem:v46+s3+$0x0], $0xffff  }
0x3ce: {  	v52 =	vadd.s32 v8, v47;
	v40 =	vld.idx.msk [tilespmem:v57+s3+$0x0], $0xffff  }
0x3cf: {  	v53 =	vadd.s32 v9, v47;
	v48 =	vld.idx.msk [tilespmem:v48+s3+$0x0], $0xffff  }
0x3d0: {  	v54 =	vadd.s32 v10, v47;
	v49 =	vld.idx.msk [tilespmem:v49+s3+$0x0], $0xffff  }
0x3d1: {  	v47 =	vadd.s32 v11, v47;
	v26 =	vmul.f32 v26, v39;
	v50 =	vld.idx.msk [tilespmem:v50+s3+$0x0], $0xffff  }
0x3d2: {  	v31 =	vmul.f32 v31, v41;
	v27 =	vmul.f32 v27, v44;
	v58 =	vld.idx.msk [tilespmem:v51+s3+$0x0], $0xffff  }
0x3d3: {  	v37 =	vmul.f32 v37, v43;
	v35 =	vmul.f32 v35, v45;
	v59 =	vld.idx.msk [tilespmem:v52+s3+$0x0], $0xffff  }
0x3d4: {  	v30 =	vmul.f32 v30, v42;
	v60 =	vld.idx.msk [tilespmem:v53+s3+$0x0], $0xffff;
	v38 =	vmul.f32 v38, v46  }
0x3d5: {  	v61 =	vld.idx.msk [tilespmem:v54+s3+$0x0], $0xffff;
	v37 =	vadd.f32 $0.0e+00, v37;
	v33 =	vmul.f32 v33, v48;
	v34 =	vmul.f32 v34, v49  }
0x3d6: {  	v62 =	vld.idx.msk [tilespmem:v47+s3+$0x0], $0xffff;
	v32 =	vmul.f32 v32, v40;
	v38 =	vadd.f32 $0.0e+00, v38;
	v28 =	vmul.f32 v28, v50  }
0x3d7: {  	v25 =	vmul.f32 v25, v58;
	v33 =	vadd.f32 $0.0e+00, v33;
	v34 =	vadd.f32 $0.0e+00, v34  }
0x3d8: {  	v35 =	vadd.f32 v35, v37;
	v22 =	vmul.f32 v22, v59;
	v32 =	vadd.f32 v32, v38  }
0x3d9: {  	v23 =	vmul.f32 v23, v60;
	v28 =	vadd.f32 v28, v33;
	v25 =	vadd.f32 v25, v34  }
0x3da: {  	v31 =	vadd.f32 v31, v35;
	v21 =	vmul.f32 v21, v61;
	v30 =	vadd.f32 v30, v32  }
0x3db: {  	v22 =	vadd.f32 v22, v28;
	v23 =	vadd.f32 v23, v25;
	v25 =	vmul.f32 v63, v62  }
0x3dc: {  	v26 =	vadd.f32 v26, v31;
	v27 =	vadd.f32 v27, v30  }
0x3dd: {  	v21 =	vadd.f32 v21, v22;
	v22 =	vadd.f32 v25, v23  }
0x3de: {  	v23 =	vadd.f32 v27, v26  }
0x3df: {  	v21 =	vadd.f32 v22, v21  }
0x3e0: {  	(xrf2) =	vadd.scan.msk.f32 $0xffff, v23  }
0x3e1: {  	(xrf2) =	vadd.scan.msk.f32 $0xffff, v21;
	_ =	sdelay $0x6  }
0x3e2: {  	v21, _, _ =	vpop (xrf2)  }
0x3e3: {  	v22, _, _ =	vpop (xrf2);
	v21 =	vbroadcast v21, $0xF  }
0x3e4: {  	vm0 =	veq.s32 v19, v4;
	v19 =	vbroadcast v22, $0xF;
	v22, _, _ =	vpop (xrf2)  }
0x3e5: {  	v21 =	vsel vm0, v21, v24;
	vm0 =	veq.s32 v20, v4;
	v20 =	vbroadcast v22, $0xF;
	v22, _, _ =	vpop (xrf2)  }
0x3e6: {  	v19 =	vsel vm0, v19, v21;
	vm0 =	veq.s32 v29, v4;
	v21 =	vbroadcast v22, $0xF  }
0x3e7: {  	v19 =	vsel vm0, v20, v19;
	vm0 =	veq.s32 v36, v4  }
0x3e8: {  	v19 =	vsel vm0, v21, v19  }
0x3e9: {  	v19 =	vmul.f32 $1.442695020e+00, v19;
	_ =	sdelay $0x1  }
0x3ea: {  	(erf) = vpow2.f32 v19;
	_ =	sdelay $0x8  }
0x3eb: {  	p0 =	slt.u32 s22, $0x50;
	v19 =	vpop (erf)  }
0x3ec: {  	v19 =	vpsel !p0, $0x0, v19  }
0x3ed: {  	[tilespmem:v18+s1+$0x0] =	vst.idx.add.f32.msk $0x1, v19  }
0x3ee: {  	[tilespmem:v18+s1+$0x0] =	vst.idx.add.f32.msk vm1, v19  }
0x3ef: {  	[tilespmem:v18+s1+$0x0] =	vst.idx.add.f32.msk vm2, v19  }
0x3f0: {  	[tilespmem:v18+s1+$0x0] =	vst.idx.add.f32.msk vm3, v19  }
0x3f1: {  	[tilespmem:v18+s1+$0x0] =	vst.idx.add.f32.msk vm4, v19  }
0x3f2: {  	[tilespmem:v18+s1+$0x0] =	vst.idx.add.f32.msk vm5, v19  }
0x3f3: {  	[tilespmem:v18+s1+$0x0] =	vst.idx.add.f32.msk vm6, v19  }
0x3f4: {  	[tilespmem:v18+s1+$0x0] =	vst.idx.add.f32.msk vm7, v19  }
0x3f5: {  	[tilespmem:v18+s1+$0x0] =	vst.idx.add.f32.msk vm8, v19  }
0x3f6: {  	[tilespmem:v18+s1+$0x0] =	vst.idx.add.f32.msk vm9, v19  }
0x3f7: {  	[tilespmem:v18+s1+$0x0] =	vst.idx.add.f32.msk vm10, v19  }
0x3f8: {  	[tilespmem:v18+s1+$0x0] =	vst.idx.add.f32.msk vm11, v19  }
0x3f9: {  	[tilespmem:v18+s1+$0x0] =	vst.idx.add.f32.msk vm12, v19  }
0x3fa: {  	s17 =	simm.s32 $0x0;
	[tilespmem:v18+s1+$0x0] =	vst.idx.add.f32.msk vm13, v19  }
0x3fb: {  	s6 =	sand.u32 $0x300, s17;
	[tilespmem:v18+s1+$0x0] =	vst.idx.add.f32.msk vm14, v19  }
0x3fc: {  	s6 =	sor.u32 s6, s21;
	[tilespmem:v18+s1+$0x0] =	vst.idx.add.f32.msk vm15, v19  }
0x3fd: {  	v18 =	vld [tilespmem:s6+$0x470]  }
0x3fe: {  	v20 =	vld [tilespmem:s6+$0x460]  }
0x3ff: {  	v21 =	vld [tilespmem:s6+$0x450]  }
0x400: {  	s7 =	simm.s32 $0x80;
	v22 =	vld [tilespmem:s6+$0x440]  }
0x401: {  	s7 =	sand.u32 $0x380, s7;
	v23 =	vld [tilespmem:s6+$0x420]  }
0x402: {  	s7 =	sor.u32 s7, s21;
	v24 =	vld [tilespmem:s6+$0x410]  }
0x403: {  	v25 =	vld [tilespmem:s7+$0x470]  }
0x404: {  	v26 =	vld [tilespmem:s6+$0x400]  }
0x405: {  	v27 =	vmov s17;
	v44 =	vld [tilespmem:s6+$0x430]  }
0x406: {  	v45 =	vperm.xlane v17, v27;
	v46 =	vld [tilespmem:s7+$0x460]  }
0x407: {  	v47 =	vld [tilespmem:s7+$0x450]  }
0x408: {  	s29 =	simm.s32 $0x1;
	v48 =	vadd.s32 v4, v45;
	v49 =	vld [tilespmem:s7+$0x430]  }
0x409: {  	v59 =	vmov s29;
	v50 =	vadd.s32 v5, v45;
	v27 =	vperm.xlane v19, v27;
	v51 =	vld [tilespmem:s7+$0x440]  }
0x40a: {  	v60 =	vperm.xlane v17, v59;
	v52 =	vadd.s32 v6, v45;
	v53 =	vld [tilespmem:s7+$0x420]  }
0x40b: {  	v54 =	vadd.s32 v7, v45;
	v55 =	vld [tilespmem:s7+$0x410];
	v26 =	vmul.f32 v26, v27  }
0x40c: {  	v62 =	vadd.s32 v5, v60;
	v56 =	vadd.s32 v8, v45;
	v57 =	vld [tilespmem:s7+$0x400];
	v24 =	vmul.f32 v24, v27  }
0x40d: {  	v58 =	vadd.s32 v9, v45;
	v23 =	vmul.f32 v23, v27;
	[tilespmem:v48+s0+$0x0] =	vst.idx.add.f32.msk $0xffff, v26  }
0x40e: {  	v28 =	vmul.f32 v44, v27;
	v26 =	vadd.s32 v10, v45;
	[tilespmem:v50+s0+$0x0] =	vst.idx.add.f32.msk $0xffff, v24  }
0x40f: {  	v22 =	vmul.f32 v22, v27;
	v24 =	vadd.s32 v11, v45;
	[tilespmem:v52+s0+$0x0] =	vst.idx.add.f32.msk $0xffff, v23  }
0x410: {  	v21 =	vmul.f32 v21, v27;
	v23 =	vadd.s32 v4, v60;
	[tilespmem:v54+s0+$0x0] =	vst.idx.add.f32.msk $0xffff, v28  }
0x411: {  	v61 =	vperm.xlane v19, v59;
	v20 =	vmul.f32 v20, v27;
	[tilespmem:v56+s0+$0x0] =	vst.idx.add.f32.msk $0xffff, v22  }
0x412: {  	v18 =	vmul.f32 v18, v27;
	v27 =	vadd.s32 v6, v60;
	[tilespmem:v58+s0+$0x0] =	vst.idx.add.f32.msk $0xffff, v21  }
0x413: {  	v63 =	vadd.s32 v7, v60;
	v21 =	vmul.f32 v57, v61;
	[tilespmem:v26+s0+$0x0] =	vst.idx.add.f32.msk $0xffff, v20  }
0x414: {  	v20 =	vmul.f32 v55, v61;
	v26 =	vadd.s32 v8, v60;
	[tilespmem:v24+s0+$0x0] =	vst.idx.add.f32.msk $0xffff, v18  }
0x415: {  	v22 =	vadd.s32 v9, v60;
	v24 =	vmul.f32 v53, v61;
	[tilespmem:v23+s0+$0x0] =	vst.idx.add.f32.msk $0xffff, v21  }
0x416: {  	v18 =	vmul.f32 v25, v61;
	v23 =	vmul.f32 v49, v61;
	[tilespmem:v62+s0+$0x0] =	vst.idx.add.f32.msk $0xffff, v20  }
0x417: {  	v25 =	vmul.f32 v51, v61;
	v20 =	vadd.s32 v10, v60;
	[tilespmem:v27+s0+$0x0] =	vst.idx.add.f32.msk $0xffff, v24  }
0x418: {  	v21 =	vadd.s32 v11, v60;
	[tilespmem:v63+s0+$0x0] =	vst.idx.add.f32.msk $0xffff, v23  }
0x419: {  	s7 =	simm.s32 $0x2;
	s6 =	sadd.s32 $0x200, s18;
	v24 =	vmul.f32 v47, v61;
	v23 =	vmul.f32 v46, v61;
	[tilespmem:v26+s0+$0x0] =	vst.idx.add.f32.msk $0xffff, v25  }
.LBB2_32:
0x41a: {  	s8 =	sand.u32 $0xFFFFF800, s6  }
0x41b: {  	v25 =	vmov s7;
	[tilespmem:v22+s0+$0x0] =	vst.idx.add.f32.msk $0xffff, v24;
	s17 =	sadd.s32 $0x100, s17;
	s9 =	smov.u32 s7;
	s21 =	sadd.s32 $0x2, s7  }
0x41c: {  	p0 =	sne.s32 s7, $0xE;
	v22 =	vperm.xlane v17, v25;
	s22 =	sand.u32 $0x300, s17;
	s8 =	sadd.s32 $0x14000, s8;
	[tilespmem:v20+s0+$0x0] =	vst.idx.add.f32.msk $0xffff, v23  }
0x41d: {  	s7 =	sor.u32 s22, s8;
	[tilespmem:v21+s0+$0x0] =	vst.idx.add.f32.msk $0xffff, v18  }
0x41e: {  	s22 =	sadd.s32 $0x80, s17;
	v18 =	vld [tilespmem:s7+$0x470]  }
0x41f: {  	s22 =	sand.u32 $0x380, s22;
	v20 =	vld [tilespmem:s7+$0x460]  }
0x420: {  	s8 =	sor.u32 s22, s8;
	v21 =	vld [tilespmem:s7+$0x450]  }
0x421: {  	v23 =	vld [tilespmem:s7+$0x440]  }
0x422: {  	v24 =	vld [tilespmem:s7+$0x420]  }
0x423: {  	v26 =	vld [tilespmem:s7+$0x410]  }
0x424: {  	v27 =	vld [tilespmem:s8+$0x470]  }
0x425: {  	v28 =	vld [tilespmem:s7+$0x400]  }
0x426: {  	v25 =	vperm.xlane v19, v25;
	v29 =	vld [tilespmem:s7+$0x430]  }
0x427: {  	v30 =	vld [tilespmem:s8+$0x460]  }
0x428: {  	v31 =	vadd.s32 v4, v22;
	v21 =	vmul.f32 v21, v25;
	v26 =	vmul.f32 v26, v25;
	v32 =	vld [tilespmem:s8+$0x450]  }
0x429: {  	v33 =	vadd.s32 v5, v22;
	v34 =	vmul.f32 v18, v25;
	v24 =	vmul.f32 v24, v25;
	v35 =	vld [tilespmem:s8+$0x430]  }
0x42a: {  	v20 =	vmul.f32 v20, v25;
	v18 =	vmul.f32 v28, v25;
	v28 =	vadd.s32 v6, v22;
	v36 =	vld [tilespmem:s8+$0x440]  }
0x42b: {  	v37 =	vadd.s32 v7, v22;
	v29 =	vmul.f32 v29, v25;
	v38 =	vld [tilespmem:s8+$0x420]  }
0x42c: {  	v39 =	vadd.s32 v8, v22;
	s7 =	sadd.s32 $0x1, s9;
	v40 =	vld [tilespmem:s8+$0x410]  }
0x42d: {  	v41 =	vadd.s32 v9, v22;
	v42 =	vadd.s32 v11, v22;
	v43 =	vmov s7;
	v44 =	vld [tilespmem:s8+$0x400]  }
0x42e: {  	v45 =	vperm.xlane v17, v43;
	v22 =	vadd.s32 v10, v22;
	[tilespmem:v31+s0+$0x0] =	vst.idx.add.f32.msk $0xffff, v18  }
0x42f: {  	v23 =	vmul.f32 v23, v25;
	v25 =	vperm.xlane v19, v43;
	[tilespmem:v33+s0+$0x0] =	vst.idx.add.f32.msk $0xffff, v26  }
0x430: {  	v26 =	vadd.s32 v4, v45;
	[tilespmem:v28+s0+$0x0] =	vst.idx.add.f32.msk $0xffff, v24  }
0x431: {  	v28 =	vadd.s32 v5, v45;
	v24 =	vmul.f32 v40, v25;
	[tilespmem:v37+s0+$0x0] =	vst.idx.add.f32.msk $0xffff, v29  }
0x432: {  	v18 =	vmul.f32 v27, v25;
	v29 =	vadd.s32 v6, v45;
	[tilespmem:v39+s0+$0x0] =	vst.idx.add.f32.msk $0xffff, v23  }
0x433: {  	v27 =	vadd.s32 v7, v45;
	v23 =	vmul.f32 v44, v25;
	[tilespmem:v41+s0+$0x0] =	vst.idx.add.f32.msk $0xffff, v21  }
0x434: {  	v33 =	vadd.s32 v8, v45;
	v31 =	vmul.f32 v38, v25;
	[tilespmem:v22+s0+$0x0] =	vst.idx.add.f32.msk $0xffff, v20  }
0x435: {  	v22 =	vadd.s32 v9, v45;
	[tilespmem:v42+s0+$0x0] =	vst.idx.add.f32.msk $0xffff, v34  }
.Ltmp20:
0x436: {  	v20 =	vadd.s32 v10, v45;
	v34 =	vmul.f32 v35, v25;
	[tilespmem:v26+s0+$0x0] =	vst.idx.add.f32.msk $0xffff, v23;
	(pc) =	sbr.rel @p0 .LBB2_32-.Ltmp20, $4  }
0x437: {  	v21 =	vadd.s32 v11, v45;
	v26 =	vmul.f32 v36, v25;
	[tilespmem:v28+s0+$0x0] =	vst.idx.add.f32.msk $0xffff, v24  }
0x438: {  	v24 =	vmul.f32 v32, v25;
	[tilespmem:v29+s0+$0x0] =	vst.idx.add.f32.msk $0xffff, v31  }
0x439: {  	v23 =	vmul.f32 v30, v25;
	[tilespmem:v27+s0+$0x0] =	vst.idx.add.f32.msk $0xffff, v34  }
0x43a: {  	s6 =	sadd.s32 $0x200, s6;
	s7 =	smov.u32 s21;
	[tilespmem:v33+s0+$0x0] =	vst.idx.add.f32.msk $0xffff, v26  }
0x43b: {  	s20 =	sadd.s32 $0x1, s20  }
0x43c: {  	p0 =	sne.s32 s20, $0x5  }
.Ltmp21:
0x43d: {  	_ = 	snop;
	(pc) =	sbr.rel @p0 .LBB2_29-.Ltmp21, $4  }
0x43e: {  	_ = 	snop  }
0x43f: {  	[tilespmem:v22+s0+$0x0] =	vst.idx.add.f32.msk $0xffff, v24  }
0x440: {  	[tilespmem:v20+s0+$0x0] =	vst.idx.add.f32.msk $0xffff, v23  }
0x441: {  	s18 =	sadd.s32 $0x1000, s18;
	[tilespmem:v21+s0+$0x0] =	vst.idx.add.f32.msk $0xffff, v18  }
.LBB2_34:
0x442: {  	v15 =	vxor.u32 $0x80000000, v15  }
0x443: {  	(xrf0) =	vmax.scan.msk.u32 $0xffff, v15;
	_ =	sdelay $0x5  }
0x444: {  	v15, _, _ =	vpop (xrf0)  }
0x445: {  	(v2sf) =	vpush v15, $0xF;
	_ =	sdelay $0xb  }
.Ltmp22:
0x446: {  	_ = 	snop;
	(pc) =	sbr.rel .LBB2_35-.Ltmp22, $3  }
0x447: {  	_ =	sdelay $0x1  }
0x448: {  	s6 =	spop (v2sf)  }
0x449: {  	s19 =	simm.s32 $0x0;
	s18 =	sxor.u32 $0x80000000, s6  }
.LBB2_42:
0x44a: {  	s19 =	sadd.s32 $0x1, s19  }
0x44b: {  	p0 =	sne.s32 s19, $0x5  }
.Ltmp23:
0x44c: {  	_ = 	snop;
	(pc) =	sbr.rel @!p0 .LBB2_43-.Ltmp23, $1  }
0x44d: {  	_ =	sdelay $0x3  }
.LBB2_35:
0x44e: {  	s6 =	smul.u32 $0x50, s19;
	_ =	sdelay $0x1  }
0x44f: {  	p0 =	sle.s32 s18, s6  }
.Ltmp24:
0x450: {  	_ = 	snop;
	(pc) =	sbr.rel @p0 .LBB2_42-.Ltmp24, $1  }
0x451: {  	_ =	sdelay $0x3  }
0x452: {  	v15 =	vld [tilespmem:s6+$0x1F400];
	_ =	sdelay $0x4  }
0x453: {  	[tilespmem:$0x1F800] =	vst v15  }
0x454: {  	v15 =	vld [tilespmem:s6+$0x1F600];
	_ =	sdelay $0x4  }
0x455: {  	[tilespmem:$0x1F900] =	vst v15  }
0x456: {  	v15 =	vld [tilespmem:s6+$0x1F410];
	_ =	sdelay $0x4  }
0x457: {  	[tilespmem:$0x1F810] =	vst v15  }
0x458: {  	v15 =	vld [tilespmem:s6+$0x1F610];
	_ =	sdelay $0x4  }
0x459: {  	[tilespmem:$0x1F910] =	vst v15  }
0x45a: {  	v15 =	vld [tilespmem:s6+$0x1F420];
	_ =	sdelay $0x4  }
0x45b: {  	[tilespmem:$0x1F820] =	vst v15  }
0x45c: {  	v15 =	vld [tilespmem:s6+$0x1F620];
	_ =	sdelay $0x4  }
0x45d: {  	[tilespmem:$0x1F920] =	vst v15  }
0x45e: {  	v15 =	vld [tilespmem:s6+$0x1F430];
	_ =	sdelay $0x4  }
0x45f: {  	[tilespmem:$0x1F830] =	vst v15  }
0x460: {  	v15 =	vld [tilespmem:s6+$0x1F630];
	_ =	sdelay $0x4  }
0x461: {  	v16 =	vld [tilespmem:$0x1F900];
	[tilespmem:$0x1F930] =	vst v15  }
0x462: {  	v15 =	vld [tilespmem:s6+$0x1F440];
	_ =	sdelay $0x3  }
0x463: {  	v17 =	vshll.u32 v16, $0x1  }
0x464: {  	v16 =	vand.u32 $0x7, v16;
	v17 =	vand.u32 $0xFFFFFFF0, v17;
	[tilespmem:$0x1F840] =	vst v15  }
0x465: {  	v16 =	vor.u32 v16, v17;
	v17 =	vld [tilespmem:s6+$0x1F640];
	_ =	sdelay $0x3  }
0x466: {  	v15 =	vperm.xlane v16, v12  }
0x467: {  	[tilespmem:$0x1F940] =	vst v17;
	v17 =	vld [tilespmem:$0x1FFF0]  }
0x468: {  	v16 =	vperm.xlane v16, v14;
	v15 =	vadd.s32 v13, v15;
	_ =	sdelay $0x1  }
0x469: {  	v16 =	vadd.s32 v13, v16;
	_ =	sdelay $0x1  }
0x46a: {  	s20 =	simm.s32 $0x0;
	s7 =	simm.s32 $0x14000;
	vm0 =	vnez.u8 v17  }
0x46b: {  	[tilespmem:s7], [sflag:$0x5] =	stream.indirect_vreg.gather [hbm4b:s4+s20], $0x80, v15, vm0, $0xb8;
	[tilespmem:$0x1FB80] =	vst v63  }
0x46c: {  	s25 =	simm.s32 $0x14800  }
0x46d: {  	[tilespmem:s25], [sflag:$0x5] =	stream.indirect_vreg.gather [hbm4b:s4+s20], $0x80, v16, vm0, $0xb8;
	[tilespmem:$0x1FB80] =	vst v63  }
0x46e: {  	v15 =	vld [tilespmem:$0x1F910];
	_ =	sdelay $0x4  }
0x46f: {  	v16 =	vshll.u32 v15, $0x1  }
0x470: {  	v15 =	vand.u32 $0x7, v15;
	v16 =	vand.u32 $0xFFFFFFF0, v16  }
0x471: {  	v15 =	vor.u32 v15, v16  }
0x472: {  	v16 =	vperm.xlane v15, v12;
	_ =	sdelay $0x1  }
0x473: {  	v15 =	vperm.xlane v15, v14;
	v16 =	vadd.s32 v13, v16;
	_ =	sdelay $0x1  }
0x474: {  	v15 =	vadd.s32 v13, v15;
	_ =	sdelay $0x1  }
0x475: {  	s26 =	simm.s32 $0x15000  }
0x476: {  	[tilespmem:s26], [sflag:$0x5] =	stream.indirect_vreg.gather [hbm4b:s4+s20], $0x80, v16, vm0, $0xb8;
	[tilespmem:$0x1FB80] =	vst v63  }
0x477: {  	s28 =	simm.s32 $0x15800  }
0x478: {  	[tilespmem:s28], [sflag:$0x5] =	stream.indirect_vreg.gather [hbm4b:s4+s20], $0x80, v15, vm0, $0xb8;
	[tilespmem:$0x1FB80] =	vst v63  }
0x479: {  	v15 =	vld [tilespmem:$0x1F920];
	_ =	sdelay $0x4  }
0x47a: {  	v16 =	vshll.u32 v15, $0x1  }
0x47b: {  	v15 =	vand.u32 $0x7, v15;
	v16 =	vand.u32 $0xFFFFFFF0, v16  }
0x47c: {  	v15 =	vor.u32 v15, v16  }
0x47d: {  	v16 =	vperm.xlane v15, v12;
	_ =	sdelay $0x1  }
0x47e: {  	v15 =	vperm.xlane v15, v14;
	v16 =	vadd.s32 v13, v16;
	_ =	sdelay $0x1  }
0x47f: {  	v15 =	vadd.s32 v13, v15;
	_ =	sdelay $0x2  }
0x480: {  	[tilespmem:s10], [sflag:$0x5] =	stream.indirect_vreg.gather [hbm4b:s4+s20], $0x80, v16, vm0, $0xb8;
	[tilespmem:$0x1FB80] =	vst v63  }
0x481: {  	_ = 	snop  }
0x482: {  	[tilespmem:s11], [sflag:$0x5] =	stream.indirect_vreg.gather [hbm4b:s4+s20], $0x80, v15, vm0, $0xb8;
	[tilespmem:$0x1FB80] =	vst v63  }
0x483: {  	v15 =	vld [tilespmem:$0x1F930];
	_ =	sdelay $0x4  }
0x484: {  	v16 =	vshll.u32 v15, $0x1  }
0x485: {  	v15 =	vand.u32 $0x7, v15;
	v16 =	vand.u32 $0xFFFFFFF0, v16  }
0x486: {  	v15 =	vor.u32 v15, v16  }
0x487: {  	v16 =	vperm.xlane v15, v12;
	_ =	sdelay $0x1  }
0x488: {  	v15 =	vperm.xlane v15, v14;
	v16 =	vadd.s32 v13, v16;
	_ =	sdelay $0x1  }
0x489: {  	v15 =	vadd.s32 v13, v15;
	_ =	sdelay $0x2  }
0x48a: {  	[tilespmem:s12], [sflag:$0x5] =	stream.indirect_vreg.gather [hbm4b:s4+s20], $0x80, v16, vm0, $0xb8;
	[tilespmem:$0x1FB80] =	vst v63  }
0x48b: {  	_ = 	snop  }
0x48c: {  	[tilespmem:s13], [sflag:$0x5] =	stream.indirect_vreg.gather [hbm4b:s4+s20], $0x80, v15, vm0, $0xb8;
	[tilespmem:$0x1FB80] =	vst v63  }
0x48d: {  	v15 =	vld [tilespmem:$0x1F940];
	_ =	sdelay $0x4  }
0x48e: {  	v16 =	vshll.u32 v15, $0x1  }
0x48f: {  	v15 =	vand.u32 $0x7, v15;
	v16 =	vand.u32 $0xFFFFFFF0, v16  }
0x490: {  	v15 =	vor.u32 v15, v16  }
0x491: {  	v16 =	vperm.xlane v15, v12;
	_ =	sdelay $0x1  }
0x492: {  	v15 =	vperm.xlane v15, v14;
	v16 =	vadd.s32 v13, v16;
	_ =	sdelay $0x1  }
0x493: {  	v15 =	vadd.s32 v13, v15;
	_ =	sdelay $0x2  }
0x494: {  	[tilespmem:s14], [sflag:$0x5] =	stream.indirect_vreg.gather [hbm4b:s4+s20], $0x80, v16, vm0, $0xb8;
	[tilespmem:$0x1FB80] =	vst v63  }
0x495: {  	_ = 	snop  }
0x496: {  	[tilespmem:s15], [sflag:$0x5] =	stream.indirect_vreg.gather [hbm4b:s4+s20], $0x80, v15, vm0, $0xb8;
	[tilespmem:$0x1FB80] =	vst v63  }
0x497: {  	_ =	swait.ge [sflag:s16], $0x5000  }
0x498: {  	s29 =	ssub.s32 s18, s6;
	[sflag:s16] =	ssyncset.done $0x0  }
0x499: {  	s21 =	simm.s32 $0x0;
	s22 =	simm.s32 $0x0;
	v15 =	vmov s29;
	[sflag:s16] =	ssyncadd.s32 $0xFFFFB000  }
.LBB2_37:
0x49a: {  	s6 =	sand.u32 $0x7800, s21;
	s7 =	simm.s32 $0x80  }
0x49b: {  	s24 =	sshll.u32 s22, $0x4;
	s23 =	sadd.s32 $0x14000, s6;
	s25 =	sand.u32 $0x380, s7  }
0x49c: {  	s26 =	sand.u32 $0x300, s20;
	v16 =	vld [tilespmem:s24+$0x1F800];
	s6 =	sor.u32 s25, s23  }
0x49d: {  	s7 =	sor.u32 s26, s23;
	v23 =	vld [tilespmem:s6+$0x60]  }
0x49e: {  	v20 =	vld [tilespmem:s7+$0x60]  }
0x49f: {  	v21 =	vld [tilespmem:s7+$0x70]  }
0x4a0: {  	v24 =	vld [tilespmem:s6+$0x40]  }
0x4a1: {  	v27 =	vld [tilespmem:s6+$0x50]  }
0x4a2: {  	v22 =	vld [tilespmem:s7+$0x40];
	vm0 =	vgt.s32 v16, $0x0  }
0x4a3: {  	v26 =	vld [tilespmem:s7+$0x50];
	v16 =	vnsel vm0, $0x0, v16  }
0x4a4: {  	v28 =	vld [tilespmem:s6+$0x20];
	v17 =	vmin.u32 v16, $0x13F  }
0x4a5: {  	v18 =	vmov s20;
	v29 =	vld [tilespmem:s6+$0x30];
	v16 =	vshll.u32 v17, $0x7  }
0x4a6: {  	v30 =	vld [tilespmem:s7+$0x20];
	v25 =	vperm.xlane v16, v18  }
0x4a7: {  	v31 =	vld [tilespmem:s7+$0x30]  }
0x4a8: {  	v33 =	vld [tilespmem:s6+$0x0];
	v19 =	vadd.s32 v10, v25  }
0x4a9: {  	v35 =	vld [tilespmem:s6+$0x10];
	v32 =	vadd.s32 v11, v25  }
0x4aa: {  	v36 =	vld [tilespmem:s7+$0x0];
	v34 =	vadd.s32 v8, v25  }
0x4ab: {  	v38 =	vld [tilespmem:s7+$0x10];
	v37 =	vadd.s32 v9, v25  }
0x4ac: {  	s28 =	simm.s32 $0x1;
	v52 =	vld [tilespmem:s6+$0x70];
	v39 =	vadd.s32 v6, v25  }
0x4ad: {  	v40 =	vadd.s32 v4, v25;
	v41 =	vld.idx.msk [tilespmem:v19+s3+$0x0], $0xffff;
	v19 =	vmov s28  }
0x4ae: {  	v42 =	vadd.s32 v5, v25;
	v32 =	vld.idx.msk [tilespmem:v32+s3+$0x0], $0xffff;
	v43 =	vperm.xlane v16, v19  }
0x4af: {  	v25 =	vadd.s32 v7, v25;
	v34 =	vld.idx.msk [tilespmem:v34+s3+$0x0], $0xffff  }
0x4b0: {  	v37 =	vld.idx.msk [tilespmem:v37+s3+$0x0], $0xffff;
	v44 =	vadd.s32 v4, v43  }
0x4b1: {  	v39 =	vld.idx.msk [tilespmem:v39+s3+$0x0], $0xffff;
	v45 =	vadd.s32 v5, v43  }
0x4b2: {  	v40 =	vld.idx.msk [tilespmem:v40+s3+$0x0], $0xffff;
	v46 =	vadd.s32 v6, v43  }
0x4b3: {  	v42 =	vld.idx.msk [tilespmem:v42+s3+$0x0], $0xffff;
	v47 =	vadd.s32 v7, v43  }
0x4b4: {  	v48 =	vld.idx.msk [tilespmem:v25+s3+$0x0], $0xffff;
	v25 =	vadd.s32 v8, v43  }
0x4b5: {  	v49 =	vadd.s32 v9, v43;
	v44 =	vld.idx.msk [tilespmem:v44+s3+$0x0], $0xffff  }
0x4b6: {  	v50 =	vadd.s32 v10, v43;
	v41 =	vmul.f32 v20, v41;
	v45 =	vld.idx.msk [tilespmem:v45+s3+$0x0], $0xffff  }
0x4b7: {  	v43 =	vadd.s32 v11, v43;
	v34 =	vmul.f32 v22, v34;
	v32 =	vmul.f32 v21, v32;
	v46 =	vld.idx.msk [tilespmem:v46+s3+$0x0], $0xffff  }
0x4b8: {  	v21 =	vmul.f32 v36, v40;
	v22 =	vmul.f32 v38, v42;
	v47 =	vld.idx.msk [tilespmem:v47+s3+$0x0], $0xffff  }
0x4b9: {  	s26 =	sadd.s32 $0x200, s21;
	v30 =	vmul.f32 v30, v39;
	v55 =	vmul.f32 v26, v37;
	v51 =	vld.idx.msk [tilespmem:v25+s3+$0x0], $0xffff  }
0x4ba: {  	s8 =	simm.s32 $0x180;
	s29 =	sand.u32 $0x7800, s26;
	v31 =	vmul.f32 v31, v48;
	v56 =	vadd.f32 $0.0e+00, v21;
	v38 =	vadd.f32 $0.0e+00, v22;
	v49 =	vld.idx.msk [tilespmem:v49+s3+$0x0], $0xffff  }
0x4bb: {  	s17 =	simm.s32 $0x100;
	s8 =	sand.u32 $0x380, s8;
	s7 =	sadd.s32 $0x14000, s29;
	v50 =	vld.idx.msk [tilespmem:v50+s3+$0x0], $0xffff;
	v33 =	vmul.f32 v33, v44;
	v35 =	vmul.f32 v35, v45  }
0x4bc: {  	s9 =	sand.u32 $0x300, s17;
	s25 =	sor.u32 s8, s7;
	v43 =	vld.idx.msk [tilespmem:v43+s3+$0x0], $0xffff;
	v37 =	vadd.f32 v30, v56;
	v31 =	vadd.f32 v31, v38;
	v28 =	vmul.f32 v28, v46  }
0x4bd: {  	s9 =	sor.u32 s9, s7;
	v20 =	vld [tilespmem:s25+$0x60];
	v57 =	vmul.f32 v29, v47;
	v33 =	vadd.f32 $0.0e+00, v33;
	v35 =	vadd.f32 $0.0e+00, v35  }
0x4be: {  	v26 =	vld [tilespmem:s9+$0x70];
	v37 =	vadd.f32 v34, v37;
	v31 =	vadd.f32 v55, v31;
	v58 =	vmul.f32 v24, v51  }
0x4bf: {  	v36 =	vld [tilespmem:s9+$0x0];
	v59 =	vmul.f32 v27, v49;
	v33 =	vadd.f32 v28, v33;
	v35 =	vadd.f32 v57, v35  }
0x4c0: {  	v21 =	vld [tilespmem:s25+$0x40];
	v23 =	vmul.f32 v23, v50;
	v37 =	vadd.f32 v41, v37;
	v61 =	vadd.f32 v32, v31  }
0x4c1: {  	v22 =	vld [tilespmem:s25+$0x50];
	v60 =	vmul.f32 v52, v43;
	v33 =	vadd.f32 v58, v33;
	v35 =	vadd.f32 v59, v35  }
0x4c2: {  	v25 =	vld [tilespmem:s9+$0x60];
	v37 =	vadd.f32 v61, v37  }
0x4c3: {  	s28 =	simm.s32 $0x2;
	v30 =	vld [tilespmem:s9+$0x40];
	v63 =	vadd.f32 v23, v33;
	v35 =	vadd.f32 v60, v35  }
0x4c4: {  	v34 =	vld [tilespmem:s9+$0x20];
	v28 =	vmov s28;
	(xrf2) =	vadd.scan.msk.f32 $0xffff, v37  }
0x4c5: {  	v29 =	vld [tilespmem:s9+$0x50];
	v39 =	vperm.xlane v16, v28;
	v35 =	vadd.f32 v35, v63  }
0x4c6: {  	v27 =	vld [tilespmem:s25+$0x20]  }
0x4c7: {  	v24 =	vld [tilespmem:s25+$0x30];
	v62 =	vadd.s32 v10, v39;
	(xrf2) =	vadd.scan.msk.f32 $0xffff, v35  }
0x4c8: {  	v31 =	vld [tilespmem:s9+$0x30];
	v43 =	vadd.s32 v11, v39  }
0x4c9: {  	v32 =	vld [tilespmem:s25+$0x0];
	v40 =	vadd.s32 v8, v39  }
0x4ca: {  	v37 =	vld [tilespmem:s9+$0x10];
	v41 =	vadd.s32 v9, v39  }
0x4cb: {  	s29 =	simm.s32 $0x3;
	v44 =	vadd.s32 v6, v39;
	v33 =	vld [tilespmem:s25+$0x10]  }
0x4cc: {  	s6 =	simm.s32 $0x4;
	v42 =	vadd.s32 v4, v39;
	v23 =	vimm.f32 $0.0e+00;
	v38 =	vld.idx.msk [tilespmem:v62+s3+$0x0], $0xffff;
	v35 =	vmov s29  }
.LBB2_38:
0x4cd: {  	p0 =	sne.s32 s6, $0xE;
	v45 =	vadd.s32 v5, v39;
	v43 =	vld.idx.msk [tilespmem:v43+s3+$0x0], $0xffff;
	v46 =	vperm.xlane v16, v35  }
0x4ce: {  	v39 =	vadd.s32 v7, v39;
	v40 =	vld.idx.msk [tilespmem:v40+s3+$0x0], $0xffff;
	v47, _, _ =	vpop (xrf2)  }
0x4cf: {  	v41 =	vld.idx.msk [tilespmem:v41+s3+$0x0], $0xffff;
	v48 =	vadd.s32 v4, v46  }
0x4d0: {  	v49 =	vadd.s32 v5, v46;
	v44 =	vld.idx.msk [tilespmem:v44+s3+$0x0], $0xffff  }
0x4d1: {  	v50 =	vadd.s32 v6, v46;
	v47 =	vbroadcast v47, $0xF;
	v42 =	vld.idx.msk [tilespmem:v42+s3+$0x0], $0xffff;
	v51, _, _ =	vpop (xrf2)  }
0x4d2: {  	vm0 =	veq.s32 v18, v4;
	v18 =	vmovc v28;
	v52 =	vadd.s32 v7, v46;
	v45 =	vld.idx.msk [tilespmem:v45+s3+$0x0], $0xffff;
	v51 =	vbroadcast v51, $0xF  }
0x4d3: {  	v23 =	vsel vm0, v47, v23;
	vm0 =	veq.s32 v19, v4;
	v28 =	vld.idx.msk [tilespmem:v39+s3+$0x0], $0xffff;
	v39 =	vadd.s32 v8, v46  }
0x4d4: {  	v19 =	vmov v35;
	v47 =	vld.idx.msk [tilespmem:v48+s3+$0x0], $0xffff;
	v48 =	vadd.s32 v9, v46;
	v23 =	vsel vm0, v51, v23  }
0x4d5: {  	v35 =	vld.idx.msk [tilespmem:v49+s3+$0x0], $0xffff;
	v49 =	vadd.s32 v10, v46  }
0x4d6: {  	v38 =	vmul.f32 v25, v38;
	v46 =	vadd.s32 v11, v46;
	v25 =	vld.idx.msk [tilespmem:v50+s3+$0x0], $0xffff  }
0x4d7: {  	v30 =	vmul.f32 v30, v40;
	v40 =	vmul.f32 v26, v43;
	v26 =	vld.idx.msk [tilespmem:v52+s3+$0x0], $0xffff  }
0x4d8: {  	v36 =	vmul.f32 v36, v42;
	v37 =	vmul.f32 v37, v45;
	v39 =	vld.idx.msk [tilespmem:v39+s3+$0x0], $0xffff  }
0x4d9: {  	s17 =	sadd.s32 $0x100, s17;
	s26 =	sadd.s32 $0x200, s26;
	v29 =	vmul.f32 v29, v41;
	v34 =	vmul.f32 v34, v44;
	v41 =	vld.idx.msk [tilespmem:v48+s3+$0x0], $0xffff  }
0x4da: {  	s7 =	sand.u32 $0x7800, s26;
	s8 =	sadd.s32 $0x80, s17;
	v36 =	vadd.f32 $0.0e+00, v36;
	v28 =	vmul.f32 v31, v28;
	v37 =	vadd.f32 $0.0e+00, v37;
	v31 =	vld.idx.msk [tilespmem:v49+s3+$0x0], $0xffff  }
0x4db: {  	s7 =	sadd.s32 $0x14000, s7;
	s8 =	sand.u32 $0x380, s8;
	v32 =	vmul.f32 v32, v47;
	v33 =	vmul.f32 v33, v35;
	v35 =	vld.idx.msk [tilespmem:v46+s3+$0x0], $0xffff  }
0x4dc: {  	s9 =	sand.u32 $0x300, s17;
	v34 =	vadd.f32 v34, v36;
	v28 =	vadd.f32 v28, v37;
	v27 =	vmul.f32 v27, v25;
	v36 =	vld [tilespmem:s25+$0x70];
	s25 =	sor.u32 s8, s7  }
0x4dd: {  	v32 =	vadd.f32 $0.0e+00, v32;
	s7 =	sor.u32 s9, s7;
	v33 =	vadd.f32 $0.0e+00, v33;
	v24 =	vmul.f32 v24, v26;
	v37 =	vld [tilespmem:s25+$0x60]  }
0x4de: {  	v30 =	vadd.f32 v30, v34;
	v28 =	vadd.f32 v29, v28;
	v29 =	vmul.f32 v21, v39;
	v25 =	vld [tilespmem:s7+$0x60]  }
0x4df: {  	v27 =	vadd.f32 v27, v32;
	v24 =	vadd.f32 v24, v33;
	v32 =	vmul.f32 v22, v41;
	v26 =	vld [tilespmem:s7+$0x70]  }
0x4e0: {  	v33 =	vadd.f32 v38, v30;
	v28 =	vadd.f32 v40, v28;
	v31 =	vmul.f32 v20, v31;
	v21 =	vld [tilespmem:s25+$0x40]  }
0x4e1: {  	v27 =	vadd.f32 v29, v27;
	v24 =	vadd.f32 v32, v24;
	v22 =	vld [tilespmem:s25+$0x50];
	v32 =	vmul.f32 v36, v35  }
0x4e2: {  	v33 =	vadd.f32 v28, v33;
	v30 =	vld [tilespmem:s7+$0x40];
	v20 =	vmov v37  }
0x4e3: {  	v31 =	vadd.f32 v31, v27;
	v29 =	vld [tilespmem:s7+$0x50];
	v32 =	vadd.f32 v32, v24  }
0x4e4: {  	v28 =	vmov s6;
	v27 =	vld [tilespmem:s25+$0x20];
	(xrf2) =	vadd.scan.msk.f32 $0xffff, v33  }
0x4e5: {  	v39 =	vperm.xlane v16, v28;
	v24 =	vld [tilespmem:s25+$0x30];
	v32 =	vadd.f32 v32, v31  }
0x4e6: {  	v34 =	vld [tilespmem:s7+$0x20]  }
0x4e7: {  	v35 =	vadd.s32 v10, v39;
	v31 =	vld [tilespmem:s7+$0x30];
	(xrf2) =	vadd.scan.msk.f32 $0xffff, v32  }
.Ltmp25:
0x4e8: {  	v43 =	vadd.s32 v11, v39;
	v32 =	vld [tilespmem:s25+$0x0];
	(pc) =	sbr.rel @p0 .LBB2_38-.Ltmp25, $4  }
0x4e9: {  	v40 =	vadd.s32 v8, v39;
	v33 =	vld [tilespmem:s25+$0x10]  }
0x4ea: {  	v41 =	vadd.s32 v9, v39;
	v36 =	vld [tilespmem:s7+$0x0]  }
0x4eb: {  	v44 =	vadd.s32 v6, v39;
	v37 =	vld [tilespmem:s7+$0x10];
	s7 =	sadd.s32 $0x1, s6  }
0x4ec: {  	v42 =	vadd.s32 v4, v39;
	s6 =	sadd.s32 $0x2, s6;
	v38 =	vld.idx.msk [tilespmem:v35+s3+$0x0], $0xffff;
	v35 =	vmov s7  }
0x4ed: {  	_ =	sdelay $0x3  }
0x4ee: {  	v43 =	vld.idx.msk [tilespmem:v43+s3+$0x0], $0xffff  }
0x4ef: {  	v45 =	vadd.s32 v5, v39;
	v46 =	vperm.xlane v16, v35;
	v40 =	vld.idx.msk [tilespmem:v40+s3+$0x0], $0xffff  }
0x4f0: {  	v63 =	vadd.s32 v7, v39;
	v41 =	vld.idx.msk [tilespmem:v41+s3+$0x0], $0xffff  }
0x4f1: {  	v44 =	vld.idx.msk [tilespmem:v44+s3+$0x0], $0xffff;
	v47 =	vadd.s32 v4, v46  }
0x4f2: {  	v42 =	vld.idx.msk [tilespmem:v42+s3+$0x0], $0xffff;
	v48 =	vadd.s32 v5, v46  }
0x4f3: {  	v57 =	vld [tilespmem:s25+$0x70];
	v49 =	vadd.s32 v6, v46  }
0x4f4: {  	v50 =	vadd.s32 v7, v46;
	v45 =	vld.idx.msk [tilespmem:v45+s3+$0x0], $0xffff  }
0x4f5: {  	v51 =	vadd.s32 v8, v46;
	v39 =	vld.idx.msk [tilespmem:v63+s3+$0x0], $0xffff  }
0x4f6: {  	v52 =	vadd.s32 v9, v46;
	v47 =	vld.idx.msk [tilespmem:v47+s3+$0x0], $0xffff  }
0x4f7: {  	v53 =	vadd.s32 v10, v46;
	v48 =	vld.idx.msk [tilespmem:v48+s3+$0x0], $0xffff  }
0x4f8: {  	v46 =	vadd.s32 v11, v46;
	v25 =	vmul.f32 v25, v38;
	v49 =	vld.idx.msk [tilespmem:v49+s3+$0x0], $0xffff  }
0x4f9: {  	v30 =	vmul.f32 v30, v40;
	v26 =	vmul.f32 v26, v43;
	v50 =	vld.idx.msk [tilespmem:v50+s3+$0x0], $0xffff  }
0x4fa: {  	v36 =	vmul.f32 v36, v42;
	v34 =	vmul.f32 v34, v44;
	v51 =	vld.idx.msk [tilespmem:v51+s3+$0x0], $0xffff  }
0x4fb: {  	v29 =	vmul.f32 v29, v41;
	v54 =	vld.idx.msk [tilespmem:v52+s3+$0x0], $0xffff;
	v37 =	vmul.f32 v37, v45  }
0x4fc: {  	v55 =	vld.idx.msk [tilespmem:v53+s3+$0x0], $0xffff;
	v36 =	vadd.f32 $0.0e+00, v36;
	v32 =	vmul.f32 v32, v47;
	v33 =	vmul.f32 v33, v48  }
0x4fd: {  	v56 =	vld.idx.msk [tilespmem:v46+s3+$0x0], $0xffff;
	v31 =	vmul.f32 v31, v39;
	v37 =	vadd.f32 $0.0e+00, v37;
	v27 =	vmul.f32 v27, v49  }
0x4fe: {  	v24 =	vmul.f32 v24, v50;
	v32 =	vadd.f32 $0.0e+00, v32;
	v33 =	vadd.f32 $0.0e+00, v33  }
0x4ff: {  	v34 =	vadd.f32 v34, v36;
	v21 =	vmul.f32 v21, v51;
	v31 =	vadd.f32 v31, v37  }
0x500: {  	v22 =	vmul.f32 v22, v54;
	v27 =	vadd.f32 v27, v32;
	v24 =	vadd.f32 v24, v33  }
0x501: {  	v30 =	vadd.f32 v30, v34;
	v20 =	vmul.f32 v20, v55;
	v29 =	vadd.f32 v29, v31  }
0x502: {  	v58 =	vmul.f32 v57, v56;
	v21 =	vadd.f32 v21, v27;
	v22 =	vadd.f32 v22, v24  }
0x503: {  	v25 =	vadd.f32 v25, v30;
	v26 =	vadd.f32 v26, v29  }
0x504: {  	v20 =	vadd.f32 v20, v21;
	v21 =	vadd.f32 v58, v22  }
0x505: {  	v22 =	vadd.f32 v26, v25  }
0x506: {  	v20 =	vadd.f32 v21, v20  }
0x507: {  	(xrf2) =	vadd.scan.msk.f32 $0xffff, v22  }
0x508: {  	(xrf2) =	vadd.scan.msk.f32 $0xffff, v20;
	_ =	sdelay $0x6  }
0x509: {  	v20, _, _ =	vpop (xrf2)  }
0x50a: {  	v21, _, _ =	vpop (xrf2);
	v20 =	vbroadcast v20, $0xF  }
0x50b: {  	vm0 =	veq.s32 v18, v4;
	v18 =	vbroadcast v21, $0xF;
	v21, _, _ =	vpop (xrf2)  }
0x50c: {  	v20 =	vsel vm0, v20, v23;
	vm0 =	veq.s32 v19, v4;
	v19 =	vbroadcast v21, $0xF;
	v21, _, _ =	vpop (xrf2)  }
0x50d: {  	v18 =	vsel vm0, v18, v20;
	vm0 =	veq.s32 v28, v4;
	v20 =	vbroadcast v21, $0xF  }
0x50e: {  	v18 =	vsel vm0, v19, v18;
	vm0 =	veq.s32 v35, v4  }
0x50f: {  	v18 =	vsel vm0, v20, v18  }
0x510: {  	v18 =	vmul.f32 $1.442695020e+00, v18;
	_ =	sdelay $0x1  }
0x511: {  	(erf) = vpow2.f32 v18;
	_ =	sdelay $0x7  }
0x512: {  	v18 =	vor.u32 s24, v4  }
0x513: {  	vm0 =	vlt.s32 v18, v15;
	v19 =	vpop (erf)  }
0x514: {  	v18 =	vnsel vm0, $0x0, v19  }
0x515: {  	[tilespmem:v17+s1+$0x0] =	vst.idx.add.f32.msk $0x1, v18  }
0x516: {  	[tilespmem:v17+s1+$0x0] =	vst.idx.add.f32.msk vm1, v18  }
0x517: {  	[tilespmem:v17+s1+$0x0] =	vst.idx.add.f32.msk vm2, v18  }
0x518: {  	[tilespmem:v17+s1+$0x0] =	vst.idx.add.f32.msk vm3, v18  }
0x519: {  	[tilespmem:v17+s1+$0x0] =	vst.idx.add.f32.msk vm4, v18  }
0x51a: {  	[tilespmem:v17+s1+$0x0] =	vst.idx.add.f32.msk vm5, v18  }
0x51b: {  	[tilespmem:v17+s1+$0x0] =	vst.idx.add.f32.msk vm6, v18  }
0x51c: {  	[tilespmem:v17+s1+$0x0] =	vst.idx.add.f32.msk vm7, v18  }
0x51d: {  	[tilespmem:v17+s1+$0x0] =	vst.idx.add.f32.msk vm8, v18  }
0x51e: {  	[tilespmem:v17+s1+$0x0] =	vst.idx.add.f32.msk vm9, v18  }
0x51f: {  	[tilespmem:v17+s1+$0x0] =	vst.idx.add.f32.msk vm10, v18  }
0x520: {  	[tilespmem:v17+s1+$0x0] =	vst.idx.add.f32.msk vm11, v18  }
0x521: {  	[tilespmem:v17+s1+$0x0] =	vst.idx.add.f32.msk vm12, v18  }
0x522: {  	s17 =	simm.s32 $0x0;
	[tilespmem:v17+s1+$0x0] =	vst.idx.add.f32.msk vm13, v18  }
0x523: {  	s6 =	sand.u32 $0x300, s17;
	[tilespmem:v17+s1+$0x0] =	vst.idx.add.f32.msk vm14, v18  }
0x524: {  	s6 =	sor.u32 s6, s23;
	[tilespmem:v17+s1+$0x0] =	vst.idx.add.f32.msk vm15, v18  }
0x525: {  	v17 =	vld [tilespmem:s6+$0x470]  }
0x526: {  	v19 =	vld [tilespmem:s6+$0x460]  }
0x527: {  	v20 =	vld [tilespmem:s6+$0x450]  }
0x528: {  	s7 =	simm.s32 $0x80;
	v21 =	vld [tilespmem:s6+$0x440]  }
0x529: {  	s7 =	sand.u32 $0x380, s7;
	v22 =	vld [tilespmem:s6+$0x420]  }
0x52a: {  	s7 =	sor.u32 s7, s23;
	v23 =	vld [tilespmem:s6+$0x410]  }
0x52b: {  	v24 =	vld [tilespmem:s7+$0x470]  }
0x52c: {  	v59 =	vld [tilespmem:s6+$0x400]  }
0x52d: {  	v60 =	vmov s17;
	v61 =	vld [tilespmem:s6+$0x430]  }
0x52e: {  	v62 =	vperm.xlane v16, v60;
	v29 =	vld [tilespmem:s7+$0x460]  }
0x52f: {  	v30 =	vld [tilespmem:s7+$0x450]  }
0x530: {  	v63 =	vadd.s32 v4, v62;
	v45 =	vld [tilespmem:s7+$0x430]  }
0x531: {  	v46 =	vadd.s32 v5, v62;
	v26 =	vperm.xlane v18, v60;
	v47 =	vld [tilespmem:s7+$0x440]  }
0x532: {  	v52 =	vadd.s32 v8, v62;
	v48 =	vadd.s32 v6, v62;
	v49 =	vld [tilespmem:s7+$0x420]  }
0x533: {  	s29 =	simm.s32 $0x1;
	v50 =	vadd.s32 v7, v62;
	v54 =	vadd.s32 v9, v62;
	v51 =	vld [tilespmem:s7+$0x410];
	v25 =	vmul.f32 v59, v26  }
0x534: {  	v55 =	vmov s29;
	v56 =	vadd.s32 v10, v62;
	v53 =	vld [tilespmem:s7+$0x400];
	v23 =	vmul.f32 v23, v26  }
0x535: {  	v57 =	vperm.xlane v16, v55;
	v22 =	vmul.f32 v22, v26;
	[tilespmem:v63+s0+$0x0] =	vst.idx.add.f32.msk $0xffff, v25  }
0x536: {  	v58 =	vperm.xlane v18, v55;
	v27 =	vmul.f32 v61, v26;
	[tilespmem:v46+s0+$0x0] =	vst.idx.add.f32.msk $0xffff, v23  }
0x537: {  	v21 =	vmul.f32 v21, v26;
	v23 =	vadd.s32 v11, v62;
	[tilespmem:v48+s0+$0x0] =	vst.idx.add.f32.msk $0xffff, v22  }
0x538: {  	v20 =	vmul.f32 v20, v26;
	v22 =	vadd.s32 v4, v57;
	[tilespmem:v50+s0+$0x0] =	vst.idx.add.f32.msk $0xffff, v27  }
0x539: {  	v19 =	vmul.f32 v19, v26;
	v59 =	vadd.s32 v5, v57;
	[tilespmem:v52+s0+$0x0] =	vst.idx.add.f32.msk $0xffff, v21  }
0x53a: {  	v60 =	vadd.s32 v6, v57;
	v17 =	vmul.f32 v17, v26;
	[tilespmem:v54+s0+$0x0] =	vst.idx.add.f32.msk $0xffff, v20  }
0x53b: {  	v61 =	vadd.s32 v7, v57;
	v20 =	vmul.f32 v53, v58;
	[tilespmem:v56+s0+$0x0] =	vst.idx.add.f32.msk $0xffff, v19  }
0x53c: {  	v62 =	vadd.s32 v8, v57;
	v19 =	vmul.f32 v51, v58;
	[tilespmem:v23+s0+$0x0] =	vst.idx.add.f32.msk $0xffff, v17  }
0x53d: {  	v23 =	vmul.f32 v49, v58;
	[tilespmem:v22+s0+$0x0] =	vst.idx.add.f32.msk $0xffff, v20  }
0x53e: {  	v21 =	vadd.s32 v9, v57;
	v22 =	vmul.f32 v45, v58;
	[tilespmem:v59+s0+$0x0] =	vst.idx.add.f32.msk $0xffff, v19  }
0x53f: {  	v63 =	vmul.f32 v47, v58;
	v19 =	vadd.s32 v10, v57;
	[tilespmem:v60+s0+$0x0] =	vst.idx.add.f32.msk $0xffff, v23  }
0x540: {  	v17 =	vmul.f32 v24, v58;
	v20 =	vadd.s32 v11, v57;
	[tilespmem:v61+s0+$0x0] =	vst.idx.add.f32.msk $0xffff, v22  }
0x541: {  	s7 =	simm.s32 $0x2;
	s6 =	sadd.s32 $0x200, s21;
	v23 =	vmul.f32 v30, v58;
	v22 =	vmul.f32 v29, v58;
	[tilespmem:v62+s0+$0x0] =	vst.idx.add.f32.msk $0xffff, v63  }
.LBB2_40:
0x542: {  	s8 =	sand.u32 $0x7800, s6  }
0x543: {  	v24 =	vmov s7;
	[tilespmem:v21+s0+$0x0] =	vst.idx.add.f32.msk $0xffff, v23;
	s17 =	sadd.s32 $0x100, s17;
	s9 =	smov.u32 s7;
	s23 =	sadd.s32 $0x2, s7  }
0x544: {  	p0 =	sne.s32 s7, $0xE;
	v21 =	vperm.xlane v16, v24;
	s24 =	sand.u32 $0x300, s17;
	s8 =	sadd.s32 $0x14000, s8;
	[tilespmem:v19+s0+$0x0] =	vst.idx.add.f32.msk $0xffff, v22  }
0x545: {  	s7 =	sor.u32 s24, s8;
	[tilespmem:v20+s0+$0x0] =	vst.idx.add.f32.msk $0xffff, v17  }
0x546: {  	s24 =	sadd.s32 $0x80, s17;
	v17 =	vld [tilespmem:s7+$0x470]  }
0x547: {  	s24 =	sand.u32 $0x380, s24;
	v19 =	vld [tilespmem:s7+$0x460]  }
0x548: {  	s8 =	sor.u32 s24, s8;
	v20 =	vld [tilespmem:s7+$0x450]  }
0x549: {  	v22 =	vld [tilespmem:s7+$0x440]  }
0x54a: {  	v23 =	vld [tilespmem:s7+$0x420]  }
0x54b: {  	v25 =	vld [tilespmem:s7+$0x410]  }
0x54c: {  	v26 =	vld [tilespmem:s8+$0x470]  }
0x54d: {  	v27 =	vld [tilespmem:s7+$0x400]  }
0x54e: {  	v24 =	vperm.xlane v18, v24;
	v28 =	vld [tilespmem:s7+$0x430]  }
0x54f: {  	v29 =	vld [tilespmem:s8+$0x460]  }
0x550: {  	v30 =	vadd.s32 v4, v21;
	v20 =	vmul.f32 v20, v24;
	v25 =	vmul.f32 v25, v24;
	v31 =	vld [tilespmem:s8+$0x450]  }
0x551: {  	v32 =	vadd.s32 v5, v21;
	v33 =	vmul.f32 v17, v24;
	v23 =	vmul.f32 v23, v24;
	v34 =	vld [tilespmem:s8+$0x430]  }
0x552: {  	v19 =	vmul.f32 v19, v24;
	v17 =	vmul.f32 v27, v24;
	v27 =	vadd.s32 v6, v21;
	v35 =	vld [tilespmem:s8+$0x440]  }
0x553: {  	v36 =	vadd.s32 v7, v21;
	v28 =	vmul.f32 v28, v24;
	v37 =	vld [tilespmem:s8+$0x420]  }
0x554: {  	v38 =	vadd.s32 v8, v21;
	s7 =	sadd.s32 $0x1, s9;
	v39 =	vld [tilespmem:s8+$0x410]  }
0x555: {  	v40 =	vadd.s32 v9, v21;
	v41 =	vadd.s32 v11, v21;
	v42 =	vmov s7;
	v43 =	vld [tilespmem:s8+$0x400]  }
0x556: {  	v44 =	vperm.xlane v16, v42;
	v21 =	vadd.s32 v10, v21;
	[tilespmem:v30+s0+$0x0] =	vst.idx.add.f32.msk $0xffff, v17  }
0x557: {  	v22 =	vmul.f32 v22, v24;
	v24 =	vperm.xlane v18, v42;
	[tilespmem:v32+s0+$0x0] =	vst.idx.add.f32.msk $0xffff, v25  }
0x558: {  	v25 =	vadd.s32 v4, v44;
	[tilespmem:v27+s0+$0x0] =	vst.idx.add.f32.msk $0xffff, v23  }
0x559: {  	v27 =	vadd.s32 v5, v44;
	v23 =	vmul.f32 v39, v24;
	[tilespmem:v36+s0+$0x0] =	vst.idx.add.f32.msk $0xffff, v28  }
0x55a: {  	v17 =	vmul.f32 v26, v24;
	v28 =	vadd.s32 v6, v44;
	[tilespmem:v38+s0+$0x0] =	vst.idx.add.f32.msk $0xffff, v22  }
0x55b: {  	v26 =	vadd.s32 v7, v44;
	v22 =	vmul.f32 v43, v24;
	[tilespmem:v40+s0+$0x0] =	vst.idx.add.f32.msk $0xffff, v20  }
0x55c: {  	v32 =	vadd.s32 v8, v44;
	v30 =	vmul.f32 v37, v24;
	[tilespmem:v21+s0+$0x0] =	vst.idx.add.f32.msk $0xffff, v19  }
0x55d: {  	v21 =	vadd.s32 v9, v44;
	[tilespmem:v41+s0+$0x0] =	vst.idx.add.f32.msk $0xffff, v33  }
.Ltmp26:
0x55e: {  	v19 =	vadd.s32 v10, v44;
	v33 =	vmul.f32 v34, v24;
	[tilespmem:v25+s0+$0x0] =	vst.idx.add.f32.msk $0xffff, v22;
	(pc) =	sbr.rel @p0 .LBB2_40-.Ltmp26, $4  }
0x55f: {  	v20 =	vadd.s32 v11, v44;
	v25 =	vmul.f32 v35, v24;
	[tilespmem:v27+s0+$0x0] =	vst.idx.add.f32.msk $0xffff, v23  }
0x560: {  	v23 =	vmul.f32 v31, v24;
	[tilespmem:v28+s0+$0x0] =	vst.idx.add.f32.msk $0xffff, v30  }
0x561: {  	v22 =	vmul.f32 v29, v24;
	[tilespmem:v26+s0+$0x0] =	vst.idx.add.f32.msk $0xffff, v33  }
0x562: {  	s6 =	sadd.s32 $0x200, s6;
	s7 =	smov.u32 s23;
	[tilespmem:v32+s0+$0x0] =	vst.idx.add.f32.msk $0xffff, v25  }
0x563: {  	s22 =	sadd.s32 $0x1, s22  }
0x564: {  	p0 =	sne.s32 s22, $0x5  }
.Ltmp27:
0x565: {  	_ = 	snop;
	(pc) =	sbr.rel @p0 .LBB2_37-.Ltmp27, $4  }
.Ltmp28:
0x566: {  	_ = 	snop;
	(pc) =	sbr.rel @!p0 .LBB2_42-.Ltmp28, $4  }
0x567: {  	[tilespmem:v21+s0+$0x0] =	vst.idx.add.f32.msk $0xffff, v23  }
0x568: {  	[tilespmem:v19+s0+$0x0] =	vst.idx.add.f32.msk $0xffff, v22  }
0x569: {  	s21 =	sadd.s32 $0x1000, s21;
	[tilespmem:v20+s0+$0x0] =	vst.idx.add.f32.msk $0xffff, v17  }
0x56a: {  	_ = 	snop  }
.LBB2_44:
0x56b: {  	_ =	sfence.sel $0x180000  }
0x56c: {  	[bflag:$0x0] =	sbarrier.arrive $0xFFFF  }
0x56d: {  	_ =	strace $0x90000047  }
0x56e: {  	s0 =	stileid.u32;
	[bflag:$0x2] =	sbarrier.arrive $0xFFFF  }
0x56f: {  	p0 =	sne.s32 s0, $0x0;
	s0 =	rddreg [dreg:$0x2]  }
0x570: {  	s0 =	sadd.s32 @!p0 $0x100000, s0  }
0x571: {  	[sflag:s0] =	ssyncadd.tile.s32 @!p0 $0x1;
	_ =	shalt  }
.Lfunc_end2:
_tile_overlayer_lowered:
.L_overlay_start_2:
0x572: {  	(tag) =	ssettag $0x2  }
0x573: {  	s0 =	rddreg [dreg:$0x0];
	s2 =	stileid.u32  }
0x574: {  	s1 =	rddreg [dreg:$0x1];
	p0 =	sne.s32 s2, $0x0  }
0x575: {  	s3 =	rddreg [dreg:$0x2];
	[bflag:$0x3] =	sbarrier.arrive $0xFFFF;
	s2 =	simm.s32 @!p0 $0x1C07  }
0x576: {  	[timem:s3], [sflag:s2] =	dma.local @!p0 [hbm:s0], s1  }
0x577: {  	s0 =	simm.s32 @!p0 $0x7  }
0x578: {  	_ =	swait.ge @!p0 [sflag:s0], s1  }
0x579: {  	s1 =	ssub.s32 @!p0 $0x0, s1;
	[sflag:s0] =	ssyncset.done @!p0 $0x0  }
0x57a: {  	[sflag:s0] =	ssyncadd.s32 @!p0 s1  }
0x57b: {  	[bflag:$0x3] =	sbarrier.arrive $0xFFFF  }
0x57c: {  	_ =	shalt  }

</sc_bundles>
